<compile_context>
chip_gen: v7x
topology: tpu7x:2x2x1
jax: 0.10.2.dev20260603
libtpu: 0.0.44.dev20260713+nightly
codegen_flags: <defaults>
</compile_context>

<pallas_src>
import functools

import jax
import jax.numpy as jnp
from jax import lax
from jax.experimental import pallas as pl
from jax.experimental.pallas import tpu as pltpu
from jax.experimental.pallas import tpu_sc as plsc

_B, _C, _H, _W = 16, 1024, 64, 64
_HW = _H * _W
_BC = _B * _C
_NW = 32
_RPW = _BC // _NW
_RCH = 8
_NCH = _RPW // _RCH
_NPAIR = _NCH // 2
_CHW = _RCH * _HW
_R = 2

_OFFS = [(dy, dx) for dy in range(-_R, _R + 1) for dx in range(-_R, _R + 1)]


def _sc_body(cv_hbm, pc_hbm, out_hbm, vbuf, pcbuf, psrbuf, accbuf, sem):
    wid = lax.axis_index("s") * 2 + lax.axis_index("c")
    base_row = wid * _RPW

    pltpu.sync_copy(pc_hbm.at[pl.ds(2 * base_row, 2 * _RPW)], pcbuf)

    def chunk_copy(c):
        slot = lax.rem(c, 3)
        return pltpu.make_async_copy(
            cv_hbm.at[pl.ds(base_row + c * _RCH, _RCH), :],
            vbuf.at[slot],
            sem.at[slot],
        )

    for c in range(3):
        chunk_copy(jnp.int32(c)).start()

    lane = lax.iota(jnp.int32, 16)
    lane8 = lane & 7
    lane_lo = lane < 8

    def pair_body(p, carry):
        c0 = 2 * p
        c1 = 2 * p + 1
        s0 = lax.rem(c0, 3)
        s1 = lax.rem(c1, 3)
        chunk_copy(c0).wait()
        chunk_copy(c1).wait()

        for r in range(16):
            slot = s0 if r < 8 else s1
            rr = r % 8

            def inner(t, acc):
                a = list(acc)
                off = t * 128
                for u in range(8):
                    v = vbuf[slot, rr, pl.ds(off + u * 16, 16)]
                    a[u] = a[u] + v
                    a[8 + u] = a[8 + u] + v * v
                    a[16 + u] = jnp.maximum(a[16 + u], v)
                return tuple(a)

            zeros = jnp.zeros((16,), jnp.float32)
            ninf = jnp.full((16,), -jnp.inf, jnp.float32)
            init = tuple([zeros] * 16 + [ninf] * 8)
            acc = lax.fori_loop(0, 32, inner, init)
            sa = acc[0]
            sb = acc[8]
            mv = acc[16]
            for u in range(1, 8):
                sa = sa + acc[u]
                sb = sb + acc[8 + u]
                mv = jnp.maximum(mv, acc[16 + u])
            accbuf[pl.ds(r * 16, 16)] = sa
            accbuf[pl.ds(256 + r * 16, 16)] = sb
            accbuf[pl.ds(512 + r * 16, 16)] = mv

        lane16 = lane * 16
        s1f = plsc.load_gather(accbuf, [lane16])
        s2f = plsc.load_gather(accbuf, [lane16 + 256])
        mxf = plsc.load_gather(accbuf, [lane16 + 512])
        for c in range(1, 16):
            s1f = s1f + plsc.load_gather(accbuf, [lane16 + c])
            s2f = s2f + plsc.load_gather(accbuf, [lane16 + 256 + c])
            mxf = jnp.maximum(mxf, plsc.load_gather(accbuf, [lane16 + 512 + c]))

        pidx = (p * 16 + lane) * 2
        py = plsc.load_gather(pcbuf, [pidx])
        px = plsc.load_gather(pcbuf, [pidx + 1])

        slot_vec = jnp.where(lane_lo, jnp.full((16,), s0, jnp.int32),
                             jnp.full((16,), s1, jnp.int32))

        s1m = jnp.zeros((16,), jnp.float32)
        s2m = jnp.zeros((16,), jnp.float32)
        for dy, dx in _OFFS:
            vy = py + dy
            vx = px + dx
            valid = (vy | vx).astype(jnp.uint32) < 64
            cy = jnp.clip(vy, 0, _H - 1)
            cx = jnp.clip(vx, 0, _W - 1)
            g = plsc.load_gather(vbuf, [slot_vec, lane8, cy * _W + cx])
            gv = jnp.where(valid, g, 0.0)
            s1m = s1m + gv
            s2m = s2m + gv * gv

        ch = jnp.minimum(py + _R, _H - 1) - jnp.maximum(py - _R, 0) + 1
        cw = jnp.minimum(px + _R, _W - 1) - jnp.maximum(px - _R, 0) + 1
        n = (_HW - ch * cw).astype(jnp.float32)

        s1v = s1f - s1m
        s2v = s2f - s2m
        peak = mxf
        mean = s1v / n
        var = (s2v - s1v * mean) / (n - 1.0)
        psrbuf[pl.ds(p * 16, 16)] = (peak - mean) / var

        @pl.when(c0 + 3 < _NCH)
        def _():
            chunk_copy(c0 + 3).start()

        @pl.when(c0 + 4 < _NCH)
        def _():
            chunk_copy(c0 + 4).start()

        return carry

    lax.fori_loop(0, _NPAIR, pair_body, 0)
    pltpu.sync_copy(psrbuf, out_hbm.at[pl.ds(base_row, _RPW)])


def _norm_kernel(psr_ref, out_ref):
    ps = psr_ref[...]
    m = jnp.sum(ps, axis=1, keepdims=True) / _C
    out_ref[...] = ps / (m + 1e-08)


def kernel(cost_volume, peak_coords):
    cv1 = cost_volume.reshape(_BC, _HW)
    pc2 = peak_coords.astype(jnp.int32).reshape(_BC * 2)

    mesh = plsc.VectorSubcoreMesh(core_axis_name="c", subcore_axis_name="s")
    sc_fn = functools.partial(
        pl.kernel,
        mesh=mesh,
        compiler_params=pltpu.CompilerParams(needs_layout_passes=False),
        out_type=jax.ShapeDtypeStruct((_BC,), jnp.float32),
        scratch_types=[
            pltpu.VMEM((3, _RCH, _HW), jnp.float32),
            pltpu.VMEM((2 * _RPW,), jnp.int32),
            pltpu.VMEM((_RPW,), jnp.float32),
            pltpu.VMEM((768,), jnp.float32),
            pltpu.SemaphoreType.DMA((3,)),
        ],
    )(_sc_body)
    psr = sc_fn(cv1, pc2)

    out = pl.pallas_call(
        _norm_kernel,
        out_shape=jax.ShapeDtypeStruct((_B, _C), jnp.float32),
    )(psr.reshape(_B, _C))
    return out

# --- scband reference (transcript-rebuilt; emitter-appended) ---
"""Pipeline reference for scband-saliency-evaluator-psr-36567351558144 (READ-ONLY COPY).

The authoritative reference and input builder live on the scoring server;
editing this copy changes nothing except your own understanding.
"""

import jax, jax.numpy as jnp
import numpy as np
import itertools

MAINLOBE_RADIUS = 2

def gen_offsets(r):
    offset = list(range(-1 * r, r + 1))
    offsets = list(itertools.permutations(offset, 2))
    offsets.extend(zip(offset, offset))
    return np.array(offsets, dtype=np.int64)

OFFSETS = jnp.asarray(gen_offsets(MAINLOBE_RADIUS))  # [25, 2]

def setup_inputs(seed: int = 0) -> dict:
    key = jax.random.key(seed)
    k1, k2 = jax.random.split(key)
    cost_volume = jax.random.normal(k1, (16, 1024, 64, 64), dtype=jnp.float32)
    peak_coords = jax.random.randint(k2, (16, 1024, 2), 0, 64, dtype=jnp.int64)
    return {"cost_volume": cost_volume, "peak_coords": peak_coords}

def reference(cost_volume, peak_coords):
    batch, channel, height, width = cost_volume.shape
    # mainlobe window coordinates: [B, C, 25, 2]
    mw = peak_coords[:, :, None, :] + OFFSETS[None, None, :, :]
    y = jnp.clip(mw[..., 0], 0, height - 1)
    x = jnp.clip(mw[..., 1], 0, width - 1)
    bc = batch * channel
    y = y.reshape(bc, -1)
    x = x.reshape(bc, -1)
    num_mainlobe_points = y.shape[1]
    batch_index = jnp.broadcast_to(jnp.arange(bc)[:, None], (bc, num_mainlobe_points))
    # scatter-overwrite: zero out mainlobe window in the weight mask
    weights = jnp.ones((bc, height, width), dtype=cost_volume.dtype)
    weights = weights.at[batch_index, y, x].set(0.0)
    cv_flat = cost_volume.reshape(bc, height * width)
    w_flat = weights.reshape(bc, height * width)
    num_sidelobe = w_flat.sum(axis=-1, keepdims=True)
    mean_sidelobe = (cv_flat * w_flat).sum(axis=-1, keepdims=True) / num_sidelobe
    var_sidelobe = (((cv_flat - mean_sidelobe) * w_flat) ** 2).sum(axis=-1, keepdims=True) / (num_sidelobe - 1)
    peaks = cv_flat.max(axis=-1, keepdims=True)
    psr = ((peaks - mean_sidelobe) / var_sidelobe).reshape(batch, channel)
    saliency = psr / (psr.mean(axis=-1, keepdims=True) + 1e-08)
    return saliency

if __name__ == "__main__":
    import jax
    _d = setup_inputs()
    print(jax.jit(kernel)(*tuple(_d.values())))

</pallas_src>

<mosaic_0001>
#map = affine_map<(d0, d1) -> (0, 0)>
#map1 = affine_map<(d0, d1) -> (0)>
module attributes {stable_mosaic.version = 14 : i64} {
  func.func @_sc_body(%arg0: i32, %arg1: i32, %arg2: memref<16384x4096xf32, #tpu.memory_space<hbm>>, %arg3: memref<32768xi32, #tpu.memory_space<hbm>>, %arg4: memref<16384xf32, #tpu.memory_space<hbm>>, %arg5: memref<3x8x4096xf32, #tpu.memory_space<vmem>>, %arg6: memref<1024xi32, #tpu.memory_space<vmem>>, %arg7: memref<512xf32, #tpu.memory_space<vmem>>, %arg8: memref<768xf32, #tpu.memory_space<vmem>>, %arg9: memref<3x!tpu.dma_semaphore, #tpu.memory_space<semaphore_mem>>) attributes {dimension_semantics = [#tpu.dimension_semantics<core_parallel>, #tpu.dimension_semantics<subcore_parallel>], iteration_bounds = array<i64: 2, 16>, scalar_prefetch = 0 : i64, scratch_operands = 5 : i64, tpu.core_type = #tpu.core_type<sc_vector_subcore>, window_params = [{transform_indices = #map}, {transform_indices = #map1}, {transform_indices = #map1}]} {
    %mul3A = arith.constant 2 : i32
    %mul3A_0 = arith.muli %arg1, %mul3A : i32
    %add3A = arith.addi %mul3A_0, %arg0 : i32
    %mul3A_1 = arith.constant 512 : i32
    %mul3A_2 = arith.muli %add3A, %mul3A_1 : i32
    %mul3A_3 = arith.constant 2 : i32
    %mul3A_4 = arith.muli %mul3A_3, %mul3A_2 : i32
    "tpu.region"() ({
      %run_scoped3A = tpu.sem_alloc : memref<!tpu.dma_semaphore, #tpu.memory_space<semaphore_mem>>
      %dma_start3A_75 = tpu.memref_slice %arg3[%mul3A_4] : memref<32768xi32, #tpu.memory_space<hbm>> -> memref<1024xi32, #tpu.memory_space<hbm>>
      %dma_start3A_76 = tpu.memref_slice %arg3[%mul3A_4] : memref<32768xi32, #tpu.memory_space<hbm>> -> memref<1024xi32, #tpu.memory_space<hbm>>
      tpu.enqueue_dma source(%dma_start3A_76 : memref<1024xi32, #tpu.memory_space<hbm>>) target(%arg6 : memref<1024xi32, #tpu.memory_space<vmem>>) target_semaphore(%run_scoped3A : memref<!tpu.dma_semaphore, #tpu.memory_space<semaphore_mem>>)
      %dma_wait3A = tpu.memref_slice %arg3[%mul3A_4] : memref<32768xi32, #tpu.memory_space<hbm>> -> memref<1024xi32, #tpu.memory_space<hbm>>
      %dma_wait3A_77 = tpu.memref_slice %arg3[%mul3A_4] : memref<32768xi32, #tpu.memory_space<hbm>> -> memref<1024xi32, #tpu.memory_space<hbm>>
      tpu.wait_dma2 semaphore(%run_scoped3A : memref<!tpu.dma_semaphore, #tpu.memory_space<semaphore_mem>>) src(%dma_wait3A_77 : memref<1024xi32, #tpu.memory_space<hbm>>) dst(%arg6 : memref<1024xi32, #tpu.memory_space<vmem>>)
      tpu.yield
    }) : () -> ()
    %rem3A = arith.constant 0 : i32
    %rem3A_5 = arith.constant 3 : i32
    %rem3A_6 = arith.remsi %rem3A, %rem3A_5 : i32
    %mul3A_7 = arith.constant 0 : i32
    %mul3A_8 = arith.constant 8 : i32
    %mul3A_9 = arith.muli %mul3A_7, %mul3A_8 : i32
    %add3A_10 = arith.addi %mul3A_2, %mul3A_9 : i32
    %dma_start3A = arith.constant 0 : i32
    %dma_start3A_11 = arith.constant 0 : i32
    %dma_start3A_12 = tpu.memref_slice %arg5[%rem3A_6, %dma_start3A, %dma_start3A_11] : memref<3x8x4096xf32, #tpu.memory_space<vmem>> -> memref<1x8x4096xf32, #tpu.memory_space<vmem>>
    %dma_start3A_13 = tpu.memref_squeeze %dma_start3A_12 : memref<1x8x4096xf32, #tpu.memory_space<vmem>> -> memref<8x4096xf32, #tpu.memory_space<vmem>>
    %dma_start3A_14 = arith.constant 0 : i32
    %dma_start3A_15 = tpu.memref_slice %arg2[%add3A_10, %dma_start3A_14] : memref<16384x4096xf32, #tpu.memory_space<hbm>> -> memref<8x4096xf32, #tpu.memory_space<hbm>>
    %dma_start3A_16 = tpu.memref_slice %arg9[%rem3A_6] : memref<3x!tpu.dma_semaphore, #tpu.memory_space<semaphore_mem>> -> memref<1x!tpu.dma_semaphore, #tpu.memory_space<semaphore_mem>>
    %dma_start3A_17 = tpu.memref_squeeze %dma_start3A_16 : memref<1x!tpu.dma_semaphore, #tpu.memory_space<semaphore_mem>> -> memref<!tpu.dma_semaphore, #tpu.memory_space<semaphore_mem>>
    %dma_start3A_18 = arith.constant 0 : i32
    %dma_start3A_19 = arith.constant 0 : i32
    %dma_start3A_20 = tpu.memref_slice %arg5[%rem3A_6, %dma_start3A_18, %dma_start3A_19] : memref<3x8x4096xf32, #tpu.memory_space<vmem>> -> memref<1x8x4096xf32, #tpu.memory_space<vmem>>
    %dma_start3A_21 = tpu.memref_squeeze %dma_start3A_20 : memref<1x8x4096xf32, #tpu.memory_space<vmem>> -> memref<8x4096xf32, #tpu.memory_space<vmem>>
    %dma_start3A_22 = arith.constant 0 : i32
    %dma_start3A_23 = tpu.memref_slice %arg2[%add3A_10, %dma_start3A_22] : memref<16384x4096xf32, #tpu.memory_space<hbm>> -> memref<8x4096xf32, #tpu.memory_space<hbm>>
    tpu.enqueue_dma source(%dma_start3A_23 : memref<8x4096xf32, #tpu.memory_space<hbm>>) target(%dma_start3A_21 : memref<8x4096xf32, #tpu.memory_space<vmem>>) target_semaphore(%dma_start3A_17 : memref<!tpu.dma_semaphore, #tpu.memory_space<semaphore_mem>>)
    %rem3A_24 = arith.constant 1 : i32
    %rem3A_25 = arith.constant 3 : i32
    %rem3A_26 = arith.remsi %rem3A_24, %rem3A_25 : i32
    %mul3A_27 = arith.constant 1 : i32
    %mul3A_28 = arith.constant 8 : i32
    %mul3A_29 = arith.muli %mul3A_27, %mul3A_28 : i32
    %add3A_30 = arith.addi %mul3A_2, %mul3A_29 : i32
    %dma_start3A_31 = arith.constant 0 : i32
    %dma_start3A_32 = arith.constant 0 : i32
    %dma_start3A_33 = tpu.memref_slice %arg5[%rem3A_26, %dma_start3A_31, %dma_start3A_32] : memref<3x8x4096xf32, #tpu.memory_space<vmem>> -> memref<1x8x4096xf32, #tpu.memory_space<vmem>>
    %dma_start3A_34 = tpu.memref_squeeze %dma_start3A_33 : memref<1x8x4096xf32, #tpu.memory_space<vmem>> -> memref<8x4096xf32, #tpu.memory_space<vmem>>
    %dma_start3A_35 = arith.constant 0 : i32
    %dma_start3A_36 = tpu.memref_slice %arg2[%add3A_30, %dma_start3A_35] : memref<16384x4096xf32, #tpu.memory_space<hbm>> -> memref<8x4096xf32, #tpu.memory_space<hbm>>
    %dma_start3A_37 = tpu.memref_slice %arg9[%rem3A_26] : memref<3x!tpu.dma_semaphore, #tpu.memory_space<semaphore_mem>> -> memref<1x!tpu.dma_semaphore, #tpu.memory_space<semaphore_mem>>
    %dma_start3A_38 = tpu.memref_squeeze %dma_start3A_37 : memref<1x!tpu.dma_semaphore, #tpu.memory_space<semaphore_mem>> -> memref<!tpu.dma_semaphore, #tpu.memory_space<semaphore_mem>>
    %dma_start3A_39 = arith.constant 0 : i32
    %dma_start3A_40 = arith.constant 0 : i32
    %dma_start3A_41 = tpu.memref_slice %arg5[%rem3A_26, %dma_start3A_39, %dma_start3A_40] : memref<3x8x4096xf32, #tpu.memory_space<vmem>> -> memref<1x8x4096xf32, #tpu.memory_space<vmem>>
    %dma_start3A_42 = tpu.memref_squeeze %dma_start3A_41 : memref<1x8x4096xf32, #tpu.memory_space<vmem>> -> memref<8x4096xf32, #tpu.memory_space<vmem>>
    %dma_start3A_43 = arith.constant 0 : i32
    %dma_start3A_44 = tpu.memref_slice %arg2[%add3A_30, %dma_start3A_43] : memref<16384x4096xf32, #tpu.memory_space<hbm>> -> memref<8x4096xf32, #tpu.memory_space<hbm>>
    tpu.enqueue_dma source(%dma_start3A_44 : memref<8x4096xf32, #tpu.memory_space<hbm>>) target(%dma_start3A_42 : memref<8x4096xf32, #tpu.memory_space<vmem>>) target_semaphore(%dma_start3A_38 : memref<!tpu.dma_semaphore, #tpu.memory_space<semaphore_mem>>)
    %rem3A_45 = arith.constant 2 : i32
    %rem3A_46 = arith.constant 3 : i32
    %rem3A_47 = arith.remsi %rem3A_45, %rem3A_46 : i32
    %mul3A_48 = arith.constant 2 : i32
    %mul3A_49 = arith.constant 8 : i32
    %mul3A_50 = arith.muli %mul3A_48, %mul3A_49 : i32
    %add3A_51 = arith.addi %mul3A_2, %mul3A_50 : i32
    %dma_start3A_52 = arith.constant 0 : i32
    %dma_start3A_53 = arith.constant 0 : i32
    %dma_start3A_54 = tpu.memref_slice %arg5[%rem3A_47, %dma_start3A_52, %dma_start3A_53] : memref<3x8x4096xf32, #tpu.memory_space<vmem>> -> memref<1x8x4096xf32, #tpu.memory_space<vmem>>
    %dma_start3A_55 = tpu.memref_squeeze %dma_start3A_54 : memref<1x8x4096xf32, #tpu.memory_space<vmem>> -> memref<8x4096xf32, #tpu.memory_space<vmem>>
    %dma_start3A_56 = arith.constant 0 : i32
    %dma_start3A_57 = tpu.memref_slice %arg2[%add3A_51, %dma_start3A_56] : memref<16384x4096xf32, #tpu.memory_space<hbm>> -> memref<8x4096xf32, #tpu.memory_space<hbm>>
    %dma_start3A_58 = tpu.memref_slice %arg9[%rem3A_47] : memref<3x!tpu.dma_semaphore, #tpu.memory_space<semaphore_mem>> -> memref<1x!tpu.dma_semaphore, #tpu.memory_space<semaphore_mem>>
    %dma_start3A_59 = tpu.memref_squeeze %dma_start3A_58 : memref<1x!tpu.dma_semaphore, #tpu.memory_space<semaphore_mem>> -> memref<!tpu.dma_semaphore, #tpu.memory_space<semaphore_mem>>
    %dma_start3A_60 = arith.constant 0 : i32
    %dma_start3A_61 = arith.constant 0 : i32
    %dma_start3A_62 = tpu.memref_slice %arg5[%rem3A_47, %dma_start3A_60, %dma_start3A_61] : memref<3x8x4096xf32, #tpu.memory_space<vmem>> -> memref<1x8x4096xf32, #tpu.memory_space<vmem>>
    %dma_start3A_63 = tpu.memref_squeeze %dma_start3A_62 : memref<1x8x4096xf32, #tpu.memory_space<vmem>> -> memref<8x4096xf32, #tpu.memory_space<vmem>>
    %dma_start3A_64 = arith.constant 0 : i32
    %dma_start3A_65 = tpu.memref_slice %arg2[%add3A_51, %dma_start3A_64] : memref<16384x4096xf32, #tpu.memory_space<hbm>> -> memref<8x4096xf32, #tpu.memory_space<hbm>>
    tpu.enqueue_dma source(%dma_start3A_65 : memref<8x4096xf32, #tpu.memory_space<hbm>>) target(%dma_start3A_63 : memref<8x4096xf32, #tpu.memory_space<vmem>>) target_semaphore(%dma_start3A_59 : memref<!tpu.dma_semaphore, #tpu.memory_space<semaphore_mem>>)
    %iota3A = tpu.iota {dimensions = array<i32: 0>} : vector<16xi32>
    %and3A = arith.constant 7 : i32
    %and3A_66 = vector.broadcast %and3A : i32 to vector<16xi32>
    %and3A_67 = arith.andi %iota3A, %and3A_66 : vector<16xi32>
    %lt3A = arith.constant 8 : i32
    %lt3A_68 = vector.broadcast %lt3A : i32 to vector<16xi32>
    %lt3A_69 = arith.cmpi slt, %iota3A, %lt3A_68 : vector<16xi32>
    %scan3A = arith.constant 0 : i32
    %scan3A_70 = arith.constant 0 : i32
    %scan3A_71 = arith.constant 32 : i32
    %scan3A_72 = arith.addi %scan3A_70, %scan3A_71 : i32
    %scan3A_73 = arith.constant 1 : i32
    scf.for %scan3A_75 = %scan3A_70 to %scan3A_72 step %scan3A_73  : i32 {
      %mul3A_76 = arith.constant 2 : i32
      %mul3A_77 = arith.muli %mul3A_76, %scan3A_75 : i32
      %mul3A_78 = arith.constant 2 : i32
      %mul3A_79 = arith.muli %mul3A_78, %scan3A_75 : i32
      %add3A_80 = arith.constant 1 : i32
      %add3A_81 = arith.addi %mul3A_79, %add3A_80 : i32
      %rem3A_82 = arith.constant 3 : i32
      %rem3A_83 = arith.remsi %mul3A_77, %rem3A_82 : i32
      %rem3A_84 = arith.constant 3 : i32
      %rem3A_85 = arith.remsi %add3A_81, %rem3A_84 : i32
      %rem3A_86 = arith.constant 3 : i32
      %rem3A_87 = arith.remsi %mul3A_77, %rem3A_86 : i32
      %mul3A_88 = arith.constant 8 : i32
      %mul3A_89 = arith.muli %mul3A_77, %mul3A_88 : i32
      %add3A_90 = arith.addi %mul3A_2, %mul3A_89 : i32
      %dma_wait3A = arith.constant 0 : i32
      %dma_wait3A_91 = arith.constant 0 : i32
      %dma_wait3A_92 = tpu.memref_slice %arg5[%rem3A_87, %dma_wait3A, %dma_wait3A_91] : memref<3x8x4096xf32, #tpu.memory_space<vmem>> -> memref<1x8x4096xf32, #tpu.memory_space<vmem>>
      %dma_wait3A_93 = tpu.memref_squeeze %dma_wait3A_92 : memref<1x8x4096xf32, #tpu.memory_space<vmem>> -> memref<8x4096xf32, #tpu.memory_space<vmem>>
      %dma_wait3A_94 = arith.constant 0 : i32
      %dma_wait3A_95 = tpu.memref_slice %arg2[%add3A_90, %dma_wait3A_94] : memref<16384x4096xf32, #tpu.memory_space<hbm>> -> memref<8x4096xf32, #tpu.memory_space<hbm>>
      %dma_wait3A_96 = tpu.memref_slice %arg9[%rem3A_87] : memref<3x!tpu.dma_semaphore, #tpu.memory_space<semaphore_mem>> -> memref<1x!tpu.dma_semaphore, #tpu.memory_space<semaphore_mem>>
      %dma_wait3A_97 = tpu.memref_squeeze %dma_wait3A_96 : memref<1x!tpu.dma_semaphore, #tpu.memory_space<semaphore_mem>> -> memref<!tpu.dma_semaphore, #tpu.memory_space<semaphore_mem>>
      %dma_wait3A_98 = arith.constant 0 : i32
      %dma_wait3A_99 = arith.constant 0 : i32
      %dma_wait3A_100 = tpu.memref_slice %arg5[%rem3A_87, %dma_wait3A_98, %dma_wait3A_99] : memref<3x8x4096xf32, #tpu.memory_space<vmem>> -> memref<1x8x4096xf32, #tpu.memory_space<vmem>>
      %dma_wait3A_101 = tpu.memref_squeeze %dma_wait3A_100 : memref<1x8x4096xf32, #tpu.memory_space<vmem>> -> memref<8x4096xf32, #tpu.memory_space<vmem>>
      %dma_wait3A_102 = arith.constant 0 : i32
      %dma_wait3A_103 = tpu.memref_slice %arg2[%add3A_90, %dma_wait3A_102] : memref<16384x4096xf32, #tpu.memory_space<hbm>> -> memref<8x4096xf32, #tpu.memory_space<hbm>>
      tpu.wait_dma2 semaphore(%dma_wait3A_97 : memref<!tpu.dma_semaphore, #tpu.memory_space<semaphore_mem>>) src(%dma_wait3A_103 : memref<8x4096xf32, #tpu.memory_space<hbm>>) dst(%dma_wait3A_101 : memref<8x4096xf32, #tpu.memory_space<vmem>>)
      %rem3A_104 = arith.constant 3 : i32
      %rem3A_105 = arith.remsi %add3A_81, %rem3A_104 : i32
      %mul3A_106 = arith.constant 8 : i32
      %mul3A_107 = arith.muli %add3A_81, %mul3A_106 : i32
      %add3A_108 = arith.addi %mul3A_2, %mul3A_107 : i32
      %dma_wait3A_109 = arith.constant 0 : i32
      %dma_wait3A_110 = arith.constant 0 : i32
      %dma_wait3A_111 = tpu.memref_slice %arg5[%rem3A_105, %dma_wait3A_109, %dma_wait3A_110] : memref<3x8x4096xf32, #tpu.memory_space<vmem>> -> memref<1x8x4096xf32, #tpu.memory_space<vmem>>
      %dma_wait3A_112 = tpu.memref_squeeze %dma_wait3A_111 : memref<1x8x4096xf32, #tpu.memory_space<vmem>> -> memref<8x4096xf32, #tpu.memory_space<vmem>>
      %dma_wait3A_113 = arith.constant 0 : i32
      %dma_wait3A_114 = tpu.memref_slice %arg2[%add3A_108, %dma_wait3A_113] : memref<16384x4096xf32, #tpu.memory_space<hbm>> -> memref<8x4096xf32, #tpu.memory_space<hbm>>
      %dma_wait3A_115 = tpu.memref_slice %arg9[%rem3A_105] : memref<3x!tpu.dma_semaphore, #tpu.memory_space<semaphore_mem>> -> memref<1x!tpu.dma_semaphore, #tpu.memory_space<semaphore_mem>>
      %dma_wait3A_116 = tpu.memref_squeeze %dma_wait3A_115 : memref<1x!tpu.dma_semaphore, #tpu.memory_space<semaphore_mem>> -> memref<!tpu.dma_semaphore, #tpu.memory_space<semaphore_mem>>
      %dma_wait3A_117 = arith.constant 0 : i32
      %dma_wait3A_118 = arith.constant 0 : i32
      %dma_wait3A_119 = tpu.memref_slice %arg5[%rem3A_105, %dma_wait3A_117, %dma_wait3A_118] : memref<3x8x4096xf32, #tpu.memory_space<vmem>> -> memref<1x8x4096xf32, #tpu.memory_space<vmem>>
      %dma_wait3A_120 = tpu.memref_squeeze %dma_wait3A_119 : memref<1x8x4096xf32, #tpu.memory_space<vmem>> -> memref<8x4096xf32, #tpu.memory_space<vmem>>
      %dma_wait3A_121 = arith.constant 0 : i32
      %dma_wait3A_122 = tpu.memref_slice %arg2[%add3A_108, %dma_wait3A_121] : memref<16384x4096xf32, #tpu.memory_space<hbm>> -> memref<8x4096xf32, #tpu.memory_space<hbm>>
      tpu.wait_dma2 semaphore(%dma_wait3A_116 : memref<!tpu.dma_semaphore, #tpu.memory_space<semaphore_mem>>) src(%dma_wait3A_122 : memref<8x4096xf32, #tpu.memory_space<hbm>>) dst(%dma_wait3A_120 : memref<8x4096xf32, #tpu.memory_space<vmem>>)
      %broadcast_in_dim3A = arith.constant 0.000000e+00 : f32
      %broadcast_in_dim3A_123 = vector.broadcast %broadcast_in_dim3A : f32 to vector<16xf32>
      %broadcast_in_dim3A_124 = arith.constant 0xFF800000 : f32
      %broadcast_in_dim3A_125 = vector.broadcast %broadcast_in_dim3A_124 : f32 to vector<16xf32>
      %scan3A_126 = arith.constant 0 : i32
      %scan3A_127 = arith.constant 32 : i32
      %scan3A_128 = arith.addi %scan3A_126, %scan3A_127 : i32
      %scan3A_129 = arith.constant 1 : i32
      %scan3A_130:24 = scf.for %scan3A_1940 = %scan3A_126 to %scan3A_128 step %scan3A_129 iter_args(%scan3A_1941 = %broadcast_in_dim3A_123, %scan3A_1942 = %broadcast_in_dim3A_123, %scan3A_1943 = %broadcast_in_dim3A_123, %scan3A_1944 = %broadcast_in_dim3A_123, %scan3A_1945 = %broadcast_in_dim3A_123, %scan3A_1946 = %broadcast_in_dim3A_123, %scan3A_1947 = %broadcast_in_dim3A_123, %scan3A_1948 = %broadcast_in_dim3A_123, %scan3A_1949 = %broadcast_in_dim3A_123, %scan3A_1950 = %broadcast_in_dim3A_123, %scan3A_1951 = %broadcast_in_dim3A_123, %scan3A_1952 = %broadcast_in_dim3A_123, %scan3A_1953 = %broadcast_in_dim3A_123, %scan3A_1954 = %broadcast_in_dim3A_123, %scan3A_1955 = %broadcast_in_dim3A_123, %scan3A_1956 = %broadcast_in_dim3A_123, %scan3A_1957 = %broadcast_in_dim3A_125, %scan3A_1958 = %broadcast_in_dim3A_125, %scan3A_1959 = %broadcast_in_dim3A_125, %scan3A_1960 = %broadcast_in_dim3A_125, %scan3A_1961 = %broadcast_in_dim3A_125, %scan3A_1962 = %broadcast_in_dim3A_125, %scan3A_1963 = %broadcast_in_dim3A_125, %scan3A_1964 = %broadcast_in_dim3A_125) -> (vector<16xf32>, vector<16xf32>, vector<16xf32>, vector<16xf32>, vector<16xf32>, vector<16xf32>, vector<16xf32>, vector<16xf32>, vector<16xf32>, vector<16xf32>, vector<16xf32>, vector<16xf32>, vector<16xf32>, vector<16xf32>, vector<16xf32>, vector<16xf32>, vector<16xf32>, vector<16xf32>, vector<16xf32>, vector<16xf32>, vector<16xf32>, vector<16xf32>, vector<16xf32>, vector<16xf32>)  : i32 {
        %mul3A_1965 = arith.constant 128 : i32
        %mul3A_1966 = arith.muli %scan3A_1940, %mul3A_1965 : i32
        %add3A_1967 = arith.constant 0 : i32
        %add3A_1968 = arith.addi %mul3A_1966, %add3A_1967 : i32
        %get3A = arith.constant 0 : i32
        %get3A_1969 = arith.index_cast %rem3A_83 : i32 to index
        %get3A_1970 = arith.index_cast %get3A : i32 to index
        %get3A_1971 = arith.index_cast %add3A_1968 : i32 to index
        %get3A_1972 = tpu.vector_load %arg5[%get3A_1969, %get3A_1970, %get3A_1971] {strides = array<i32>} : memref<3x8x4096xf32, #tpu.memory_space<vmem>>, vector<16xf32>,
        %add3A_1973 = arith.addf %scan3A_1941, %get3A_1972 : vector<16xf32>
        %mul3A_1974 = arith.mulf %get3A_1972, %get3A_1972 : vector<16xf32>
        %add3A_1975 = arith.addf %scan3A_1949, %mul3A_1974 : vector<16xf32>
        %max3A_1976 = arith.maximumf %scan3A_1957, %get3A_1972 : vector<16xf32>
        %add3A_1977 = arith.constant 16 : i32
        %add3A_1978 = arith.addi %mul3A_1966, %add3A_1977 : i32
        %get3A_1979 = arith.constant 0 : i32
        %get3A_1980 = arith.index_cast %rem3A_83 : i32 to index
        %get3A_1981 = arith.index_cast %get3A_1979 : i32 to index
        %get3A_1982 = arith.index_cast %add3A_1978 : i32 to index
        %get3A_1983 = tpu.vector_load %arg5[%get3A_1980, %get3A_1981, %get3A_1982] {strides = array<i32>} : memref<3x8x4096xf32, #tpu.memory_space<vmem>>, vector<16xf32>,
        %add3A_1984 = arith.addf %scan3A_1942, %get3A_1983 : vector<16xf32>
        %mul3A_1985 = arith.mulf %get3A_1983, %get3A_1983 : vector<16xf32>
        %add3A_1986 = arith.addf %scan3A_1950, %mul3A_1985 : vector<16xf32>
        %max3A_1987 = arith.maximumf %scan3A_1958, %get3A_1983 : vector<16xf32>
        %add3A_1988 = arith.constant 32 : i32
        %add3A_1989 = arith.addi %mul3A_1966, %add3A_1988 : i32
        %get3A_1990 = arith.constant 0 : i32
        %get3A_1991 = arith.index_cast %rem3A_83 : i32 to index
        %get3A_1992 = arith.index_cast %get3A_1990 : i32 to index
        %get3A_1993 = arith.index_cast %add3A_1989 : i32 to index
        %get3A_1994 = tpu.vector_load %arg5[%get3A_1991, %get3A_1992, %get3A_1993] {strides = array<i32>} : memref<3x8x4096xf32, #tpu.memory_space<vmem>>, vector<16xf32>,
        %add3A_1995 = arith.addf %scan3A_1943, %get3A_1994 : vector<16xf32>
        %mul3A_1996 = arith.mulf %get3A_1994, %get3A_1994 : vector<16xf32>
        %add3A_1997 = arith.addf %scan3A_1951, %mul3A_1996 : vector<16xf32>
        %max3A_1998 = arith.maximumf %scan3A_1959, %get3A_1994 : vector<16xf32>
        %add3A_1999 = arith.constant 48 : i32
        %add3A_2000 = arith.addi %mul3A_1966, %add3A_1999 : i32
        %get3A_2001 = arith.constant 0 : i32
        %get3A_2002 = arith.index_cast %rem3A_83 : i32 to index
        %get3A_2003 = arith.index_cast %get3A_2001 : i32 to index
        %get3A_2004 = arith.index_cast %add3A_2000 : i32 to index
        %get3A_2005 = tpu.vector_load %arg5[%get3A_2002, %get3A_2003, %get3A_2004] {strides = array<i32>} : memref<3x8x4096xf32, #tpu.memory_space<vmem>>, vector<16xf32>,
        %add3A_2006 = arith.addf %scan3A_1944, %get3A_2005 : vector<16xf32>
        %mul3A_2007 = arith.mulf %get3A_2005, %get3A_2005 : vector<16xf32>
        %add3A_2008 = arith.addf %scan3A_1952, %mul3A_2007 : vector<16xf32>
        %max3A_2009 = arith.maximumf %scan3A_1960, %get3A_2005 : vector<16xf32>
        %add3A_2010 = arith.constant 64 : i32
        %add3A_2011 = arith.addi %mul3A_1966, %add3A_2010 : i32
        %get3A_2012 = arith.constant 0 : i32
        %get3A_2013 = arith.index_cast %rem3A_83 : i32 to index
        %get3A_2014 = arith.index_cast %get3A_2012 : i32 to index
        %get3A_2015 = arith.index_cast %add3A_2011 : i32 to index
        %get3A_2016 = tpu.vector_load %arg5[%get3A_2013, %get3A_2014, %get3A_2015] {strides = array<i32>} : memref<3x8x4096xf32, #tpu.memory_space<vmem>>, vector<16xf32>,
        %add3A_2017 = arith.addf %scan3A_1945, %get3A_2016 : vector<16xf32>
        %mul3A_2018 = arith.mulf %get3A_2016, %get3A_2016 : vector<16xf32>
        %add3A_2019 = arith.addf %scan3A_1953, %mul3A_2018 : vector<16xf32>
        %max3A_2020 = arith.maximumf %scan3A_1961, %get3A_2016 : vector<16xf32>
        %add3A_2021 = arith.constant 80 : i32
        %add3A_2022 = arith.addi %mul3A_1966, %add3A_2021 : i32
        %get3A_2023 = arith.constant 0 : i32
        %get3A_2024 = arith.index_cast %rem3A_83 : i32 to index
        %get3A_2025 = arith.index_cast %get3A_2023 : i32 to index
        %get3A_2026 = arith.index_cast %add3A_2022 : i32 to index
        %get3A_2027 = tpu.vector_load %arg5[%get3A_2024, %get3A_2025, %get3A_2026] {strides = array<i32>} : memref<3x8x4096xf32, #tpu.memory_space<vmem>>, vector<16xf32>,
        %add3A_2028 = arith.addf %scan3A_1946, %get3A_2027 : vector<16xf32>
        %mul3A_2029 = arith.mulf %get3A_2027, %get3A_2027 : vector<16xf32>
        %add3A_2030 = arith.addf %scan3A_1954, %mul3A_2029 : vector<16xf32>
        %max3A_2031 = arith.maximumf %scan3A_1962, %get3A_2027 : vector<16xf32>
        %add3A_2032 = arith.constant 96 : i32
        %add3A_2033 = arith.addi %mul3A_1966, %add3A_2032 : i32
        %get3A_2034 = arith.constant 0 : i32
        %get3A_2035 = arith.index_cast %rem3A_83 : i32 to index
        %get3A_2036 = arith.index_cast %get3A_2034 : i32 to index
        %get3A_2037 = arith.index_cast %add3A_2033 : i32 to index
        %get3A_2038 = tpu.vector_load %arg5[%get3A_2035, %get3A_2036, %get3A_2037] {strides = array<i32>} : memref<3x8x4096xf32, #tpu.memory_space<vmem>>, vector<16xf32>,
        %add3A_2039 = arith.addf %scan3A_1947, %get3A_2038 : vector<16xf32>
        %mul3A_2040 = arith.mulf %get3A_2038, %get3A_2038 : vector<16xf32>
        %add3A_2041 = arith.addf %scan3A_1955, %mul3A_2040 : vector<16xf32>
        %max3A_2042 = arith.maximumf %scan3A_1963, %get3A_2038 : vector<16xf32>
        %add3A_2043 = arith.constant 112 : i32
        %add3A_2044 = arith.addi %mul3A_1966, %add3A_2043 : i32
        %get3A_2045 = arith.constant 0 : i32
        %get3A_2046 = arith.index_cast %rem3A_83 : i32 to index
        %get3A_2047 = arith.index_cast %get3A_2045 : i32 to index
        %get3A_2048 = arith.index_cast %add3A_2044 : i32 to index
        %get3A_2049 = tpu.vector_load %arg5[%get3A_2046, %get3A_2047, %get3A_2048] {strides = array<i32>} : memref<3x8x4096xf32, #tpu.memory_space<vmem>>, vector<16xf32>,
        %add3A_2050 = arith.addf %scan3A_1948, %get3A_2049 : vector<16xf32>
        %mul3A_2051 = arith.mulf %get3A_2049, %get3A_2049 : vector<16xf32>
        %add3A_2052 = arith.addf %scan3A_1956, %mul3A_2051 : vector<16xf32>
        %max3A_2053 = arith.maximumf %scan3A_1964, %get3A_2049 : vector<16xf32>
        scf.yield %add3A_1973, %add3A_1984, %add3A_1995, %add3A_2006, %add3A_2017, %add3A_2028, %add3A_2039, %add3A_2050, %add3A_1975, %add3A_1986, %add3A_1997, %add3A_2008, %add3A_2019, %add3A_2030, %add3A_2041, %add3A_2052, %max3A_1976, %max3A_1987, %max3A_1998, %max3A_2009, %max3A_2020, %max3A_2031, %max3A_2042, %max3A_2053 : vector<16xf32>, vector<16xf32>, vector<16xf32>, vector<16xf32>, vector<16xf32>, vector<16xf32>, vector<16xf32>, vector<16xf32>, vector<16xf32>, vector<16xf32>, vector<16xf32>, vector<16xf32>, vector<16xf32>, vector<16xf32>, vector<16xf32>, vector<16xf32>, vector<16xf32>, vector<16xf32>, vector<16xf32>, vector<16xf32>, vector<16xf32>, vector<16xf32>, vector<16xf32>, vector<16xf32>
      }
      %scan3A_131 = arith.constant 32 : i32
      %add3A_132 = arith.addf %scan3A_130#0, %scan3A_130#1 : vector<16xf32>
      %add3A_133 = arith.addf %scan3A_130#8, %scan3A_130#9 : vector<16xf32>
      %max3A = arith.maximumf %scan3A_130#16, %scan3A_130#17 : vector<16xf32>
      %add3A_134 = arith.addf %add3A_132, %scan3A_130#2 : vector<16xf32>
      %add3A_135 = arith.addf %add3A_133, %scan3A_130#10 : vector<16xf32>
      %max3A_136 = arith.maximumf %max3A, %scan3A_130#18 : vector<16xf32>
      %add3A_137 = arith.addf %add3A_134, %scan3A_130#3 : vector<16xf32>
      %add3A_138 = arith.addf %add3A_135, %scan3A_130#11 : vector<16xf32>
      %max3A_139 = arith.maximumf %max3A_136, %scan3A_130#19 : vector<16xf32>
      %add3A_140 = arith.addf %add3A_137, %scan3A_130#4 : vector<16xf32>
      %add3A_141 = arith.addf %add3A_138, %scan3A_130#12 : vector<16xf32>
      %max3A_142 = arith.maximumf %max3A_139, %scan3A_130#20 : vector<16xf32>
      %add3A_143 = arith.addf %add3A_140, %scan3A_130#5 : vector<16xf32>
      %add3A_144 = arith.addf %add3A_141, %scan3A_130#13 : vector<16xf32>
      %max3A_145 = arith.maximumf %max3A_142, %scan3A_130#21 : vector<16xf32>
      %add3A_146 = arith.addf %add3A_143, %scan3A_130#6 : vector<16xf32>
      %add3A_147 = arith.addf %add3A_144, %scan3A_130#14 : vector<16xf32>
      %max3A_148 = arith.maximumf %max3A_145, %scan3A_130#22 : vector<16xf32>
      %add3A_149 = arith.addf %add3A_146, %scan3A_130#7 : vector<16xf32>
      %add3A_150 = arith.addf %add3A_147, %scan3A_130#15 : vector<16xf32>
      %max3A_151 = arith.maximumf %max3A_148, %scan3A_130#23 : vector<16xf32>
      %swap3A = arith.constant 0 : index
      %swap3A_152 = tpu.vector_load %arg8[%swap3A] {strides = array<i32>} : memref<768xf32, #tpu.memory_space<vmem>>, vector<16xf32>,
      tpu.vector_store %arg8[%swap3A], %add3A_149 {strides = array<i32>} : memref<768xf32, #tpu.memory_space<vmem>>, vector<16xf32>,
      %swap3A_153 = arith.constant 256 : index
      %swap3A_154 = tpu.vector_load %arg8[%swap3A_153] {strides = array<i32>} : memref<768xf32, #tpu.memory_space<vmem>>, vector<16xf32>,
      tpu.vector_store %arg8[%swap3A_153], %add3A_150 {strides = array<i32>} : memref<768xf32, #tpu.memory_space<vmem>>, vector<16xf32>,
      %swap3A_155 = arith.constant 512 : index
      %swap3A_156 = tpu.vector_load %arg8[%swap3A_155] {strides = array<i32>} : memref<768xf32, #tpu.memory_space<vmem>>, vector<16xf32>,
      tpu.vector_store %arg8[%swap3A_155], %max3A_151 {strides = array<i32>} : memref<768xf32, #tpu.memory_space<vmem>>, vector<16xf32>,
      %broadcast_in_dim3A_157 = arith.constant 0.000000e+00 : f32
      %broadcast_in_dim3A_158 = vector.broadcast %broadcast_in_dim3A_157 : f32 to vector<16xf32>
      %broadcast_in_dim3A_159 = arith.constant 0xFF800000 : f32
      %broadcast_in_dim3A_160 = vector.broadcast %broadcast_in_dim3A_159 : f32 to vector<16xf32>
      %scan3A_161 = arith.constant 0 : i32
      %scan3A_162 = arith.constant 32 : i32
      %scan3A_163 = arith.addi %scan3A_161, %scan3A_162 : i32
      %scan3A_164 = arith.constant 1 : i32
      %scan3A_165:24 = scf.for %scan3A_1940 = %scan3A_161 to %scan3A_163 step %scan3A_164 iter_args(%scan3A_1941 = %broadcast_in_dim3A_158, %scan3A_1942 = %broadcast_in_dim3A_158, %scan3A_1943 = %broadcast_in_dim3A_158, %scan3A_1944 = %broadcast_in_dim3A_158, %scan3A_1945 = %broadcast_in_dim3A_158, %scan3A_1946 = %broadcast_in_dim3A_158, %scan3A_1947 = %broadcast_in_dim3A_158, %scan3A_1948 = %broadcast_in_dim3A_158, %scan3A_1949 = %broadcast_in_dim3A_158, %scan3A_1950 = %broadcast_in_dim3A_158, %scan3A_1951 = %broadcast_in_dim3A_158, %scan3A_1952 = %broadcast_in_dim3A_158, %scan3A_1953 = %broadcast_in_dim3A_158, %scan3A_1954 = %broadcast_in_dim3A_158, %scan3A_1955 = %broadcast_in_dim3A_158, %scan3A_1956 = %broadcast_in_dim3A_158, %scan3A_1957 = %broadcast_in_dim3A_160, %scan3A_1958 = %broadcast_in_dim3A_160, %scan3A_1959 = %broadcast_in_dim3A_160, %scan3A_1960 = %broadcast_in_dim3A_160, %scan3A_1961 = %broadcast_in_dim3A_160, %scan3A_1962 = %broadcast_in_dim3A_160, %scan3A_1963 = %broadcast_in_dim3A_160, %scan3A_1964 = %broadcast_in_dim3A_160) -> (vector<16xf32>, vector<16xf32>, vector<16xf32>, vector<16xf32>, vector<16xf32>, vector<16xf32>, vector<16xf32>, vector<16xf32>, vector<16xf32>, vector<16xf32>, vector<16xf32>, vector<16xf32>, vector<16xf32>, vector<16xf32>, vector<16xf32>, vector<16xf32>, vector<16xf32>, vector<16xf32>, vector<16xf32>, vector<16xf32>, vector<16xf32>, vector<16xf32>, vector<16xf32>, vector<16xf32>)  : i32 {
        %mul3A_1965 = arith.constant 128 : i32
        %mul3A_1966 = arith.muli %scan3A_1940, %mul3A_1965 : i32
        %add3A_1967 = arith.constant 0 : i32
        %add3A_1968 = arith.addi %mul3A_1966, %add3A_1967 : i32
        %get3A = arith.constant 1 : i32
        %get3A_1969 = arith.index_cast %rem3A_83 : i32 to index
        %get3A_1970 = arith.index_cast %get3A : i32 to index
        %get3A_1971 = arith.index_cast %add3A_1968 : i32 to index
        %get3A_1972 = tpu.vector_load %arg5[%get3A_1969, %get3A_1970, %get3A_1971] {strides = array<i32>} : memref<3x8x4096xf32, #tpu.memory_space<vmem>>, vector<16xf32>,
        %add3A_1973 = arith.addf %scan3A_1941, %get3A_1972 : vector<16xf32>
        %mul3A_1974 = arith.mulf %get3A_1972, %get3A_1972 : vector<16xf32>
        %add3A_1975 = arith.addf %scan3A_1949, %mul3A_1974 : vector<16xf32>
        %max3A_1976 = arith.maximumf %scan3A_1957, %get3A_1972 : vector<16xf32>
        %add3A_1977 = arith.constant 16 : i32
        %add3A_1978 = arith.addi %mul3A_1966, %add3A_1977 : i32
        %get3A_1979 = arith.constant 1 : i32
        %get3A_1980 = arith.index_cast %rem3A_83 : i32 to index
        %get3A_1981 = arith.index_cast %get3A_1979 : i32 to index
        %get3A_1982 = arith.index_cast %add3A_1978 : i32 to index
        %get3A_1983 = tpu.vector_load %arg5[%get3A_1980, %get3A_1981, %get3A_1982] {strides = array<i32>} : memref<3x8x4096xf32, #tpu.memory_space<vmem>>, vector<16xf32>,
        %add3A_1984 = arith.addf %scan3A_1942, %get3A_1983 : vector<16xf32>
        %mul3A_1985 = arith.mulf %get3A_1983, %get3A_1983 : vector<16xf32>
        %add3A_1986 = arith.addf %scan3A_1950, %mul3A_1985 : vector<16xf32>
        %max3A_1987 = arith.maximumf %scan3A_1958, %get3A_1983 : vector<16xf32>
        %add3A_1988 = arith.constant 32 : i32
        %add3A_1989 = arith.addi %mul3A_1966, %add3A_1988 : i32
        %get3A_1990 = arith.constant 1 : i32
        %get3A_1991 = arith.index_cast %rem3A_83 : i32 to index
        %get3A_1992 = arith.index_cast %get3A_1990 : i32 to index
        %get3A_1993 = arith.index_cast %add3A_1989 : i32 to index
        %get3A_1994 = tpu.vector_load %arg5[%get3A_1991, %get3A_1992, %get3A_1993] {strides = array<i32>} : memref<3x8x4096xf32, #tpu.memory_space<vmem>>, vector<16xf32>,
        %add3A_1995 = arith.addf %scan3A_1943, %get3A_1994 : vector<16xf32>
        %mul3A_1996 = arith.mulf %get3A_1994, %get3A_1994 : vector<16xf32>
        %add3A_1997 = arith.addf %scan3A_1951, %mul3A_1996 : vector<16xf32>
        %max3A_1998 = arith.maximumf %scan3A_1959, %get3A_1994 : vector<16xf32>
        %add3A_1999 = arith.constant 48 : i32
        %add3A_2000 = arith.addi %mul3A_1966, %add3A_1999 : i32
        %get3A_2001 = arith.constant 1 : i32
        %get3A_2002 = arith.index_cast %rem3A_83 : i32 to index
        %get3A_2003 = arith.index_cast %get3A_2001 : i32 to index
        %get3A_2004 = arith.index_cast %add3A_2000 : i32 to index
        %get3A_2005 = tpu.vector_load %arg5[%get3A_2002, %get3A_2003, %get3A_2004] {strides = array<i32>} : memref<3x8x4096xf32, #tpu.memory_space<vmem>>, vector<16xf32>,
        %add3A_2006 = arith.addf %scan3A_1944, %get3A_2005 : vector<16xf32>
        %mul3A_2007 = arith.mulf %get3A_2005, %get3A_2005 : vector<16xf32>
        %add3A_2008 = arith.addf %scan3A_1952, %mul3A_2007 : vector<16xf32>
        %max3A_2009 = arith.maximumf %scan3A_1960, %get3A_2005 : vector<16xf32>
        %add3A_2010 = arith.constant 64 : i32
        %add3A_2011 = arith.addi %mul3A_1966, %add3A_2010 : i32
        %get3A_2012 = arith.constant 1 : i32
        %get3A_2013 = arith.index_cast %rem3A_83 : i32 to index
        %get3A_2014 = arith.index_cast %get3A_2012 : i32 to index
        %get3A_2015 = arith.index_cast %add3A_2011 : i32 to index
        %get3A_2016 = tpu.vector_load %arg5[%get3A_2013, %get3A_2014, %get3A_2015] {strides = array<i32>} : memref<3x8x4096xf32, #tpu.memory_space<vmem>>, vector<16xf32>,
        %add3A_2017 = arith.addf %scan3A_1945, %get3A_2016 : vector<16xf32>
        %mul3A_2018 = arith.mulf %get3A_2016, %get3A_2016 : vector<16xf32>
        %add3A_2019 = arith.addf %scan3A_1953, %mul3A_2018 : vector<16xf32>
        %max3A_2020 = arith.maximumf %scan3A_1961, %get3A_2016 : vector<16xf32>
        %add3A_2021 = arith.constant 80 : i32
        %add3A_2022 = arith.addi %mul3A_1966, %add3A_2021 : i32
        %get3A_2023 = arith.constant 1 : i32
        %get3A_2024 = arith.index_cast %rem3A_83 : i32 to index
        %get3A_2025 = arith.index_cast %get3A_2023 : i32 to index
        %get3A_2026 = arith.index_cast %add3A_2022 : i32 to index
        %get3A_2027 = tpu.vector_load %arg5[%get3A_2024, %get3A_2025, %get3A_2026] {strides = array<i32>} : memref<3x8x4096xf32, #tpu.memory_space<vmem>>, vector<16xf32>,
        %add3A_2028 = arith.addf %scan3A_1946, %get3A_2027 : vector<16xf32>
        %mul3A_2029 = arith.mulf %get3A_2027, %get3A_2027 : vector<16xf32>
        %add3A_2030 = arith.addf %scan3A_1954, %mul3A_2029 : vector<16xf32>
        %max3A_2031 = arith.maximumf %scan3A_1962, %get3A_2027 : vector<16xf32>
        %add3A_2032 = arith.constant 96 : i32
        %add3A_2033 = arith.addi %mul3A_1966, %add3A_2032 : i32
        %get3A_2034 = arith.constant 1 : i32
        %get3A_2035 = arith.index_cast %rem3A_83 : i32 to index
        %get3A_2036 = arith.index_cast %get3A_2034 : i32 to index
        %get3A_2037 = arith.index_cast %add3A_2033 : i32 to index
        %get3A_2038 = tpu.vector_load %arg5[%get3A_2035, %get3A_2036, %get3A_2037] {strides = array<i32>} : memref<3x8x4096xf32, #tpu.memory_space<vmem>>, vector<16xf32>,
        %add3A_2039 = arith.addf %scan3A_1947, %get3A_2038 : vector<16xf32>
        %mul3A_2040 = arith.mulf %get3A_2038, %get3A_2038 : vector<16xf32>
        %add3A_2041 = arith.addf %scan3A_1955, %mul3A_2040 : vector<16xf32>
        %max3A_2042 = arith.maximumf %scan3A_1963, %get3A_2038 : vector<16xf32>
        %add3A_2043 = arith.constant 112 : i32
        %add3A_2044 = arith.addi %mul3A_1966, %add3A_2043 : i32
        %get3A_2045 = arith.constant 1 : i32
        %get3A_2046 = arith.index_cast %rem3A_83 : i32 to index
        %get3A_2047 = arith.index_cast %get3A_2045 : i32 to index
        %get3A_2048 = arith.index_cast %add3A_2044 : i32 to index
        %get3A_2049 = tpu.vector_load %arg5[%get3A_2046, %get3A_2047, %get3A_2048] {strides = array<i32>} : memref<3x8x4096xf32, #tpu.memory_space<vmem>>, vector<16xf32>,
        %add3A_2050 = arith.addf %scan3A_1948, %get3A_2049 : vector<16xf32>
        %mul3A_2051 = arith.mulf %get3A_2049, %get3A_2049 : vector<16xf32>
        %add3A_2052 = arith.addf %scan3A_1956, %mul3A_2051 : vector<16xf32>
        %max3A_2053 = arith.maximumf %scan3A_1964, %get3A_2049 : vector<16xf32>
        scf.yield %add3A_1973, %add3A_1984, %add3A_1995, %add3A_2006, %add3A_2017, %add3A_2028, %add3A_2039, %add3A_2050, %add3A_1975, %add3A_1986, %add3A_1997, %add3A_2008, %add3A_2019, %add3A_2030, %add3A_2041, %add3A_2052, %max3A_1976, %max3A_1987, %max3A_1998, %max3A_2009, %max3A_2020, %max3A_2031, %max3A_2042, %max3A_2053 : vector<16xf32>, vector<16xf32>, vector<16xf32>, vector<16xf32>, vector<16xf32>, vector<16xf32>, vector<16xf32>, vector<16xf32>, vector<16xf32>, vector<16xf32>, vector<16xf32>, vector<16xf32>, vector<16xf32>, vector<16xf32>, vector<16xf32>, vector<16xf32>, vector<16xf32>, vector<16xf32>, vector<16xf32>, vector<16xf32>, vector<16xf32>, vector<16xf32>, vector<16xf32>, vector<16xf32>
      }
      %scan3A_166 = arith.constant 32 : i32
      %add3A_167 = arith.addf %scan3A_165#0, %scan3A_165#1 : vector<16xf32>
      %add3A_168 = arith.addf %scan3A_165#8, %scan3A_165#9 : vector<16xf32>
      %max3A_169 = arith.maximumf %scan3A_165#16, %scan3A_165#17 : vector<16xf32>
      %add3A_170 = arith.addf %add3A_167, %scan3A_165#2 : vector<16xf32>
      %add3A_171 = arith.addf %add3A_168, %scan3A_165#10 : vector<16xf32>
      %max3A_172 = arith.maximumf %max3A_169, %scan3A_165#18 : vector<16xf32>
      %add3A_173 = arith.addf %add3A_170, %scan3A_165#3 : vector<16xf32>
      %add3A_174 = arith.addf %add3A_171, %scan3A_165#11 : vector<16xf32>
      %max3A_175 = arith.maximumf %max3A_172, %scan3A_165#19 : vector<16xf32>
      %add3A_176 = arith.addf %add3A_173, %scan3A_165#4 : vector<16xf32>
      %add3A_177 = arith.addf %add3A_174, %scan3A_165#12 : vector<16xf32>
      %max3A_178 = arith.maximumf %max3A_175, %scan3A_165#20 : vector<16xf32>
      %add3A_179 = arith.addf %add3A_176, %scan3A_165#5 : vector<16xf32>
      %add3A_180 = arith.addf %add3A_177, %scan3A_165#13 : vector<16xf32>
      %max3A_181 = arith.maximumf %max3A_178, %scan3A_165#21 : vector<16xf32>
      %add3A_182 = arith.addf %add3A_179, %scan3A_165#6 : vector<16xf32>
      %add3A_183 = arith.addf %add3A_180, %scan3A_165#14 : vector<16xf32>
      %max3A_184 = arith.maximumf %max3A_181, %scan3A_165#22 : vector<16xf32>
      %add3A_185 = arith.addf %add3A_182, %scan3A_165#7 : vector<16xf32>
      %add3A_186 = arith.addf %add3A_183, %scan3A_165#15 : vector<16xf32>
      %max3A_187 = arith.maximumf %max3A_184, %scan3A_165#23 : vector<16xf32>
      %swap3A_188 = arith.constant 16 : index
      %swap3A_189 = tpu.vector_load %arg8[%swap3A_188] {strides = array<i32>} : memref<768xf32, #tpu.memory_space<vmem>>, vector<16xf32>,
      tpu.vector_store %arg8[%swap3A_188], %add3A_185 {strides = array<i32>} : memref<768xf32, #tpu.memory_space<vmem>>, vector<16xf32>,
      %swap3A_190 = arith.constant 272 : index
      %swap3A_191 = tpu.vector_load %arg8[%swap3A_190] {strides = array<i32>} : memref<768xf32, #tpu.memory_space<vmem>>, vector<16xf32>,
      tpu.vector_store %arg8[%swap3A_190], %add3A_186 {strides = array<i32>} : memref<768xf32, #tpu.memory_space<vmem>>, vector<16xf32>,
      %swap3A_192 = arith.constant 528 : index
      %swap3A_193 = tpu.vector_load %arg8[%swap3A_192] {strides = array<i32>} : memref<768xf32, #tpu.memory_space<vmem>>, vector<16xf32>,
      tpu.vector_store %arg8[%swap3A_192], %max3A_187 {strides = array<i32>} : memref<768xf32, #tpu.memory_space<vmem>>, vector<16xf32>,
      %broadcast_in_dim3A_194 = arith.constant 0.000000e+00 : f32
      %broadcast_in_dim3A_195 = vector.broadcast %broadcast_in_dim3A_194 : f32 to vector<16xf32>
      %broadcast_in_dim3A_196 = arith.constant 0xFF800000 : f32
      %broadcast_in_dim3A_197 = vector.broadcast %broadcast_in_dim3A_196 : f32 to vector<16xf32>
      %scan3A_198 = arith.constant 0 : i32
      %scan3A_199 = arith.constant 32 : i32
      %scan3A_200 = arith.addi %scan3A_198, %scan3A_199 : i32
      %scan3A_201 = arith.constant 1 : i32
      %scan3A_202:24 = scf.for %scan3A_1940 = %scan3A_198 to %scan3A_200 step %scan3A_201 iter_args(%scan3A_1941 = %broadcast_in_dim3A_195, %scan3A_1942 = %broadcast_in_dim3A_195, %scan3A_1943 = %broadcast_in_dim3A_195, %scan3A_1944 = %broadcast_in_dim3A_195, %scan3A_1945 = %broadcast_in_dim3A_195, %scan3A_1946 = %broadcast_in_dim3A_195, %scan3A_1947 = %broadcast_in_dim3A_195, %scan3A_1948 = %broadcast_in_dim3A_195, %scan3A_1949 = %broadcast_in_dim3A_195, %scan3A_1950 = %broadcast_in_dim3A_195, %scan3A_1951 = %broadcast_in_dim3A_195, %scan3A_1952 = %broadcast_in_dim3A_195, %scan3A_1953 = %broadcast_in_dim3A_195, %scan3A_1954 = %broadcast_in_dim3A_195, %scan3A_1955 = %broadcast_in_dim3A_195, %scan3A_1956 = %broadcast_in_dim3A_195, %scan3A_1957 = %broadcast_in_dim3A_197, %scan3A_1958 = %broadcast_in_dim3A_197, %scan3A_1959 = %broadcast_in_dim3A_197, %scan3A_1960 = %broadcast_in_dim3A_197, %scan3A_1961 = %broadcast_in_dim3A_197, %scan3A_1962 = %broadcast_in_dim3A_197, %scan3A_1963 = %broadcast_in_dim3A_197, %scan3A_1964 = %broadcast_in_dim3A_197) -> (vector<16xf32>, vector<16xf32>, vector<16xf32>, vector<16xf32>, vector<16xf32>, vector<16xf32>, vector<16xf32>, vector<16xf32>, vector<16xf32>, vector<16xf32>, vector<16xf32>, vector<16xf32>, vector<16xf32>, vector<16xf32>, vector<16xf32>, vector<16xf32>, vector<16xf32>, vector<16xf32>, vector<16xf32>, vector<16xf32>, vector<16xf32>, vector<16xf32>, vector<16xf32>, vector<16xf32>)  : i32 {
        %mul3A_1965 = arith.constant 128 : i32
        %mul3A_1966 = arith.muli %scan3A_1940, %mul3A_1965 : i32
        %add3A_1967 = arith.constant 0 : i32
        %add3A_1968 = arith.addi %mul3A_1966, %add3A_1967 : i32
        %get3A = arith.constant 2 : i32
        %get3A_1969 = arith.index_cast %rem3A_83 : i32 to index
        %get3A_1970 = arith.index_cast %get3A : i32 to index
        %get3A_1971 = arith.index_cast %add3A_1968 : i32 to index
        %get3A_1972 = tpu.vector_load %arg5[%get3A_1969, %get3A_1970, %get3A_1971] {strides = array<i32>} : memref<3x8x4096xf32, #tpu.memory_space<vmem>>, vector<16xf32>,
        %add3A_1973 = arith.addf %scan3A_1941, %get3A_1972 : vector<16xf32>
        %mul3A_1974 = arith.mulf %get3A_1972, %get3A_1972 : vector<16xf32>
        %add3A_1975 = arith.addf %scan3A_1949, %mul3A_1974 : vector<16xf32>
        %max3A_1976 = arith.maximumf %scan3A_1957, %get3A_1972 : vector<16xf32>
        %add3A_1977 = arith.constant 16 : i32
        %add3A_1978 = arith.addi %mul3A_1966, %add3A_1977 : i32
        %get3A_1979 = arith.constant 2 : i32
        %get3A_1980 = arith.index_cast %rem3A_83 : i32 to index
        %get3A_1981 = arith.index_cast %get3A_1979 : i32 to index
        %get3A_1982 = arith.index_cast %add3A_1978 : i32 to index
        %get3A_1983 = tpu.vector_load %arg5[%get3A_1980, %get3A_1981, %get3A_1982] {strides = array<i32>} : memref<3x8x4096xf32, #tpu.memory_space<vmem>>, vector<16xf32>,
        %add3A_1984 = arith.addf %scan3A_1942, %get3A_1983 : vector<16xf32>
        %mul3A_1985 = arith.mulf %get3A_1983, %get3A_1983 : vector<16xf32>
        %add3A_1986 = arith.addf %scan3A_1950, %mul3A_1985 : vector<16xf32>
        %max3A_1987 = arith.maximumf %scan3A_1958, %get3A_1983 : vector<16xf32>
        %add3A_1988 = arith.constant 32 : i32
        %add3A_1989 = arith.addi %mul3A_1966, %add3A_1988 : i32
        %get3A_1990 = arith.constant 2 : i32
        %get3A_1991 = arith.index_cast %rem3A_83 : i32 to index
        %get3A_1992 = arith.index_cast %get3A_1990 : i32 to index
        %get3A_1993 = arith.index_cast %add3A_1989 : i32 to index
        %get3A_1994 = tpu.vector_load %arg5[%get3A_1991, %get3A_1992, %get3A_1993] {strides = array<i32>} : memref<3x8x4096xf32, #tpu.memory_space<vmem>>, vector<16xf32>,
        %add3A_1995 = arith.addf %scan3A_1943, %get3A_1994 : vector<16xf32>
        %mul3A_1996 = arith.mulf %get3A_1994, %get3A_1994 : vector<16xf32>
        %add3A_1997 = arith.addf %scan3A_1951, %mul3A_1996 : vector<16xf32>
        %max3A_1998 = arith.maximumf %scan3A_1959, %get3A_1994 : vector<16xf32>
        %add3A_1999 = arith.constant 48 : i32
        %add3A_2000 = arith.addi %mul3A_1966, %add3A_1999 : i32
        %get3A_2001 = arith.constant 2 : i32
        %get3A_2002 = arith.index_cast %rem3A_83 : i32 to index
        %get3A_2003 = arith.index_cast %get3A_2001 : i32 to index
        %get3A_2004 = arith.index_cast %add3A_2000 : i32 to index
        %get3A_2005 = tpu.vector_load %arg5[%get3A_2002, %get3A_2003, %get3A_2004] {strides = array<i32>} : memref<3x8x4096xf32, #tpu.memory_space<vmem>>, vector<16xf32>,
        %add3A_2006 = arith.addf %scan3A_1944, %get3A_2005 : vector<16xf32>
        %mul3A_2007 = arith.mulf %get3A_2005, %get3A_2005 : vector<16xf32>
        %add3A_2008 = arith.addf %scan3A_1952, %mul3A_2007 : vector<16xf32>
        %max3A_2009 = arith.maximumf %scan3A_1960, %get3A_2005 : vector<16xf32>
        %add3A_2010 = arith.constant 64 : i32
        %add3A_2011 = arith.addi %mul3A_1966, %add3A_2010 : i32
        %get3A_2012 = arith.constant 2 : i32
        %get3A_2013 = arith.index_cast %rem3A_83 : i32 to index
        %get3A_2014 = arith.index_cast %get3A_2012 : i32 to index
        %get3A_2015 = arith.index_cast %add3A_2011 : i32 to index
        %get3A_2016 = tpu.vector_load %arg5[%get3A_2013, %get3A_2014, %get3A_2015] {strides = array<i32>} : memref<3x8x4096xf32, #tpu.memory_space<vmem>>, vector<16xf32>,
        %add3A_2017 = arith.addf %scan3A_1945, %get3A_2016 : vector<16xf32>
        %mul3A_2018 = arith.mulf %get3A_2016, %get3A_2016 : vector<16xf32>
        %add3A_2019 = arith.addf %scan3A_1953, %mul3A_2018 : vector<16xf32>
        %max3A_2020 = arith.maximumf %scan3A_1961, %get3A_2016 : vector<16xf32>
        %add3A_2021 = arith.constant 80 : i32
        %add3A_2022 = arith.addi %mul3A_1966, %add3A_2021 : i32
        %get3A_2023 = arith.constant 2 : i32
        %get3A_2024 = arith.index_cast %rem3A_83 : i32 to index
        %get3A_2025 = arith.index_cast %get3A_2023 : i32 to index
        %get3A_2026 = arith.index_cast %add3A_2022 : i32 to index
        %get3A_2027 = tpu.vector_load %arg5[%get3A_2024, %get3A_2025, %get3A_2026] {strides = array<i32>} : memref<3x8x4096xf32, #tpu.memory_space<vmem>>, vector<16xf32>,
        %add3A_2028 = arith.addf %scan3A_1946, %get3A_2027 : vector<16xf32>
        %mul3A_2029 = arith.mulf %get3A_2027, %get3A_2027 : vector<16xf32>
        %add3A_2030 = arith.addf %scan3A_1954, %mul3A_2029 : vector<16xf32>
        %max3A_2031 = arith.maximumf %scan3A_1962, %get3A_2027 : vector<16xf32>
        %add3A_2032 = arith.constant 96 : i32
        %add3A_2033 = arith.addi %mul3A_1966, %add3A_2032 : i32
        %get3A_2034 = arith.constant 2 : i32
        %get3A_2035 = arith.index_cast %rem3A_83 : i32 to index
        %get3A_2036 = arith.index_cast %get3A_2034 : i32 to index
        %get3A_2037 = arith.index_cast %add3A_2033 : i32 to index
        %get3A_2038 = tpu.vector_load %arg5[%get3A_2035, %get3A_2036, %get3A_2037] {strides = array<i32>} : memref<3x8x4096xf32, #tpu.memory_space<vmem>>, vector<16xf32>,
        %add3A_2039 = arith.addf %scan3A_1947, %get3A_2038 : vector<16xf32>
        %mul3A_2040 = arith.mulf %get3A_2038, %get3A_2038 : vector<16xf32>
        %add3A_2041 = arith.addf %scan3A_1955, %mul3A_2040 : vector<16xf32>
        %max3A_2042 = arith.maximumf %scan3A_1963, %get3A_2038 : vector<16xf32>
        %add3A_2043 = arith.constant 112 : i32
        %add3A_2044 = arith.addi %mul3A_1966, %add3A_2043 : i32
        %get3A_2045 = arith.constant 2 : i32
        %get3A_2046 = arith.index_cast %rem3A_83 : i32 to index
        %get3A_2047 = arith.index_cast %get3A_2045 : i32 to index
        %get3A_2048 = arith.index_cast %add3A_2044 : i32 to index
        %get3A_2049 = tpu.vector_load %arg5[%get3A_2046, %get3A_2047, %get3A_2048] {strides = array<i32>} : memref<3x8x4096xf32, #tpu.memory_space<vmem>>, vector<16xf32>,
        %add3A_2050 = arith.addf %scan3A_1948, %get3A_2049 : vector<16xf32>
        %mul3A_2051 = arith.mulf %get3A_2049, %get3A_2049 : vector<16xf32>
        %add3A_2052 = arith.addf %scan3A_1956, %mul3A_2051 : vector<16xf32>
        %max3A_2053 = arith.maximumf %scan3A_1964, %get3A_2049 : vector<16xf32>
        scf.yield %add3A_1973, %add3A_1984, %add3A_1995, %add3A_2006, %add3A_2017, %add3A_2028, %add3A_2039, %add3A_2050, %add3A_1975, %add3A_1986, %add3A_1997, %add3A_2008, %add3A_2019, %add3A_2030, %add3A_2041, %add3A_2052, %max3A_1976, %max3A_1987, %max3A_1998, %max3A_2009, %max3A_2020, %max3A_2031, %max3A_2042, %max3A_2053 : vector<16xf32>, vector<16xf32>, vector<16xf32>, vector<16xf32>, vector<16xf32>, vector<16xf32>, vector<16xf32>, vector<16xf32>, vector<16xf32>, vector<16xf32>, vector<16xf32>, vector<16xf32>, vector<16xf32>, vector<16xf32>, vector<16xf32>, vector<16xf32>, vector<16xf32>, vector<16xf32>, vector<16xf32>, vector<16xf32>, vector<16xf32>, vector<16xf32>, vector<16xf32>, vector<16xf32>
      }
      %scan3A_203 = arith.constant 32 : i32
      %add3A_204 = arith.addf %scan3A_202#0, %scan3A_202#1 : vector<16xf32>
      %add3A_205 = arith.addf %scan3A_202#8, %scan3A_202#9 : vector<16xf32>
      %max3A_206 = arith.maximumf %scan3A_202#16, %scan3A_202#17 : vector<16xf32>
      %add3A_207 = arith.addf %add3A_204, %scan3A_202#2 : vector<16xf32>
      %add3A_208 = arith.addf %add3A_205, %scan3A_202#10 : vector<16xf32>
      %max3A_209 = arith.maximumf %max3A_206, %scan3A_202#18 : vector<16xf32>
      %add3A_210 = arith.addf %add3A_207, %scan3A_202#3 : vector<16xf32>
      %add3A_211 = arith.addf %add3A_208, %scan3A_202#11 : vector<16xf32>
      %max3A_212 = arith.maximumf %max3A_209, %scan3A_202#19 : vector<16xf32>
      %add3A_213 = arith.addf %add3A_210, %scan3A_202#4 : vector<16xf32>
      %add3A_214 = arith.addf %add3A_211, %scan3A_202#12 : vector<16xf32>
      %max3A_215 = arith.maximumf %max3A_212, %scan3A_202#20 : vector<16xf32>
      %add3A_216 = arith.addf %add3A_213, %scan3A_202#5 : vector<16xf32>
      %add3A_217 = arith.addf %add3A_214, %scan3A_202#13 : vector<16xf32>
      %max3A_218 = arith.maximumf %max3A_215, %scan3A_202#21 : vector<16xf32>
      %add3A_219 = arith.addf %add3A_216, %scan3A_202#6 : vector<16xf32>
      %add3A_220 = arith.addf %add3A_217, %scan3A_202#14 : vector<16xf32>
      %max3A_221 = arith.maximumf %max3A_218, %scan3A_202#22 : vector<16xf32>
      %add3A_222 = arith.addf %add3A_219, %scan3A_202#7 : vector<16xf32>
      %add3A_223 = arith.addf %add3A_220, %scan3A_202#15 : vector<16xf32>
      %max3A_224 = arith.maximumf %max3A_221, %scan3A_202#23 : vector<16xf32>
      %swap3A_225 = arith.constant 32 : index
      %swap3A_226 = tpu.vector_load %arg8[%swap3A_225] {strides = array<i32>} : memref<768xf32, #tpu.memory_space<vmem>>, vector<16xf32>,
      tpu.vector_store %arg8[%swap3A_225], %add3A_222 {strides = array<i32>} : memref<768xf32, #tpu.memory_space<vmem>>, vector<16xf32>,
      %swap3A_227 = arith.constant 288 : index
      %swap3A_228 = tpu.vector_load %arg8[%swap3A_227] {strides = array<i32>} : memref<768xf32, #tpu.memory_space<vmem>>, vector<16xf32>,
      tpu.vector_store %arg8[%swap3A_227], %add3A_223 {strides = array<i32>} : memref<768xf32, #tpu.memory_space<vmem>>, vector<16xf32>,
      %swap3A_229 = arith.constant 544 : index
      %swap3A_230 = tpu.vector_load %arg8[%swap3A_229] {strides = array<i32>} : memref<768xf32, #tpu.memory_space<vmem>>, vector<16xf32>,
      tpu.vector_store %arg8[%swap3A_229], %max3A_224 {strides = array<i32>} : memref<768xf32, #tpu.memory_space<vmem>>, vector<16xf32>,
      %broadcast_in_dim3A_231 = arith.constant 0.000000e+00 : f32
      %broadcast_in_dim3A_232 = vector.broadcast %broadcast_in_dim3A_231 : f32 to vector<16xf32>
      %broadcast_in_dim3A_233 = arith.constant 0xFF800000 : f32
      %broadcast_in_dim3A_234 = vector.broadcast %broadcast_in_dim3A_233 : f32 to vector<16xf32>
      %scan3A_235 = arith.constant 0 : i32
      %scan3A_236 = arith.constant 32 : i32
      %scan3A_237 = arith.addi %scan3A_235, %scan3A_236 : i32
      %scan3A_238 = arith.constant 1 : i32
      %scan3A_239:24 = scf.for %scan3A_1940 = %scan3A_235 to %scan3A_237 step %scan3A_238 iter_args(%scan3A_1941 = %broadcast_in_dim3A_232, %scan3A_1942 = %broadcast_in_dim3A_232, %scan3A_1943 = %broadcast_in_dim3A_232, %scan3A_1944 = %broadcast_in_dim3A_232, %scan3A_1945 = %broadcast_in_dim3A_232, %scan3A_1946 = %broadcast_in_dim3A_232, %scan3A_1947 = %broadcast_in_dim3A_232, %scan3A_1948 = %broadcast_in_dim3A_232, %scan3A_1949 = %broadcast_in_dim3A_232, %scan3A_1950 = %broadcast_in_dim3A_232, %scan3A_1951 = %broadcast_in_dim3A_232, %scan3A_1952 = %broadcast_in_dim3A_232, %scan3A_1953 = %broadcast_in_dim3A_232, %scan3A_1954 = %broadcast_in_dim3A_232, %scan3A_1955 = %broadcast_in_dim3A_232, %scan3A_1956 = %broadcast_in_dim3A_232, %scan3A_1957 = %broadcast_in_dim3A_234, %scan3A_1958 = %broadcast_in_dim3A_234, %scan3A_1959 = %broadcast_in_dim3A_234, %scan3A_1960 = %broadcast_in_dim3A_234, %scan3A_1961 = %broadcast_in_dim3A_234, %scan3A_1962 = %broadcast_in_dim3A_234, %scan3A_1963 = %broadcast_in_dim3A_234, %scan3A_1964 = %broadcast_in_dim3A_234) -> (vector<16xf32>, vector<16xf32>, vector<16xf32>, vector<16xf32>, vector<16xf32>, vector<16xf32>, vector<16xf32>, vector<16xf32>, vector<16xf32>, vector<16xf32>, vector<16xf32>, vector<16xf32>, vector<16xf32>, vector<16xf32>, vector<16xf32>, vector<16xf32>, vector<16xf32>, vector<16xf32>, vector<16xf32>, vector<16xf32>, vector<16xf32>, vector<16xf32>, vector<16xf32>, vector<16xf32>)  : i32 {
        %mul3A_1965 = arith.constant 128 : i32
        %mul3A_1966 = arith.muli %scan3A_1940, %mul3A_1965 : i32
        %add3A_1967 = arith.constant 0 : i32
        %add3A_1968 = arith.addi %mul3A_1966, %add3A_1967 : i32
        %get3A = arith.constant 3 : i32
        %get3A_1969 = arith.index_cast %rem3A_83 : i32 to index
        %get3A_1970 = arith.index_cast %get3A : i32 to index
        %get3A_1971 = arith.index_cast %add3A_1968 : i32 to index
        %get3A_1972 = tpu.vector_load %arg5[%get3A_1969, %get3A_1970, %get3A_1971] {strides = array<i32>} : memref<3x8x4096xf32, #tpu.memory_space<vmem>>, vector<16xf32>,
        %add3A_1973 = arith.addf %scan3A_1941, %get3A_1972 : vector<16xf32>
        %mul3A_1974 = arith.mulf %get3A_1972, %get3A_1972 : vector<16xf32>
        %add3A_1975 = arith.addf %scan3A_1949, %mul3A_1974 : vector<16xf32>
        %max3A_1976 = arith.maximumf %scan3A_1957, %get3A_1972 : vector<16xf32>
        %add3A_1977 = arith.constant 16 : i32
        %add3A_1978 = arith.addi %mul3A_1966, %add3A_1977 : i32
        %get3A_1979 = arith.constant 3 : i32
        %get3A_1980 = arith.index_cast %rem3A_83 : i32 to index
        %get3A_1981 = arith.index_cast %get3A_1979 : i32 to index
        %get3A_1982 = arith.index_cast %add3A_1978 : i32 to index
        %get3A_1983 = tpu.vector_load %arg5[%get3A_1980, %get3A_1981, %get3A_1982] {strides = array<i32>} : memref<3x8x4096xf32, #tpu.memory_space<vmem>>, vector<16xf32>,
        %add3A_1984 = arith.addf %scan3A_1942, %get3A_1983 : vector<16xf32>
        %mul3A_1985 = arith.mulf %get3A_1983, %get3A_1983 : vector<16xf32>
        %add3A_1986 = arith.addf %scan3A_1950, %mul3A_1985 : vector<16xf32>
        %max3A_1987 = arith.maximumf %scan3A_1958, %get3A_1983 : vector<16xf32>
        %add3A_1988 = arith.constant 32 : i32
        %add3A_1989 = arith.addi %mul3A_1966, %add3A_1988 : i32
        %get3A_1990 = arith.constant 3 : i32
        %get3A_1991 = arith.index_cast %rem3A_83 : i32 to index
        %get3A_1992 = arith.index_cast %get3A_1990 : i32 to index
        %get3A_1993 = arith.index_cast %add3A_1989 : i32 to index
        %get3A_1994 = tpu.vector_load %arg5[%get3A_1991, %get3A_1992, %get3A_1993] {strides = array<i32>} : memref<3x8x4096xf32, #tpu.memory_space<vmem>>, vector<16xf32>,
        %add3A_1995 = arith.addf %scan3A_1943, %get3A_1994 : vector<16xf32>
        %mul3A_1996 = arith.mulf %get3A_1994, %get3A_1994 : vector<16xf32>
        %add3A_1997 = arith.addf %scan3A_1951, %mul3A_1996 : vector<16xf32>
        %max3A_1998 = arith.maximumf %scan3A_1959, %get3A_1994 : vector<16xf32>
        %add3A_1999 = arith.constant 48 : i32
        %add3A_2000 = arith.addi %mul3A_1966, %add3A_1999 : i32
        %get3A_2001 = arith.constant 3 : i32
        %get3A_2002 = arith.index_cast %rem3A_83 : i32 to index
        %get3A_2003 = arith.index_cast %get3A_2001 : i32 to index
        %get3A_2004 = arith.index_cast %add3A_2000 : i32 to index
        %get3A_2005 = tpu.vector_load %arg5[%get3A_2002, %get3A_2003, %get3A_2004] {strides = array<i32>} : memref<3x8x4096xf32, #tpu.memory_space<vmem>>, vector<16xf32>,
        %add3A_2006 = arith.addf %scan3A_1944, %get3A_2005 : vector<16xf32>
        %mul3A_2007 = arith.mulf %get3A_2005, %get3A_2005 : vector<16xf32>
        %add3A_2008 = arith.addf %scan3A_1952, %mul3A_2007 : vector<16xf32>
        %max3A_2009 = arith.maximumf %scan3A_1960, %get3A_2005 : vector<16xf32>
        %add3A_2010 = arith.constant 64 : i32
        %add3A_2011 = arith.addi %mul3A_1966, %add3A_2010 : i32
        %get3A_2012 = arith.constant 3 : i32
        %get3A_2013 = arith.index_cast %rem3A_83 : i32 to index
        %get3A_2014 = arith.index_cast %get3A_2012 : i32 to index
        %get3A_2015 = arith.index_cast %add3A_2011 : i32 to index
        %get3A_2016 = tpu.vector_load %arg5[%get3A_2013, %get3A_2014, %get3A_2015] {strides = array<i32>} : memref<3x8x4096xf32, #tpu.memory_space<vmem>>, vector<16xf32>,
        %add3A_2017 = arith.addf %scan3A_1945, %get3A_2016 : vector<16xf32>
        %mul3A_2018 = arith.mulf %get3A_2016, %get3A_2016 : vector<16xf32>
        %add3A_2019 = arith.addf %scan3A_1953, %mul3A_2018 : vector<16xf32>
        %max3A_2020 = arith.maximumf %scan3A_1961, %get3A_2016 : vector<16xf32>
        %add3A_2021 = arith.constant 80 : i32
        %add3A_2022 = arith.addi %mul3A_1966, %add3A_2021 : i32
        %get3A_2023 = arith.constant 3 : i32
        %get3A_2024 = arith.index_cast %rem3A_83 : i32 to index
        %get3A_2025 = arith.index_cast %get3A_2023 : i32 to index
        %get3A_2026 = arith.index_cast %add3A_2022 : i32 to index
        %get3A_2027 = tpu.vector_load %arg5[%get3A_2024, %get3A_2025, %get3A_2026] {strides = array<i32>} : memref<3x8x4096xf32, #tpu.memory_space<vmem>>, vector<16xf32>,
        %add3A_2028 = arith.addf %scan3A_1946, %get3A_2027 : vector<16xf32>
        %mul3A_2029 = arith.mulf %get3A_2027, %get3A_2027 : vector<16xf32>
        %add3A_2030 = arith.addf %scan3A_1954, %mul3A_2029 : vector<16xf32>
        %max3A_2031 = arith.maximumf %scan3A_1962, %get3A_2027 : vector<16xf32>
        %add3A_2032 = arith.constant 96 : i32
        %add3A_2033 = arith.addi %mul3A_1966, %add3A_2032 : i32
        %get3A_2034 = arith.constant 3 : i32
        %get3A_2035 = arith.index_cast %rem3A_83 : i32 to index
        %get3A_2036 = arith.index_cast %get3A_2034 : i32 to index
        %get3A_2037 = arith.index_cast %add3A_2033 : i32 to index
        %get3A_2038 = tpu.vector_load %arg5[%get3A_2035, %get3A_2036, %get3A_2037] {strides = array<i32>} : memref<3x8x4096xf32, #tpu.memory_space<vmem>>, vector<16xf32>,
        %add3A_2039 = arith.addf %scan3A_1947, %get3A_2038 : vector<16xf32>
        %mul3A_2040 = arith.mulf %get3A_2038, %get3A_2038 : vector<16xf32>
        %add3A_2041 = arith.addf %scan3A_1955, %mul3A_2040 : vector<16xf32>
        %max3A_2042 = arith.maximumf %scan3A_1963, %get3A_2038 : vector<16xf32>
        %add3A_2043 = arith.constant 112 : i32
        %add3A_2044 = arith.addi %mul3A_1966, %add3A_2043 : i32
        %get3A_2045 = arith.constant 3 : i32
        %get3A_2046 = arith.index_cast %rem3A_83 : i32 to index
        %get3A_2047 = arith.index_cast %get3A_2045 : i32 to index
        %get3A_2048 = arith.index_cast %add3A_2044 : i32 to index
        %get3A_2049 = tpu.vector_load %arg5[%get3A_2046, %get3A_2047, %get3A_2048] {strides = array<i32>} : memref<3x8x4096xf32, #tpu.memory_space<vmem>>, vector<16xf32>,
        %add3A_2050 = arith.addf %scan3A_1948, %get3A_2049 : vector<16xf32>
        %mul3A_2051 = arith.mulf %get3A_2049, %get3A_2049 : vector<16xf32>
        %add3A_2052 = arith.addf %scan3A_1956, %mul3A_2051 : vector<16xf32>
        %max3A_2053 = arith.maximumf %scan3A_1964, %get3A_2049 : vector<16xf32>
        scf.yield %add3A_1973, %add3A_1984, %add3A_1995, %add3A_2006, %add3A_2017, %add3A_2028, %add3A_2039, %add3A_2050, %add3A_1975, %add3A_1986, %add3A_1997, %add3A_2008, %add3A_2019, %add3A_2030, %add3A_2041, %add3A_2052, %max3A_1976, %max3A_1987, %max3A_1998, %max3A_2009, %max3A_2020, %max3A_2031, %max3A_2042, %max3A_2053 : vector<16xf32>, vector<16xf32>, vector<16xf32>, vector<16xf32>, vector<16xf32>, vector<16xf32>, vector<16xf32>, vector<16xf32>, vector<16xf32>, vector<16xf32>, vector<16xf32>, vector<16xf32>, vector<16xf32>, vector<16xf32>, vector<16xf32>, vector<16xf32>, vector<16xf32>, vector<16xf32>, vector<16xf32>, vector<16xf32>, vector<16xf32>, vector<16xf32>, vector<16xf32>, vector<16xf32>
      }
      %scan3A_240 = arith.constant 32 : i32
      %add3A_241 = arith.addf %scan3A_239#0, %scan3A_239#1 : vector<16xf32>
      %add3A_242 = arith.addf %scan3A_239#8, %scan3A_239#9 : vector<16xf32>
      %max3A_243 = arith.maximumf %scan3A_239#16, %scan3A_239#17 : vector<16xf32>
      %add3A_244 = arith.addf %add3A_241, %scan3A_239#2 : vector<16xf32>
      %add3A_245 = arith.addf %add3A_242, %scan3A_239#10 : vector<16xf32>
      %max3A_246 = arith.maximumf %max3A_243, %scan3A_239#18 : vector<16xf32>
      %add3A_247 = arith.addf %add3A_244, %scan3A_239#3 : vector<16xf32>
      %add3A_248 = arith.addf %add3A_245, %scan3A_239#11 : vector<16xf32>
      %max3A_249 = arith.maximumf %max3A_246, %scan3A_239#19 : vector<16xf32>
      %add3A_250 = arith.addf %add3A_247, %scan3A_239#4 : vector<16xf32>
      %add3A_251 = arith.addf %add3A_248, %scan3A_239#12 : vector<16xf32>
      %max3A_252 = arith.maximumf %max3A_249, %scan3A_239#20 : vector<16xf32>
      %add3A_253 = arith.addf %add3A_250, %scan3A_239#5 : vector<16xf32>
      %add3A_254 = arith.addf %add3A_251, %scan3A_239#13 : vector<16xf32>
      %max3A_255 = arith.maximumf %max3A_252, %scan3A_239#21 : vector<16xf32>
      %add3A_256 = arith.addf %add3A_253, %scan3A_239#6 : vector<16xf32>
      %add3A_257 = arith.addf %add3A_254, %scan3A_239#14 : vector<16xf32>
      %max3A_258 = arith.maximumf %max3A_255, %scan3A_239#22 : vector<16xf32>
      %add3A_259 = arith.addf %add3A_256, %scan3A_239#7 : vector<16xf32>
      %add3A_260 = arith.addf %add3A_257, %scan3A_239#15 : vector<16xf32>
      %max3A_261 = arith.maximumf %max3A_258, %scan3A_239#23 : vector<16xf32>
      %swap3A_262 = arith.constant 48 : index
      %swap3A_263 = tpu.vector_load %arg8[%swap3A_262] {strides = array<i32>} : memref<768xf32, #tpu.memory_space<vmem>>, vector<16xf32>,
      tpu.vector_store %arg8[%swap3A_262], %add3A_259 {strides = array<i32>} : memref<768xf32, #tpu.memory_space<vmem>>, vector<16xf32>,
      %swap3A_264 = arith.constant 304 : index
      %swap3A_265 = tpu.vector_load %arg8[%swap3A_264] {strides = array<i32>} : memref<768xf32, #tpu.memory_space<vmem>>, vector<16xf32>,
      tpu.vector_store %arg8[%swap3A_264], %add3A_260 {strides = array<i32>} : memref<768xf32, #tpu.memory_space<vmem>>, vector<16xf32>,
      %swap3A_266 = arith.constant 560 : index
      %swap3A_267 = tpu.vector_load %arg8[%swap3A_266] {strides = array<i32>} : memref<768xf32, #tpu.memory_space<vmem>>, vector<16xf32>,
      tpu.vector_store %arg8[%swap3A_266], %max3A_261 {strides = array<i32>} : memref<768xf32, #tpu.memory_space<vmem>>, vector<16xf32>,
      %broadcast_in_dim3A_268 = arith.constant 0.000000e+00 : f32
      %broadcast_in_dim3A_269 = vector.broadcast %broadcast_in_dim3A_268 : f32 to vector<16xf32>
      %broadcast_in_dim3A_270 = arith.constant 0xFF800000 : f32
      %broadcast_in_dim3A_271 = vector.broadcast %broadcast_in_dim3A_270 : f32 to vector<16xf32>
      %scan3A_272 = arith.constant 0 : i32
      %scan3A_273 = arith.constant 32 : i32
      %scan3A_274 = arith.addi %scan3A_272, %scan3A_273 : i32
      %scan3A_275 = arith.constant 1 : i32
      %scan3A_276:24 = scf.for %scan3A_1940 = %scan3A_272 to %scan3A_274 step %scan3A_275 iter_args(%scan3A_1941 = %broadcast_in_dim3A_269, %scan3A_1942 = %broadcast_in_dim3A_269, %scan3A_1943 = %broadcast_in_dim3A_269, %scan3A_1944 = %broadcast_in_dim3A_269, %scan3A_1945 = %broadcast_in_dim3A_269, %scan3A_1946 = %broadcast_in_dim3A_269, %scan3A_1947 = %broadcast_in_dim3A_269, %scan3A_1948 = %broadcast_in_dim3A_269, %scan3A_1949 = %broadcast_in_dim3A_269, %scan3A_1950 = %broadcast_in_dim3A_269, %scan3A_1951 = %broadcast_in_dim3A_269, %scan3A_1952 = %broadcast_in_dim3A_269, %scan3A_1953 = %broadcast_in_dim3A_269, %scan3A_1954 = %broadcast_in_dim3A_269, %scan3A_1955 = %broadcast_in_dim3A_269, %scan3A_1956 = %broadcast_in_dim3A_269, %scan3A_1957 = %broadcast_in_dim3A_271, %scan3A_1958 = %broadcast_in_dim3A_271, %scan3A_1959 = %broadcast_in_dim3A_271, %scan3A_1960 = %broadcast_in_dim3A_271, %scan3A_1961 = %broadcast_in_dim3A_271, %scan3A_1962 = %broadcast_in_dim3A_271, %scan3A_1963 = %broadcast_in_dim3A_271, %scan3A_1964 = %broadcast_in_dim3A_271) -> (vector<16xf32>, vector<16xf32>, vector<16xf32>, vector<16xf32>, vector<16xf32>, vector<16xf32>, vector<16xf32>, vector<16xf32>, vector<16xf32>, vector<16xf32>, vector<16xf32>, vector<16xf32>, vector<16xf32>, vector<16xf32>, vector<16xf32>, vector<16xf32>, vector<16xf32>, vector<16xf32>, vector<16xf32>, vector<16xf32>, vector<16xf32>, vector<16xf32>, vector<16xf32>, vector<16xf32>)  : i32 {
        %mul3A_1965 = arith.constant 128 : i32
        %mul3A_1966 = arith.muli %scan3A_1940, %mul3A_1965 : i32
        %add3A_1967 = arith.constant 0 : i32
        %add3A_1968 = arith.addi %mul3A_1966, %add3A_1967 : i32
        %get3A = arith.constant 4 : i32
        %get3A_1969 = arith.index_cast %rem3A_83 : i32 to index
        %get3A_1970 = arith.index_cast %get3A : i32 to index
        %get3A_1971 = arith.index_cast %add3A_1968 : i32 to index
        %get3A_1972 = tpu.vector_load %arg5[%get3A_1969, %get3A_1970, %get3A_1971] {strides = array<i32>} : memref<3x8x4096xf32, #tpu.memory_space<vmem>>, vector<16xf32>,
        %add3A_1973 = arith.addf %scan3A_1941, %get3A_1972 : vector<16xf32>
        %mul3A_1974 = arith.mulf %get3A_1972, %get3A_1972 : vector<16xf32>
        %add3A_1975 = arith.addf %scan3A_1949, %mul3A_1974 : vector<16xf32>
        %max3A_1976 = arith.maximumf %scan3A_1957, %get3A_1972 : vector<16xf32>
        %add3A_1977 = arith.constant 16 : i32
        %add3A_1978 = arith.addi %mul3A_1966, %add3A_1977 : i32
        %get3A_1979 = arith.constant 4 : i32
        %get3A_1980 = arith.index_cast %rem3A_83 : i32 to index
        %get3A_1981 = arith.index_cast %get3A_1979 : i32 to index
        %get3A_1982 = arith.index_cast %add3A_1978 : i32 to index
        %get3A_1983 = tpu.vector_load %arg5[%get3A_1980, %get3A_1981, %get3A_1982] {strides = array<i32>} : memref<3x8x4096xf32, #tpu.memory_space<vmem>>, vector<16xf32>,
        %add3A_1984 = arith.addf %scan3A_1942, %get3A_1983 : vector<16xf32>
        %mul3A_1985 = arith.mulf %get3A_1983, %get3A_1983 : vector<16xf32>
        %add3A_1986 = arith.addf %scan3A_1950, %mul3A_1985 : vector<16xf32>
        %max3A_1987 = arith.maximumf %scan3A_1958, %get3A_1983 : vector<16xf32>
        %add3A_1988 = arith.constant 32 : i32
        %add3A_1989 = arith.addi %mul3A_1966, %add3A_1988 : i32
        %get3A_1990 = arith.constant 4 : i32
        %get3A_1991 = arith.index_cast %rem3A_83 : i32 to index
        %get3A_1992 = arith.index_cast %get3A_1990 : i32 to index
        %get3A_1993 = arith.index_cast %add3A_1989 : i32 to index
        %get3A_1994 = tpu.vector_load %arg5[%get3A_1991, %get3A_1992, %get3A_1993] {strides = array<i32>} : memref<3x8x4096xf32, #tpu.memory_space<vmem>>, vector<16xf32>,
        %add3A_1995 = arith.addf %scan3A_1943, %get3A_1994 : vector<16xf32>
        %mul3A_1996 = arith.mulf %get3A_1994, %get3A_1994 : vector<16xf32>
        %add3A_1997 = arith.addf %scan3A_1951, %mul3A_1996 : vector<16xf32>
        %max3A_1998 = arith.maximumf %scan3A_1959, %get3A_1994 : vector<16xf32>
        %add3A_1999 = arith.constant 48 : i32
        %add3A_2000 = arith.addi %mul3A_1966, %add3A_1999 : i32
        %get3A_2001 = arith.constant 4 : i32
        %get3A_2002 = arith.index_cast %rem3A_83 : i32 to index
        %get3A_2003 = arith.index_cast %get3A_2001 : i32 to index
        %get3A_2004 = arith.index_cast %add3A_2000 : i32 to index
        %get3A_2005 = tpu.vector_load %arg5[%get3A_2002, %get3A_2003, %get3A_2004] {strides = array<i32>} : memref<3x8x4096xf32, #tpu.memory_space<vmem>>, vector<16xf32>,
        %add3A_2006 = arith.addf %scan3A_1944, %get3A_2005 : vector<16xf32>
        %mul3A_2007 = arith.mulf %get3A_2005, %get3A_2005 : vector<16xf32>
        %add3A_2008 = arith.addf %scan3A_1952, %mul3A_2007 : vector<16xf32>
        %max3A_2009 = arith.maximumf %scan3A_1960, %get3A_2005 : vector<16xf32>
        %add3A_2010 = arith.constant 64 : i32
        %add3A_2011 = arith.addi %mul3A_1966, %add3A_2010 : i32
        %get3A_2012 = arith.constant 4 : i32
        %get3A_2013 = arith.index_cast %rem3A_83 : i32 to index
        %get3A_2014 = arith.index_cast %get3A_2012 : i32 to index
        %get3A_2015 = arith.index_cast %add3A_2011 : i32 to index
        %get3A_2016 = tpu.vector_load %arg5[%get3A_2013, %get3A_2014, %get3A_2015] {strides = array<i32>} : memref<3x8x4096xf32, #tpu.memory_space<vmem>>, vector<16xf32>,
        %add3A_2017 = arith.addf %scan3A_1945, %get3A_2016 : vector<16xf32>
        %mul3A_2018 = arith.mulf %get3A_2016, %get3A_2016 : vector<16xf32>
        %add3A_2019 = arith.addf %scan3A_1953, %mul3A_2018 : vector<16xf32>
        %max3A_2020 = arith.maximumf %scan3A_1961, %get3A_2016 : vector<16xf32>
        %add3A_2021 = arith.constant 80 : i32
        %add3A_2022 = arith.addi %mul3A_1966, %add3A_2021 : i32
        %get3A_2023 = arith.constant 4 : i32
        %get3A_2024 = arith.index_cast %rem3A_83 : i32 to index
        %get3A_2025 = arith.index_cast %get3A_2023 : i32 to index
        %get3A_2026 = arith.index_cast %add3A_2022 : i32 to index
        %get3A_2027 = tpu.vector_load %arg5[%get3A_2024, %get3A_2025, %get3A_2026] {strides = array<i32>} : memref<3x8x4096xf32, #tpu.memory_space<vmem>>, vector<16xf32>,
        %add3A_2028 = arith.addf %scan3A_1946, %get3A_2027 : vector<16xf32>
        %mul3A_2029 = arith.mulf %get3A_2027, %get3A_2027 : vector<16xf32>
        %add3A_2030 = arith.addf %scan3A_1954, %mul3A_2029 : vector<16xf32>
        %max3A_2031 = arith.maximumf %scan3A_1962, %get3A_2027 : vector<16xf32>
        %add3A_2032 = arith.constant 96 : i32
        %add3A_2033 = arith.addi %mul3A_1966, %add3A_2032 : i32
        %get3A_2034 = arith.constant 4 : i32
        %get3A_2035 = arith.index_cast %rem3A_83 : i32 to index
        %get3A_2036 = arith.index_cast %get3A_2034 : i32 to index
        %get3A_2037 = arith.index_cast %add3A_2033 : i32 to index
        %get3A_2038 = tpu.vector_load %arg5[%get3A_2035, %get3A_2036, %get3A_2037] {strides = array<i32>} : memref<3x8x4096xf32, #tpu.memory_space<vmem>>, vector<16xf32>,
        %add3A_2039 = arith.addf %scan3A_1947, %get3A_2038 : vector<16xf32>
        %mul3A_2040 = arith.mulf %get3A_2038, %get3A_2038 : vector<16xf32>
        %add3A_2041 = arith.addf %scan3A_1955, %mul3A_2040 : vector<16xf32>
        %max3A_2042 = arith.maximumf %scan3A_1963, %get3A_2038 : vector<16xf32>
        %add3A_2043 = arith.constant 112 : i32
        %add3A_2044 = arith.addi %mul3A_1966, %add3A_2043 : i32
        %get3A_2045 = arith.constant 4 : i32
        %get3A_2046 = arith.index_cast %rem3A_83 : i32 to index
        %get3A_2047 = arith.index_cast %get3A_2045 : i32 to index
        %get3A_2048 = arith.index_cast %add3A_2044 : i32 to index
        %get3A_2049 = tpu.vector_load %arg5[%get3A_2046, %get3A_2047, %get3A_2048] {strides = array<i32>} : memref<3x8x4096xf32, #tpu.memory_space<vmem>>, vector<16xf32>,
        %add3A_2050 = arith.addf %scan3A_1948, %get3A_2049 : vector<16xf32>
        %mul3A_2051 = arith.mulf %get3A_2049, %get3A_2049 : vector<16xf32>
        %add3A_2052 = arith.addf %scan3A_1956, %mul3A_2051 : vector<16xf32>
        %max3A_2053 = arith.maximumf %scan3A_1964, %get3A_2049 : vector<16xf32>
        scf.yield %add3A_1973, %add3A_1984, %add3A_1995, %add3A_2006, %add3A_2017, %add3A_2028, %add3A_2039, %add3A_2050, %add3A_1975, %add3A_1986, %add3A_1997, %add3A_2008, %add3A_2019, %add3A_2030, %add3A_2041, %add3A_2052, %max3A_1976, %max3A_1987, %max3A_1998, %max3A_2009, %max3A_2020, %max3A_2031, %max3A_2042, %max3A_2053 : vector<16xf32>, vector<16xf32>, vector<16xf32>, vector<16xf32>, vector<16xf32>, vector<16xf32>, vector<16xf32>, vector<16xf32>, vector<16xf32>, vector<16xf32>, vector<16xf32>, vector<16xf32>, vector<16xf32>, vector<16xf32>, vector<16xf32>, vector<16xf32>, vector<16xf32>, vector<16xf32>, vector<16xf32>, vector<16xf32>, vector<16xf32>, vector<16xf32>, vector<16xf32>, vector<16xf32>
      }
      %scan3A_277 = arith.constant 32 : i32
      %add3A_278 = arith.addf %scan3A_276#0, %scan3A_276#1 : vector<16xf32>
      %add3A_279 = arith.addf %scan3A_276#8, %scan3A_276#9 : vector<16xf32>
      %max3A_280 = arith.maximumf %scan3A_276#16, %scan3A_276#17 : vector<16xf32>
      %add3A_281 = arith.addf %add3A_278, %scan3A_276#2 : vector<16xf32>
      %add3A_282 = arith.addf %add3A_279, %scan3A_276#10 : vector<16xf32>
      %max3A_283 = arith.maximumf %max3A_280, %scan3A_276#18 : vector<16xf32>
      %add3A_284 = arith.addf %add3A_281, %scan3A_276#3 : vector<16xf32>
      %add3A_285 = arith.addf %add3A_282, %scan3A_276#11 : vector<16xf32>
      %max3A_286 = arith.maximumf %max3A_283, %scan3A_276#19 : vector<16xf32>
      %add3A_287 = arith.addf %add3A_284, %scan3A_276#4 : vector<16xf32>
      %add3A_288 = arith.addf %add3A_285, %scan3A_276#12 : vector<16xf32>
      %max3A_289 = arith.maximumf %max3A_286, %scan3A_276#20 : vector<16xf32>
      %add3A_290 = arith.addf %add3A_287, %scan3A_276#5 : vector<16xf32>
      %add3A_291 = arith.addf %add3A_288, %scan3A_276#13 : vector<16xf32>
      %max3A_292 = arith.maximumf %max3A_289, %scan3A_276#21 : vector<16xf32>
      %add3A_293 = arith.addf %add3A_290, %scan3A_276#6 : vector<16xf32>
      %add3A_294 = arith.addf %add3A_291, %scan3A_276#14 : vector<16xf32>
      %max3A_295 = arith.maximumf %max3A_292, %scan3A_276#22 : vector<16xf32>
      %add3A_296 = arith.addf %add3A_293, %scan3A_276#7 : vector<16xf32>
      %add3A_297 = arith.addf %add3A_294, %scan3A_276#15 : vector<16xf32>
      %max3A_298 = arith.maximumf %max3A_295, %scan3A_276#23 : vector<16xf32>
      %swap3A_299 = arith.constant 64 : index
      %swap3A_300 = tpu.vector_load %arg8[%swap3A_299] {strides = array<i32>} : memref<768xf32, #tpu.memory_space<vmem>>, vector<16xf32>,
      tpu.vector_store %arg8[%swap3A_299], %add3A_296 {strides = array<i32>} : memref<768xf32, #tpu.memory_space<vmem>>, vector<16xf32>,
      %swap3A_301 = arith.constant 320 : index
      %swap3A_302 = tpu.vector_load %arg8[%swap3A_301] {strides = array<i32>} : memref<768xf32, #tpu.memory_space<vmem>>, vector<16xf32>,
      tpu.vector_store %arg8[%swap3A_301], %add3A_297 {strides = array<i32>} : memref<768xf32, #tpu.memory_space<vmem>>, vector<16xf32>,
      %swap3A_303 = arith.constant 576 : index
      %swap3A_304 = tpu.vector_load %arg8[%swap3A_303] {strides = array<i32>} : memref<768xf32, #tpu.memory_space<vmem>>, vector<16xf32>,
      tpu.vector_store %arg8[%swap3A_303], %max3A_298 {strides = array<i32>} : memref<768xf32, #tpu.memory_space<vmem>>, vector<16xf32>,
      %broadcast_in_dim3A_305 = arith.constant 0.000000e+00 : f32
      %broadcast_in_dim3A_306 = vector.broadcast %broadcast_in_dim3A_305 : f32 to vector<16xf32>
      %broadcast_in_dim3A_307 = arith.constant 0xFF800000 : f32
      %broadcast_in_dim3A_308 = vector.broadcast %broadcast_in_dim3A_307 : f32 to vector<16xf32>
      %scan3A_309 = arith.constant 0 : i32
      %scan3A_310 = arith.constant 32 : i32
      %scan3A_311 = arith.addi %scan3A_309, %scan3A_310 : i32
      %scan3A_312 = arith.constant 1 : i32
      %scan3A_313:24 = scf.for %scan3A_1940 = %scan3A_309 to %scan3A_311 step %scan3A_312 iter_args(%scan3A_1941 = %broadcast_in_dim3A_306, %scan3A_1942 = %broadcast_in_dim3A_306, %scan3A_1943 = %broadcast_in_dim3A_306, %scan3A_1944 = %broadcast_in_dim3A_306, %scan3A_1945 = %broadcast_in_dim3A_306, %scan3A_1946 = %broadcast_in_dim3A_306, %scan3A_1947 = %broadcast_in_dim3A_306, %scan3A_1948 = %broadcast_in_dim3A_306, %scan3A_1949 = %broadcast_in_dim3A_306, %scan3A_1950 = %broadcast_in_dim3A_306, %scan3A_1951 = %broadcast_in_dim3A_306, %scan3A_1952 = %broadcast_in_dim3A_306, %scan3A_1953 = %broadcast_in_dim3A_306, %scan3A_1954 = %broadcast_in_dim3A_306, %scan3A_1955 = %broadcast_in_dim3A_306, %scan3A_1956 = %broadcast_in_dim3A_306, %scan3A_1957 = %broadcast_in_dim3A_308, %scan3A_1958 = %broadcast_in_dim3A_308, %scan3A_1959 = %broadcast_in_dim3A_308, %scan3A_1960 = %broadcast_in_dim3A_308, %scan3A_1961 = %broadcast_in_dim3A_308, %scan3A_1962 = %broadcast_in_dim3A_308, %scan3A_1963 = %broadcast_in_dim3A_308, %scan3A_1964 = %broadcast_in_dim3A_308) -> (vector<16xf32>, vector<16xf32>, vector<16xf32>, vector<16xf32>, vector<16xf32>, vector<16xf32>, vector<16xf32>, vector<16xf32>, vector<16xf32>, vector<16xf32>, vector<16xf32>, vector<16xf32>, vector<16xf32>, vector<16xf32>, vector<16xf32>, vector<16xf32>, vector<16xf32>, vector<16xf32>, vector<16xf32>, vector<16xf32>, vector<16xf32>, vector<16xf32>, vector<16xf32>, vector<16xf32>)  : i32 {
        %mul3A_1965 = arith.constant 128 : i32
        %mul3A_1966 = arith.muli %scan3A_1940, %mul3A_1965 : i32
        %add3A_1967 = arith.constant 0 : i32
        %add3A_1968 = arith.addi %mul3A_1966, %add3A_1967 : i32
        %get3A = arith.constant 5 : i32
        %get3A_1969 = arith.index_cast %rem3A_83 : i32 to index
        %get3A_1970 = arith.index_cast %get3A : i32 to index
        %get3A_1971 = arith.index_cast %add3A_1968 : i32 to index
        %get3A_1972 = tpu.vector_load %arg5[%get3A_1969, %get3A_1970, %get3A_1971] {strides = array<i32>} : memref<3x8x4096xf32, #tpu.memory_space<vmem>>, vector<16xf32>,
        %add3A_1973 = arith.addf %scan3A_1941, %get3A_1972 : vector<16xf32>
        %mul3A_1974 = arith.mulf %get3A_1972, %get3A_1972 : vector<16xf32>
        %add3A_1975 = arith.addf %scan3A_1949, %mul3A_1974 : vector<16xf32>
        %max3A_1976 = arith.maximumf %scan3A_1957, %get3A_1972 : vector<16xf32>
        %add3A_1977 = arith.constant 16 : i32
        %add3A_1978 = arith.addi %mul3A_1966, %add3A_1977 : i32
        %get3A_1979 = arith.constant 5 : i32
        %get3A_1980 = arith.index_cast %rem3A_83 : i32 to index
        %get3A_1981 = arith.index_cast %get3A_1979 : i32 to index
        %get3A_1982 = arith.index_cast %add3A_1978 : i32 to index
        %get3A_1983 = tpu.vector_load %arg5[%get3A_1980, %get3A_1981, %get3A_1982] {strides = array<i32>} : memref<3x8x4096xf32, #tpu.memory_space<vmem>>, vector<16xf32>,
        %add3A_1984 = arith.addf %scan3A_1942, %get3A_1983 : vector<16xf32>
        %mul3A_1985 = arith.mulf %get3A_1983, %get3A_1983 : vector<16xf32>
        %add3A_1986 = arith.addf %scan3A_1950, %mul3A_1985 : vector<16xf32>
        %max3A_1987 = arith.maximumf %scan3A_1958, %get3A_1983 : vector<16xf32>
        %add3A_1988 = arith.constant 32 : i32
        %add3A_1989 = arith.addi %mul3A_1966, %add3A_1988 : i32
        %get3A_1990 = arith.constant 5 : i32
        %get3A_1991 = arith.index_cast %rem3A_83 : i32 to index
        %get3A_1992 = arith.index_cast %get3A_1990 : i32 to index
        %get3A_1993 = arith.index_cast %add3A_1989 : i32 to index
        %get3A_1994 = tpu.vector_load %arg5[%get3A_1991, %get3A_1992, %get3A_1993] {strides = array<i32>} : memref<3x8x4096xf32, #tpu.memory_space<vmem>>, vector<16xf32>,
        %add3A_1995 = arith.addf %scan3A_1943, %get3A_1994 : vector<16xf32>
        %mul3A_1996 = arith.mulf %get3A_1994, %get3A_1994 : vector<16xf32>
        %add3A_1997 = arith.addf %scan3A_1951, %mul3A_1996 : vector<16xf32>
        %max3A_1998 = arith.maximumf %scan3A_1959, %get3A_1994 : vector<16xf32>
        %add3A_1999 = arith.constant 48 : i32
        %add3A_2000 = arith.addi %mul3A_1966, %add3A_1999 : i32
        %get3A_2001 = arith.constant 5 : i32
        %get3A_2002 = arith.index_cast %rem3A_83 : i32 to index
        %get3A_2003 = arith.index_cast %get3A_2001 : i32 to index
        %get3A_2004 = arith.index_cast %add3A_2000 : i32 to index
        %get3A_2005 = tpu.vector_load %arg5[%get3A_2002, %get3A_2003, %get3A_2004] {strides = array<i32>} : memref<3x8x4096xf32, #tpu.memory_space<vmem>>, vector<16xf32>,
        %add3A_2006 = arith.addf %scan3A_1944, %get3A_2005 : vector<16xf32>
        %mul3A_2007 = arith.mulf %get3A_2005, %get3A_2005 : vector<16xf32>
        %add3A_2008 = arith.addf %scan3A_1952, %mul3A_2007 : vector<16xf32>
        %max3A_2009 = arith.maximumf %scan3A_1960, %get3A_2005 : vector<16xf32>
        %add3A_2010 = arith.constant 64 : i32
        %add3A_2011 = arith.addi %mul3A_1966, %add3A_2010 : i32
        %get3A_2012 = arith.constant 5 : i32
        %get3A_2013 = arith.index_cast %rem3A_83 : i32 to index
        %get3A_2014 = arith.index_cast %get3A_2012 : i32 to index
        %get3A_2015 = arith.index_cast %add3A_2011 : i32 to index
        %get3A_2016 = tpu.vector_load %arg5[%get3A_2013, %get3A_2014, %get3A_2015] {strides = array<i32>} : memref<3x8x4096xf32, #tpu.memory_space<vmem>>, vector<16xf32>,
        %add3A_2017 = arith.addf %scan3A_1945, %get3A_2016 : vector<16xf32>
        %mul3A_2018 = arith.mulf %get3A_2016, %get3A_2016 : vector<16xf32>
        %add3A_2019 = arith.addf %scan3A_1953, %mul3A_2018 : vector<16xf32>
        %max3A_2020 = arith.maximumf %scan3A_1961, %get3A_2016 : vector<16xf32>
        %add3A_2021 = arith.constant 80 : i32
        %add3A_2022 = arith.addi %mul3A_1966, %add3A_2021 : i32
        %get3A_2023 = arith.constant 5 : i32
        %get3A_2024 = arith.index_cast %rem3A_83 : i32 to index
        %get3A_2025 = arith.index_cast %get3A_2023 : i32 to index
        %get3A_2026 = arith.index_cast %add3A_2022 : i32 to index
        %get3A_2027 = tpu.vector_load %arg5[%get3A_2024, %get3A_2025, %get3A_2026] {strides = array<i32>} : memref<3x8x4096xf32, #tpu.memory_space<vmem>>, vector<16xf32>,
        %add3A_2028 = arith.addf %scan3A_1946, %get3A_2027 : vector<16xf32>
        %mul3A_2029 = arith.mulf %get3A_2027, %get3A_2027 : vector<16xf32>
        %add3A_2030 = arith.addf %scan3A_1954, %mul3A_2029 : vector<16xf32>
        %max3A_2031 = arith.maximumf %scan3A_1962, %get3A_2027 : vector<16xf32>
        %add3A_2032 = arith.constant 96 : i32
        %add3A_2033 = arith.addi %mul3A_1966, %add3A_2032 : i32
        %get3A_2034 = arith.constant 5 : i32
        %get3A_2035 = arith.index_cast %rem3A_83 : i32 to index
        %get3A_2036 = arith.index_cast %get3A_2034 : i32 to index
        %get3A_2037 = arith.index_cast %add3A_2033 : i32 to index
        %get3A_2038 = tpu.vector_load %arg5[%get3A_2035, %get3A_2036, %get3A_2037] {strides = array<i32>} : memref<3x8x4096xf32, #tpu.memory_space<vmem>>, vector<16xf32>,
        %add3A_2039 = arith.addf %scan3A_1947, %get3A_2038 : vector<16xf32>
        %mul3A_2040 = arith.mulf %get3A_2038, %get3A_2038 : vector<16xf32>
        %add3A_2041 = arith.addf %scan3A_1955, %mul3A_2040 : vector<16xf32>
        %max3A_2042 = arith.maximumf %scan3A_1963, %get3A_2038 : vector<16xf32>
        %add3A_2043 = arith.constant 112 : i32
        %add3A_2044 = arith.addi %mul3A_1966, %add3A_2043 : i32
        %get3A_2045 = arith.constant 5 : i32
        %get3A_2046 = arith.index_cast %rem3A_83 : i32 to index
        %get3A_2047 = arith.index_cast %get3A_2045 : i32 to index
        %get3A_2048 = arith.index_cast %add3A_2044 : i32 to index
        %get3A_2049 = tpu.vector_load %arg5[%get3A_2046, %get3A_2047, %get3A_2048] {strides = array<i32>} : memref<3x8x4096xf32, #tpu.memory_space<vmem>>, vector<16xf32>,
        %add3A_2050 = arith.addf %scan3A_1948, %get3A_2049 : vector<16xf32>
        %mul3A_2051 = arith.mulf %get3A_2049, %get3A_2049 : vector<16xf32>
        %add3A_2052 = arith.addf %scan3A_1956, %mul3A_2051 : vector<16xf32>
        %max3A_2053 = arith.maximumf %scan3A_1964, %get3A_2049 : vector<16xf32>
        scf.yield %add3A_1973, %add3A_1984, %add3A_1995, %add3A_2006, %add3A_2017, %add3A_2028, %add3A_2039, %add3A_2050, %add3A_1975, %add3A_1986, %add3A_1997, %add3A_2008, %add3A_2019, %add3A_2030, %add3A_2041, %add3A_2052, %max3A_1976, %max3A_1987, %max3A_1998, %max3A_2009, %max3A_2020, %max3A_2031, %max3A_2042, %max3A_2053 : vector<16xf32>, vector<16xf32>, vector<16xf32>, vector<16xf32>, vector<16xf32>, vector<16xf32>, vector<16xf32>, vector<16xf32>, vector<16xf32>, vector<16xf32>, vector<16xf32>, vector<16xf32>, vector<16xf32>, vector<16xf32>, vector<16xf32>, vector<16xf32>, vector<16xf32>, vector<16xf32>, vector<16xf32>, vector<16xf32>, vector<16xf32>, vector<16xf32>, vector<16xf32>, vector<16xf32>
      }
      %scan3A_314 = arith.constant 32 : i32
      %add3A_315 = arith.addf %scan3A_313#0, %scan3A_313#1 : vector<16xf32>
      %add3A_316 = arith.addf %scan3A_313#8, %scan3A_313#9 : vector<16xf32>
      %max3A_317 = arith.maximumf %scan3A_313#16, %scan3A_313#17 : vector<16xf32>
      %add3A_318 = arith.addf %add3A_315, %scan3A_313#2 : vector<16xf32>
      %add3A_319 = arith.addf %add3A_316, %scan3A_313#10 : vector<16xf32>
      %max3A_320 = arith.maximumf %max3A_317, %scan3A_313#18 : vector<16xf32>
      %add3A_321 = arith.addf %add3A_318, %scan3A_313#3 : vector<16xf32>
      %add3A_322 = arith.addf %add3A_319, %scan3A_313#11 : vector<16xf32>
      %max3A_323 = arith.maximumf %max3A_320, %scan3A_313#19 : vector<16xf32>
      %add3A_324 = arith.addf %add3A_321, %scan3A_313#4 : vector<16xf32>
      %add3A_325 = arith.addf %add3A_322, %scan3A_313#12 : vector<16xf32>
      %max3A_326 = arith.maximumf %max3A_323, %scan3A_313#20 : vector<16xf32>
      %add3A_327 = arith.addf %add3A_324, %scan3A_313#5 : vector<16xf32>
      %add3A_328 = arith.addf %add3A_325, %scan3A_313#13 : vector<16xf32>
      %max3A_329 = arith.maximumf %max3A_326, %scan3A_313#21 : vector<16xf32>
      %add3A_330 = arith.addf %add3A_327, %scan3A_313#6 : vector<16xf32>
      %add3A_331 = arith.addf %add3A_328, %scan3A_313#14 : vector<16xf32>
      %max3A_332 = arith.maximumf %max3A_329, %scan3A_313#22 : vector<16xf32>
      %add3A_333 = arith.addf %add3A_330, %scan3A_313#7 : vector<16xf32>
      %add3A_334 = arith.addf %add3A_331, %scan3A_313#15 : vector<16xf32>
      %max3A_335 = arith.maximumf %max3A_332, %scan3A_313#23 : vector<16xf32>
      %swap3A_336 = arith.constant 80 : index
      %swap3A_337 = tpu.vector_load %arg8[%swap3A_336] {strides = array<i32>} : memref<768xf32, #tpu.memory_space<vmem>>, vector<16xf32>,
      tpu.vector_store %arg8[%swap3A_336], %add3A_333 {strides = array<i32>} : memref<768xf32, #tpu.memory_space<vmem>>, vector<16xf32>,
      %swap3A_338 = arith.constant 336 : index
      %swap3A_339 = tpu.vector_load %arg8[%swap3A_338] {strides = array<i32>} : memref<768xf32, #tpu.memory_space<vmem>>, vector<16xf32>,
      tpu.vector_store %arg8[%swap3A_338], %add3A_334 {strides = array<i32>} : memref<768xf32, #tpu.memory_space<vmem>>, vector<16xf32>,
      %swap3A_340 = arith.constant 592 : index
      %swap3A_341 = tpu.vector_load %arg8[%swap3A_340] {strides = array<i32>} : memref<768xf32, #tpu.memory_space<vmem>>, vector<16xf32>,
      tpu.vector_store %arg8[%swap3A_340], %max3A_335 {strides = array<i32>} : memref<768xf32, #tpu.memory_space<vmem>>, vector<16xf32>,
      %broadcast_in_dim3A_342 = arith.constant 0.000000e+00 : f32
      %broadcast_in_dim3A_343 = vector.broadcast %broadcast_in_dim3A_342 : f32 to vector<16xf32>
      %broadcast_in_dim3A_344 = arith.constant 0xFF800000 : f32
      %broadcast_in_dim3A_345 = vector.broadcast %broadcast_in_dim3A_344 : f32 to vector<16xf32>
      %scan3A_346 = arith.constant 0 : i32
      %scan3A_347 = arith.constant 32 : i32
      %scan3A_348 = arith.addi %scan3A_346, %scan3A_347 : i32
      %scan3A_349 = arith.constant 1 : i32
      %scan3A_350:24 = scf.for %scan3A_1940 = %scan3A_346 to %scan3A_348 step %scan3A_349 iter_args(%scan3A_1941 = %broadcast_in_dim3A_343, %scan3A_1942 = %broadcast_in_dim3A_343, %scan3A_1943 = %broadcast_in_dim3A_343, %scan3A_1944 = %broadcast_in_dim3A_343, %scan3A_1945 = %broadcast_in_dim3A_343, %scan3A_1946 = %broadcast_in_dim3A_343, %scan3A_1947 = %broadcast_in_dim3A_343, %scan3A_1948 = %broadcast_in_dim3A_343, %scan3A_1949 = %broadcast_in_dim3A_343, %scan3A_1950 = %broadcast_in_dim3A_343, %scan3A_1951 = %broadcast_in_dim3A_343, %scan3A_1952 = %broadcast_in_dim3A_343, %scan3A_1953 = %broadcast_in_dim3A_343, %scan3A_1954 = %broadcast_in_dim3A_343, %scan3A_1955 = %broadcast_in_dim3A_343, %scan3A_1956 = %broadcast_in_dim3A_343, %scan3A_1957 = %broadcast_in_dim3A_345, %scan3A_1958 = %broadcast_in_dim3A_345, %scan3A_1959 = %broadcast_in_dim3A_345, %scan3A_1960 = %broadcast_in_dim3A_345, %scan3A_1961 = %broadcast_in_dim3A_345, %scan3A_1962 = %broadcast_in_dim3A_345, %scan3A_1963 = %broadcast_in_dim3A_345, %scan3A_1964 = %broadcast_in_dim3A_345) -> (vector<16xf32>, vector<16xf32>, vector<16xf32>, vector<16xf32>, vector<16xf32>, vector<16xf32>, vector<16xf32>, vector<16xf32>, vector<16xf32>, vector<16xf32>, vector<16xf32>, vector<16xf32>, vector<16xf32>, vector<16xf32>, vector<16xf32>, vector<16xf32>, vector<16xf32>, vector<16xf32>, vector<16xf32>, vector<16xf32>, vector<16xf32>, vector<16xf32>, vector<16xf32>, vector<16xf32>)  : i32 {
        %mul3A_1965 = arith.constant 128 : i32
        %mul3A_1966 = arith.muli %scan3A_1940, %mul3A_1965 : i32
        %add3A_1967 = arith.constant 0 : i32
        %add3A_1968 = arith.addi %mul3A_1966, %add3A_1967 : i32
        %get3A = arith.constant 6 : i32
        %get3A_1969 = arith.index_cast %rem3A_83 : i32 to index
        %get3A_1970 = arith.index_cast %get3A : i32 to index
        %get3A_1971 = arith.index_cast %add3A_1968 : i32 to index
        %get3A_1972 = tpu.vector_load %arg5[%get3A_1969, %get3A_1970, %get3A_1971] {strides = array<i32>} : memref<3x8x4096xf32, #tpu.memory_space<vmem>>, vector<16xf32>,
        %add3A_1973 = arith.addf %scan3A_1941, %get3A_1972 : vector<16xf32>
        %mul3A_1974 = arith.mulf %get3A_1972, %get3A_1972 : vector<16xf32>
        %add3A_1975 = arith.addf %scan3A_1949, %mul3A_1974 : vector<16xf32>
        %max3A_1976 = arith.maximumf %scan3A_1957, %get3A_1972 : vector<16xf32>
        %add3A_1977 = arith.constant 16 : i32
        %add3A_1978 = arith.addi %mul3A_1966, %add3A_1977 : i32
        %get3A_1979 = arith.constant 6 : i32
        %get3A_1980 = arith.index_cast %rem3A_83 : i32 to index
        %get3A_1981 = arith.index_cast %get3A_1979 : i32 to index
        %get3A_1982 = arith.index_cast %add3A_1978 : i32 to index
        %get3A_1983 = tpu.vector_load %arg5[%get3A_1980, %get3A_1981, %get3A_1982] {strides = array<i32>} : memref<3x8x4096xf32, #tpu.memory_space<vmem>>, vector<16xf32>,
        %add3A_1984 = arith.addf %scan3A_1942, %get3A_1983 : vector<16xf32>
        %mul3A_1985 = arith.mulf %get3A_1983, %get3A_1983 : vector<16xf32>
        %add3A_1986 = arith.addf %scan3A_1950, %mul3A_1985 : vector<16xf32>
        %max3A_1987 = arith.maximumf %scan3A_1958, %get3A_1983 : vector<16xf32>
        %add3A_1988 = arith.constant 32 : i32
        %add3A_1989 = arith.addi %mul3A_1966, %add3A_1988 : i32
        %get3A_1990 = arith.constant 6 : i32
        %get3A_1991 = arith.index_cast %rem3A_83 : i32 to index
        %get3A_1992 = arith.index_cast %get3A_1990 : i32 to index
        %get3A_1993 = arith.index_cast %add3A_1989 : i32 to index
        %get3A_1994 = tpu.vector_load %arg5[%get3A_1991, %get3A_1992, %get3A_1993] {strides = array<i32>} : memref<3x8x4096xf32, #tpu.memory_space<vmem>>, vector<16xf32>,
        %add3A_1995 = arith.addf %scan3A_1943, %get3A_1994 : vector<16xf32>
        %mul3A_1996 = arith.mulf %get3A_1994, %get3A_1994 : vector<16xf32>
        %add3A_1997 = arith.addf %scan3A_1951, %mul3A_1996 : vector<16xf32>
        %max3A_1998 = arith.maximumf %scan3A_1959, %get3A_1994 : vector<16xf32>
        %add3A_1999 = arith.constant 48 : i32
        %add3A_2000 = arith.addi %mul3A_1966, %add3A_1999 : i32
        %get3A_2001 = arith.constant 6 : i32
        %get3A_2002 = arith.index_cast %rem3A_83 : i32 to index
        %get3A_2003 = arith.index_cast %get3A_2001 : i32 to index
        %get3A_2004 = arith.index_cast %add3A_2000 : i32 to index
        %get3A_2005 = tpu.vector_load %arg5[%get3A_2002, %get3A_2003, %get3A_2004] {strides = array<i32>} : memref<3x8x4096xf32, #tpu.memory_space<vmem>>, vector<16xf32>,
        %add3A_2006 = arith.addf %scan3A_1944, %get3A_2005 : vector<16xf32>
        %mul3A_2007 = arith.mulf %get3A_2005, %get3A_2005 : vector<16xf32>
        %add3A_2008 = arith.addf %scan3A_1952, %mul3A_2007 : vector<16xf32>
        %max3A_2009 = arith.maximumf %scan3A_1960, %get3A_2005 : vector<16xf32>
        %add3A_2010 = arith.constant 64 : i32
        %add3A_2011 = arith.addi %mul3A_1966, %add3A_2010 : i32
        %get3A_2012 = arith.constant 6 : i32
        %get3A_2013 = arith.index_cast %rem3A_83 : i32 to index
        %get3A_2014 = arith.index_cast %get3A_2012 : i32 to index
        %get3A_2015 = arith.index_cast %add3A_2011 : i32 to index
        %get3A_2016 = tpu.vector_load %arg5[%get3A_2013, %get3A_2014, %get3A_2015] {strides = array<i32>} : memref<3x8x4096xf32, #tpu.memory_space<vmem>>, vector<16xf32>,
        %add3A_2017 = arith.addf %scan3A_1945, %get3A_2016 : vector<16xf32>
        %mul3A_2018 = arith.mulf %get3A_2016, %get3A_2016 : vector<16xf32>
        %add3A_2019 = arith.addf %scan3A_1953, %mul3A_2018 : vector<16xf32>
        %max3A_2020 = arith.maximumf %scan3A_1961, %get3A_2016 : vector<16xf32>
        %add3A_2021 = arith.constant 80 : i32
        %add3A_2022 = arith.addi %mul3A_1966, %add3A_2021 : i32
        %get3A_2023 = arith.constant 6 : i32
        %get3A_2024 = arith.index_cast %rem3A_83 : i32 to index
        %get3A_2025 = arith.index_cast %get3A_2023 : i32 to index
        %get3A_2026 = arith.index_cast %add3A_2022 : i32 to index
        %get3A_2027 = tpu.vector_load %arg5[%get3A_2024, %get3A_2025, %get3A_2026] {strides = array<i32>} : memref<3x8x4096xf32, #tpu.memory_space<vmem>>, vector<16xf32>,
        %add3A_2028 = arith.addf %scan3A_1946, %get3A_2027 : vector<16xf32>
        %mul3A_2029 = arith.mulf %get3A_2027, %get3A_2027 : vector<16xf32>
        %add3A_2030 = arith.addf %scan3A_1954, %mul3A_2029 : vector<16xf32>
        %max3A_2031 = arith.maximumf %scan3A_1962, %get3A_2027 : vector<16xf32>
        %add3A_2032 = arith.constant 96 : i32
        %add3A_2033 = arith.addi %mul3A_1966, %add3A_2032 : i32
        %get3A_2034 = arith.constant 6 : i32
        %get3A_2035 = arith.index_cast %rem3A_83 : i32 to index
        %get3A_2036 = arith.index_cast %get3A_2034 : i32 to index
        %get3A_2037 = arith.index_cast %add3A_2033 : i32 to index
        %get3A_2038 = tpu.vector_load %arg5[%get3A_2035, %get3A_2036, %get3A_2037] {strides = array<i32>} : memref<3x8x4096xf32, #tpu.memory_space<vmem>>, vector<16xf32>,
        %add3A_2039 = arith.addf %scan3A_1947, %get3A_2038 : vector<16xf32>
        %mul3A_2040 = arith.mulf %get3A_2038, %get3A_2038 : vector<16xf32>
        %add3A_2041 = arith.addf %scan3A_1955, %mul3A_2040 : vector<16xf32>
        %max3A_2042 = arith.maximumf %scan3A_1963, %get3A_2038 : vector<16xf32>
        %add3A_2043 = arith.constant 112 : i32
        %add3A_2044 = arith.addi %mul3A_1966, %add3A_2043 : i32
        %get3A_2045 = arith.constant 6 : i32
        %get3A_2046 = arith.index_cast %rem3A_83 : i32 to index
        %get3A_2047 = arith.index_cast %get3A_2045 : i32 to index
        %get3A_2048 = arith.index_cast %add3A_2044 : i32 to index
        %get3A_2049 = tpu.vector_load %arg5[%get3A_2046, %get3A_2047, %get3A_2048] {strides = array<i32>} : memref<3x8x4096xf32, #tpu.memory_space<vmem>>, vector<16xf32>,
        %add3A_2050 = arith.addf %scan3A_1948, %get3A_2049 : vector<16xf32>
        %mul3A_2051 = arith.mulf %get3A_2049, %get3A_2049 : vector<16xf32>
        %add3A_2052 = arith.addf %scan3A_1956, %mul3A_2051 : vector<16xf32>
        %max3A_2053 = arith.maximumf %scan3A_1964, %get3A_2049 : vector<16xf32>
        scf.yield %add3A_1973, %add3A_1984, %add3A_1995, %add3A_2006, %add3A_2017, %add3A_2028, %add3A_2039, %add3A_2050, %add3A_1975, %add3A_1986, %add3A_1997, %add3A_2008, %add3A_2019, %add3A_2030, %add3A_2041, %add3A_2052, %max3A_1976, %max3A_1987, %max3A_1998, %max3A_2009, %max3A_2020, %max3A_2031, %max3A_2042, %max3A_2053 : vector<16xf32>, vector<16xf32>, vector<16xf32>, vector<16xf32>, vector<16xf32>, vector<16xf32>, vector<16xf32>, vector<16xf32>, vector<16xf32>, vector<16xf32>, vector<16xf32>, vector<16xf32>, vector<16xf32>, vector<16xf32>, vector<16xf32>, vector<16xf32>, vector<16xf32>, vector<16xf32>, vector<16xf32>, vector<16xf32>, vector<16xf32>, vector<16xf32>, vector<16xf32>, vector<16xf32>
      }
      %scan3A_351 = arith.constant 32 : i32
      %add3A_352 = arith.addf %scan3A_350#0, %scan3A_350#1 : vector<16xf32>
      %add3A_353 = arith.addf %scan3A_350#8, %scan3A_350#9 : vector<16xf32>
      %max3A_354 = arith.maximumf %scan3A_350#16, %scan3A_350#17 : vector<16xf32>
      %add3A_355 = arith.addf %add3A_352, %scan3A_350#2 : vector<16xf32>
      %add3A_356 = arith.addf %add3A_353, %scan3A_350#10 : vector<16xf32>
      %max3A_357 = arith.maximumf %max3A_354, %scan3A_350#18 : vector<16xf32>
      %add3A_358 = arith.addf %add3A_355, %scan3A_350#3 : vector<16xf32>
      %add3A_359 = arith.addf %add3A_356, %scan3A_350#11 : vector<16xf32>
      %max3A_360 = arith.maximumf %max3A_357, %scan3A_350#19 : vector<16xf32>
      %add3A_361 = arith.addf %add3A_358, %scan3A_350#4 : vector<16xf32>
      %add3A_362 = arith.addf %add3A_359, %scan3A_350#12 : vector<16xf32>
      %max3A_363 = arith.maximumf %max3A_360, %scan3A_350#20 : vector<16xf32>
      %add3A_364 = arith.addf %add3A_361, %scan3A_350#5 : vector<16xf32>
      %add3A_365 = arith.addf %add3A_362, %scan3A_350#13 : vector<16xf32>
      %max3A_366 = arith.maximumf %max3A_363, %scan3A_350#21 : vector<16xf32>
      %add3A_367 = arith.addf %add3A_364, %scan3A_350#6 : vector<16xf32>
      %add3A_368 = arith.addf %add3A_365, %scan3A_350#14 : vector<16xf32>
      %max3A_369 = arith.maximumf %max3A_366, %scan3A_350#22 : vector<16xf32>
      %add3A_370 = arith.addf %add3A_367, %scan3A_350#7 : vector<16xf32>
      %add3A_371 = arith.addf %add3A_368, %scan3A_350#15 : vector<16xf32>
      %max3A_372 = arith.maximumf %max3A_369, %scan3A_350#23 : vector<16xf32>
      %swap3A_373 = arith.constant 96 : index
      %swap3A_374 = tpu.vector_load %arg8[%swap3A_373] {strides = array<i32>} : memref<768xf32, #tpu.memory_space<vmem>>, vector<16xf32>,
      tpu.vector_store %arg8[%swap3A_373], %add3A_370 {strides = array<i32>} : memref<768xf32, #tpu.memory_space<vmem>>, vector<16xf32>,
      %swap3A_375 = arith.constant 352 : index
      %swap3A_376 = tpu.vector_load %arg8[%swap3A_375] {strides = array<i32>} : memref<768xf32, #tpu.memory_space<vmem>>, vector<16xf32>,
      tpu.vector_store %arg8[%swap3A_375], %add3A_371 {strides = array<i32>} : memref<768xf32, #tpu.memory_space<vmem>>, vector<16xf32>,
      %swap3A_377 = arith.constant 608 : index
      %swap3A_378 = tpu.vector_load %arg8[%swap3A_377] {strides = array<i32>} : memref<768xf32, #tpu.memory_space<vmem>>, vector<16xf32>,
      tpu.vector_store %arg8[%swap3A_377], %max3A_372 {strides = array<i32>} : memref<768xf32, #tpu.memory_space<vmem>>, vector<16xf32>,
      %broadcast_in_dim3A_379 = arith.constant 0.000000e+00 : f32
      %broadcast_in_dim3A_380 = vector.broadcast %broadcast_in_dim3A_379 : f32 to vector<16xf32>
      %broadcast_in_dim3A_381 = arith.constant 0xFF800000 : f32
      %broadcast_in_dim3A_382 = vector.broadcast %broadcast_in_dim3A_381 : f32 to vector<16xf32>
      %scan3A_383 = arith.constant 0 : i32
      %scan3A_384 = arith.constant 32 : i32
      %scan3A_385 = arith.addi %scan3A_383, %scan3A_384 : i32
      %scan3A_386 = arith.constant 1 : i32
      %scan3A_387:24 = scf.for %scan3A_1940 = %scan3A_383 to %scan3A_385 step %scan3A_386 iter_args(%scan3A_1941 = %broadcast_in_dim3A_380, %scan3A_1942 = %broadcast_in_dim3A_380, %scan3A_1943 = %broadcast_in_dim3A_380, %scan3A_1944 = %broadcast_in_dim3A_380, %scan3A_1945 = %broadcast_in_dim3A_380, %scan3A_1946 = %broadcast_in_dim3A_380, %scan3A_1947 = %broadcast_in_dim3A_380, %scan3A_1948 = %broadcast_in_dim3A_380, %scan3A_1949 = %broadcast_in_dim3A_380, %scan3A_1950 = %broadcast_in_dim3A_380, %scan3A_1951 = %broadcast_in_dim3A_380, %scan3A_1952 = %broadcast_in_dim3A_380, %scan3A_1953 = %broadcast_in_dim3A_380, %scan3A_1954 = %broadcast_in_dim3A_380, %scan3A_1955 = %broadcast_in_dim3A_380, %scan3A_1956 = %broadcast_in_dim3A_380, %scan3A_1957 = %broadcast_in_dim3A_382, %scan3A_1958 = %broadcast_in_dim3A_382, %scan3A_1959 = %broadcast_in_dim3A_382, %scan3A_1960 = %broadcast_in_dim3A_382, %scan3A_1961 = %broadcast_in_dim3A_382, %scan3A_1962 = %broadcast_in_dim3A_382, %scan3A_1963 = %broadcast_in_dim3A_382, %scan3A_1964 = %broadcast_in_dim3A_382) -> (vector<16xf32>, vector<16xf32>, vector<16xf32>, vector<16xf32>, vector<16xf32>, vector<16xf32>, vector<16xf32>, vector<16xf32>, vector<16xf32>, vector<16xf32>, vector<16xf32>, vector<16xf32>, vector<16xf32>, vector<16xf32>, vector<16xf32>, vector<16xf32>, vector<16xf32>, vector<16xf32>, vector<16xf32>, vector<16xf32>, vector<16xf32>, vector<16xf32>, vector<16xf32>, vector<16xf32>)  : i32 {
        %mul3A_1965 = arith.constant 128 : i32
        %mul3A_1966 = arith.muli %scan3A_1940, %mul3A_1965 : i32
        %add3A_1967 = arith.constant 0 : i32
        %add3A_1968 = arith.addi %mul3A_1966, %add3A_1967 : i32
        %get3A = arith.constant 7 : i32
        %get3A_1969 = arith.index_cast %rem3A_83 : i32 to index
        %get3A_1970 = arith.index_cast %get3A : i32 to index
        %get3A_1971 = arith.index_cast %add3A_1968 : i32 to index
        %get3A_1972 = tpu.vector_load %arg5[%get3A_1969, %get3A_1970, %get3A_1971] {strides = array<i32>} : memref<3x8x4096xf32, #tpu.memory_space<vmem>>, vector<16xf32>,
        %add3A_1973 = arith.addf %scan3A_1941, %get3A_1972 : vector<16xf32>
        %mul3A_1974 = arith.mulf %get3A_1972, %get3A_1972 : vector<16xf32>
        %add3A_1975 = arith.addf %scan3A_1949, %mul3A_1974 : vector<16xf32>
        %max3A_1976 = arith.maximumf %scan3A_1957, %get3A_1972 : vector<16xf32>
        %add3A_1977 = arith.constant 16 : i32
        %add3A_1978 = arith.addi %mul3A_1966, %add3A_1977 : i32
        %get3A_1979 = arith.constant 7 : i32
        %get3A_1980 = arith.index_cast %rem3A_83 : i32 to index
        %get3A_1981 = arith.index_cast %get3A_1979 : i32 to index
        %get3A_1982 = arith.index_cast %add3A_1978 : i32 to index
        %get3A_1983 = tpu.vector_load %arg5[%get3A_1980, %get3A_1981, %get3A_1982] {strides = array<i32>} : memref<3x8x4096xf32, #tpu.memory_space<vmem>>, vector<16xf32>,
        %add3A_1984 = arith.addf %scan3A_1942, %get3A_1983 : vector<16xf32>
        %mul3A_1985 = arith.mulf %get3A_1983, %get3A_1983 : vector<16xf32>
        %add3A_1986 = arith.addf %scan3A_1950, %mul3A_1985 : vector<16xf32>
        %max3A_1987 = arith.maximumf %scan3A_1958, %get3A_1983 : vector<16xf32>
        %add3A_1988 = arith.constant 32 : i32
        %add3A_1989 = arith.addi %mul3A_1966, %add3A_1988 : i32
        %get3A_1990 = arith.constant 7 : i32
        %get3A_1991 = arith.index_cast %rem3A_83 : i32 to index
        %get3A_1992 = arith.index_cast %get3A_1990 : i32 to index
        %get3A_1993 = arith.index_cast %add3A_1989 : i32 to index
        %get3A_1994 = tpu.vector_load %arg5[%get3A_1991, %get3A_1992, %get3A_1993] {strides = array<i32>} : memref<3x8x4096xf32, #tpu.memory_space<vmem>>, vector<16xf32>,
        %add3A_1995 = arith.addf %scan3A_1943, %get3A_1994 : vector<16xf32>
        %mul3A_1996 = arith.mulf %get3A_1994, %get3A_1994 : vector<16xf32>
        %add3A_1997 = arith.addf %scan3A_1951, %mul3A_1996 : vector<16xf32>
        %max3A_1998 = arith.maximumf %scan3A_1959, %get3A_1994 : vector<16xf32>
        %add3A_1999 = arith.constant 48 : i32
        %add3A_2000 = arith.addi %mul3A_1966, %add3A_1999 : i32
        %get3A_2001 = arith.constant 7 : i32
        %get3A_2002 = arith.index_cast %rem3A_83 : i32 to index
        %get3A_2003 = arith.index_cast %get3A_2001 : i32 to index
        %get3A_2004 = arith.index_cast %add3A_2000 : i32 to index
        %get3A_2005 = tpu.vector_load %arg5[%get3A_2002, %get3A_2003, %get3A_2004] {strides = array<i32>} : memref<3x8x4096xf32, #tpu.memory_space<vmem>>, vector<16xf32>,
        %add3A_2006 = arith.addf %scan3A_1944, %get3A_2005 : vector<16xf32>
        %mul3A_2007 = arith.mulf %get3A_2005, %get3A_2005 : vector<16xf32>
        %add3A_2008 = arith.addf %scan3A_1952, %mul3A_2007 : vector<16xf32>
        %max3A_2009 = arith.maximumf %scan3A_1960, %get3A_2005 : vector<16xf32>
        %add3A_2010 = arith.constant 64 : i32
        %add3A_2011 = arith.addi %mul3A_1966, %add3A_2010 : i32
        %get3A_2012 = arith.constant 7 : i32
        %get3A_2013 = arith.index_cast %rem3A_83 : i32 to index
        %get3A_2014 = arith.index_cast %get3A_2012 : i32 to index
        %get3A_2015 = arith.index_cast %add3A_2011 : i32 to index
        %get3A_2016 = tpu.vector_load %arg5[%get3A_2013, %get3A_2014, %get3A_2015] {strides = array<i32>} : memref<3x8x4096xf32, #tpu.memory_space<vmem>>, vector<16xf32>,
        %add3A_2017 = arith.addf %scan3A_1945, %get3A_2016 : vector<16xf32>
        %mul3A_2018 = arith.mulf %get3A_2016, %get3A_2016 : vector<16xf32>
        %add3A_2019 = arith.addf %scan3A_1953, %mul3A_2018 : vector<16xf32>
        %max3A_2020 = arith.maximumf %scan3A_1961, %get3A_2016 : vector<16xf32>
        %add3A_2021 = arith.constant 80 : i32
        %add3A_2022 = arith.addi %mul3A_1966, %add3A_2021 : i32
        %get3A_2023 = arith.constant 7 : i32
        %get3A_2024 = arith.index_cast %rem3A_83 : i32 to index
        %get3A_2025 = arith.index_cast %get3A_2023 : i32 to index
        %get3A_2026 = arith.index_cast %add3A_2022 : i32 to index
        %get3A_2027 = tpu.vector_load %arg5[%get3A_2024, %get3A_2025, %get3A_2026] {strides = array<i32>} : memref<3x8x4096xf32, #tpu.memory_space<vmem>>, vector<16xf32>,
        %add3A_2028 = arith.addf %scan3A_1946, %get3A_2027 : vector<16xf32>
        %mul3A_2029 = arith.mulf %get3A_2027, %get3A_2027 : vector<16xf32>
        %add3A_2030 = arith.addf %scan3A_1954, %mul3A_2029 : vector<16xf32>
        %max3A_2031 = arith.maximumf %scan3A_1962, %get3A_2027 : vector<16xf32>
        %add3A_2032 = arith.constant 96 : i32
        %add3A_2033 = arith.addi %mul3A_1966, %add3A_2032 : i32
        %get3A_2034 = arith.constant 7 : i32
        %get3A_2035 = arith.index_cast %rem3A_83 : i32 to index
        %get3A_2036 = arith.index_cast %get3A_2034 : i32 to index
        %get3A_2037 = arith.index_cast %add3A_2033 : i32 to index
        %get3A_2038 = tpu.vector_load %arg5[%get3A_2035, %get3A_2036, %get3A_2037] {strides = array<i32>} : memref<3x8x4096xf32, #tpu.memory_space<vmem>>, vector<16xf32>,
        %add3A_2039 = arith.addf %scan3A_1947, %get3A_2038 : vector<16xf32>
        %mul3A_2040 = arith.mulf %get3A_2038, %get3A_2038 : vector<16xf32>
        %add3A_2041 = arith.addf %scan3A_1955, %mul3A_2040 : vector<16xf32>
        %max3A_2042 = arith.maximumf %scan3A_1963, %get3A_2038 : vector<16xf32>
        %add3A_2043 = arith.constant 112 : i32
        %add3A_2044 = arith.addi %mul3A_1966, %add3A_2043 : i32
        %get3A_2045 = arith.constant 7 : i32
        %get3A_2046 = arith.index_cast %rem3A_83 : i32 to index
        %get3A_2047 = arith.index_cast %get3A_2045 : i32 to index
        %get3A_2048 = arith.index_cast %add3A_2044 : i32 to index
        %get3A_2049 = tpu.vector_load %arg5[%get3A_2046, %get3A_2047, %get3A_2048] {strides = array<i32>} : memref<3x8x4096xf32, #tpu.memory_space<vmem>>, vector<16xf32>,
        %add3A_2050 = arith.addf %scan3A_1948, %get3A_2049 : vector<16xf32>
        %mul3A_2051 = arith.mulf %get3A_2049, %get3A_2049 : vector<16xf32>
        %add3A_2052 = arith.addf %scan3A_1956, %mul3A_2051 : vector<16xf32>
        %max3A_2053 = arith.maximumf %scan3A_1964, %get3A_2049 : vector<16xf32>
        scf.yield %add3A_1973, %add3A_1984, %add3A_1995, %add3A_2006, %add3A_2017, %add3A_2028, %add3A_2039, %add3A_2050, %add3A_1975, %add3A_1986, %add3A_1997, %add3A_2008, %add3A_2019, %add3A_2030, %add3A_2041, %add3A_2052, %max3A_1976, %max3A_1987, %max3A_1998, %max3A_2009, %max3A_2020, %max3A_2031, %max3A_2042, %max3A_2053 : vector<16xf32>, vector<16xf32>, vector<16xf32>, vector<16xf32>, vector<16xf32>, vector<16xf32>, vector<16xf32>, vector<16xf32>, vector<16xf32>, vector<16xf32>, vector<16xf32>, vector<16xf32>, vector<16xf32>, vector<16xf32>, vector<16xf32>, vector<16xf32>, vector<16xf32>, vector<16xf32>, vector<16xf32>, vector<16xf32>, vector<16xf32>, vector<16xf32>, vector<16xf32>, vector<16xf32>
      }
      %scan3A_388 = arith.constant 32 : i32
      %add3A_389 = arith.addf %scan3A_387#0, %scan3A_387#1 : vector<16xf32>
      %add3A_390 = arith.addf %scan3A_387#8, %scan3A_387#9 : vector<16xf32>
      %max3A_391 = arith.maximumf %scan3A_387#16, %scan3A_387#17 : vector<16xf32>
      %add3A_392 = arith.addf %add3A_389, %scan3A_387#2 : vector<16xf32>
      %add3A_393 = arith.addf %add3A_390, %scan3A_387#10 : vector<16xf32>
      %max3A_394 = arith.maximumf %max3A_391, %scan3A_387#18 : vector<16xf32>
      %add3A_395 = arith.addf %add3A_392, %scan3A_387#3 : vector<16xf32>
      %add3A_396 = arith.addf %add3A_393, %scan3A_387#11 : vector<16xf32>
      %max3A_397 = arith.maximumf %max3A_394, %scan3A_387#19 : vector<16xf32>
      %add3A_398 = arith.addf %add3A_395, %scan3A_387#4 : vector<16xf32>
      %add3A_399 = arith.addf %add3A_396, %scan3A_387#12 : vector<16xf32>
      %max3A_400 = arith.maximumf %max3A_397, %scan3A_387#20 : vector<16xf32>
      %add3A_401 = arith.addf %add3A_398, %scan3A_387#5 : vector<16xf32>
      %add3A_402 = arith.addf %add3A_399, %scan3A_387#13 : vector<16xf32>
      %max3A_403 = arith.maximumf %max3A_400, %scan3A_387#21 : vector<16xf32>
      %add3A_404 = arith.addf %add3A_401, %scan3A_387#6 : vector<16xf32>
      %add3A_405 = arith.addf %add3A_402, %scan3A_387#14 : vector<16xf32>
      %max3A_406 = arith.maximumf %max3A_403, %scan3A_387#22 : vector<16xf32>
      %add3A_407 = arith.addf %add3A_404, %scan3A_387#7 : vector<16xf32>
      %add3A_408 = arith.addf %add3A_405, %scan3A_387#15 : vector<16xf32>
      %max3A_409 = arith.maximumf %max3A_406, %scan3A_387#23 : vector<16xf32>
      %swap3A_410 = arith.constant 112 : index
      %swap3A_411 = tpu.vector_load %arg8[%swap3A_410] {strides = array<i32>} : memref<768xf32, #tpu.memory_space<vmem>>, vector<16xf32>,
      tpu.vector_store %arg8[%swap3A_410], %add3A_407 {strides = array<i32>} : memref<768xf32, #tpu.memory_space<vmem>>, vector<16xf32>,
      %swap3A_412 = arith.constant 368 : index
      %swap3A_413 = tpu.vector_load %arg8[%swap3A_412] {strides = array<i32>} : memref<768xf32, #tpu.memory_space<vmem>>, vector<16xf32>,
      tpu.vector_store %arg8[%swap3A_412], %add3A_408 {strides = array<i32>} : memref<768xf32, #tpu.memory_space<vmem>>, vector<16xf32>,
      %swap3A_414 = arith.constant 624 : index
      %swap3A_415 = tpu.vector_load %arg8[%swap3A_414] {strides = array<i32>} : memref<768xf32, #tpu.memory_space<vmem>>, vector<16xf32>,
      tpu.vector_store %arg8[%swap3A_414], %max3A_409 {strides = array<i32>} : memref<768xf32, #tpu.memory_space<vmem>>, vector<16xf32>,
      %broadcast_in_dim3A_416 = arith.constant 0.000000e+00 : f32
      %broadcast_in_dim3A_417 = vector.broadcast %broadcast_in_dim3A_416 : f32 to vector<16xf32>
      %broadcast_in_dim3A_418 = arith.constant 0xFF800000 : f32
      %broadcast_in_dim3A_419 = vector.broadcast %broadcast_in_dim3A_418 : f32 to vector<16xf32>
      %scan3A_420 = arith.constant 0 : i32
      %scan3A_421 = arith.constant 32 : i32
      %scan3A_422 = arith.addi %scan3A_420, %scan3A_421 : i32
      %scan3A_423 = arith.constant 1 : i32
      %scan3A_424:24 = scf.for %scan3A_1940 = %scan3A_420 to %scan3A_422 step %scan3A_423 iter_args(%scan3A_1941 = %broadcast_in_dim3A_417, %scan3A_1942 = %broadcast_in_dim3A_417, %scan3A_1943 = %broadcast_in_dim3A_417, %scan3A_1944 = %broadcast_in_dim3A_417, %scan3A_1945 = %broadcast_in_dim3A_417, %scan3A_1946 = %broadcast_in_dim3A_417, %scan3A_1947 = %broadcast_in_dim3A_417, %scan3A_1948 = %broadcast_in_dim3A_417, %scan3A_1949 = %broadcast_in_dim3A_417, %scan3A_1950 = %broadcast_in_dim3A_417, %scan3A_1951 = %broadcast_in_dim3A_417, %scan3A_1952 = %broadcast_in_dim3A_417, %scan3A_1953 = %broadcast_in_dim3A_417, %scan3A_1954 = %broadcast_in_dim3A_417, %scan3A_1955 = %broadcast_in_dim3A_417, %scan3A_1956 = %broadcast_in_dim3A_417, %scan3A_1957 = %broadcast_in_dim3A_419, %scan3A_1958 = %broadcast_in_dim3A_419, %scan3A_1959 = %broadcast_in_dim3A_419, %scan3A_1960 = %broadcast_in_dim3A_419, %scan3A_1961 = %broadcast_in_dim3A_419, %scan3A_1962 = %broadcast_in_dim3A_419, %scan3A_1963 = %broadcast_in_dim3A_419, %scan3A_1964 = %broadcast_in_dim3A_419) -> (vector<16xf32>, vector<16xf32>, vector<16xf32>, vector<16xf32>, vector<16xf32>, vector<16xf32>, vector<16xf32>, vector<16xf32>, vector<16xf32>, vector<16xf32>, vector<16xf32>, vector<16xf32>, vector<16xf32>, vector<16xf32>, vector<16xf32>, vector<16xf32>, vector<16xf32>, vector<16xf32>, vector<16xf32>, vector<16xf32>, vector<16xf32>, vector<16xf32>, vector<16xf32>, vector<16xf32>)  : i32 {
        %mul3A_1965 = arith.constant 128 : i32
        %mul3A_1966 = arith.muli %scan3A_1940, %mul3A_1965 : i32
        %add3A_1967 = arith.constant 0 : i32
        %add3A_1968 = arith.addi %mul3A_1966, %add3A_1967 : i32
        %get3A = arith.constant 0 : i32
        %get3A_1969 = arith.index_cast %rem3A_85 : i32 to index
        %get3A_1970 = arith.index_cast %get3A : i32 to index
        %get3A_1971 = arith.index_cast %add3A_1968 : i32 to index
        %get3A_1972 = tpu.vector_load %arg5[%get3A_1969, %get3A_1970, %get3A_1971] {strides = array<i32>} : memref<3x8x4096xf32, #tpu.memory_space<vmem>>, vector<16xf32>,
        %add3A_1973 = arith.addf %scan3A_1941, %get3A_1972 : vector<16xf32>
        %mul3A_1974 = arith.mulf %get3A_1972, %get3A_1972 : vector<16xf32>
        %add3A_1975 = arith.addf %scan3A_1949, %mul3A_1974 : vector<16xf32>
        %max3A_1976 = arith.maximumf %scan3A_1957, %get3A_1972 : vector<16xf32>
        %add3A_1977 = arith.constant 16 : i32
        %add3A_1978 = arith.addi %mul3A_1966, %add3A_1977 : i32
        %get3A_1979 = arith.constant 0 : i32
        %get3A_1980 = arith.index_cast %rem3A_85 : i32 to index
        %get3A_1981 = arith.index_cast %get3A_1979 : i32 to index
        %get3A_1982 = arith.index_cast %add3A_1978 : i32 to index
        %get3A_1983 = tpu.vector_load %arg5[%get3A_1980, %get3A_1981, %get3A_1982] {strides = array<i32>} : memref<3x8x4096xf32, #tpu.memory_space<vmem>>, vector<16xf32>,
        %add3A_1984 = arith.addf %scan3A_1942, %get3A_1983 : vector<16xf32>
        %mul3A_1985 = arith.mulf %get3A_1983, %get3A_1983 : vector<16xf32>
        %add3A_1986 = arith.addf %scan3A_1950, %mul3A_1985 : vector<16xf32>
        %max3A_1987 = arith.maximumf %scan3A_1958, %get3A_1983 : vector<16xf32>
        %add3A_1988 = arith.constant 32 : i32
        %add3A_1989 = arith.addi %mul3A_1966, %add3A_1988 : i32
        %get3A_1990 = arith.constant 0 : i32
        %get3A_1991 = arith.index_cast %rem3A_85 : i32 to index
        %get3A_1992 = arith.index_cast %get3A_1990 : i32 to index
        %get3A_1993 = arith.index_cast %add3A_1989 : i32 to index
        %get3A_1994 = tpu.vector_load %arg5[%get3A_1991, %get3A_1992, %get3A_1993] {strides = array<i32>} : memref<3x8x4096xf32, #tpu.memory_space<vmem>>, vector<16xf32>,
        %add3A_1995 = arith.addf %scan3A_1943, %get3A_1994 : vector<16xf32>
        %mul3A_1996 = arith.mulf %get3A_1994, %get3A_1994 : vector<16xf32>
        %add3A_1997 = arith.addf %scan3A_1951, %mul3A_1996 : vector<16xf32>
        %max3A_1998 = arith.maximumf %scan3A_1959, %get3A_1994 : vector<16xf32>
        %add3A_1999 = arith.constant 48 : i32
        %add3A_2000 = arith.addi %mul3A_1966, %add3A_1999 : i32
        %get3A_2001 = arith.constant 0 : i32
        %get3A_2002 = arith.index_cast %rem3A_85 : i32 to index
        %get3A_2003 = arith.index_cast %get3A_2001 : i32 to index
        %get3A_2004 = arith.index_cast %add3A_2000 : i32 to index
        %get3A_2005 = tpu.vector_load %arg5[%get3A_2002, %get3A_2003, %get3A_2004] {strides = array<i32>} : memref<3x8x4096xf32, #tpu.memory_space<vmem>>, vector<16xf32>,
        %add3A_2006 = arith.addf %scan3A_1944, %get3A_2005 : vector<16xf32>
        %mul3A_2007 = arith.mulf %get3A_2005, %get3A_2005 : vector<16xf32>
        %add3A_2008 = arith.addf %scan3A_1952, %mul3A_2007 : vector<16xf32>
        %max3A_2009 = arith.maximumf %scan3A_1960, %get3A_2005 : vector<16xf32>
        %add3A_2010 = arith.constant 64 : i32
        %add3A_2011 = arith.addi %mul3A_1966, %add3A_2010 : i32
        %get3A_2012 = arith.constant 0 : i32
        %get3A_2013 = arith.index_cast %rem3A_85 : i32 to index
        %get3A_2014 = arith.index_cast %get3A_2012 : i32 to index
        %get3A_2015 = arith.index_cast %add3A_2011 : i32 to index
        %get3A_2016 = tpu.vector_load %arg5[%get3A_2013, %get3A_2014, %get3A_2015] {strides = array<i32>} : memref<3x8x4096xf32, #tpu.memory_space<vmem>>, vector<16xf32>,
        %add3A_2017 = arith.addf %scan3A_1945, %get3A_2016 : vector<16xf32>
        %mul3A_2018 = arith.mulf %get3A_2016, %get3A_2016 : vector<16xf32>
        %add3A_2019 = arith.addf %scan3A_1953, %mul3A_2018 : vector<16xf32>
        %max3A_2020 = arith.maximumf %scan3A_1961, %get3A_2016 : vector<16xf32>
        %add3A_2021 = arith.constant 80 : i32
        %add3A_2022 = arith.addi %mul3A_1966, %add3A_2021 : i32
        %get3A_2023 = arith.constant 0 : i32
        %get3A_2024 = arith.index_cast %rem3A_85 : i32 to index
        %get3A_2025 = arith.index_cast %get3A_2023 : i32 to index
        %get3A_2026 = arith.index_cast %add3A_2022 : i32 to index
        %get3A_2027 = tpu.vector_load %arg5[%get3A_2024, %get3A_2025, %get3A_2026] {strides = array<i32>} : memref<3x8x4096xf32, #tpu.memory_space<vmem>>, vector<16xf32>,
        %add3A_2028 = arith.addf %scan3A_1946, %get3A_2027 : vector<16xf32>
        %mul3A_2029 = arith.mulf %get3A_2027, %get3A_2027 : vector<16xf32>
        %add3A_2030 = arith.addf %scan3A_1954, %mul3A_2029 : vector<16xf32>
        %max3A_2031 = arith.maximumf %scan3A_1962, %get3A_2027 : vector<16xf32>
        %add3A_2032 = arith.constant 96 : i32
        %add3A_2033 = arith.addi %mul3A_1966, %add3A_2032 : i32
        %get3A_2034 = arith.constant 0 : i32
        %get3A_2035 = arith.index_cast %rem3A_85 : i32 to index
        %get3A_2036 = arith.index_cast %get3A_2034 : i32 to index
        %get3A_2037 = arith.index_cast %add3A_2033 : i32 to index
        %get3A_2038 = tpu.vector_load %arg5[%get3A_2035, %get3A_2036, %get3A_2037] {strides = array<i32>} : memref<3x8x4096xf32, #tpu.memory_space<vmem>>, vector<16xf32>,
        %add3A_2039 = arith.addf %scan3A_1947, %get3A_2038 : vector<16xf32>
        %mul3A_2040 = arith.mulf %get3A_2038, %get3A_2038 : vector<16xf32>
        %add3A_2041 = arith.addf %scan3A_1955, %mul3A_2040 : vector<16xf32>
        %max3A_2042 = arith.maximumf %scan3A_1963, %get3A_2038 : vector<16xf32>
        %add3A_2043 = arith.constant 112 : i32
        %add3A_2044 = arith.addi %mul3A_1966, %add3A_2043 : i32
        %get3A_2045 = arith.constant 0 : i32
        %get3A_2046 = arith.index_cast %rem3A_85 : i32 to index
        %get3A_2047 = arith.index_cast %get3A_2045 : i32 to index
        %get3A_2048 = arith.index_cast %add3A_2044 : i32 to index
        %get3A_2049 = tpu.vector_load %arg5[%get3A_2046, %get3A_2047, %get3A_2048] {strides = array<i32>} : memref<3x8x4096xf32, #tpu.memory_space<vmem>>, vector<16xf32>,
        %add3A_2050 = arith.addf %scan3A_1948, %get3A_2049 : vector<16xf32>
        %mul3A_2051 = arith.mulf %get3A_2049, %get3A_2049 : vector<16xf32>
        %add3A_2052 = arith.addf %scan3A_1956, %mul3A_2051 : vector<16xf32>
        %max3A_2053 = arith.maximumf %scan3A_1964, %get3A_2049 : vector<16xf32>
        scf.yield %add3A_1973, %add3A_1984, %add3A_1995, %add3A_2006, %add3A_2017, %add3A_2028, %add3A_2039, %add3A_2050, %add3A_1975, %add3A_1986, %add3A_1997, %add3A_2008, %add3A_2019, %add3A_2030, %add3A_2041, %add3A_2052, %max3A_1976, %max3A_1987, %max3A_1998, %max3A_2009, %max3A_2020, %max3A_2031, %max3A_2042, %max3A_2053 : vector<16xf32>, vector<16xf32>, vector<16xf32>, vector<16xf32>, vector<16xf32>, vector<16xf32>, vector<16xf32>, vector<16xf32>, vector<16xf32>, vector<16xf32>, vector<16xf32>, vector<16xf32>, vector<16xf32>, vector<16xf32>, vector<16xf32>, vector<16xf32>, vector<16xf32>, vector<16xf32>, vector<16xf32>, vector<16xf32>, vector<16xf32>, vector<16xf32>, vector<16xf32>, vector<16xf32>
      }
      %scan3A_425 = arith.constant 32 : i32
      %add3A_426 = arith.addf %scan3A_424#0, %scan3A_424#1 : vector<16xf32>
      %add3A_427 = arith.addf %scan3A_424#8, %scan3A_424#9 : vector<16xf32>
      %max3A_428 = arith.maximumf %scan3A_424#16, %scan3A_424#17 : vector<16xf32>
      %add3A_429 = arith.addf %add3A_426, %scan3A_424#2 : vector<16xf32>
      %add3A_430 = arith.addf %add3A_427, %scan3A_424#10 : vector<16xf32>
      %max3A_431 = arith.maximumf %max3A_428, %scan3A_424#18 : vector<16xf32>
      %add3A_432 = arith.addf %add3A_429, %scan3A_424#3 : vector<16xf32>
      %add3A_433 = arith.addf %add3A_430, %scan3A_424#11 : vector<16xf32>
      %max3A_434 = arith.maximumf %max3A_431, %scan3A_424#19 : vector<16xf32>
      %add3A_435 = arith.addf %add3A_432, %scan3A_424#4 : vector<16xf32>
      %add3A_436 = arith.addf %add3A_433, %scan3A_424#12 : vector<16xf32>
      %max3A_437 = arith.maximumf %max3A_434, %scan3A_424#20 : vector<16xf32>
      %add3A_438 = arith.addf %add3A_435, %scan3A_424#5 : vector<16xf32>
      %add3A_439 = arith.addf %add3A_436, %scan3A_424#13 : vector<16xf32>
      %max3A_440 = arith.maximumf %max3A_437, %scan3A_424#21 : vector<16xf32>
      %add3A_441 = arith.addf %add3A_438, %scan3A_424#6 : vector<16xf32>
      %add3A_442 = arith.addf %add3A_439, %scan3A_424#14 : vector<16xf32>
      %max3A_443 = arith.maximumf %max3A_440, %scan3A_424#22 : vector<16xf32>
      %add3A_444 = arith.addf %add3A_441, %scan3A_424#7 : vector<16xf32>
      %add3A_445 = arith.addf %add3A_442, %scan3A_424#15 : vector<16xf32>
      %max3A_446 = arith.maximumf %max3A_443, %scan3A_424#23 : vector<16xf32>
      %swap3A_447 = arith.constant 128 : index
      %swap3A_448 = tpu.vector_load %arg8[%swap3A_447] {strides = array<i32>} : memref<768xf32, #tpu.memory_space<vmem>>, vector<16xf32>,
      tpu.vector_store %arg8[%swap3A_447], %add3A_444 {strides = array<i32>} : memref<768xf32, #tpu.memory_space<vmem>>, vector<16xf32>,
      %swap3A_449 = arith.constant 384 : index
      %swap3A_450 = tpu.vector_load %arg8[%swap3A_449] {strides = array<i32>} : memref<768xf32, #tpu.memory_space<vmem>>, vector<16xf32>,
      tpu.vector_store %arg8[%swap3A_449], %add3A_445 {strides = array<i32>} : memref<768xf32, #tpu.memory_space<vmem>>, vector<16xf32>,
      %swap3A_451 = arith.constant 640 : index
      %swap3A_452 = tpu.vector_load %arg8[%swap3A_451] {strides = array<i32>} : memref<768xf32, #tpu.memory_space<vmem>>, vector<16xf32>,
      tpu.vector_store %arg8[%swap3A_451], %max3A_446 {strides = array<i32>} : memref<768xf32, #tpu.memory_space<vmem>>, vector<16xf32>,
      %broadcast_in_dim3A_453 = arith.constant 0.000000e+00 : f32
      %broadcast_in_dim3A_454 = vector.broadcast %broadcast_in_dim3A_453 : f32 to vector<16xf32>
      %broadcast_in_dim3A_455 = arith.constant 0xFF800000 : f32
      %broadcast_in_dim3A_456 = vector.broadcast %broadcast_in_dim3A_455 : f32 to vector<16xf32>
      %scan3A_457 = arith.constant 0 : i32
      %scan3A_458 = arith.constant 32 : i32
      %scan3A_459 = arith.addi %scan3A_457, %scan3A_458 : i32
      %scan3A_460 = arith.constant 1 : i32
      %scan3A_461:24 = scf.for %scan3A_1940 = %scan3A_457 to %scan3A_459 step %scan3A_460 iter_args(%scan3A_1941 = %broadcast_in_dim3A_454, %scan3A_1942 = %broadcast_in_dim3A_454, %scan3A_1943 = %broadcast_in_dim3A_454, %scan3A_1944 = %broadcast_in_dim3A_454, %scan3A_1945 = %broadcast_in_dim3A_454, %scan3A_1946 = %broadcast_in_dim3A_454, %scan3A_1947 = %broadcast_in_dim3A_454, %scan3A_1948 = %broadcast_in_dim3A_454, %scan3A_1949 = %broadcast_in_dim3A_454, %scan3A_1950 = %broadcast_in_dim3A_454, %scan3A_1951 = %broadcast_in_dim3A_454, %scan3A_1952 = %broadcast_in_dim3A_454, %scan3A_1953 = %broadcast_in_dim3A_454, %scan3A_1954 = %broadcast_in_dim3A_454, %scan3A_1955 = %broadcast_in_dim3A_454, %scan3A_1956 = %broadcast_in_dim3A_454, %scan3A_1957 = %broadcast_in_dim3A_456, %scan3A_1958 = %broadcast_in_dim3A_456, %scan3A_1959 = %broadcast_in_dim3A_456, %scan3A_1960 = %broadcast_in_dim3A_456, %scan3A_1961 = %broadcast_in_dim3A_456, %scan3A_1962 = %broadcast_in_dim3A_456, %scan3A_1963 = %broadcast_in_dim3A_456, %scan3A_1964 = %broadcast_in_dim3A_456) -> (vector<16xf32>, vector<16xf32>, vector<16xf32>, vector<16xf32>, vector<16xf32>, vector<16xf32>, vector<16xf32>, vector<16xf32>, vector<16xf32>, vector<16xf32>, vector<16xf32>, vector<16xf32>, vector<16xf32>, vector<16xf32>, vector<16xf32>, vector<16xf32>, vector<16xf32>, vector<16xf32>, vector<16xf32>, vector<16xf32>, vector<16xf32>, vector<16xf32>, vector<16xf32>, vector<16xf32>)  : i32 {
        %mul3A_1965 = arith.constant 128 : i32
        %mul3A_1966 = arith.muli %scan3A_1940, %mul3A_1965 : i32
        %add3A_1967 = arith.constant 0 : i32
        %add3A_1968 = arith.addi %mul3A_1966, %add3A_1967 : i32
        %get3A = arith.constant 1 : i32
        %get3A_1969 = arith.index_cast %rem3A_85 : i32 to index
        %get3A_1970 = arith.index_cast %get3A : i32 to index
        %get3A_1971 = arith.index_cast %add3A_1968 : i32 to index
        %get3A_1972 = tpu.vector_load %arg5[%get3A_1969, %get3A_1970, %get3A_1971] {strides = array<i32>} : memref<3x8x4096xf32, #tpu.memory_space<vmem>>, vector<16xf32>,
        %add3A_1973 = arith.addf %scan3A_1941, %get3A_1972 : vector<16xf32>
        %mul3A_1974 = arith.mulf %get3A_1972, %get3A_1972 : vector<16xf32>
        %add3A_1975 = arith.addf %scan3A_1949, %mul3A_1974 : vector<16xf32>
        %max3A_1976 = arith.maximumf %scan3A_1957, %get3A_1972 : vector<16xf32>
        %add3A_1977 = arith.constant 16 : i32
        %add3A_1978 = arith.addi %mul3A_1966, %add3A_1977 : i32
        %get3A_1979 = arith.constant 1 : i32
        %get3A_1980 = arith.index_cast %rem3A_85 : i32 to index
        %get3A_1981 = arith.index_cast %get3A_1979 : i32 to index
        %get3A_1982 = arith.index_cast %add3A_1978 : i32 to index
        %get3A_1983 = tpu.vector_load %arg5[%get3A_1980, %get3A_1981, %get3A_1982] {strides = array<i32>} : memref<3x8x4096xf32, #tpu.memory_space<vmem>>, vector<16xf32>,
        %add3A_1984 = arith.addf %scan3A_1942, %get3A_1983 : vector<16xf32>
        %mul3A_1985 = arith.mulf %get3A_1983, %get3A_1983 : vector<16xf32>
        %add3A_1986 = arith.addf %scan3A_1950, %mul3A_1985 : vector<16xf32>
        %max3A_1987 = arith.maximumf %scan3A_1958, %get3A_1983 : vector<16xf32>
        %add3A_1988 = arith.constant 32 : i32
        %add3A_1989 = arith.addi %mul3A_1966, %add3A_1988 : i32
        %get3A_1990 = arith.constant 1 : i32
        %get3A_1991 = arith.index_cast %rem3A_85 : i32 to index
        %get3A_1992 = arith.index_cast %get3A_1990 : i32 to index
        %get3A_1993 = arith.index_cast %add3A_1989 : i32 to index
        %get3A_1994 = tpu.vector_load %arg5[%get3A_1991, %get3A_1992, %get3A_1993] {strides = array<i32>} : memref<3x8x4096xf32, #tpu.memory_space<vmem>>, vector<16xf32>,
        %add3A_1995 = arith.addf %scan3A_1943, %get3A_1994 : vector<16xf32>
        %mul3A_1996 = arith.mulf %get3A_1994, %get3A_1994 : vector<16xf32>
        %add3A_1997 = arith.addf %scan3A_1951, %mul3A_1996 : vector<16xf32>
        %max3A_1998 = arith.maximumf %scan3A_1959, %get3A_1994 : vector<16xf32>
        %add3A_1999 = arith.constant 48 : i32
        %add3A_2000 = arith.addi %mul3A_1966, %add3A_1999 : i32
        %get3A_2001 = arith.constant 1 : i32
        %get3A_2002 = arith.index_cast %rem3A_85 : i32 to index
        %get3A_2003 = arith.index_cast %get3A_2001 : i32 to index
        %get3A_2004 = arith.index_cast %add3A_2000 : i32 to index
        %get3A_2005 = tpu.vector_load %arg5[%get3A_2002, %get3A_2003, %get3A_2004] {strides = array<i32>} : memref<3x8x4096xf32, #tpu.memory_space<vmem>>, vector<16xf32>,
        %add3A_2006 = arith.addf %scan3A_1944, %get3A_2005 : vector<16xf32>
        %mul3A_2007 = arith.mulf %get3A_2005, %get3A_2005 : vector<16xf32>
        %add3A_2008 = arith.addf %scan3A_1952, %mul3A_2007 : vector<16xf32>
        %max3A_2009 = arith.maximumf %scan3A_1960, %get3A_2005 : vector<16xf32>
        %add3A_2010 = arith.constant 64 : i32
        %add3A_2011 = arith.addi %mul3A_1966, %add3A_2010 : i32
        %get3A_2012 = arith.constant 1 : i32
        %get3A_2013 = arith.index_cast %rem3A_85 : i32 to index
        %get3A_2014 = arith.index_cast %get3A_2012 : i32 to index
        %get3A_2015 = arith.index_cast %add3A_2011 : i32 to index
        %get3A_2016 = tpu.vector_load %arg5[%get3A_2013, %get3A_2014, %get3A_2015] {strides = array<i32>} : memref<3x8x4096xf32, #tpu.memory_space<vmem>>, vector<16xf32>,
        %add3A_2017 = arith.addf %scan3A_1945, %get3A_2016 : vector<16xf32>
        %mul3A_2018 = arith.mulf %get3A_2016, %get3A_2016 : vector<16xf32>
        %add3A_2019 = arith.addf %scan3A_1953, %mul3A_2018 : vector<16xf32>
        %max3A_2020 = arith.maximumf %scan3A_1961, %get3A_2016 : vector<16xf32>
        %add3A_2021 = arith.constant 80 : i32
        %add3A_2022 = arith.addi %mul3A_1966, %add3A_2021 : i32
        %get3A_2023 = arith.constant 1 : i32
        %get3A_2024 = arith.index_cast %rem3A_85 : i32 to index
        %get3A_2025 = arith.index_cast %get3A_2023 : i32 to index
        %get3A_2026 = arith.index_cast %add3A_2022 : i32 to index
        %get3A_2027 = tpu.vector_load %arg5[%get3A_2024, %get3A_2025, %get3A_2026] {strides = array<i32>} : memref<3x8x4096xf32, #tpu.memory_space<vmem>>, vector<16xf32>,
        %add3A_2028 = arith.addf %scan3A_1946, %get3A_2027 : vector<16xf32>
        %mul3A_2029 = arith.mulf %get3A_2027, %get3A_2027 : vector<16xf32>
        %add3A_2030 = arith.addf %scan3A_1954, %mul3A_2029 : vector<16xf32>
        %max3A_2031 = arith.maximumf %scan3A_1962, %get3A_2027 : vector<16xf32>
        %add3A_2032 = arith.constant 96 : i32
        %add3A_2033 = arith.addi %mul3A_1966, %add3A_2032 : i32
        %get3A_2034 = arith.constant 1 : i32
        %get3A_2035 = arith.index_cast %rem3A_85 : i32 to index
        %get3A_2036 = arith.index_cast %get3A_2034 : i32 to index
        %get3A_2037 = arith.index_cast %add3A_2033 : i32 to index
        %get3A_2038 = tpu.vector_load %arg5[%get3A_2035, %get3A_2036, %get3A_2037] {strides = array<i32>} : memref<3x8x4096xf32, #tpu.memory_space<vmem>>, vector<16xf32>,
        %add3A_2039 = arith.addf %scan3A_1947, %get3A_2038 : vector<16xf32>
        %mul3A_2040 = arith.mulf %get3A_2038, %get3A_2038 : vector<16xf32>
        %add3A_2041 = arith.addf %scan3A_1955, %mul3A_2040 : vector<16xf32>
        %max3A_2042 = arith.maximumf %scan3A_1963, %get3A_2038 : vector<16xf32>
        %add3A_2043 = arith.constant 112 : i32
        %add3A_2044 = arith.addi %mul3A_1966, %add3A_2043 : i32
        %get3A_2045 = arith.constant 1 : i32
        %get3A_2046 = arith.index_cast %rem3A_85 : i32 to index
        %get3A_2047 = arith.index_cast %get3A_2045 : i32 to index
        %get3A_2048 = arith.index_cast %add3A_2044 : i32 to index
        %get3A_2049 = tpu.vector_load %arg5[%get3A_2046, %get3A_2047, %get3A_2048] {strides = array<i32>} : memref<3x8x4096xf32, #tpu.memory_space<vmem>>, vector<16xf32>,
        %add3A_2050 = arith.addf %scan3A_1948, %get3A_2049 : vector<16xf32>
        %mul3A_2051 = arith.mulf %get3A_2049, %get3A_2049 : vector<16xf32>
        %add3A_2052 = arith.addf %scan3A_1956, %mul3A_2051 : vector<16xf32>
        %max3A_2053 = arith.maximumf %scan3A_1964, %get3A_2049 : vector<16xf32>
        scf.yield %add3A_1973, %add3A_1984, %add3A_1995, %add3A_2006, %add3A_2017, %add3A_2028, %add3A_2039, %add3A_2050, %add3A_1975, %add3A_1986, %add3A_1997, %add3A_2008, %add3A_2019, %add3A_2030, %add3A_2041, %add3A_2052, %max3A_1976, %max3A_1987, %max3A_1998, %max3A_2009, %max3A_2020, %max3A_2031, %max3A_2042, %max3A_2053 : vector<16xf32>, vector<16xf32>, vector<16xf32>, vector<16xf32>, vector<16xf32>, vector<16xf32>, vector<16xf32>, vector<16xf32>, vector<16xf32>, vector<16xf32>, vector<16xf32>, vector<16xf32>, vector<16xf32>, vector<16xf32>, vector<16xf32>, vector<16xf32>, vector<16xf32>, vector<16xf32>, vector<16xf32>, vector<16xf32>, vector<16xf32>, vector<16xf32>, vector<16xf32>, vector<16xf32>
      }
      %scan3A_462 = arith.constant 32 : i32
      %add3A_463 = arith.addf %scan3A_461#0, %scan3A_461#1 : vector<16xf32>
      %add3A_464 = arith.addf %scan3A_461#8, %scan3A_461#9 : vector<16xf32>
      %max3A_465 = arith.maximumf %scan3A_461#16, %scan3A_461#17 : vector<16xf32>
      %add3A_466 = arith.addf %add3A_463, %scan3A_461#2 : vector<16xf32>
      %add3A_467 = arith.addf %add3A_464, %scan3A_461#10 : vector<16xf32>
      %max3A_468 = arith.maximumf %max3A_465, %scan3A_461#18 : vector<16xf32>
      %add3A_469 = arith.addf %add3A_466, %scan3A_461#3 : vector<16xf32>
      %add3A_470 = arith.addf %add3A_467, %scan3A_461#11 : vector<16xf32>
      %max3A_471 = arith.maximumf %max3A_468, %scan3A_461#19 : vector<16xf32>
      %add3A_472 = arith.addf %add3A_469, %scan3A_461#4 : vector<16xf32>
      %add3A_473 = arith.addf %add3A_470, %scan3A_461#12 : vector<16xf32>
      %max3A_474 = arith.maximumf %max3A_471, %scan3A_461#20 : vector<16xf32>
      %add3A_475 = arith.addf %add3A_472, %scan3A_461#5 : vector<16xf32>
      %add3A_476 = arith.addf %add3A_473, %scan3A_461#13 : vector<16xf32>
      %max3A_477 = arith.maximumf %max3A_474, %scan3A_461#21 : vector<16xf32>
      %add3A_478 = arith.addf %add3A_475, %scan3A_461#6 : vector<16xf32>
      %add3A_479 = arith.addf %add3A_476, %scan3A_461#14 : vector<16xf32>
      %max3A_480 = arith.maximumf %max3A_477, %scan3A_461#22 : vector<16xf32>
      %add3A_481 = arith.addf %add3A_478, %scan3A_461#7 : vector<16xf32>
      %add3A_482 = arith.addf %add3A_479, %scan3A_461#15 : vector<16xf32>
      %max3A_483 = arith.maximumf %max3A_480, %scan3A_461#23 : vector<16xf32>
      %swap3A_484 = arith.constant 144 : index
      %swap3A_485 = tpu.vector_load %arg8[%swap3A_484] {strides = array<i32>} : memref<768xf32, #tpu.memory_space<vmem>>, vector<16xf32>,
      tpu.vector_store %arg8[%swap3A_484], %add3A_481 {strides = array<i32>} : memref<768xf32, #tpu.memory_space<vmem>>, vector<16xf32>,
      %swap3A_486 = arith.constant 400 : index
      %swap3A_487 = tpu.vector_load %arg8[%swap3A_486] {strides = array<i32>} : memref<768xf32, #tpu.memory_space<vmem>>, vector<16xf32>,
      tpu.vector_store %arg8[%swap3A_486], %add3A_482 {strides = array<i32>} : memref<768xf32, #tpu.memory_space<vmem>>, vector<16xf32>,
      %swap3A_488 = arith.constant 656 : index
      %swap3A_489 = tpu.vector_load %arg8[%swap3A_488] {strides = array<i32>} : memref<768xf32, #tpu.memory_space<vmem>>, vector<16xf32>,
      tpu.vector_store %arg8[%swap3A_488], %max3A_483 {strides = array<i32>} : memref<768xf32, #tpu.memory_space<vmem>>, vector<16xf32>,
      %broadcast_in_dim3A_490 = arith.constant 0.000000e+00 : f32
      %broadcast_in_dim3A_491 = vector.broadcast %broadcast_in_dim3A_490 : f32 to vector<16xf32>
      %broadcast_in_dim3A_492 = arith.constant 0xFF800000 : f32
      %broadcast_in_dim3A_493 = vector.broadcast %broadcast_in_dim3A_492 : f32 to vector<16xf32>
      %scan3A_494 = arith.constant 0 : i32
      %scan3A_495 = arith.constant 32 : i32
      %scan3A_496 = arith.addi %scan3A_494, %scan3A_495 : i32
      %scan3A_497 = arith.constant 1 : i32
      %scan3A_498:24 = scf.for %scan3A_1940 = %scan3A_494 to %scan3A_496 step %scan3A_497 iter_args(%scan3A_1941 = %broadcast_in_dim3A_491, %scan3A_1942 = %broadcast_in_dim3A_491, %scan3A_1943 = %broadcast_in_dim3A_491, %scan3A_1944 = %broadcast_in_dim3A_491, %scan3A_1945 = %broadcast_in_dim3A_491, %scan3A_1946 = %broadcast_in_dim3A_491, %scan3A_1947 = %broadcast_in_dim3A_491, %scan3A_1948 = %broadcast_in_dim3A_491, %scan3A_1949 = %broadcast_in_dim3A_491, %scan3A_1950 = %broadcast_in_dim3A_491, %scan3A_1951 = %broadcast_in_dim3A_491, %scan3A_1952 = %broadcast_in_dim3A_491, %scan3A_1953 = %broadcast_in_dim3A_491, %scan3A_1954 = %broadcast_in_dim3A_491, %scan3A_1955 = %broadcast_in_dim3A_491, %scan3A_1956 = %broadcast_in_dim3A_491, %scan3A_1957 = %broadcast_in_dim3A_493, %scan3A_1958 = %broadcast_in_dim3A_493, %scan3A_1959 = %broadcast_in_dim3A_493, %scan3A_1960 = %broadcast_in_dim3A_493, %scan3A_1961 = %broadcast_in_dim3A_493, %scan3A_1962 = %broadcast_in_dim3A_493, %scan3A_1963 = %broadcast_in_dim3A_493, %scan3A_1964 = %broadcast_in_dim3A_493) -> (vector<16xf32>, vector<16xf32>, vector<16xf32>, vector<16xf32>, vector<16xf32>, vector<16xf32>, vector<16xf32>, vector<16xf32>, vector<16xf32>, vector<16xf32>, vector<16xf32>, vector<16xf32>, vector<16xf32>, vector<16xf32>, vector<16xf32>, vector<16xf32>, vector<16xf32>, vector<16xf32>, vector<16xf32>, vector<16xf32>, vector<16xf32>, vector<16xf32>, vector<16xf32>, vector<16xf32>)  : i32 {
        %mul3A_1965 = arith.constant 128 : i32
        %mul3A_1966 = arith.muli %scan3A_1940, %mul3A_1965 : i32
        %add3A_1967 = arith.constant 0 : i32
        %add3A_1968 = arith.addi %mul3A_1966, %add3A_1967 : i32
        %get3A = arith.constant 2 : i32
        %get3A_1969 = arith.index_cast %rem3A_85 : i32 to index
        %get3A_1970 = arith.index_cast %get3A : i32 to index
        %get3A_1971 = arith.index_cast %add3A_1968 : i32 to index
        %get3A_1972 = tpu.vector_load %arg5[%get3A_1969, %get3A_1970, %get3A_1971] {strides = array<i32>} : memref<3x8x4096xf32, #tpu.memory_space<vmem>>, vector<16xf32>,
        %add3A_1973 = arith.addf %scan3A_1941, %get3A_1972 : vector<16xf32>
        %mul3A_1974 = arith.mulf %get3A_1972, %get3A_1972 : vector<16xf32>
        %add3A_1975 = arith.addf %scan3A_1949, %mul3A_1974 : vector<16xf32>
        %max3A_1976 = arith.maximumf %scan3A_1957, %get3A_1972 : vector<16xf32>
        %add3A_1977 = arith.constant 16 : i32
        %add3A_1978 = arith.addi %mul3A_1966, %add3A_1977 : i32
        %get3A_1979 = arith.constant 2 : i32
        %get3A_1980 = arith.index_cast %rem3A_85 : i32 to index
        %get3A_1981 = arith.index_cast %get3A_1979 : i32 to index
        %get3A_1982 = arith.index_cast %add3A_1978 : i32 to index
        %get3A_1983 = tpu.vector_load %arg5[%get3A_1980, %get3A_1981, %get3A_1982] {strides = array<i32>} : memref<3x8x4096xf32, #tpu.memory_space<vmem>>, vector<16xf32>,
        %add3A_1984 = arith.addf %scan3A_1942, %get3A_1983 : vector<16xf32>
        %mul3A_1985 = arith.mulf %get3A_1983, %get3A_1983 : vector<16xf32>
        %add3A_1986 = arith.addf %scan3A_1950, %mul3A_1985 : vector<16xf32>
        %max3A_1987 = arith.maximumf %scan3A_1958, %get3A_1983 : vector<16xf32>
        %add3A_1988 = arith.constant 32 : i32
        %add3A_1989 = arith.addi %mul3A_1966, %add3A_1988 : i32
        %get3A_1990 = arith.constant 2 : i32
        %get3A_1991 = arith.index_cast %rem3A_85 : i32 to index
        %get3A_1992 = arith.index_cast %get3A_1990 : i32 to index
        %get3A_1993 = arith.index_cast %add3A_1989 : i32 to index
        %get3A_1994 = tpu.vector_load %arg5[%get3A_1991, %get3A_1992, %get3A_1993] {strides = array<i32>} : memref<3x8x4096xf32, #tpu.memory_space<vmem>>, vector<16xf32>,
        %add3A_1995 = arith.addf %scan3A_1943, %get3A_1994 : vector<16xf32>
        %mul3A_1996 = arith.mulf %get3A_1994, %get3A_1994 : vector<16xf32>
        %add3A_1997 = arith.addf %scan3A_1951, %mul3A_1996 : vector<16xf32>
        %max3A_1998 = arith.maximumf %scan3A_1959, %get3A_1994 : vector<16xf32>
        %add3A_1999 = arith.constant 48 : i32
        %add3A_2000 = arith.addi %mul3A_1966, %add3A_1999 : i32
        %get3A_2001 = arith.constant 2 : i32
        %get3A_2002 = arith.index_cast %rem3A_85 : i32 to index
        %get3A_2003 = arith.index_cast %get3A_2001 : i32 to index
        %get3A_2004 = arith.index_cast %add3A_2000 : i32 to index
        %get3A_2005 = tpu.vector_load %arg5[%get3A_2002, %get3A_2003, %get3A_2004] {strides = array<i32>} : memref<3x8x4096xf32, #tpu.memory_space<vmem>>, vector<16xf32>,
        %add3A_2006 = arith.addf %scan3A_1944, %get3A_2005 : vector<16xf32>
        %mul3A_2007 = arith.mulf %get3A_2005, %get3A_2005 : vector<16xf32>
        %add3A_2008 = arith.addf %scan3A_1952, %mul3A_2007 : vector<16xf32>
        %max3A_2009 = arith.maximumf %scan3A_1960, %get3A_2005 : vector<16xf32>
        %add3A_2010 = arith.constant 64 : i32
        %add3A_2011 = arith.addi %mul3A_1966, %add3A_2010 : i32
        %get3A_2012 = arith.constant 2 : i32
        %get3A_2013 = arith.index_cast %rem3A_85 : i32 to index
        %get3A_2014 = arith.index_cast %get3A_2012 : i32 to index
        %get3A_2015 = arith.index_cast %add3A_2011 : i32 to index
        %get3A_2016 = tpu.vector_load %arg5[%get3A_2013, %get3A_2014, %get3A_2015] {strides = array<i32>} : memref<3x8x4096xf32, #tpu.memory_space<vmem>>, vector<16xf32>,
        %add3A_2017 = arith.addf %scan3A_1945, %get3A_2016 : vector<16xf32>
        %mul3A_2018 = arith.mulf %get3A_2016, %get3A_2016 : vector<16xf32>
        %add3A_2019 = arith.addf %scan3A_1953, %mul3A_2018 : vector<16xf32>
        %max3A_2020 = arith.maximumf %scan3A_1961, %get3A_2016 : vector<16xf32>
        %add3A_2021 = arith.constant 80 : i32
        %add3A_2022 = arith.addi %mul3A_1966, %add3A_2021 : i32
        %get3A_2023 = arith.constant 2 : i32
        %get3A_2024 = arith.index_cast %rem3A_85 : i32 to index
        %get3A_2025 = arith.index_cast %get3A_2023 : i32 to index
        %get3A_2026 = arith.index_cast %add3A_2022 : i32 to index
        %get3A_2027 = tpu.vector_load %arg5[%get3A_2024, %get3A_2025, %get3A_2026] {strides = array<i32>} : memref<3x8x4096xf32, #tpu.memory_space<vmem>>, vector<16xf32>,
        %add3A_2028 = arith.addf %scan3A_1946, %get3A_2027 : vector<16xf32>
        %mul3A_2029 = arith.mulf %get3A_2027, %get3A_2027 : vector<16xf32>
        %add3A_2030 = arith.addf %scan3A_1954, %mul3A_2029 : vector<16xf32>
        %max3A_2031 = arith.maximumf %scan3A_1962, %get3A_2027 : vector<16xf32>
        %add3A_2032 = arith.constant 96 : i32
        %add3A_2033 = arith.addi %mul3A_1966, %add3A_2032 : i32
        %get3A_2034 = arith.constant 2 : i32
        %get3A_2035 = arith.index_cast %rem3A_85 : i32 to index
        %get3A_2036 = arith.index_cast %get3A_2034 : i32 to index
        %get3A_2037 = arith.index_cast %add3A_2033 : i32 to index
        %get3A_2038 = tpu.vector_load %arg5[%get3A_2035, %get3A_2036, %get3A_2037] {strides = array<i32>} : memref<3x8x4096xf32, #tpu.memory_space<vmem>>, vector<16xf32>,
        %add3A_2039 = arith.addf %scan3A_1947, %get3A_2038 : vector<16xf32>
        %mul3A_2040 = arith.mulf %get3A_2038, %get3A_2038 : vector<16xf32>
        %add3A_2041 = arith.addf %scan3A_1955, %mul3A_2040 : vector<16xf32>
        %max3A_2042 = arith.maximumf %scan3A_1963, %get3A_2038 : vector<16xf32>
        %add3A_2043 = arith.constant 112 : i32
        %add3A_2044 = arith.addi %mul3A_1966, %add3A_2043 : i32
        %get3A_2045 = arith.constant 2 : i32
        %get3A_2046 = arith.index_cast %rem3A_85 : i32 to index
        %get3A_2047 = arith.index_cast %get3A_2045 : i32 to index
        %get3A_2048 = arith.index_cast %add3A_2044 : i32 to index
        %get3A_2049 = tpu.vector_load %arg5[%get3A_2046, %get3A_2047, %get3A_2048] {strides = array<i32>} : memref<3x8x4096xf32, #tpu.memory_space<vmem>>, vector<16xf32>,
        %add3A_2050 = arith.addf %scan3A_1948, %get3A_2049 : vector<16xf32>
        %mul3A_2051 = arith.mulf %get3A_2049, %get3A_2049 : vector<16xf32>
        %add3A_2052 = arith.addf %scan3A_1956, %mul3A_2051 : vector<16xf32>
        %max3A_2053 = arith.maximumf %scan3A_1964, %get3A_2049 : vector<16xf32>
        scf.yield %add3A_1973, %add3A_1984, %add3A_1995, %add3A_2006, %add3A_2017, %add3A_2028, %add3A_2039, %add3A_2050, %add3A_1975, %add3A_1986, %add3A_1997, %add3A_2008, %add3A_2019, %add3A_2030, %add3A_2041, %add3A_2052, %max3A_1976, %max3A_1987, %max3A_1998, %max3A_2009, %max3A_2020, %max3A_2031, %max3A_2042, %max3A_2053 : vector<16xf32>, vector<16xf32>, vector<16xf32>, vector<16xf32>, vector<16xf32>, vector<16xf32>, vector<16xf32>, vector<16xf32>, vector<16xf32>, vector<16xf32>, vector<16xf32>, vector<16xf32>, vector<16xf32>, vector<16xf32>, vector<16xf32>, vector<16xf32>, vector<16xf32>, vector<16xf32>, vector<16xf32>, vector<16xf32>, vector<16xf32>, vector<16xf32>, vector<16xf32>, vector<16xf32>
      }
      %scan3A_499 = arith.constant 32 : i32
      %add3A_500 = arith.addf %scan3A_498#0, %scan3A_498#1 : vector<16xf32>
      %add3A_501 = arith.addf %scan3A_498#8, %scan3A_498#9 : vector<16xf32>
      %max3A_502 = arith.maximumf %scan3A_498#16, %scan3A_498#17 : vector<16xf32>
      %add3A_503 = arith.addf %add3A_500, %scan3A_498#2 : vector<16xf32>
      %add3A_504 = arith.addf %add3A_501, %scan3A_498#10 : vector<16xf32>
      %max3A_505 = arith.maximumf %max3A_502, %scan3A_498#18 : vector<16xf32>
      %add3A_506 = arith.addf %add3A_503, %scan3A_498#3 : vector<16xf32>
      %add3A_507 = arith.addf %add3A_504, %scan3A_498#11 : vector<16xf32>
      %max3A_508 = arith.maximumf %max3A_505, %scan3A_498#19 : vector<16xf32>
      %add3A_509 = arith.addf %add3A_506, %scan3A_498#4 : vector<16xf32>
      %add3A_510 = arith.addf %add3A_507, %scan3A_498#12 : vector<16xf32>
      %max3A_511 = arith.maximumf %max3A_508, %scan3A_498#20 : vector<16xf32>
      %add3A_512 = arith.addf %add3A_509, %scan3A_498#5 : vector<16xf32>
      %add3A_513 = arith.addf %add3A_510, %scan3A_498#13 : vector<16xf32>
      %max3A_514 = arith.maximumf %max3A_511, %scan3A_498#21 : vector<16xf32>
      %add3A_515 = arith.addf %add3A_512, %scan3A_498#6 : vector<16xf32>
      %add3A_516 = arith.addf %add3A_513, %scan3A_498#14 : vector<16xf32>
      %max3A_517 = arith.maximumf %max3A_514, %scan3A_498#22 : vector<16xf32>
      %add3A_518 = arith.addf %add3A_515, %scan3A_498#7 : vector<16xf32>
      %add3A_519 = arith.addf %add3A_516, %scan3A_498#15 : vector<16xf32>
      %max3A_520 = arith.maximumf %max3A_517, %scan3A_498#23 : vector<16xf32>
      %swap3A_521 = arith.constant 160 : index
      %swap3A_522 = tpu.vector_load %arg8[%swap3A_521] {strides = array<i32>} : memref<768xf32, #tpu.memory_space<vmem>>, vector<16xf32>,
      tpu.vector_store %arg8[%swap3A_521], %add3A_518 {strides = array<i32>} : memref<768xf32, #tpu.memory_space<vmem>>, vector<16xf32>,
      %swap3A_523 = arith.constant 416 : index
      %swap3A_524 = tpu.vector_load %arg8[%swap3A_523] {strides = array<i32>} : memref<768xf32, #tpu.memory_space<vmem>>, vector<16xf32>,
      tpu.vector_store %arg8[%swap3A_523], %add3A_519 {strides = array<i32>} : memref<768xf32, #tpu.memory_space<vmem>>, vector<16xf32>,
      %swap3A_525 = arith.constant 672 : index
      %swap3A_526 = tpu.vector_load %arg8[%swap3A_525] {strides = array<i32>} : memref<768xf32, #tpu.memory_space<vmem>>, vector<16xf32>,
      tpu.vector_store %arg8[%swap3A_525], %max3A_520 {strides = array<i32>} : memref<768xf32, #tpu.memory_space<vmem>>, vector<16xf32>,
      %broadcast_in_dim3A_527 = arith.constant 0.000000e+00 : f32
      %broadcast_in_dim3A_528 = vector.broadcast %broadcast_in_dim3A_527 : f32 to vector<16xf32>
      %broadcast_in_dim3A_529 = arith.constant 0xFF800000 : f32
      %broadcast_in_dim3A_530 = vector.broadcast %broadcast_in_dim3A_529 : f32 to vector<16xf32>
      %scan3A_531 = arith.constant 0 : i32
      %scan3A_532 = arith.constant 32 : i32
      %scan3A_533 = arith.addi %scan3A_531, %scan3A_532 : i32
      %scan3A_534 = arith.constant 1 : i32
      %scan3A_535:24 = scf.for %scan3A_1940 = %scan3A_531 to %scan3A_533 step %scan3A_534 iter_args(%scan3A_1941 = %broadcast_in_dim3A_528, %scan3A_1942 = %broadcast_in_dim3A_528, %scan3A_1943 = %broadcast_in_dim3A_528, %scan3A_1944 = %broadcast_in_dim3A_528, %scan3A_1945 = %broadcast_in_dim3A_528, %scan3A_1946 = %broadcast_in_dim3A_528, %scan3A_1947 = %broadcast_in_dim3A_528, %scan3A_1948 = %broadcast_in_dim3A_528, %scan3A_1949 = %broadcast_in_dim3A_528, %scan3A_1950 = %broadcast_in_dim3A_528, %scan3A_1951 = %broadcast_in_dim3A_528, %scan3A_1952 = %broadcast_in_dim3A_528, %scan3A_1953 = %broadcast_in_dim3A_528, %scan3A_1954 = %broadcast_in_dim3A_528, %scan3A_1955 = %broadcast_in_dim3A_528, %scan3A_1956 = %broadcast_in_dim3A_528, %scan3A_1957 = %broadcast_in_dim3A_530, %scan3A_1958 = %broadcast_in_dim3A_530, %scan3A_1959 = %broadcast_in_dim3A_530, %scan3A_1960 = %broadcast_in_dim3A_530, %scan3A_1961 = %broadcast_in_dim3A_530, %scan3A_1962 = %broadcast_in_dim3A_530, %scan3A_1963 = %broadcast_in_dim3A_530, %scan3A_1964 = %broadcast_in_dim3A_530) -> (vector<16xf32>, vector<16xf32>, vector<16xf32>, vector<16xf32>, vector<16xf32>, vector<16xf32>, vector<16xf32>, vector<16xf32>, vector<16xf32>, vector<16xf32>, vector<16xf32>, vector<16xf32>, vector<16xf32>, vector<16xf32>, vector<16xf32>, vector<16xf32>, vector<16xf32>, vector<16xf32>, vector<16xf32>, vector<16xf32>, vector<16xf32>, vector<16xf32>, vector<16xf32>, vector<16xf32>)  : i32 {
        %mul3A_1965 = arith.constant 128 : i32
        %mul3A_1966 = arith.muli %scan3A_1940, %mul3A_1965 : i32
        %add3A_1967 = arith.constant 0 : i32
        %add3A_1968 = arith.addi %mul3A_1966, %add3A_1967 : i32
        %get3A = arith.constant 3 : i32
        %get3A_1969 = arith.index_cast %rem3A_85 : i32 to index
        %get3A_1970 = arith.index_cast %get3A : i32 to index
        %get3A_1971 = arith.index_cast %add3A_1968 : i32 to index
        %get3A_1972 = tpu.vector_load %arg5[%get3A_1969, %get3A_1970, %get3A_1971] {strides = array<i32>} : memref<3x8x4096xf32, #tpu.memory_space<vmem>>, vector<16xf32>,
        %add3A_1973 = arith.addf %scan3A_1941, %get3A_1972 : vector<16xf32>
        %mul3A_1974 = arith.mulf %get3A_1972, %get3A_1972 : vector<16xf32>
        %add3A_1975 = arith.addf %scan3A_1949, %mul3A_1974 : vector<16xf32>
        %max3A_1976 = arith.maximumf %scan3A_1957, %get3A_1972 : vector<16xf32>
        %add3A_1977 = arith.constant 16 : i32
        %add3A_1978 = arith.addi %mul3A_1966, %add3A_1977 : i32
        %get3A_1979 = arith.constant 3 : i32
        %get3A_1980 = arith.index_cast %rem3A_85 : i32 to index
        %get3A_1981 = arith.index_cast %get3A_1979 : i32 to index
        %get3A_1982 = arith.index_cast %add3A_1978 : i32 to index
        %get3A_1983 = tpu.vector_load %arg5[%get3A_1980, %get3A_1981, %get3A_1982] {strides = array<i32>} : memref<3x8x4096xf32, #tpu.memory_space<vmem>>, vector<16xf32>,
        %add3A_1984 = arith.addf %scan3A_1942, %get3A_1983 : vector<16xf32>
        %mul3A_1985 = arith.mulf %get3A_1983, %get3A_1983 : vector<16xf32>
        %add3A_1986 = arith.addf %scan3A_1950, %mul3A_1985 : vector<16xf32>
        %max3A_1987 = arith.maximumf %scan3A_1958, %get3A_1983 : vector<16xf32>
        %add3A_1988 = arith.constant 32 : i32
        %add3A_1989 = arith.addi %mul3A_1966, %add3A_1988 : i32
        %get3A_1990 = arith.constant 3 : i32
        %get3A_1991 = arith.index_cast %rem3A_85 : i32 to index
        %get3A_1992 = arith.index_cast %get3A_1990 : i32 to index
        %get3A_1993 = arith.index_cast %add3A_1989 : i32 to index
        %get3A_1994 = tpu.vector_load %arg5[%get3A_1991, %get3A_1992, %get3A_1993] {strides = array<i32>} : memref<3x8x4096xf32, #tpu.memory_space<vmem>>, vector<16xf32>,
        %add3A_1995 = arith.addf %scan3A_1943, %get3A_1994 : vector<16xf32>
        %mul3A_1996 = arith.mulf %get3A_1994, %get3A_1994 : vector<16xf32>
        %add3A_1997 = arith.addf %scan3A_1951, %mul3A_1996 : vector<16xf32>
        %max3A_1998 = arith.maximumf %scan3A_1959, %get3A_1994 : vector<16xf32>
        %add3A_1999 = arith.constant 48 : i32
        %add3A_2000 = arith.addi %mul3A_1966, %add3A_1999 : i32
        %get3A_2001 = arith.constant 3 : i32
        %get3A_2002 = arith.index_cast %rem3A_85 : i32 to index
        %get3A_2003 = arith.index_cast %get3A_2001 : i32 to index
        %get3A_2004 = arith.index_cast %add3A_2000 : i32 to index
        %get3A_2005 = tpu.vector_load %arg5[%get3A_2002, %get3A_2003, %get3A_2004] {strides = array<i32>} : memref<3x8x4096xf32, #tpu.memory_space<vmem>>, vector<16xf32>,
        %add3A_2006 = arith.addf %scan3A_1944, %get3A_2005 : vector<16xf32>
        %mul3A_2007 = arith.mulf %get3A_2005, %get3A_2005 : vector<16xf32>
        %add3A_2008 = arith.addf %scan3A_1952, %mul3A_2007 : vector<16xf32>
        %max3A_2009 = arith.maximumf %scan3A_1960, %get3A_2005 : vector<16xf32>
        %add3A_2010 = arith.constant 64 : i32
        %add3A_2011 = arith.addi %mul3A_1966, %add3A_2010 : i32
        %get3A_2012 = arith.constant 3 : i32
        %get3A_2013 = arith.index_cast %rem3A_85 : i32 to index
        %get3A_2014 = arith.index_cast %get3A_2012 : i32 to index
        %get3A_2015 = arith.index_cast %add3A_2011 : i32 to index
        %get3A_2016 = tpu.vector_load %arg5[%get3A_2013, %get3A_2014, %get3A_2015] {strides = array<i32>} : memref<3x8x4096xf32, #tpu.memory_space<vmem>>, vector<16xf32>,
        %add3A_2017 = arith.addf %scan3A_1945, %get3A_2016 : vector<16xf32>
        %mul3A_2018 = arith.mulf %get3A_2016, %get3A_2016 : vector<16xf32>
        %add3A_2019 = arith.addf %scan3A_1953, %mul3A_2018 : vector<16xf32>
        %max3A_2020 = arith.maximumf %scan3A_1961, %get3A_2016 : vector<16xf32>
        %add3A_2021 = arith.constant 80 : i32
        %add3A_2022 = arith.addi %mul3A_1966, %add3A_2021 : i32
        %get3A_2023 = arith.constant 3 : i32
        %get3A_2024 = arith.index_cast %rem3A_85 : i32 to index
        %get3A_2025 = arith.index_cast %get3A_2023 : i32 to index
        %get3A_2026 = arith.index_cast %add3A_2022 : i32 to index
        %get3A_2027 = tpu.vector_load %arg5[%get3A_2024, %get3A_2025, %get3A_2026] {strides = array<i32>} : memref<3x8x4096xf32, #tpu.memory_space<vmem>>, vector<16xf32>,
        %add3A_2028 = arith.addf %scan3A_1946, %get3A_2027 : vector<16xf32>
        %mul3A_2029 = arith.mulf %get3A_2027, %get3A_2027 : vector<16xf32>
        %add3A_2030 = arith.addf %scan3A_1954, %mul3A_2029 : vector<16xf32>
        %max3A_2031 = arith.maximumf %scan3A_1962, %get3A_2027 : vector<16xf32>
        %add3A_2032 = arith.constant 96 : i32
        %add3A_2033 = arith.addi %mul3A_1966, %add3A_2032 : i32
        %get3A_2034 = arith.constant 3 : i32
        %get3A_2035 = arith.index_cast %rem3A_85 : i32 to index
        %get3A_2036 = arith.index_cast %get3A_2034 : i32 to index
        %get3A_2037 = arith.index_cast %add3A_2033 : i32 to index
        %get3A_2038 = tpu.vector_load %arg5[%get3A_2035, %get3A_2036, %get3A_2037] {strides = array<i32>} : memref<3x8x4096xf32, #tpu.memory_space<vmem>>, vector<16xf32>,
        %add3A_2039 = arith.addf %scan3A_1947, %get3A_2038 : vector<16xf32>
        %mul3A_2040 = arith.mulf %get3A_2038, %get3A_2038 : vector<16xf32>
        %add3A_2041 = arith.addf %scan3A_1955, %mul3A_2040 : vector<16xf32>
        %max3A_2042 = arith.maximumf %scan3A_1963, %get3A_2038 : vector<16xf32>
        %add3A_2043 = arith.constant 112 : i32
        %add3A_2044 = arith.addi %mul3A_1966, %add3A_2043 : i32
        %get3A_2045 = arith.constant 3 : i32
        %get3A_2046 = arith.index_cast %rem3A_85 : i32 to index
        %get3A_2047 = arith.index_cast %get3A_2045 : i32 to index
        %get3A_2048 = arith.index_cast %add3A_2044 : i32 to index
        %get3A_2049 = tpu.vector_load %arg5[%get3A_2046, %get3A_2047, %get3A_2048] {strides = array<i32>} : memref<3x8x4096xf32, #tpu.memory_space<vmem>>, vector<16xf32>,
        %add3A_2050 = arith.addf %scan3A_1948, %get3A_2049 : vector<16xf32>
        %mul3A_2051 = arith.mulf %get3A_2049, %get3A_2049 : vector<16xf32>
        %add3A_2052 = arith.addf %scan3A_1956, %mul3A_2051 : vector<16xf32>
        %max3A_2053 = arith.maximumf %scan3A_1964, %get3A_2049 : vector<16xf32>
        scf.yield %add3A_1973, %add3A_1984, %add3A_1995, %add3A_2006, %add3A_2017, %add3A_2028, %add3A_2039, %add3A_2050, %add3A_1975, %add3A_1986, %add3A_1997, %add3A_2008, %add3A_2019, %add3A_2030, %add3A_2041, %add3A_2052, %max3A_1976, %max3A_1987, %max3A_1998, %max3A_2009, %max3A_2020, %max3A_2031, %max3A_2042, %max3A_2053 : vector<16xf32>, vector<16xf32>, vector<16xf32>, vector<16xf32>, vector<16xf32>, vector<16xf32>, vector<16xf32>, vector<16xf32>, vector<16xf32>, vector<16xf32>, vector<16xf32>, vector<16xf32>, vector<16xf32>, vector<16xf32>, vector<16xf32>, vector<16xf32>, vector<16xf32>, vector<16xf32>, vector<16xf32>, vector<16xf32>, vector<16xf32>, vector<16xf32>, vector<16xf32>, vector<16xf32>
      }
      %scan3A_536 = arith.constant 32 : i32
      %add3A_537 = arith.addf %scan3A_535#0, %scan3A_535#1 : vector<16xf32>
      %add3A_538 = arith.addf %scan3A_535#8, %scan3A_535#9 : vector<16xf32>
      %max3A_539 = arith.maximumf %scan3A_535#16, %scan3A_535#17 : vector<16xf32>
      %add3A_540 = arith.addf %add3A_537, %scan3A_535#2 : vector<16xf32>
      %add3A_541 = arith.addf %add3A_538, %scan3A_535#10 : vector<16xf32>
      %max3A_542 = arith.maximumf %max3A_539, %scan3A_535#18 : vector<16xf32>
      %add3A_543 = arith.addf %add3A_540, %scan3A_535#3 : vector<16xf32>
      %add3A_544 = arith.addf %add3A_541, %scan3A_535#11 : vector<16xf32>
      %max3A_545 = arith.maximumf %max3A_542, %scan3A_535#19 : vector<16xf32>
      %add3A_546 = arith.addf %add3A_543, %scan3A_535#4 : vector<16xf32>
      %add3A_547 = arith.addf %add3A_544, %scan3A_535#12 : vector<16xf32>
      %max3A_548 = arith.maximumf %max3A_545, %scan3A_535#20 : vector<16xf32>
      %add3A_549 = arith.addf %add3A_546, %scan3A_535#5 : vector<16xf32>
      %add3A_550 = arith.addf %add3A_547, %scan3A_535#13 : vector<16xf32>
      %max3A_551 = arith.maximumf %max3A_548, %scan3A_535#21 : vector<16xf32>
      %add3A_552 = arith.addf %add3A_549, %scan3A_535#6 : vector<16xf32>
      %add3A_553 = arith.addf %add3A_550, %scan3A_535#14 : vector<16xf32>
      %max3A_554 = arith.maximumf %max3A_551, %scan3A_535#22 : vector<16xf32>
      %add3A_555 = arith.addf %add3A_552, %scan3A_535#7 : vector<16xf32>
      %add3A_556 = arith.addf %add3A_553, %scan3A_535#15 : vector<16xf32>
      %max3A_557 = arith.maximumf %max3A_554, %scan3A_535#23 : vector<16xf32>
      %swap3A_558 = arith.constant 176 : index
      %swap3A_559 = tpu.vector_load %arg8[%swap3A_558] {strides = array<i32>} : memref<768xf32, #tpu.memory_space<vmem>>, vector<16xf32>,
      tpu.vector_store %arg8[%swap3A_558], %add3A_555 {strides = array<i32>} : memref<768xf32, #tpu.memory_space<vmem>>, vector<16xf32>,
      %swap3A_560 = arith.constant 432 : index
      %swap3A_561 = tpu.vector_load %arg8[%swap3A_560] {strides = array<i32>} : memref<768xf32, #tpu.memory_space<vmem>>, vector<16xf32>,
      tpu.vector_store %arg8[%swap3A_560], %add3A_556 {strides = array<i32>} : memref<768xf32, #tpu.memory_space<vmem>>, vector<16xf32>,
      %swap3A_562 = arith.constant 688 : index
      %swap3A_563 = tpu.vector_load %arg8[%swap3A_562] {strides = array<i32>} : memref<768xf32, #tpu.memory_space<vmem>>, vector<16xf32>,
      tpu.vector_store %arg8[%swap3A_562], %max3A_557 {strides = array<i32>} : memref<768xf32, #tpu.memory_space<vmem>>, vector<16xf32>,
      %broadcast_in_dim3A_564 = arith.constant 0.000000e+00 : f32
      %broadcast_in_dim3A_565 = vector.broadcast %broadcast_in_dim3A_564 : f32 to vector<16xf32>
      %broadcast_in_dim3A_566 = arith.constant 0xFF800000 : f32
      %broadcast_in_dim3A_567 = vector.broadcast %broadcast_in_dim3A_566 : f32 to vector<16xf32>
      %scan3A_568 = arith.constant 0 : i32
      %scan3A_569 = arith.constant 32 : i32
      %scan3A_570 = arith.addi %scan3A_568, %scan3A_569 : i32
      %scan3A_571 = arith.constant 1 : i32
      %scan3A_572:24 = scf.for %scan3A_1940 = %scan3A_568 to %scan3A_570 step %scan3A_571 iter_args(%scan3A_1941 = %broadcast_in_dim3A_565, %scan3A_1942 = %broadcast_in_dim3A_565, %scan3A_1943 = %broadcast_in_dim3A_565, %scan3A_1944 = %broadcast_in_dim3A_565, %scan3A_1945 = %broadcast_in_dim3A_565, %scan3A_1946 = %broadcast_in_dim3A_565, %scan3A_1947 = %broadcast_in_dim3A_565, %scan3A_1948 = %broadcast_in_dim3A_565, %scan3A_1949 = %broadcast_in_dim3A_565, %scan3A_1950 = %broadcast_in_dim3A_565, %scan3A_1951 = %broadcast_in_dim3A_565, %scan3A_1952 = %broadcast_in_dim3A_565, %scan3A_1953 = %broadcast_in_dim3A_565, %scan3A_1954 = %broadcast_in_dim3A_565, %scan3A_1955 = %broadcast_in_dim3A_565, %scan3A_1956 = %broadcast_in_dim3A_565, %scan3A_1957 = %broadcast_in_dim3A_567, %scan3A_1958 = %broadcast_in_dim3A_567, %scan3A_1959 = %broadcast_in_dim3A_567, %scan3A_1960 = %broadcast_in_dim3A_567, %scan3A_1961 = %broadcast_in_dim3A_567, %scan3A_1962 = %broadcast_in_dim3A_567, %scan3A_1963 = %broadcast_in_dim3A_567, %scan3A_1964 = %broadcast_in_dim3A_567) -> (vector<16xf32>, vector<16xf32>, vector<16xf32>, vector<16xf32>, vector<16xf32>, vector<16xf32>, vector<16xf32>, vector<16xf32>, vector<16xf32>, vector<16xf32>, vector<16xf32>, vector<16xf32>, vector<16xf32>, vector<16xf32>, vector<16xf32>, vector<16xf32>, vector<16xf32>, vector<16xf32>, vector<16xf32>, vector<16xf32>, vector<16xf32>, vector<16xf32>, vector<16xf32>, vector<16xf32>)  : i32 {
        %mul3A_1965 = arith.constant 128 : i32
        %mul3A_1966 = arith.muli %scan3A_1940, %mul3A_1965 : i32
        %add3A_1967 = arith.constant 0 : i32
        %add3A_1968 = arith.addi %mul3A_1966, %add3A_1967 : i32
        %get3A = arith.constant 4 : i32
        %get3A_1969 = arith.index_cast %rem3A_85 : i32 to index
        %get3A_1970 = arith.index_cast %get3A : i32 to index
        %get3A_1971 = arith.index_cast %add3A_1968 : i32 to index
        %get3A_1972 = tpu.vector_load %arg5[%get3A_1969, %get3A_1970, %get3A_1971] {strides = array<i32>} : memref<3x8x4096xf32, #tpu.memory_space<vmem>>, vector<16xf32>,
        %add3A_1973 = arith.addf %scan3A_1941, %get3A_1972 : vector<16xf32>
        %mul3A_1974 = arith.mulf %get3A_1972, %get3A_1972 : vector<16xf32>
        %add3A_1975 = arith.addf %scan3A_1949, %mul3A_1974 : vector<16xf32>
        %max3A_1976 = arith.maximumf %scan3A_1957, %get3A_1972 : vector<16xf32>
        %add3A_1977 = arith.constant 16 : i32
        %add3A_1978 = arith.addi %mul3A_1966, %add3A_1977 : i32
        %get3A_1979 = arith.constant 4 : i32
        %get3A_1980 = arith.index_cast %rem3A_85 : i32 to index
        %get3A_1981 = arith.index_cast %get3A_1979 : i32 to index
        %get3A_1982 = arith.index_cast %add3A_1978 : i32 to index
        %get3A_1983 = tpu.vector_load %arg5[%get3A_1980, %get3A_1981, %get3A_1982] {strides = array<i32>} : memref<3x8x4096xf32, #tpu.memory_space<vmem>>, vector<16xf32>,
        %add3A_1984 = arith.addf %scan3A_1942, %get3A_1983 : vector<16xf32>
        %mul3A_1985 = arith.mulf %get3A_1983, %get3A_1983 : vector<16xf32>
        %add3A_1986 = arith.addf %scan3A_1950, %mul3A_1985 : vector<16xf32>
        %max3A_1987 = arith.maximumf %scan3A_1958, %get3A_1983 : vector<16xf32>
        %add3A_1988 = arith.constant 32 : i32
        %add3A_1989 = arith.addi %mul3A_1966, %add3A_1988 : i32
        %get3A_1990 = arith.constant 4 : i32
        %get3A_1991 = arith.index_cast %rem3A_85 : i32 to index
        %get3A_1992 = arith.index_cast %get3A_1990 : i32 to index
        %get3A_1993 = arith.index_cast %add3A_1989 : i32 to index
        %get3A_1994 = tpu.vector_load %arg5[%get3A_1991, %get3A_1992, %get3A_1993] {strides = array<i32>} : memref<3x8x4096xf32, #tpu.memory_space<vmem>>, vector<16xf32>,
        %add3A_1995 = arith.addf %scan3A_1943, %get3A_1994 : vector<16xf32>
        %mul3A_1996 = arith.mulf %get3A_1994, %get3A_1994 : vector<16xf32>
        %add3A_1997 = arith.addf %scan3A_1951, %mul3A_1996 : vector<16xf32>
        %max3A_1998 = arith.maximumf %scan3A_1959, %get3A_1994 : vector<16xf32>
        %add3A_1999 = arith.constant 48 : i32
        %add3A_2000 = arith.addi %mul3A_1966, %add3A_1999 : i32
        %get3A_2001 = arith.constant 4 : i32
        %get3A_2002 = arith.index_cast %rem3A_85 : i32 to index
        %get3A_2003 = arith.index_cast %get3A_2001 : i32 to index
        %get3A_2004 = arith.index_cast %add3A_2000 : i32 to index
        %get3A_2005 = tpu.vector_load %arg5[%get3A_2002, %get3A_2003, %get3A_2004] {strides = array<i32>} : memref<3x8x4096xf32, #tpu.memory_space<vmem>>, vector<16xf32>,
        %add3A_2006 = arith.addf %scan3A_1944, %get3A_2005 : vector<16xf32>
        %mul3A_2007 = arith.mulf %get3A_2005, %get3A_2005 : vector<16xf32>
        %add3A_2008 = arith.addf %scan3A_1952, %mul3A_2007 : vector<16xf32>
        %max3A_2009 = arith.maximumf %scan3A_1960, %get3A_2005 : vector<16xf32>
        %add3A_2010 = arith.constant 64 : i32
        %add3A_2011 = arith.addi %mul3A_1966, %add3A_2010 : i32
        %get3A_2012 = arith.constant 4 : i32
        %get3A_2013 = arith.index_cast %rem3A_85 : i32 to index
        %get3A_2014 = arith.index_cast %get3A_2012 : i32 to index
        %get3A_2015 = arith.index_cast %add3A_2011 : i32 to index
        %get3A_2016 = tpu.vector_load %arg5[%get3A_2013, %get3A_2014, %get3A_2015] {strides = array<i32>} : memref<3x8x4096xf32, #tpu.memory_space<vmem>>, vector<16xf32>,
        %add3A_2017 = arith.addf %scan3A_1945, %get3A_2016 : vector<16xf32>
        %mul3A_2018 = arith.mulf %get3A_2016, %get3A_2016 : vector<16xf32>
        %add3A_2019 = arith.addf %scan3A_1953, %mul3A_2018 : vector<16xf32>
        %max3A_2020 = arith.maximumf %scan3A_1961, %get3A_2016 : vector<16xf32>
        %add3A_2021 = arith.constant 80 : i32
        %add3A_2022 = arith.addi %mul3A_1966, %add3A_2021 : i32
        %get3A_2023 = arith.constant 4 : i32
        %get3A_2024 = arith.index_cast %rem3A_85 : i32 to index
        %get3A_2025 = arith.index_cast %get3A_2023 : i32 to index
        %get3A_2026 = arith.index_cast %add3A_2022 : i32 to index
        %get3A_2027 = tpu.vector_load %arg5[%get3A_2024, %get3A_2025, %get3A_2026] {strides = array<i32>} : memref<3x8x4096xf32, #tpu.memory_space<vmem>>, vector<16xf32>,
        %add3A_2028 = arith.addf %scan3A_1946, %get3A_2027 : vector<16xf32>
        %mul3A_2029 = arith.mulf %get3A_2027, %get3A_2027 : vector<16xf32>
        %add3A_2030 = arith.addf %scan3A_1954, %mul3A_2029 : vector<16xf32>
        %max3A_2031 = arith.maximumf %scan3A_1962, %get3A_2027 : vector<16xf32>
        %add3A_2032 = arith.constant 96 : i32
        %add3A_2033 = arith.addi %mul3A_1966, %add3A_2032 : i32
        %get3A_2034 = arith.constant 4 : i32
        %get3A_2035 = arith.index_cast %rem3A_85 : i32 to index
        %get3A_2036 = arith.index_cast %get3A_2034 : i32 to index
        %get3A_2037 = arith.index_cast %add3A_2033 : i32 to index
        %get3A_2038 = tpu.vector_load %arg5[%get3A_2035, %get3A_2036, %get3A_2037] {strides = array<i32>} : memref<3x8x4096xf32, #tpu.memory_space<vmem>>, vector<16xf32>,
        %add3A_2039 = arith.addf %scan3A_1947, %get3A_2038 : vector<16xf32>
        %mul3A_2040 = arith.mulf %get3A_2038, %get3A_2038 : vector<16xf32>
        %add3A_2041 = arith.addf %scan3A_1955, %mul3A_2040 : vector<16xf32>
        %max3A_2042 = arith.maximumf %scan3A_1963, %get3A_2038 : vector<16xf32>
        %add3A_2043 = arith.constant 112 : i32
        %add3A_2044 = arith.addi %mul3A_1966, %add3A_2043 : i32
        %get3A_2045 = arith.constant 4 : i32
        %get3A_2046 = arith.index_cast %rem3A_85 : i32 to index
        %get3A_2047 = arith.index_cast %get3A_2045 : i32 to index
        %get3A_2048 = arith.index_cast %add3A_2044 : i32 to index
        %get3A_2049 = tpu.vector_load %arg5[%get3A_2046, %get3A_2047, %get3A_2048] {strides = array<i32>} : memref<3x8x4096xf32, #tpu.memory_space<vmem>>, vector<16xf32>,
        %add3A_2050 = arith.addf %scan3A_1948, %get3A_2049 : vector<16xf32>
        %mul3A_2051 = arith.mulf %get3A_2049, %get3A_2049 : vector<16xf32>
        %add3A_2052 = arith.addf %scan3A_1956, %mul3A_2051 : vector<16xf32>
        %max3A_2053 = arith.maximumf %scan3A_1964, %get3A_2049 : vector<16xf32>
        scf.yield %add3A_1973, %add3A_1984, %add3A_1995, %add3A_2006, %add3A_2017, %add3A_2028, %add3A_2039, %add3A_2050, %add3A_1975, %add3A_1986, %add3A_1997, %add3A_2008, %add3A_2019, %add3A_2030, %add3A_2041, %add3A_2052, %max3A_1976, %max3A_1987, %max3A_1998, %max3A_2009, %max3A_2020, %max3A_2031, %max3A_2042, %max3A_2053 : vector<16xf32>, vector<16xf32>, vector<16xf32>, vector<16xf32>, vector<16xf32>, vector<16xf32>, vector<16xf32>, vector<16xf32>, vector<16xf32>, vector<16xf32>, vector<16xf32>, vector<16xf32>, vector<16xf32>, vector<16xf32>, vector<16xf32>, vector<16xf32>, vector<16xf32>, vector<16xf32>, vector<16xf32>, vector<16xf32>, vector<16xf32>, vector<16xf32>, vector<16xf32>, vector<16xf32>
      }
      %scan3A_573 = arith.constant 32 : i32
      %add3A_574 = arith.addf %scan3A_572#0, %scan3A_572#1 : vector<16xf32>
      %add3A_575 = arith.addf %scan3A_572#8, %scan3A_572#9 : vector<16xf32>
      %max3A_576 = arith.maximumf %scan3A_572#16, %scan3A_572#17 : vector<16xf32>
      %add3A_577 = arith.addf %add3A_574, %scan3A_572#2 : vector<16xf32>
      %add3A_578 = arith.addf %add3A_575, %scan3A_572#10 : vector<16xf32>
      %max3A_579 = arith.maximumf %max3A_576, %scan3A_572#18 : vector<16xf32>
      %add3A_580 = arith.addf %add3A_577, %scan3A_572#3 : vector<16xf32>
      %add3A_581 = arith.addf %add3A_578, %scan3A_572#11 : vector<16xf32>
      %max3A_582 = arith.maximumf %max3A_579, %scan3A_572#19 : vector<16xf32>
      %add3A_583 = arith.addf %add3A_580, %scan3A_572#4 : vector<16xf32>
      %add3A_584 = arith.addf %add3A_581, %scan3A_572#12 : vector<16xf32>
      %max3A_585 = arith.maximumf %max3A_582, %scan3A_572#20 : vector<16xf32>
      %add3A_586 = arith.addf %add3A_583, %scan3A_572#5 : vector<16xf32>
      %add3A_587 = arith.addf %add3A_584, %scan3A_572#13 : vector<16xf32>
      %max3A_588 = arith.maximumf %max3A_585, %scan3A_572#21 : vector<16xf32>
      %add3A_589 = arith.addf %add3A_586, %scan3A_572#6 : vector<16xf32>
      %add3A_590 = arith.addf %add3A_587, %scan3A_572#14 : vector<16xf32>
      %max3A_591 = arith.maximumf %max3A_588, %scan3A_572#22 : vector<16xf32>
      %add3A_592 = arith.addf %add3A_589, %scan3A_572#7 : vector<16xf32>
      %add3A_593 = arith.addf %add3A_590, %scan3A_572#15 : vector<16xf32>
      %max3A_594 = arith.maximumf %max3A_591, %scan3A_572#23 : vector<16xf32>
      %swap3A_595 = arith.constant 192 : index
      %swap3A_596 = tpu.vector_load %arg8[%swap3A_595] {strides = array<i32>} : memref<768xf32, #tpu.memory_space<vmem>>, vector<16xf32>,
      tpu.vector_store %arg8[%swap3A_595], %add3A_592 {strides = array<i32>} : memref<768xf32, #tpu.memory_space<vmem>>, vector<16xf32>,
      %swap3A_597 = arith.constant 448 : index
      %swap3A_598 = tpu.vector_load %arg8[%swap3A_597] {strides = array<i32>} : memref<768xf32, #tpu.memory_space<vmem>>, vector<16xf32>,
      tpu.vector_store %arg8[%swap3A_597], %add3A_593 {strides = array<i32>} : memref<768xf32, #tpu.memory_space<vmem>>, vector<16xf32>,
      %swap3A_599 = arith.constant 704 : index
      %swap3A_600 = tpu.vector_load %arg8[%swap3A_599] {strides = array<i32>} : memref<768xf32, #tpu.memory_space<vmem>>, vector<16xf32>,
      tpu.vector_store %arg8[%swap3A_599], %max3A_594 {strides = array<i32>} : memref<768xf32, #tpu.memory_space<vmem>>, vector<16xf32>,
      %broadcast_in_dim3A_601 = arith.constant 0.000000e+00 : f32
      %broadcast_in_dim3A_602 = vector.broadcast %broadcast_in_dim3A_601 : f32 to vector<16xf32>
      %broadcast_in_dim3A_603 = arith.constant 0xFF800000 : f32
      %broadcast_in_dim3A_604 = vector.broadcast %broadcast_in_dim3A_603 : f32 to vector<16xf32>
      %scan3A_605 = arith.constant 0 : i32
      %scan3A_606 = arith.constant 32 : i32
      %scan3A_607 = arith.addi %scan3A_605, %scan3A_606 : i32
      %scan3A_608 = arith.constant 1 : i32
      %scan3A_609:24 = scf.for %scan3A_1940 = %scan3A_605 to %scan3A_607 step %scan3A_608 iter_args(%scan3A_1941 = %broadcast_in_dim3A_602, %scan3A_1942 = %broadcast_in_dim3A_602, %scan3A_1943 = %broadcast_in_dim3A_602, %scan3A_1944 = %broadcast_in_dim3A_602, %scan3A_1945 = %broadcast_in_dim3A_602, %scan3A_1946 = %broadcast_in_dim3A_602, %scan3A_1947 = %broadcast_in_dim3A_602, %scan3A_1948 = %broadcast_in_dim3A_602, %scan3A_1949 = %broadcast_in_dim3A_602, %scan3A_1950 = %broadcast_in_dim3A_602, %scan3A_1951 = %broadcast_in_dim3A_602, %scan3A_1952 = %broadcast_in_dim3A_602, %scan3A_1953 = %broadcast_in_dim3A_602, %scan3A_1954 = %broadcast_in_dim3A_602, %scan3A_1955 = %broadcast_in_dim3A_602, %scan3A_1956 = %broadcast_in_dim3A_602, %scan3A_1957 = %broadcast_in_dim3A_604, %scan3A_1958 = %broadcast_in_dim3A_604, %scan3A_1959 = %broadcast_in_dim3A_604, %scan3A_1960 = %broadcast_in_dim3A_604, %scan3A_1961 = %broadcast_in_dim3A_604, %scan3A_1962 = %broadcast_in_dim3A_604, %scan3A_1963 = %broadcast_in_dim3A_604, %scan3A_1964 = %broadcast_in_dim3A_604) -> (vector<16xf32>, vector<16xf32>, vector<16xf32>, vector<16xf32>, vector<16xf32>, vector<16xf32>, vector<16xf32>, vector<16xf32>, vector<16xf32>, vector<16xf32>, vector<16xf32>, vector<16xf32>, vector<16xf32>, vector<16xf32>, vector<16xf32>, vector<16xf32>, vector<16xf32>, vector<16xf32>, vector<16xf32>, vector<16xf32>, vector<16xf32>, vector<16xf32>, vector<16xf32>, vector<16xf32>)  : i32 {
        %mul3A_1965 = arith.constant 128 : i32
        %mul3A_1966 = arith.muli %scan3A_1940, %mul3A_1965 : i32
        %add3A_1967 = arith.constant 0 : i32
        %add3A_1968 = arith.addi %mul3A_1966, %add3A_1967 : i32
        %get3A = arith.constant 5 : i32
        %get3A_1969 = arith.index_cast %rem3A_85 : i32 to index
        %get3A_1970 = arith.index_cast %get3A : i32 to index
        %get3A_1971 = arith.index_cast %add3A_1968 : i32 to index
        %get3A_1972 = tpu.vector_load %arg5[%get3A_1969, %get3A_1970, %get3A_1971] {strides = array<i32>} : memref<3x8x4096xf32, #tpu.memory_space<vmem>>, vector<16xf32>,
        %add3A_1973 = arith.addf %scan3A_1941, %get3A_1972 : vector<16xf32>
        %mul3A_1974 = arith.mulf %get3A_1972, %get3A_1972 : vector<16xf32>
        %add3A_1975 = arith.addf %scan3A_1949, %mul3A_1974 : vector<16xf32>
        %max3A_1976 = arith.maximumf %scan3A_1957, %get3A_1972 : vector<16xf32>
        %add3A_1977 = arith.constant 16 : i32
        %add3A_1978 = arith.addi %mul3A_1966, %add3A_1977 : i32
        %get3A_1979 = arith.constant 5 : i32
        %get3A_1980 = arith.index_cast %rem3A_85 : i32 to index
        %get3A_1981 = arith.index_cast %get3A_1979 : i32 to index
        %get3A_1982 = arith.index_cast %add3A_1978 : i32 to index
        %get3A_1983 = tpu.vector_load %arg5[%get3A_1980, %get3A_1981, %get3A_1982] {strides = array<i32>} : memref<3x8x4096xf32, #tpu.memory_space<vmem>>, vector<16xf32>,
        %add3A_1984 = arith.addf %scan3A_1942, %get3A_1983 : vector<16xf32>
        %mul3A_1985 = arith.mulf %get3A_1983, %get3A_1983 : vector<16xf32>
        %add3A_1986 = arith.addf %scan3A_1950, %mul3A_1985 : vector<16xf32>
        %max3A_1987 = arith.maximumf %scan3A_1958, %get3A_1983 : vector<16xf32>
        %add3A_1988 = arith.constant 32 : i32
        %add3A_1989 = arith.addi %mul3A_1966, %add3A_1988 : i32
        %get3A_1990 = arith.constant 5 : i32
        %get3A_1991 = arith.index_cast %rem3A_85 : i32 to index
        %get3A_1992 = arith.index_cast %get3A_1990 : i32 to index
        %get3A_1993 = arith.index_cast %add3A_1989 : i32 to index
        %get3A_1994 = tpu.vector_load %arg5[%get3A_1991, %get3A_1992, %get3A_1993] {strides = array<i32>} : memref<3x8x4096xf32, #tpu.memory_space<vmem>>, vector<16xf32>,
        %add3A_1995 = arith.addf %scan3A_1943, %get3A_1994 : vector<16xf32>
        %mul3A_1996 = arith.mulf %get3A_1994, %get3A_1994 : vector<16xf32>
        %add3A_1997 = arith.addf %scan3A_1951, %mul3A_1996 : vector<16xf32>
        %max3A_1998 = arith.maximumf %scan3A_1959, %get3A_1994 : vector<16xf32>
        %add3A_1999 = arith.constant 48 : i32
        %add3A_2000 = arith.addi %mul3A_1966, %add3A_1999 : i32
        %get3A_2001 = arith.constant 5 : i32
        %get3A_2002 = arith.index_cast %rem3A_85 : i32 to index
        %get3A_2003 = arith.index_cast %get3A_2001 : i32 to index
        %get3A_2004 = arith.index_cast %add3A_2000 : i32 to index
        %get3A_2005 = tpu.vector_load %arg5[%get3A_2002, %get3A_2003, %get3A_2004] {strides = array<i32>} : memref<3x8x4096xf32, #tpu.memory_space<vmem>>, vector<16xf32>,
        %add3A_2006 = arith.addf %scan3A_1944, %get3A_2005 : vector<16xf32>
        %mul3A_2007 = arith.mulf %get3A_2005, %get3A_2005 : vector<16xf32>
        %add3A_2008 = arith.addf %scan3A_1952, %mul3A_2007 : vector<16xf32>
        %max3A_2009 = arith.maximumf %scan3A_1960, %get3A_2005 : vector<16xf32>
        %add3A_2010 = arith.constant 64 : i32
        %add3A_2011 = arith.addi %mul3A_1966, %add3A_2010 : i32
        %get3A_2012 = arith.constant 5 : i32
        %get3A_2013 = arith.index_cast %rem3A_85 : i32 to index
        %get3A_2014 = arith.index_cast %get3A_2012 : i32 to index
        %get3A_2015 = arith.index_cast %add3A_2011 : i32 to index
        %get3A_2016 = tpu.vector_load %arg5[%get3A_2013, %get3A_2014, %get3A_2015] {strides = array<i32>} : memref<3x8x4096xf32, #tpu.memory_space<vmem>>, vector<16xf32>,
        %add3A_2017 = arith.addf %scan3A_1945, %get3A_2016 : vector<16xf32>
        %mul3A_2018 = arith.mulf %get3A_2016, %get3A_2016 : vector<16xf32>
        %add3A_2019 = arith.addf %scan3A_1953, %mul3A_2018 : vector<16xf32>
        %max3A_2020 = arith.maximumf %scan3A_1961, %get3A_2016 : vector<16xf32>
        %add3A_2021 = arith.constant 80 : i32
        %add3A_2022 = arith.addi %mul3A_1966, %add3A_2021 : i32
        %get3A_2023 = arith.constant 5 : i32
        %get3A_2024 = arith.index_cast %rem3A_85 : i32 to index
        %get3A_2025 = arith.index_cast %get3A_2023 : i32 to index
        %get3A_2026 = arith.index_cast %add3A_2022 : i32 to index
        %get3A_2027 = tpu.vector_load %arg5[%get3A_2024, %get3A_2025, %get3A_2026] {strides = array<i32>} : memref<3x8x4096xf32, #tpu.memory_space<vmem>>, vector<16xf32>,
        %add3A_2028 = arith.addf %scan3A_1946, %get3A_2027 : vector<16xf32>
        %mul3A_2029 = arith.mulf %get3A_2027, %get3A_2027 : vector<16xf32>
        %add3A_2030 = arith.addf %scan3A_1954, %mul3A_2029 : vector<16xf32>
        %max3A_2031 = arith.maximumf %scan3A_1962, %get3A_2027 : vector<16xf32>
        %add3A_2032 = arith.constant 96 : i32
        %add3A_2033 = arith.addi %mul3A_1966, %add3A_2032 : i32
        %get3A_2034 = arith.constant 5 : i32
        %get3A_2035 = arith.index_cast %rem3A_85 : i32 to index
        %get3A_2036 = arith.index_cast %get3A_2034 : i32 to index
        %get3A_2037 = arith.index_cast %add3A_2033 : i32 to index
        %get3A_2038 = tpu.vector_load %arg5[%get3A_2035, %get3A_2036, %get3A_2037] {strides = array<i32>} : memref<3x8x4096xf32, #tpu.memory_space<vmem>>, vector<16xf32>,
        %add3A_2039 = arith.addf %scan3A_1947, %get3A_2038 : vector<16xf32>
        %mul3A_2040 = arith.mulf %get3A_2038, %get3A_2038 : vector<16xf32>
        %add3A_2041 = arith.addf %scan3A_1955, %mul3A_2040 : vector<16xf32>
        %max3A_2042 = arith.maximumf %scan3A_1963, %get3A_2038 : vector<16xf32>
        %add3A_2043 = arith.constant 112 : i32
        %add3A_2044 = arith.addi %mul3A_1966, %add3A_2043 : i32
        %get3A_2045 = arith.constant 5 : i32
        %get3A_2046 = arith.index_cast %rem3A_85 : i32 to index
        %get3A_2047 = arith.index_cast %get3A_2045 : i32 to index
        %get3A_2048 = arith.index_cast %add3A_2044 : i32 to index
        %get3A_2049 = tpu.vector_load %arg5[%get3A_2046, %get3A_2047, %get3A_2048] {strides = array<i32>} : memref<3x8x4096xf32, #tpu.memory_space<vmem>>, vector<16xf32>,
        %add3A_2050 = arith.addf %scan3A_1948, %get3A_2049 : vector<16xf32>
        %mul3A_2051 = arith.mulf %get3A_2049, %get3A_2049 : vector<16xf32>
        %add3A_2052 = arith.addf %scan3A_1956, %mul3A_2051 : vector<16xf32>
        %max3A_2053 = arith.maximumf %scan3A_1964, %get3A_2049 : vector<16xf32>
        scf.yield %add3A_1973, %add3A_1984, %add3A_1995, %add3A_2006, %add3A_2017, %add3A_2028, %add3A_2039, %add3A_2050, %add3A_1975, %add3A_1986, %add3A_1997, %add3A_2008, %add3A_2019, %add3A_2030, %add3A_2041, %add3A_2052, %max3A_1976, %max3A_1987, %max3A_1998, %max3A_2009, %max3A_2020, %max3A_2031, %max3A_2042, %max3A_2053 : vector<16xf32>, vector<16xf32>, vector<16xf32>, vector<16xf32>, vector<16xf32>, vector<16xf32>, vector<16xf32>, vector<16xf32>, vector<16xf32>, vector<16xf32>, vector<16xf32>, vector<16xf32>, vector<16xf32>, vector<16xf32>, vector<16xf32>, vector<16xf32>, vector<16xf32>, vector<16xf32>, vector<16xf32>, vector<16xf32>, vector<16xf32>, vector<16xf32>, vector<16xf32>, vector<16xf32>
      }
      %scan3A_610 = arith.constant 32 : i32
      %add3A_611 = arith.addf %scan3A_609#0, %scan3A_609#1 : vector<16xf32>
      %add3A_612 = arith.addf %scan3A_609#8, %scan3A_609#9 : vector<16xf32>
      %max3A_613 = arith.maximumf %scan3A_609#16, %scan3A_609#17 : vector<16xf32>
      %add3A_614 = arith.addf %add3A_611, %scan3A_609#2 : vector<16xf32>
      %add3A_615 = arith.addf %add3A_612, %scan3A_609#10 : vector<16xf32>
      %max3A_616 = arith.maximumf %max3A_613, %scan3A_609#18 : vector<16xf32>
      %add3A_617 = arith.addf %add3A_614, %scan3A_609#3 : vector<16xf32>
      %add3A_618 = arith.addf %add3A_615, %scan3A_609#11 : vector<16xf32>
      %max3A_619 = arith.maximumf %max3A_616, %scan3A_609#19 : vector<16xf32>
      %add3A_620 = arith.addf %add3A_617, %scan3A_609#4 : vector<16xf32>
      %add3A_621 = arith.addf %add3A_618, %scan3A_609#12 : vector<16xf32>
      %max3A_622 = arith.maximumf %max3A_619, %scan3A_609#20 : vector<16xf32>
      %add3A_623 = arith.addf %add3A_620, %scan3A_609#5 : vector<16xf32>
      %add3A_624 = arith.addf %add3A_621, %scan3A_609#13 : vector<16xf32>
      %max3A_625 = arith.maximumf %max3A_622, %scan3A_609#21 : vector<16xf32>
      %add3A_626 = arith.addf %add3A_623, %scan3A_609#6 : vector<16xf32>
      %add3A_627 = arith.addf %add3A_624, %scan3A_609#14 : vector<16xf32>
      %max3A_628 = arith.maximumf %max3A_625, %scan3A_609#22 : vector<16xf32>
      %add3A_629 = arith.addf %add3A_626, %scan3A_609#7 : vector<16xf32>
      %add3A_630 = arith.addf %add3A_627, %scan3A_609#15 : vector<16xf32>
      %max3A_631 = arith.maximumf %max3A_628, %scan3A_609#23 : vector<16xf32>
      %swap3A_632 = arith.constant 208 : index
      %swap3A_633 = tpu.vector_load %arg8[%swap3A_632] {strides = array<i32>} : memref<768xf32, #tpu.memory_space<vmem>>, vector<16xf32>,
      tpu.vector_store %arg8[%swap3A_632], %add3A_629 {strides = array<i32>} : memref<768xf32, #tpu.memory_space<vmem>>, vector<16xf32>,
      %swap3A_634 = arith.constant 464 : index
      %swap3A_635 = tpu.vector_load %arg8[%swap3A_634] {strides = array<i32>} : memref<768xf32, #tpu.memory_space<vmem>>, vector<16xf32>,
      tpu.vector_store %arg8[%swap3A_634], %add3A_630 {strides = array<i32>} : memref<768xf32, #tpu.memory_space<vmem>>, vector<16xf32>,
      %swap3A_636 = arith.constant 720 : index
      %swap3A_637 = tpu.vector_load %arg8[%swap3A_636] {strides = array<i32>} : memref<768xf32, #tpu.memory_space<vmem>>, vector<16xf32>,
      tpu.vector_store %arg8[%swap3A_636], %max3A_631 {strides = array<i32>} : memref<768xf32, #tpu.memory_space<vmem>>, vector<16xf32>,
      %broadcast_in_dim3A_638 = arith.constant 0.000000e+00 : f32
      %broadcast_in_dim3A_639 = vector.broadcast %broadcast_in_dim3A_638 : f32 to vector<16xf32>
      %broadcast_in_dim3A_640 = arith.constant 0xFF800000 : f32
      %broadcast_in_dim3A_641 = vector.broadcast %broadcast_in_dim3A_640 : f32 to vector<16xf32>
      %scan3A_642 = arith.constant 0 : i32
      %scan3A_643 = arith.constant 32 : i32
      %scan3A_644 = arith.addi %scan3A_642, %scan3A_643 : i32
      %scan3A_645 = arith.constant 1 : i32
      %scan3A_646:24 = scf.for %scan3A_1940 = %scan3A_642 to %scan3A_644 step %scan3A_645 iter_args(%scan3A_1941 = %broadcast_in_dim3A_639, %scan3A_1942 = %broadcast_in_dim3A_639, %scan3A_1943 = %broadcast_in_dim3A_639, %scan3A_1944 = %broadcast_in_dim3A_639, %scan3A_1945 = %broadcast_in_dim3A_639, %scan3A_1946 = %broadcast_in_dim3A_639, %scan3A_1947 = %broadcast_in_dim3A_639, %scan3A_1948 = %broadcast_in_dim3A_639, %scan3A_1949 = %broadcast_in_dim3A_639, %scan3A_1950 = %broadcast_in_dim3A_639, %scan3A_1951 = %broadcast_in_dim3A_639, %scan3A_1952 = %broadcast_in_dim3A_639, %scan3A_1953 = %broadcast_in_dim3A_639, %scan3A_1954 = %broadcast_in_dim3A_639, %scan3A_1955 = %broadcast_in_dim3A_639, %scan3A_1956 = %broadcast_in_dim3A_639, %scan3A_1957 = %broadcast_in_dim3A_641, %scan3A_1958 = %broadcast_in_dim3A_641, %scan3A_1959 = %broadcast_in_dim3A_641, %scan3A_1960 = %broadcast_in_dim3A_641, %scan3A_1961 = %broadcast_in_dim3A_641, %scan3A_1962 = %broadcast_in_dim3A_641, %scan3A_1963 = %broadcast_in_dim3A_641, %scan3A_1964 = %broadcast_in_dim3A_641) -> (vector<16xf32>, vector<16xf32>, vector<16xf32>, vector<16xf32>, vector<16xf32>, vector<16xf32>, vector<16xf32>, vector<16xf32>, vector<16xf32>, vector<16xf32>, vector<16xf32>, vector<16xf32>, vector<16xf32>, vector<16xf32>, vector<16xf32>, vector<16xf32>, vector<16xf32>, vector<16xf32>, vector<16xf32>, vector<16xf32>, vector<16xf32>, vector<16xf32>, vector<16xf32>, vector<16xf32>)  : i32 {
        %mul3A_1965 = arith.constant 128 : i32
        %mul3A_1966 = arith.muli %scan3A_1940, %mul3A_1965 : i32
        %add3A_1967 = arith.constant 0 : i32
        %add3A_1968 = arith.addi %mul3A_1966, %add3A_1967 : i32
        %get3A = arith.constant 6 : i32
        %get3A_1969 = arith.index_cast %rem3A_85 : i32 to index
        %get3A_1970 = arith.index_cast %get3A : i32 to index
        %get3A_1971 = arith.index_cast %add3A_1968 : i32 to index
        %get3A_1972 = tpu.vector_load %arg5[%get3A_1969, %get3A_1970, %get3A_1971] {strides = array<i32>} : memref<3x8x4096xf32, #tpu.memory_space<vmem>>, vector<16xf32>,
        %add3A_1973 = arith.addf %scan3A_1941, %get3A_1972 : vector<16xf32>
        %mul3A_1974 = arith.mulf %get3A_1972, %get3A_1972 : vector<16xf32>
        %add3A_1975 = arith.addf %scan3A_1949, %mul3A_1974 : vector<16xf32>
        %max3A_1976 = arith.maximumf %scan3A_1957, %get3A_1972 : vector<16xf32>
        %add3A_1977 = arith.constant 16 : i32
        %add3A_1978 = arith.addi %mul3A_1966, %add3A_1977 : i32
        %get3A_1979 = arith.constant 6 : i32
        %get3A_1980 = arith.index_cast %rem3A_85 : i32 to index
        %get3A_1981 = arith.index_cast %get3A_1979 : i32 to index
        %get3A_1982 = arith.index_cast %add3A_1978 : i32 to index
        %get3A_1983 = tpu.vector_load %arg5[%get3A_1980, %get3A_1981, %get3A_1982] {strides = array<i32>} : memref<3x8x4096xf32, #tpu.memory_space<vmem>>, vector<16xf32>,
        %add3A_1984 = arith.addf %scan3A_1942, %get3A_1983 : vector<16xf32>
        %mul3A_1985 = arith.mulf %get3A_1983, %get3A_1983 : vector<16xf32>
        %add3A_1986 = arith.addf %scan3A_1950, %mul3A_1985 : vector<16xf32>
        %max3A_1987 = arith.maximumf %scan3A_1958, %get3A_1983 : vector<16xf32>
        %add3A_1988 = arith.constant 32 : i32
        %add3A_1989 = arith.addi %mul3A_1966, %add3A_1988 : i32
        %get3A_1990 = arith.constant 6 : i32
        %get3A_1991 = arith.index_cast %rem3A_85 : i32 to index
        %get3A_1992 = arith.index_cast %get3A_1990 : i32 to index
        %get3A_1993 = arith.index_cast %add3A_1989 : i32 to index
        %get3A_1994 = tpu.vector_load %arg5[%get3A_1991, %get3A_1992, %get3A_1993] {strides = array<i32>} : memref<3x8x4096xf32, #tpu.memory_space<vmem>>, vector<16xf32>,
        %add3A_1995 = arith.addf %scan3A_1943, %get3A_1994 : vector<16xf32>
        %mul3A_1996 = arith.mulf %get3A_1994, %get3A_1994 : vector<16xf32>
        %add3A_1997 = arith.addf %scan3A_1951, %mul3A_1996 : vector<16xf32>
        %max3A_1998 = arith.maximumf %scan3A_1959, %get3A_1994 : vector<16xf32>
        %add3A_1999 = arith.constant 48 : i32
        %add3A_2000 = arith.addi %mul3A_1966, %add3A_1999 : i32
        %get3A_2001 = arith.constant 6 : i32
        %get3A_2002 = arith.index_cast %rem3A_85 : i32 to index
        %get3A_2003 = arith.index_cast %get3A_2001 : i32 to index
        %get3A_2004 = arith.index_cast %add3A_2000 : i32 to index
        %get3A_2005 = tpu.vector_load %arg5[%get3A_2002, %get3A_2003, %get3A_2004] {strides = array<i32>} : memref<3x8x4096xf32, #tpu.memory_space<vmem>>, vector<16xf32>,
        %add3A_2006 = arith.addf %scan3A_1944, %get3A_2005 : vector<16xf32>
        %mul3A_2007 = arith.mulf %get3A_2005, %get3A_2005 : vector<16xf32>
        %add3A_2008 = arith.addf %scan3A_1952, %mul3A_2007 : vector<16xf32>
        %max3A_2009 = arith.maximumf %scan3A_1960, %get3A_2005 : vector<16xf32>
        %add3A_2010 = arith.constant 64 : i32
        %add3A_2011 = arith.addi %mul3A_1966, %add3A_2010 : i32
        %get3A_2012 = arith.constant 6 : i32
        %get3A_2013 = arith.index_cast %rem3A_85 : i32 to index
        %get3A_2014 = arith.index_cast %get3A_2012 : i32 to index
        %get3A_2015 = arith.index_cast %add3A_2011 : i32 to index
        %get3A_2016 = tpu.vector_load %arg5[%get3A_2013, %get3A_2014, %get3A_2015] {strides = array<i32>} : memref<3x8x4096xf32, #tpu.memory_space<vmem>>, vector<16xf32>,
        %add3A_2017 = arith.addf %scan3A_1945, %get3A_2016 : vector<16xf32>
        %mul3A_2018 = arith.mulf %get3A_2016, %get3A_2016 : vector<16xf32>
        %add3A_2019 = arith.addf %scan3A_1953, %mul3A_2018 : vector<16xf32>
        %max3A_2020 = arith.maximumf %scan3A_1961, %get3A_2016 : vector<16xf32>
        %add3A_2021 = arith.constant 80 : i32
        %add3A_2022 = arith.addi %mul3A_1966, %add3A_2021 : i32
        %get3A_2023 = arith.constant 6 : i32
        %get3A_2024 = arith.index_cast %rem3A_85 : i32 to index
        %get3A_2025 = arith.index_cast %get3A_2023 : i32 to index
        %get3A_2026 = arith.index_cast %add3A_2022 : i32 to index
        %get3A_2027 = tpu.vector_load %arg5[%get3A_2024, %get3A_2025, %get3A_2026] {strides = array<i32>} : memref<3x8x4096xf32, #tpu.memory_space<vmem>>, vector<16xf32>,
        %add3A_2028 = arith.addf %scan3A_1946, %get3A_2027 : vector<16xf32>
        %mul3A_2029 = arith.mulf %get3A_2027, %get3A_2027 : vector<16xf32>
        %add3A_2030 = arith.addf %scan3A_1954, %mul3A_2029 : vector<16xf32>
        %max3A_2031 = arith.maximumf %scan3A_1962, %get3A_2027 : vector<16xf32>
        %add3A_2032 = arith.constant 96 : i32
        %add3A_2033 = arith.addi %mul3A_1966, %add3A_2032 : i32
        %get3A_2034 = arith.constant 6 : i32
        %get3A_2035 = arith.index_cast %rem3A_85 : i32 to index
        %get3A_2036 = arith.index_cast %get3A_2034 : i32 to index
        %get3A_2037 = arith.index_cast %add3A_2033 : i32 to index
        %get3A_2038 = tpu.vector_load %arg5[%get3A_2035, %get3A_2036, %get3A_2037] {strides = array<i32>} : memref<3x8x4096xf32, #tpu.memory_space<vmem>>, vector<16xf32>,
        %add3A_2039 = arith.addf %scan3A_1947, %get3A_2038 : vector<16xf32>
        %mul3A_2040 = arith.mulf %get3A_2038, %get3A_2038 : vector<16xf32>
        %add3A_2041 = arith.addf %scan3A_1955, %mul3A_2040 : vector<16xf32>
        %max3A_2042 = arith.maximumf %scan3A_1963, %get3A_2038 : vector<16xf32>
        %add3A_2043 = arith.constant 112 : i32
        %add3A_2044 = arith.addi %mul3A_1966, %add3A_2043 : i32
        %get3A_2045 = arith.constant 6 : i32
        %get3A_2046 = arith.index_cast %rem3A_85 : i32 to index
        %get3A_2047 = arith.index_cast %get3A_2045 : i32 to index
        %get3A_2048 = arith.index_cast %add3A_2044 : i32 to index
        %get3A_2049 = tpu.vector_load %arg5[%get3A_2046, %get3A_2047, %get3A_2048] {strides = array<i32>} : memref<3x8x4096xf32, #tpu.memory_space<vmem>>, vector<16xf32>,
        %add3A_2050 = arith.addf %scan3A_1948, %get3A_2049 : vector<16xf32>
        %mul3A_2051 = arith.mulf %get3A_2049, %get3A_2049 : vector<16xf32>
        %add3A_2052 = arith.addf %scan3A_1956, %mul3A_2051 : vector<16xf32>
        %max3A_2053 = arith.maximumf %scan3A_1964, %get3A_2049 : vector<16xf32>
        scf.yield %add3A_1973, %add3A_1984, %add3A_1995, %add3A_2006, %add3A_2017, %add3A_2028, %add3A_2039, %add3A_2050, %add3A_1975, %add3A_1986, %add3A_1997, %add3A_2008, %add3A_2019, %add3A_2030, %add3A_2041, %add3A_2052, %max3A_1976, %max3A_1987, %max3A_1998, %max3A_2009, %max3A_2020, %max3A_2031, %max3A_2042, %max3A_2053 : vector<16xf32>, vector<16xf32>, vector<16xf32>, vector<16xf32>, vector<16xf32>, vector<16xf32>, vector<16xf32>, vector<16xf32>, vector<16xf32>, vector<16xf32>, vector<16xf32>, vector<16xf32>, vector<16xf32>, vector<16xf32>, vector<16xf32>, vector<16xf32>, vector<16xf32>, vector<16xf32>, vector<16xf32>, vector<16xf32>, vector<16xf32>, vector<16xf32>, vector<16xf32>, vector<16xf32>
      }
      %scan3A_647 = arith.constant 32 : i32
      %add3A_648 = arith.addf %scan3A_646#0, %scan3A_646#1 : vector<16xf32>
      %add3A_649 = arith.addf %scan3A_646#8, %scan3A_646#9 : vector<16xf32>
      %max3A_650 = arith.maximumf %scan3A_646#16, %scan3A_646#17 : vector<16xf32>
      %add3A_651 = arith.addf %add3A_648, %scan3A_646#2 : vector<16xf32>
      %add3A_652 = arith.addf %add3A_649, %scan3A_646#10 : vector<16xf32>
      %max3A_653 = arith.maximumf %max3A_650, %scan3A_646#18 : vector<16xf32>
      %add3A_654 = arith.addf %add3A_651, %scan3A_646#3 : vector<16xf32>
      %add3A_655 = arith.addf %add3A_652, %scan3A_646#11 : vector<16xf32>
      %max3A_656 = arith.maximumf %max3A_653, %scan3A_646#19 : vector<16xf32>
      %add3A_657 = arith.addf %add3A_654, %scan3A_646#4 : vector<16xf32>
      %add3A_658 = arith.addf %add3A_655, %scan3A_646#12 : vector<16xf32>
      %max3A_659 = arith.maximumf %max3A_656, %scan3A_646#20 : vector<16xf32>
      %add3A_660 = arith.addf %add3A_657, %scan3A_646#5 : vector<16xf32>
      %add3A_661 = arith.addf %add3A_658, %scan3A_646#13 : vector<16xf32>
      %max3A_662 = arith.maximumf %max3A_659, %scan3A_646#21 : vector<16xf32>
      %add3A_663 = arith.addf %add3A_660, %scan3A_646#6 : vector<16xf32>
      %add3A_664 = arith.addf %add3A_661, %scan3A_646#14 : vector<16xf32>
      %max3A_665 = arith.maximumf %max3A_662, %scan3A_646#22 : vector<16xf32>
      %add3A_666 = arith.addf %add3A_663, %scan3A_646#7 : vector<16xf32>
      %add3A_667 = arith.addf %add3A_664, %scan3A_646#15 : vector<16xf32>
      %max3A_668 = arith.maximumf %max3A_665, %scan3A_646#23 : vector<16xf32>
      %swap3A_669 = arith.constant 224 : index
      %swap3A_670 = tpu.vector_load %arg8[%swap3A_669] {strides = array<i32>} : memref<768xf32, #tpu.memory_space<vmem>>, vector<16xf32>,
      tpu.vector_store %arg8[%swap3A_669], %add3A_666 {strides = array<i32>} : memref<768xf32, #tpu.memory_space<vmem>>, vector<16xf32>,
      %swap3A_671 = arith.constant 480 : index
      %swap3A_672 = tpu.vector_load %arg8[%swap3A_671] {strides = array<i32>} : memref<768xf32, #tpu.memory_space<vmem>>, vector<16xf32>,
      tpu.vector_store %arg8[%swap3A_671], %add3A_667 {strides = array<i32>} : memref<768xf32, #tpu.memory_space<vmem>>, vector<16xf32>,
      %swap3A_673 = arith.constant 736 : index
      %swap3A_674 = tpu.vector_load %arg8[%swap3A_673] {strides = array<i32>} : memref<768xf32, #tpu.memory_space<vmem>>, vector<16xf32>,
      tpu.vector_store %arg8[%swap3A_673], %max3A_668 {strides = array<i32>} : memref<768xf32, #tpu.memory_space<vmem>>, vector<16xf32>,
      %broadcast_in_dim3A_675 = arith.constant 0.000000e+00 : f32
      %broadcast_in_dim3A_676 = vector.broadcast %broadcast_in_dim3A_675 : f32 to vector<16xf32>
      %broadcast_in_dim3A_677 = arith.constant 0xFF800000 : f32
      %broadcast_in_dim3A_678 = vector.broadcast %broadcast_in_dim3A_677 : f32 to vector<16xf32>
      %scan3A_679 = arith.constant 0 : i32
      %scan3A_680 = arith.constant 32 : i32
      %scan3A_681 = arith.addi %scan3A_679, %scan3A_680 : i32
      %scan3A_682 = arith.constant 1 : i32
      %scan3A_683:24 = scf.for %scan3A_1940 = %scan3A_679 to %scan3A_681 step %scan3A_682 iter_args(%scan3A_1941 = %broadcast_in_dim3A_676, %scan3A_1942 = %broadcast_in_dim3A_676, %scan3A_1943 = %broadcast_in_dim3A_676, %scan3A_1944 = %broadcast_in_dim3A_676, %scan3A_1945 = %broadcast_in_dim3A_676, %scan3A_1946 = %broadcast_in_dim3A_676, %scan3A_1947 = %broadcast_in_dim3A_676, %scan3A_1948 = %broadcast_in_dim3A_676, %scan3A_1949 = %broadcast_in_dim3A_676, %scan3A_1950 = %broadcast_in_dim3A_676, %scan3A_1951 = %broadcast_in_dim3A_676, %scan3A_1952 = %broadcast_in_dim3A_676, %scan3A_1953 = %broadcast_in_dim3A_676, %scan3A_1954 = %broadcast_in_dim3A_676, %scan3A_1955 = %broadcast_in_dim3A_676, %scan3A_1956 = %broadcast_in_dim3A_676, %scan3A_1957 = %broadcast_in_dim3A_678, %scan3A_1958 = %broadcast_in_dim3A_678, %scan3A_1959 = %broadcast_in_dim3A_678, %scan3A_1960 = %broadcast_in_dim3A_678, %scan3A_1961 = %broadcast_in_dim3A_678, %scan3A_1962 = %broadcast_in_dim3A_678, %scan3A_1963 = %broadcast_in_dim3A_678, %scan3A_1964 = %broadcast_in_dim3A_678) -> (vector<16xf32>, vector<16xf32>, vector<16xf32>, vector<16xf32>, vector<16xf32>, vector<16xf32>, vector<16xf32>, vector<16xf32>, vector<16xf32>, vector<16xf32>, vector<16xf32>, vector<16xf32>, vector<16xf32>, vector<16xf32>, vector<16xf32>, vector<16xf32>, vector<16xf32>, vector<16xf32>, vector<16xf32>, vector<16xf32>, vector<16xf32>, vector<16xf32>, vector<16xf32>, vector<16xf32>)  : i32 {
        %mul3A_1965 = arith.constant 128 : i32
        %mul3A_1966 = arith.muli %scan3A_1940, %mul3A_1965 : i32
        %add3A_1967 = arith.constant 0 : i32
        %add3A_1968 = arith.addi %mul3A_1966, %add3A_1967 : i32
        %get3A = arith.constant 7 : i32
        %get3A_1969 = arith.index_cast %rem3A_85 : i32 to index
        %get3A_1970 = arith.index_cast %get3A : i32 to index
        %get3A_1971 = arith.index_cast %add3A_1968 : i32 to index
        %get3A_1972 = tpu.vector_load %arg5[%get3A_1969, %get3A_1970, %get3A_1971] {strides = array<i32>} : memref<3x8x4096xf32, #tpu.memory_space<vmem>>, vector<16xf32>,
        %add3A_1973 = arith.addf %scan3A_1941, %get3A_1972 : vector<16xf32>
        %mul3A_1974 = arith.mulf %get3A_1972, %get3A_1972 : vector<16xf32>
        %add3A_1975 = arith.addf %scan3A_1949, %mul3A_1974 : vector<16xf32>
        %max3A_1976 = arith.maximumf %scan3A_1957, %get3A_1972 : vector<16xf32>
        %add3A_1977 = arith.constant 16 : i32
        %add3A_1978 = arith.addi %mul3A_1966, %add3A_1977 : i32
        %get3A_1979 = arith.constant 7 : i32
        %get3A_1980 = arith.index_cast %rem3A_85 : i32 to index
        %get3A_1981 = arith.index_cast %get3A_1979 : i32 to index
        %get3A_1982 = arith.index_cast %add3A_1978 : i32 to index
        %get3A_1983 = tpu.vector_load %arg5[%get3A_1980, %get3A_1981, %get3A_1982] {strides = array<i32>} : memref<3x8x4096xf32, #tpu.memory_space<vmem>>, vector<16xf32>,
        %add3A_1984 = arith.addf %scan3A_1942, %get3A_1983 : vector<16xf32>
        %mul3A_1985 = arith.mulf %get3A_1983, %get3A_1983 : vector<16xf32>
        %add3A_1986 = arith.addf %scan3A_1950, %mul3A_1985 : vector<16xf32>
        %max3A_1987 = arith.maximumf %scan3A_1958, %get3A_1983 : vector<16xf32>
        %add3A_1988 = arith.constant 32 : i32
        %add3A_1989 = arith.addi %mul3A_1966, %add3A_1988 : i32
        %get3A_1990 = arith.constant 7 : i32
        %get3A_1991 = arith.index_cast %rem3A_85 : i32 to index
        %get3A_1992 = arith.index_cast %get3A_1990 : i32 to index
        %get3A_1993 = arith.index_cast %add3A_1989 : i32 to index
        %get3A_1994 = tpu.vector_load %arg5[%get3A_1991, %get3A_1992, %get3A_1993] {strides = array<i32>} : memref<3x8x4096xf32, #tpu.memory_space<vmem>>, vector<16xf32>,
        %add3A_1995 = arith.addf %scan3A_1943, %get3A_1994 : vector<16xf32>
        %mul3A_1996 = arith.mulf %get3A_1994, %get3A_1994 : vector<16xf32>
        %add3A_1997 = arith.addf %scan3A_1951, %mul3A_1996 : vector<16xf32>
        %max3A_1998 = arith.maximumf %scan3A_1959, %get3A_1994 : vector<16xf32>
        %add3A_1999 = arith.constant 48 : i32
        %add3A_2000 = arith.addi %mul3A_1966, %add3A_1999 : i32
        %get3A_2001 = arith.constant 7 : i32
        %get3A_2002 = arith.index_cast %rem3A_85 : i32 to index
        %get3A_2003 = arith.index_cast %get3A_2001 : i32 to index
        %get3A_2004 = arith.index_cast %add3A_2000 : i32 to index
        %get3A_2005 = tpu.vector_load %arg5[%get3A_2002, %get3A_2003, %get3A_2004] {strides = array<i32>} : memref<3x8x4096xf32, #tpu.memory_space<vmem>>, vector<16xf32>,
        %add3A_2006 = arith.addf %scan3A_1944, %get3A_2005 : vector<16xf32>
        %mul3A_2007 = arith.mulf %get3A_2005, %get3A_2005 : vector<16xf32>
        %add3A_2008 = arith.addf %scan3A_1952, %mul3A_2007 : vector<16xf32>
        %max3A_2009 = arith.maximumf %scan3A_1960, %get3A_2005 : vector<16xf32>
        %add3A_2010 = arith.constant 64 : i32
        %add3A_2011 = arith.addi %mul3A_1966, %add3A_2010 : i32
        %get3A_2012 = arith.constant 7 : i32
        %get3A_2013 = arith.index_cast %rem3A_85 : i32 to index
        %get3A_2014 = arith.index_cast %get3A_2012 : i32 to index
        %get3A_2015 = arith.index_cast %add3A_2011 : i32 to index
        %get3A_2016 = tpu.vector_load %arg5[%get3A_2013, %get3A_2014, %get3A_2015] {strides = array<i32>} : memref<3x8x4096xf32, #tpu.memory_space<vmem>>, vector<16xf32>,
        %add3A_2017 = arith.addf %scan3A_1945, %get3A_2016 : vector<16xf32>
        %mul3A_2018 = arith.mulf %get3A_2016, %get3A_2016 : vector<16xf32>
        %add3A_2019 = arith.addf %scan3A_1953, %mul3A_2018 : vector<16xf32>
        %max3A_2020 = arith.maximumf %scan3A_1961, %get3A_2016 : vector<16xf32>
        %add3A_2021 = arith.constant 80 : i32
        %add3A_2022 = arith.addi %mul3A_1966, %add3A_2021 : i32
        %get3A_2023 = arith.constant 7 : i32
        %get3A_2024 = arith.index_cast %rem3A_85 : i32 to index
        %get3A_2025 = arith.index_cast %get3A_2023 : i32 to index
        %get3A_2026 = arith.index_cast %add3A_2022 : i32 to index
        %get3A_2027 = tpu.vector_load %arg5[%get3A_2024, %get3A_2025, %get3A_2026] {strides = array<i32>} : memref<3x8x4096xf32, #tpu.memory_space<vmem>>, vector<16xf32>,
        %add3A_2028 = arith.addf %scan3A_1946, %get3A_2027 : vector<16xf32>
        %mul3A_2029 = arith.mulf %get3A_2027, %get3A_2027 : vector<16xf32>
        %add3A_2030 = arith.addf %scan3A_1954, %mul3A_2029 : vector<16xf32>
        %max3A_2031 = arith.maximumf %scan3A_1962, %get3A_2027 : vector<16xf32>
        %add3A_2032 = arith.constant 96 : i32
        %add3A_2033 = arith.addi %mul3A_1966, %add3A_2032 : i32
        %get3A_2034 = arith.constant 7 : i32
        %get3A_2035 = arith.index_cast %rem3A_85 : i32 to index
        %get3A_2036 = arith.index_cast %get3A_2034 : i32 to index
        %get3A_2037 = arith.index_cast %add3A_2033 : i32 to index
        %get3A_2038 = tpu.vector_load %arg5[%get3A_2035, %get3A_2036, %get3A_2037] {strides = array<i32>} : memref<3x8x4096xf32, #tpu.memory_space<vmem>>, vector<16xf32>,
        %add3A_2039 = arith.addf %scan3A_1947, %get3A_2038 : vector<16xf32>
        %mul3A_2040 = arith.mulf %get3A_2038, %get3A_2038 : vector<16xf32>
        %add3A_2041 = arith.addf %scan3A_1955, %mul3A_2040 : vector<16xf32>
        %max3A_2042 = arith.maximumf %scan3A_1963, %get3A_2038 : vector<16xf32>
        %add3A_2043 = arith.constant 112 : i32
        %add3A_2044 = arith.addi %mul3A_1966, %add3A_2043 : i32
        %get3A_2045 = arith.constant 7 : i32
        %get3A_2046 = arith.index_cast %rem3A_85 : i32 to index
        %get3A_2047 = arith.index_cast %get3A_2045 : i32 to index
        %get3A_2048 = arith.index_cast %add3A_2044 : i32 to index
        %get3A_2049 = tpu.vector_load %arg5[%get3A_2046, %get3A_2047, %get3A_2048] {strides = array<i32>} : memref<3x8x4096xf32, #tpu.memory_space<vmem>>, vector<16xf32>,
        %add3A_2050 = arith.addf %scan3A_1948, %get3A_2049 : vector<16xf32>
        %mul3A_2051 = arith.mulf %get3A_2049, %get3A_2049 : vector<16xf32>
        %add3A_2052 = arith.addf %scan3A_1956, %mul3A_2051 : vector<16xf32>
        %max3A_2053 = arith.maximumf %scan3A_1964, %get3A_2049 : vector<16xf32>
        scf.yield %add3A_1973, %add3A_1984, %add3A_1995, %add3A_2006, %add3A_2017, %add3A_2028, %add3A_2039, %add3A_2050, %add3A_1975, %add3A_1986, %add3A_1997, %add3A_2008, %add3A_2019, %add3A_2030, %add3A_2041, %add3A_2052, %max3A_1976, %max3A_1987, %max3A_1998, %max3A_2009, %max3A_2020, %max3A_2031, %max3A_2042, %max3A_2053 : vector<16xf32>, vector<16xf32>, vector<16xf32>, vector<16xf32>, vector<16xf32>, vector<16xf32>, vector<16xf32>, vector<16xf32>, vector<16xf32>, vector<16xf32>, vector<16xf32>, vector<16xf32>, vector<16xf32>, vector<16xf32>, vector<16xf32>, vector<16xf32>, vector<16xf32>, vector<16xf32>, vector<16xf32>, vector<16xf32>, vector<16xf32>, vector<16xf32>, vector<16xf32>, vector<16xf32>
      }
      %scan3A_684 = arith.constant 32 : i32
      %add3A_685 = arith.addf %scan3A_683#0, %scan3A_683#1 : vector<16xf32>
      %add3A_686 = arith.addf %scan3A_683#8, %scan3A_683#9 : vector<16xf32>
      %max3A_687 = arith.maximumf %scan3A_683#16, %scan3A_683#17 : vector<16xf32>
      %add3A_688 = arith.addf %add3A_685, %scan3A_683#2 : vector<16xf32>
      %add3A_689 = arith.addf %add3A_686, %scan3A_683#10 : vector<16xf32>
      %max3A_690 = arith.maximumf %max3A_687, %scan3A_683#18 : vector<16xf32>
      %add3A_691 = arith.addf %add3A_688, %scan3A_683#3 : vector<16xf32>
      %add3A_692 = arith.addf %add3A_689, %scan3A_683#11 : vector<16xf32>
      %max3A_693 = arith.maximumf %max3A_690, %scan3A_683#19 : vector<16xf32>
      %add3A_694 = arith.addf %add3A_691, %scan3A_683#4 : vector<16xf32>
      %add3A_695 = arith.addf %add3A_692, %scan3A_683#12 : vector<16xf32>
      %max3A_696 = arith.maximumf %max3A_693, %scan3A_683#20 : vector<16xf32>
      %add3A_697 = arith.addf %add3A_694, %scan3A_683#5 : vector<16xf32>
      %add3A_698 = arith.addf %add3A_695, %scan3A_683#13 : vector<16xf32>
      %max3A_699 = arith.maximumf %max3A_696, %scan3A_683#21 : vector<16xf32>
      %add3A_700 = arith.addf %add3A_697, %scan3A_683#6 : vector<16xf32>
      %add3A_701 = arith.addf %add3A_698, %scan3A_683#14 : vector<16xf32>
      %max3A_702 = arith.maximumf %max3A_699, %scan3A_683#22 : vector<16xf32>
      %add3A_703 = arith.addf %add3A_700, %scan3A_683#7 : vector<16xf32>
      %add3A_704 = arith.addf %add3A_701, %scan3A_683#15 : vector<16xf32>
      %max3A_705 = arith.maximumf %max3A_702, %scan3A_683#23 : vector<16xf32>
      %swap3A_706 = arith.constant 240 : index
      %swap3A_707 = tpu.vector_load %arg8[%swap3A_706] {strides = array<i32>} : memref<768xf32, #tpu.memory_space<vmem>>, vector<16xf32>,
      tpu.vector_store %arg8[%swap3A_706], %add3A_703 {strides = array<i32>} : memref<768xf32, #tpu.memory_space<vmem>>, vector<16xf32>,
      %swap3A_708 = arith.constant 496 : index
      %swap3A_709 = tpu.vector_load %arg8[%swap3A_708] {strides = array<i32>} : memref<768xf32, #tpu.memory_space<vmem>>, vector<16xf32>,
      tpu.vector_store %arg8[%swap3A_708], %add3A_704 {strides = array<i32>} : memref<768xf32, #tpu.memory_space<vmem>>, vector<16xf32>,
      %swap3A_710 = arith.constant 752 : index
      %swap3A_711 = tpu.vector_load %arg8[%swap3A_710] {strides = array<i32>} : memref<768xf32, #tpu.memory_space<vmem>>, vector<16xf32>,
      tpu.vector_store %arg8[%swap3A_710], %max3A_705 {strides = array<i32>} : memref<768xf32, #tpu.memory_space<vmem>>, vector<16xf32>,
      %mul3A_712 = arith.constant 16 : i32
      %mul3A_713 = vector.broadcast %mul3A_712 : i32 to vector<16xi32>
      %mul3A_714 = arith.muli %iota3A, %mul3A_713 : vector<16xi32>
      %gather3A = tpu.vector_load_idx %arg8[%mul3A_714] : memref<768xf32, #tpu.memory_space<vmem>>[vector<16xi32>], vector<16xf32>,
      %add3A_715 = arith.constant 256 : i32
      %add3A_716 = vector.broadcast %add3A_715 : i32 to vector<16xi32>
      %add3A_717 = arith.addi %mul3A_714, %add3A_716 : vector<16xi32>
      %gather3A_718 = tpu.vector_load_idx %arg8[%add3A_717] : memref<768xf32, #tpu.memory_space<vmem>>[vector<16xi32>], vector<16xf32>,
      %add3A_719 = arith.constant 512 : i32
      %add3A_720 = vector.broadcast %add3A_719 : i32 to vector<16xi32>
      %add3A_721 = arith.addi %mul3A_714, %add3A_720 : vector<16xi32>
      %gather3A_722 = tpu.vector_load_idx %arg8[%add3A_721] : memref<768xf32, #tpu.memory_space<vmem>>[vector<16xi32>], vector<16xf32>,
      %add3A_723 = arith.constant 1 : i32
      %add3A_724 = vector.broadcast %add3A_723 : i32 to vector<16xi32>
      %add3A_725 = arith.addi %mul3A_714, %add3A_724 : vector<16xi32>
      %gather3A_726 = tpu.vector_load_idx %arg8[%add3A_725] : memref<768xf32, #tpu.memory_space<vmem>>[vector<16xi32>], vector<16xf32>,
      %add3A_727 = arith.addf %gather3A, %gather3A_726 : vector<16xf32>
      %add3A_728 = arith.constant 256 : i32
      %add3A_729 = vector.broadcast %add3A_728 : i32 to vector<16xi32>
      %add3A_730 = arith.addi %mul3A_714, %add3A_729 : vector<16xi32>
      %add3A_731 = arith.constant 1 : i32
      %add3A_732 = vector.broadcast %add3A_731 : i32 to vector<16xi32>
      %add3A_733 = arith.addi %add3A_730, %add3A_732 : vector<16xi32>
      %gather3A_734 = tpu.vector_load_idx %arg8[%add3A_733] : memref<768xf32, #tpu.memory_space<vmem>>[vector<16xi32>], vector<16xf32>,
      %add3A_735 = arith.addf %gather3A_718, %gather3A_734 : vector<16xf32>
      %add3A_736 = arith.constant 512 : i32
      %add3A_737 = vector.broadcast %add3A_736 : i32 to vector<16xi32>
      %add3A_738 = arith.addi %mul3A_714, %add3A_737 : vector<16xi32>
      %add3A_739 = arith.constant 1 : i32
      %add3A_740 = vector.broadcast %add3A_739 : i32 to vector<16xi32>
      %add3A_741 = arith.addi %add3A_738, %add3A_740 : vector<16xi32>
      %gather3A_742 = tpu.vector_load_idx %arg8[%add3A_741] : memref<768xf32, #tpu.memory_space<vmem>>[vector<16xi32>], vector<16xf32>,
      %max3A_743 = arith.maximumf %gather3A_722, %gather3A_742 : vector<16xf32>
      %add3A_744 = arith.constant 2 : i32
      %add3A_745 = vector.broadcast %add3A_744 : i32 to vector<16xi32>
      %add3A_746 = arith.addi %mul3A_714, %add3A_745 : vector<16xi32>
      %gather3A_747 = tpu.vector_load_idx %arg8[%add3A_746] : memref<768xf32, #tpu.memory_space<vmem>>[vector<16xi32>], vector<16xf32>,
      %add3A_748 = arith.addf %add3A_727, %gather3A_747 : vector<16xf32>
      %add3A_749 = arith.constant 256 : i32
      %add3A_750 = vector.broadcast %add3A_749 : i32 to vector<16xi32>
      %add3A_751 = arith.addi %mul3A_714, %add3A_750 : vector<16xi32>
      %add3A_752 = arith.constant 2 : i32
      %add3A_753 = vector.broadcast %add3A_752 : i32 to vector<16xi32>
      %add3A_754 = arith.addi %add3A_751, %add3A_753 : vector<16xi32>
      %gather3A_755 = tpu.vector_load_idx %arg8[%add3A_754] : memref<768xf32, #tpu.memory_space<vmem>>[vector<16xi32>], vector<16xf32>,
      %add3A_756 = arith.addf %add3A_735, %gather3A_755 : vector<16xf32>
      %add3A_757 = arith.constant 512 : i32
      %add3A_758 = vector.broadcast %add3A_757 : i32 to vector<16xi32>
      %add3A_759 = arith.addi %mul3A_714, %add3A_758 : vector<16xi32>
      %add3A_760 = arith.constant 2 : i32
      %add3A_761 = vector.broadcast %add3A_760 : i32 to vector<16xi32>
      %add3A_762 = arith.addi %add3A_759, %add3A_761 : vector<16xi32>
      %gather3A_763 = tpu.vector_load_idx %arg8[%add3A_762] : memref<768xf32, #tpu.memory_space<vmem>>[vector<16xi32>], vector<16xf32>,
      %max3A_764 = arith.maximumf %max3A_743, %gather3A_763 : vector<16xf32>
      %add3A_765 = arith.constant 3 : i32
      %add3A_766 = vector.broadcast %add3A_765 : i32 to vector<16xi32>
      %add3A_767 = arith.addi %mul3A_714, %add3A_766 : vector<16xi32>
      %gather3A_768 = tpu.vector_load_idx %arg8[%add3A_767] : memref<768xf32, #tpu.memory_space<vmem>>[vector<16xi32>], vector<16xf32>,
      %add3A_769 = arith.addf %add3A_748, %gather3A_768 : vector<16xf32>
      %add3A_770 = arith.constant 256 : i32
      %add3A_771 = vector.broadcast %add3A_770 : i32 to vector<16xi32>
      %add3A_772 = arith.addi %mul3A_714, %add3A_771 : vector<16xi32>
      %add3A_773 = arith.constant 3 : i32
      %add3A_774 = vector.broadcast %add3A_773 : i32 to vector<16xi32>
      %add3A_775 = arith.addi %add3A_772, %add3A_774 : vector<16xi32>
      %gather3A_776 = tpu.vector_load_idx %arg8[%add3A_775] : memref<768xf32, #tpu.memory_space<vmem>>[vector<16xi32>], vector<16xf32>,
      %add3A_777 = arith.addf %add3A_756, %gather3A_776 : vector<16xf32>
      %add3A_778 = arith.constant 512 : i32
      %add3A_779 = vector.broadcast %add3A_778 : i32 to vector<16xi32>
      %add3A_780 = arith.addi %mul3A_714, %add3A_779 : vector<16xi32>
      %add3A_781 = arith.constant 3 : i32
      %add3A_782 = vector.broadcast %add3A_781 : i32 to vector<16xi32>
      %add3A_783 = arith.addi %add3A_780, %add3A_782 : vector<16xi32>
      %gather3A_784 = tpu.vector_load_idx %arg8[%add3A_783] : memref<768xf32, #tpu.memory_space<vmem>>[vector<16xi32>], vector<16xf32>,
      %max3A_785 = arith.maximumf %max3A_764, %gather3A_784 : vector<16xf32>
      %add3A_786 = arith.constant 4 : i32
      %add3A_787 = vector.broadcast %add3A_786 : i32 to vector<16xi32>
      %add3A_788 = arith.addi %mul3A_714, %add3A_787 : vector<16xi32>
      %gather3A_789 = tpu.vector_load_idx %arg8[%add3A_788] : memref<768xf32, #tpu.memory_space<vmem>>[vector<16xi32>], vector<16xf32>,
      %add3A_790 = arith.addf %add3A_769, %gather3A_789 : vector<16xf32>
      %add3A_791 = arith.constant 256 : i32
      %add3A_792 = vector.broadcast %add3A_791 : i32 to vector<16xi32>
      %add3A_793 = arith.addi %mul3A_714, %add3A_792 : vector<16xi32>
      %add3A_794 = arith.constant 4 : i32
      %add3A_795 = vector.broadcast %add3A_794 : i32 to vector<16xi32>
      %add3A_796 = arith.addi %add3A_793, %add3A_795 : vector<16xi32>
      %gather3A_797 = tpu.vector_load_idx %arg8[%add3A_796] : memref<768xf32, #tpu.memory_space<vmem>>[vector<16xi32>], vector<16xf32>,
      %add3A_798 = arith.addf %add3A_777, %gather3A_797 : vector<16xf32>
      %add3A_799 = arith.constant 512 : i32
      %add3A_800 = vector.broadcast %add3A_799 : i32 to vector<16xi32>
      %add3A_801 = arith.addi %mul3A_714, %add3A_800 : vector<16xi32>
      %add3A_802 = arith.constant 4 : i32
      %add3A_803 = vector.broadcast %add3A_802 : i32 to vector<16xi32>
      %add3A_804 = arith.addi %add3A_801, %add3A_803 : vector<16xi32>
      %gather3A_805 = tpu.vector_load_idx %arg8[%add3A_804] : memref<768xf32, #tpu.memory_space<vmem>>[vector<16xi32>], vector<16xf32>,
      %max3A_806 = arith.maximumf %max3A_785, %gather3A_805 : vector<16xf32>
      %add3A_807 = arith.constant 5 : i32
      %add3A_808 = vector.broadcast %add3A_807 : i32 to vector<16xi32>
      %add3A_809 = arith.addi %mul3A_714, %add3A_808 : vector<16xi32>
      %gather3A_810 = tpu.vector_load_idx %arg8[%add3A_809] : memref<768xf32, #tpu.memory_space<vmem>>[vector<16xi32>], vector<16xf32>,
      %add3A_811 = arith.addf %add3A_790, %gather3A_810 : vector<16xf32>
      %add3A_812 = arith.constant 256 : i32
      %add3A_813 = vector.broadcast %add3A_812 : i32 to vector<16xi32>
      %add3A_814 = arith.addi %mul3A_714, %add3A_813 : vector<16xi32>
      %add3A_815 = arith.constant 5 : i32
      %add3A_816 = vector.broadcast %add3A_815 : i32 to vector<16xi32>
      %add3A_817 = arith.addi %add3A_814, %add3A_816 : vector<16xi32>
      %gather3A_818 = tpu.vector_load_idx %arg8[%add3A_817] : memref<768xf32, #tpu.memory_space<vmem>>[vector<16xi32>], vector<16xf32>,
      %add3A_819 = arith.addf %add3A_798, %gather3A_818 : vector<16xf32>
      %add3A_820 = arith.constant 512 : i32
      %add3A_821 = vector.broadcast %add3A_820 : i32 to vector<16xi32>
      %add3A_822 = arith.addi %mul3A_714, %add3A_821 : vector<16xi32>
      %add3A_823 = arith.constant 5 : i32
      %add3A_824 = vector.broadcast %add3A_823 : i32 to vector<16xi32>
      %add3A_825 = arith.addi %add3A_822, %add3A_824 : vector<16xi32>
      %gather3A_826 = tpu.vector_load_idx %arg8[%add3A_825] : memref<768xf32, #tpu.memory_space<vmem>>[vector<16xi32>], vector<16xf32>,
      %max3A_827 = arith.maximumf %max3A_806, %gather3A_826 : vector<16xf32>
      %add3A_828 = arith.constant 6 : i32
      %add3A_829 = vector.broadcast %add3A_828 : i32 to vector<16xi32>
      %add3A_830 = arith.addi %mul3A_714, %add3A_829 : vector<16xi32>
      %gather3A_831 = tpu.vector_load_idx %arg8[%add3A_830] : memref<768xf32, #tpu.memory_space<vmem>>[vector<16xi32>], vector<16xf32>,
      %add3A_832 = arith.addf %add3A_811, %gather3A_831 : vector<16xf32>
      %add3A_833 = arith.constant 256 : i32
      %add3A_834 = vector.broadcast %add3A_833 : i32 to vector<16xi32>
      %add3A_835 = arith.addi %mul3A_714, %add3A_834 : vector<16xi32>
      %add3A_836 = arith.constant 6 : i32
      %add3A_837 = vector.broadcast %add3A_836 : i32 to vector<16xi32>
      %add3A_838 = arith.addi %add3A_835, %add3A_837 : vector<16xi32>
      %gather3A_839 = tpu.vector_load_idx %arg8[%add3A_838] : memref<768xf32, #tpu.memory_space<vmem>>[vector<16xi32>], vector<16xf32>,
      %add3A_840 = arith.addf %add3A_819, %gather3A_839 : vector<16xf32>
      %add3A_841 = arith.constant 512 : i32
      %add3A_842 = vector.broadcast %add3A_841 : i32 to vector<16xi32>
      %add3A_843 = arith.addi %mul3A_714, %add3A_842 : vector<16xi32>
      %add3A_844 = arith.constant 6 : i32
      %add3A_845 = vector.broadcast %add3A_844 : i32 to vector<16xi32>
      %add3A_846 = arith.addi %add3A_843, %add3A_845 : vector<16xi32>
      %gather3A_847 = tpu.vector_load_idx %arg8[%add3A_846] : memref<768xf32, #tpu.memory_space<vmem>>[vector<16xi32>], vector<16xf32>,
      %max3A_848 = arith.maximumf %max3A_827, %gather3A_847 : vector<16xf32>
      %add3A_849 = arith.constant 7 : i32
      %add3A_850 = vector.broadcast %add3A_849 : i32 to vector<16xi32>
      %add3A_851 = arith.addi %mul3A_714, %add3A_850 : vector<16xi32>
      %gather3A_852 = tpu.vector_load_idx %arg8[%add3A_851] : memref<768xf32, #tpu.memory_space<vmem>>[vector<16xi32>], vector<16xf32>,
      %add3A_853 = arith.addf %add3A_832, %gather3A_852 : vector<16xf32>
      %add3A_854 = arith.constant 256 : i32
      %add3A_855 = vector.broadcast %add3A_854 : i32 to vector<16xi32>
      %add3A_856 = arith.addi %mul3A_714, %add3A_855 : vector<16xi32>
      %add3A_857 = arith.constant 7 : i32
      %add3A_858 = vector.broadcast %add3A_857 : i32 to vector<16xi32>
      %add3A_859 = arith.addi %add3A_856, %add3A_858 : vector<16xi32>
      %gather3A_860 = tpu.vector_load_idx %arg8[%add3A_859] : memref<768xf32, #tpu.memory_space<vmem>>[vector<16xi32>], vector<16xf32>,
      %add3A_861 = arith.addf %add3A_840, %gather3A_860 : vector<16xf32>
      %add3A_862 = arith.constant 512 : i32
      %add3A_863 = vector.broadcast %add3A_862 : i32 to vector<16xi32>
      %add3A_864 = arith.addi %mul3A_714, %add3A_863 : vector<16xi32>
      %add3A_865 = arith.constant 7 : i32
      %add3A_866 = vector.broadcast %add3A_865 : i32 to vector<16xi32>
      %add3A_867 = arith.addi %add3A_864, %add3A_866 : vector<16xi32>
      %gather3A_868 = tpu.vector_load_idx %arg8[%add3A_867] : memref<768xf32, #tpu.memory_space<vmem>>[vector<16xi32>], vector<16xf32>,
      %max3A_869 = arith.maximumf %max3A_848, %gather3A_868 : vector<16xf32>
      %add3A_870 = arith.constant 8 : i32
      %add3A_871 = vector.broadcast %add3A_870 : i32 to vector<16xi32>
      %add3A_872 = arith.addi %mul3A_714, %add3A_871 : vector<16xi32>
      %gather3A_873 = tpu.vector_load_idx %arg8[%add3A_872] : memref<768xf32, #tpu.memory_space<vmem>>[vector<16xi32>], vector<16xf32>,
      %add3A_874 = arith.addf %add3A_853, %gather3A_873 : vector<16xf32>
      %add3A_875 = arith.constant 256 : i32
      %add3A_876 = vector.broadcast %add3A_875 : i32 to vector<16xi32>
      %add3A_877 = arith.addi %mul3A_714, %add3A_876 : vector<16xi32>
      %add3A_878 = arith.constant 8 : i32
      %add3A_879 = vector.broadcast %add3A_878 : i32 to vector<16xi32>
      %add3A_880 = arith.addi %add3A_877, %add3A_879 : vector<16xi32>
      %gather3A_881 = tpu.vector_load_idx %arg8[%add3A_880] : memref<768xf32, #tpu.memory_space<vmem>>[vector<16xi32>], vector<16xf32>,
      %add3A_882 = arith.addf %add3A_861, %gather3A_881 : vector<16xf32>
      %add3A_883 = arith.constant 512 : i32
      %add3A_884 = vector.broadcast %add3A_883 : i32 to vector<16xi32>
      %add3A_885 = arith.addi %mul3A_714, %add3A_884 : vector<16xi32>
      %add3A_886 = arith.constant 8 : i32
      %add3A_887 = vector.broadcast %add3A_886 : i32 to vector<16xi32>
      %add3A_888 = arith.addi %add3A_885, %add3A_887 : vector<16xi32>
      %gather3A_889 = tpu.vector_load_idx %arg8[%add3A_888] : memref<768xf32, #tpu.memory_space<vmem>>[vector<16xi32>], vector<16xf32>,
      %max3A_890 = arith.maximumf %max3A_869, %gather3A_889 : vector<16xf32>
      %add3A_891 = arith.constant 9 : i32
      %add3A_892 = vector.broadcast %add3A_891 : i32 to vector<16xi32>
      %add3A_893 = arith.addi %mul3A_714, %add3A_892 : vector<16xi32>
      %gather3A_894 = tpu.vector_load_idx %arg8[%add3A_893] : memref<768xf32, #tpu.memory_space<vmem>>[vector<16xi32>], vector<16xf32>,
      %add3A_895 = arith.addf %add3A_874, %gather3A_894 : vector<16xf32>
      %add3A_896 = arith.constant 256 : i32
      %add3A_897 = vector.broadcast %add3A_896 : i32 to vector<16xi32>
      %add3A_898 = arith.addi %mul3A_714, %add3A_897 : vector<16xi32>
      %add3A_899 = arith.constant 9 : i32
      %add3A_900 = vector.broadcast %add3A_899 : i32 to vector<16xi32>
      %add3A_901 = arith.addi %add3A_898, %add3A_900 : vector<16xi32>
      %gather3A_902 = tpu.vector_load_idx %arg8[%add3A_901] : memref<768xf32, #tpu.memory_space<vmem>>[vector<16xi32>], vector<16xf32>,
      %add3A_903 = arith.addf %add3A_882, %gather3A_902 : vector<16xf32>
      %add3A_904 = arith.constant 512 : i32
      %add3A_905 = vector.broadcast %add3A_904 : i32 to vector<16xi32>
      %add3A_906 = arith.addi %mul3A_714, %add3A_905 : vector<16xi32>
      %add3A_907 = arith.constant 9 : i32
      %add3A_908 = vector.broadcast %add3A_907 : i32 to vector<16xi32>
      %add3A_909 = arith.addi %add3A_906, %add3A_908 : vector<16xi32>
      %gather3A_910 = tpu.vector_load_idx %arg8[%add3A_909] : memref<768xf32, #tpu.memory_space<vmem>>[vector<16xi32>], vector<16xf32>,
      %max3A_911 = arith.maximumf %max3A_890, %gather3A_910 : vector<16xf32>
      %add3A_912 = arith.constant 10 : i32
      %add3A_913 = vector.broadcast %add3A_912 : i32 to vector<16xi32>
      %add3A_914 = arith.addi %mul3A_714, %add3A_913 : vector<16xi32>
      %gather3A_915 = tpu.vector_load_idx %arg8[%add3A_914] : memref<768xf32, #tpu.memory_space<vmem>>[vector<16xi32>], vector<16xf32>,
      %add3A_916 = arith.addf %add3A_895, %gather3A_915 : vector<16xf32>
      %add3A_917 = arith.constant 256 : i32
      %add3A_918 = vector.broadcast %add3A_917 : i32 to vector<16xi32>
      %add3A_919 = arith.addi %mul3A_714, %add3A_918 : vector<16xi32>
      %add3A_920 = arith.constant 10 : i32
      %add3A_921 = vector.broadcast %add3A_920 : i32 to vector<16xi32>
      %add3A_922 = arith.addi %add3A_919, %add3A_921 : vector<16xi32>
      %gather3A_923 = tpu.vector_load_idx %arg8[%add3A_922] : memref<768xf32, #tpu.memory_space<vmem>>[vector<16xi32>], vector<16xf32>,
      %add3A_924 = arith.addf %add3A_903, %gather3A_923 : vector<16xf32>
      %add3A_925 = arith.constant 512 : i32
      %add3A_926 = vector.broadcast %add3A_925 : i32 to vector<16xi32>
      %add3A_927 = arith.addi %mul3A_714, %add3A_926 : vector<16xi32>
      %add3A_928 = arith.constant 10 : i32
      %add3A_929 = vector.broadcast %add3A_928 : i32 to vector<16xi32>
      %add3A_930 = arith.addi %add3A_927, %add3A_929 : vector<16xi32>
      %gather3A_931 = tpu.vector_load_idx %arg8[%add3A_930] : memref<768xf32, #tpu.memory_space<vmem>>[vector<16xi32>], vector<16xf32>,
      %max3A_932 = arith.maximumf %max3A_911, %gather3A_931 : vector<16xf32>
      %add3A_933 = arith.constant 11 : i32
      %add3A_934 = vector.broadcast %add3A_933 : i32 to vector<16xi32>
      %add3A_935 = arith.addi %mul3A_714, %add3A_934 : vector<16xi32>
      %gather3A_936 = tpu.vector_load_idx %arg8[%add3A_935] : memref<768xf32, #tpu.memory_space<vmem>>[vector<16xi32>], vector<16xf32>,
      %add3A_937 = arith.addf %add3A_916, %gather3A_936 : vector<16xf32>
      %add3A_938 = arith.constant 256 : i32
      %add3A_939 = vector.broadcast %add3A_938 : i32 to vector<16xi32>
      %add3A_940 = arith.addi %mul3A_714, %add3A_939 : vector<16xi32>
      %add3A_941 = arith.constant 11 : i32
      %add3A_942 = vector.broadcast %add3A_941 : i32 to vector<16xi32>
      %add3A_943 = arith.addi %add3A_940, %add3A_942 : vector<16xi32>
      %gather3A_944 = tpu.vector_load_idx %arg8[%add3A_943] : memref<768xf32, #tpu.memory_space<vmem>>[vector<16xi32>], vector<16xf32>,
      %add3A_945 = arith.addf %add3A_924, %gather3A_944 : vector<16xf32>
      %add3A_946 = arith.constant 512 : i32
      %add3A_947 = vector.broadcast %add3A_946 : i32 to vector<16xi32>
      %add3A_948 = arith.addi %mul3A_714, %add3A_947 : vector<16xi32>
      %add3A_949 = arith.constant 11 : i32
      %add3A_950 = vector.broadcast %add3A_949 : i32 to vector<16xi32>
      %add3A_951 = arith.addi %add3A_948, %add3A_950 : vector<16xi32>
      %gather3A_952 = tpu.vector_load_idx %arg8[%add3A_951] : memref<768xf32, #tpu.memory_space<vmem>>[vector<16xi32>], vector<16xf32>,
      %max3A_953 = arith.maximumf %max3A_932, %gather3A_952 : vector<16xf32>
      %add3A_954 = arith.constant 12 : i32
      %add3A_955 = vector.broadcast %add3A_954 : i32 to vector<16xi32>
      %add3A_956 = arith.addi %mul3A_714, %add3A_955 : vector<16xi32>
      %gather3A_957 = tpu.vector_load_idx %arg8[%add3A_956] : memref<768xf32, #tpu.memory_space<vmem>>[vector<16xi32>], vector<16xf32>,
      %add3A_958 = arith.addf %add3A_937, %gather3A_957 : vector<16xf32>
      %add3A_959 = arith.constant 256 : i32
      %add3A_960 = vector.broadcast %add3A_959 : i32 to vector<16xi32>
      %add3A_961 = arith.addi %mul3A_714, %add3A_960 : vector<16xi32>
      %add3A_962 = arith.constant 12 : i32
      %add3A_963 = vector.broadcast %add3A_962 : i32 to vector<16xi32>
      %add3A_964 = arith.addi %add3A_961, %add3A_963 : vector<16xi32>
      %gather3A_965 = tpu.vector_load_idx %arg8[%add3A_964] : memref<768xf32, #tpu.memory_space<vmem>>[vector<16xi32>], vector<16xf32>,
      %add3A_966 = arith.addf %add3A_945, %gather3A_965 : vector<16xf32>
      %add3A_967 = arith.constant 512 : i32
      %add3A_968 = vector.broadcast %add3A_967 : i32 to vector<16xi32>
      %add3A_969 = arith.addi %mul3A_714, %add3A_968 : vector<16xi32>
      %add3A_970 = arith.constant 12 : i32
      %add3A_971 = vector.broadcast %add3A_970 : i32 to vector<16xi32>
      %add3A_972 = arith.addi %add3A_969, %add3A_971 : vector<16xi32>
      %gather3A_973 = tpu.vector_load_idx %arg8[%add3A_972] : memref<768xf32, #tpu.memory_space<vmem>>[vector<16xi32>], vector<16xf32>,
      %max3A_974 = arith.maximumf %max3A_953, %gather3A_973 : vector<16xf32>
      %add3A_975 = arith.constant 13 : i32
      %add3A_976 = vector.broadcast %add3A_975 : i32 to vector<16xi32>
      %add3A_977 = arith.addi %mul3A_714, %add3A_976 : vector<16xi32>
      %gather3A_978 = tpu.vector_load_idx %arg8[%add3A_977] : memref<768xf32, #tpu.memory_space<vmem>>[vector<16xi32>], vector<16xf32>,
      %add3A_979 = arith.addf %add3A_958, %gather3A_978 : vector<16xf32>
      %add3A_980 = arith.constant 256 : i32
      %add3A_981 = vector.broadcast %add3A_980 : i32 to vector<16xi32>
      %add3A_982 = arith.addi %mul3A_714, %add3A_981 : vector<16xi32>
      %add3A_983 = arith.constant 13 : i32
      %add3A_984 = vector.broadcast %add3A_983 : i32 to vector<16xi32>
      %add3A_985 = arith.addi %add3A_982, %add3A_984 : vector<16xi32>
      %gather3A_986 = tpu.vector_load_idx %arg8[%add3A_985] : memref<768xf32, #tpu.memory_space<vmem>>[vector<16xi32>], vector<16xf32>,
      %add3A_987 = arith.addf %add3A_966, %gather3A_986 : vector<16xf32>
      %add3A_988 = arith.constant 512 : i32
      %add3A_989 = vector.broadcast %add3A_988 : i32 to vector<16xi32>
      %add3A_990 = arith.addi %mul3A_714, %add3A_989 : vector<16xi32>
      %add3A_991 = arith.constant 13 : i32
      %add3A_992 = vector.broadcast %add3A_991 : i32 to vector<16xi32>
      %add3A_993 = arith.addi %add3A_990, %add3A_992 : vector<16xi32>
      %gather3A_994 = tpu.vector_load_idx %arg8[%add3A_993] : memref<768xf32, #tpu.memory_space<vmem>>[vector<16xi32>], vector<16xf32>,
      %max3A_995 = arith.maximumf %max3A_974, %gather3A_994 : vector<16xf32>
      %add3A_996 = arith.constant 14 : i32
      %add3A_997 = vector.broadcast %add3A_996 : i32 to vector<16xi32>
      %add3A_998 = arith.addi %mul3A_714, %add3A_997 : vector<16xi32>
      %gather3A_999 = tpu.vector_load_idx %arg8[%add3A_998] : memref<768xf32, #tpu.memory_space<vmem>>[vector<16xi32>], vector<16xf32>,
      %add3A_1000 = arith.addf %add3A_979, %gather3A_999 : vector<16xf32>
      %add3A_1001 = arith.constant 256 : i32
      %add3A_1002 = vector.broadcast %add3A_1001 : i32 to vector<16xi32>
      %add3A_1003 = arith.addi %mul3A_714, %add3A_1002 : vector<16xi32>
      %add3A_1004 = arith.constant 14 : i32
      %add3A_1005 = vector.broadcast %add3A_1004 : i32 to vector<16xi32>
      %add3A_1006 = arith.addi %add3A_1003, %add3A_1005 : vector<16xi32>
      %gather3A_1007 = tpu.vector_load_idx %arg8[%add3A_1006] : memref<768xf32, #tpu.memory_space<vmem>>[vector<16xi32>], vector<16xf32>,
      %add3A_1008 = arith.addf %add3A_987, %gather3A_1007 : vector<16xf32>
      %add3A_1009 = arith.constant 512 : i32
      %add3A_1010 = vector.broadcast %add3A_1009 : i32 to vector<16xi32>
      %add3A_1011 = arith.addi %mul3A_714, %add3A_1010 : vector<16xi32>
      %add3A_1012 = arith.constant 14 : i32
      %add3A_1013 = vector.broadcast %add3A_1012 : i32 to vector<16xi32>
      %add3A_1014 = arith.addi %add3A_1011, %add3A_1013 : vector<16xi32>
      %gather3A_1015 = tpu.vector_load_idx %arg8[%add3A_1014] : memref<768xf32, #tpu.memory_space<vmem>>[vector<16xi32>], vector<16xf32>,
      %max3A_1016 = arith.maximumf %max3A_995, %gather3A_1015 : vector<16xf32>
      %add3A_1017 = arith.constant 15 : i32
      %add3A_1018 = vector.broadcast %add3A_1017 : i32 to vector<16xi32>
      %add3A_1019 = arith.addi %mul3A_714, %add3A_1018 : vector<16xi32>
      %gather3A_1020 = tpu.vector_load_idx %arg8[%add3A_1019] : memref<768xf32, #tpu.memory_space<vmem>>[vector<16xi32>], vector<16xf32>,
      %add3A_1021 = arith.addf %add3A_1000, %gather3A_1020 : vector<16xf32>
      %add3A_1022 = arith.constant 256 : i32
      %add3A_1023 = vector.broadcast %add3A_1022 : i32 to vector<16xi32>
      %add3A_1024 = arith.addi %mul3A_714, %add3A_1023 : vector<16xi32>
      %add3A_1025 = arith.constant 15 : i32
      %add3A_1026 = vector.broadcast %add3A_1025 : i32 to vector<16xi32>
      %add3A_1027 = arith.addi %add3A_1024, %add3A_1026 : vector<16xi32>
      %gather3A_1028 = tpu.vector_load_idx %arg8[%add3A_1027] : memref<768xf32, #tpu.memory_space<vmem>>[vector<16xi32>], vector<16xf32>,
      %add3A_1029 = arith.addf %add3A_1008, %gather3A_1028 : vector<16xf32>
      %add3A_1030 = arith.constant 512 : i32
      %add3A_1031 = vector.broadcast %add3A_1030 : i32 to vector<16xi32>
      %add3A_1032 = arith.addi %mul3A_714, %add3A_1031 : vector<16xi32>
      %add3A_1033 = arith.constant 15 : i32
      %add3A_1034 = vector.broadcast %add3A_1033 : i32 to vector<16xi32>
      %add3A_1035 = arith.addi %add3A_1032, %add3A_1034 : vector<16xi32>
      %gather3A_1036 = tpu.vector_load_idx %arg8[%add3A_1035] : memref<768xf32, #tpu.memory_space<vmem>>[vector<16xi32>], vector<16xf32>,
      %max3A_1037 = arith.maximumf %max3A_1016, %gather3A_1036 : vector<16xf32>
      %mul3A_1038 = arith.constant 16 : i32
      %mul3A_1039 = arith.muli %scan3A_75, %mul3A_1038 : i32
      %add3A_1040 = vector.broadcast %mul3A_1039 : i32 to vector<16xi32>
      %add3A_1041 = arith.addi %add3A_1040, %iota3A : vector<16xi32>
      %mul3A_1042 = arith.constant 2 : i32
      %mul3A_1043 = vector.broadcast %mul3A_1042 : i32 to vector<16xi32>
      %mul3A_1044 = arith.muli %add3A_1041, %mul3A_1043 : vector<16xi32>
      %gather3A_1045 = tpu.vector_load_idx %arg6[%mul3A_1044] : memref<1024xi32, #tpu.memory_space<vmem>>[vector<16xi32>], vector<16xi32>,
      %add3A_1046 = arith.constant 1 : i32
      %add3A_1047 = vector.broadcast %add3A_1046 : i32 to vector<16xi32>
      %add3A_1048 = arith.addi %mul3A_1044, %add3A_1047 : vector<16xi32>
      %gather3A_1049 = tpu.vector_load_idx %arg6[%add3A_1048] : memref<1024xi32, #tpu.memory_space<vmem>>[vector<16xi32>], vector<16xi32>,
      %broadcast_in_dim3A_1050 = vector.broadcast %rem3A_83 : i32 to vector<16xi32>
      %broadcast_in_dim3A_1051 = vector.broadcast %rem3A_85 : i32 to vector<16xi32>
      %select_n3A = arith.select %lt3A_69, %broadcast_in_dim3A_1050, %broadcast_in_dim3A_1051 : vector<16xi1>, vector<16xi32>
      %broadcast_in_dim3A_1052 = arith.constant 0.000000e+00 : f32
      %broadcast_in_dim3A_1053 = vector.broadcast %broadcast_in_dim3A_1052 : f32 to vector<16xf32>
      %broadcast_in_dim3A_1054 = arith.constant 0.000000e+00 : f32
      %broadcast_in_dim3A_1055 = vector.broadcast %broadcast_in_dim3A_1054 : f32 to vector<16xf32>
      %add3A_1056 = arith.constant -2 : i32
      %add3A_1057 = vector.broadcast %add3A_1056 : i32 to vector<16xi32>
      %add3A_1058 = arith.addi %gather3A_1045, %add3A_1057 : vector<16xi32>
      %add3A_1059 = arith.constant -2 : i32
      %add3A_1060 = vector.broadcast %add3A_1059 : i32 to vector<16xi32>
      %add3A_1061 = arith.addi %gather3A_1049, %add3A_1060 : vector<16xi32>
      %or3A = arith.ori %add3A_1058, %add3A_1061 : vector<16xi32>
      %lt3A_1062 = arith.constant 64 : i32
      %lt3A_1063 = vector.broadcast %lt3A_1062 : i32 to vector<16xi32>
      %lt3A_1064 = arith.cmpi ult, %or3A, %lt3A_1063 : vector<16xi32>
      %jit3A = arith.constant 0 : i32
      %jit3A_1065 = arith.constant 63 : i32
      %max3A_1066 = vector.broadcast %jit3A : i32 to vector<16xi32>
      %max3A_1067 = arith.maxsi %max3A_1066, %add3A_1058 : vector<16xi32>
      %min3A = vector.broadcast %jit3A_1065 : i32 to vector<16xi32>
      %min3A_1068 = arith.minsi %min3A, %max3A_1067 : vector<16xi32>
      %jit3A_1069 = arith.constant 0 : i32
      %jit3A_1070 = arith.constant 63 : i32
      %max3A_1071 = vector.broadcast %jit3A_1069 : i32 to vector<16xi32>
      %max3A_1072 = arith.maxsi %max3A_1071, %add3A_1061 : vector<16xi32>
      %min3A_1073 = vector.broadcast %jit3A_1070 : i32 to vector<16xi32>
      %min3A_1074 = arith.minsi %min3A_1073, %max3A_1072 : vector<16xi32>
      %mul3A_1075 = arith.constant 64 : i32
      %mul3A_1076 = vector.broadcast %mul3A_1075 : i32 to vector<16xi32>
      %mul3A_1077 = arith.muli %min3A_1068, %mul3A_1076 : vector<16xi32>
      %add3A_1078 = arith.addi %mul3A_1077, %min3A_1074 : vector<16xi32>
      %gather3A_1079 = tpu.vector_load_idx %arg5[%select_n3A, %and3A_67, %add3A_1078] : memref<3x8x4096xf32, #tpu.memory_space<vmem>>[vector<16xi32>, vector<16xi32>, vector<16xi32>], vector<16xf32>,
      %jit3A_1080 = arith.constant 0.000000e+00 : f32
      %broadcast_in_dim3A_1081 = vector.broadcast %jit3A_1080 : f32 to vector<16xf32>
      %select_n3A_1082 = arith.select %lt3A_1064, %gather3A_1079, %broadcast_in_dim3A_1081 : vector<16xi1>, vector<16xf32>
      %add3A_1083 = arith.addf %broadcast_in_dim3A_1053, %select_n3A_1082 : vector<16xf32>
      %mul3A_1084 = arith.mulf %select_n3A_1082, %select_n3A_1082 : vector<16xf32>
      %add3A_1085 = arith.addf %broadcast_in_dim3A_1055, %mul3A_1084 : vector<16xf32>
      %add3A_1086 = arith.constant -2 : i32
      %add3A_1087 = vector.broadcast %add3A_1086 : i32 to vector<16xi32>
      %add3A_1088 = arith.addi %gather3A_1045, %add3A_1087 : vector<16xi32>
      %add3A_1089 = arith.constant -1 : i32
      %add3A_1090 = vector.broadcast %add3A_1089 : i32 to vector<16xi32>
      %add3A_1091 = arith.addi %gather3A_1049, %add3A_1090 : vector<16xi32>
      %or3A_1092 = arith.ori %add3A_1088, %add3A_1091 : vector<16xi32>
      %lt3A_1093 = arith.constant 64 : i32
      %lt3A_1094 = vector.broadcast %lt3A_1093 : i32 to vector<16xi32>
      %lt3A_1095 = arith.cmpi ult, %or3A_1092, %lt3A_1094 : vector<16xi32>
      %jit3A_1096 = arith.constant 0 : i32
      %jit3A_1097 = arith.constant 63 : i32
      %max3A_1098 = vector.broadcast %jit3A_1096 : i32 to vector<16xi32>
      %max3A_1099 = arith.maxsi %max3A_1098, %add3A_1088 : vector<16xi32>
      %min3A_1100 = vector.broadcast %jit3A_1097 : i32 to vector<16xi32>
      %min3A_1101 = arith.minsi %min3A_1100, %max3A_1099 : vector<16xi32>
      %jit3A_1102 = arith.constant 0 : i32
      %jit3A_1103 = arith.constant 63 : i32
      %max3A_1104 = vector.broadcast %jit3A_1102 : i32 to vector<16xi32>
      %max3A_1105 = arith.maxsi %max3A_1104, %add3A_1091 : vector<16xi32>
      %min3A_1106 = vector.broadcast %jit3A_1103 : i32 to vector<16xi32>
      %min3A_1107 = arith.minsi %min3A_1106, %max3A_1105 : vector<16xi32>
      %mul3A_1108 = arith.constant 64 : i32
      %mul3A_1109 = vector.broadcast %mul3A_1108 : i32 to vector<16xi32>
      %mul3A_1110 = arith.muli %min3A_1101, %mul3A_1109 : vector<16xi32>
      %add3A_1111 = arith.addi %mul3A_1110, %min3A_1107 : vector<16xi32>
      %gather3A_1112 = tpu.vector_load_idx %arg5[%select_n3A, %and3A_67, %add3A_1111] : memref<3x8x4096xf32, #tpu.memory_space<vmem>>[vector<16xi32>, vector<16xi32>, vector<16xi32>], vector<16xf32>,
      %jit3A_1113 = arith.constant 0.000000e+00 : f32
      %broadcast_in_dim3A_1114 = vector.broadcast %jit3A_1113 : f32 to vector<16xf32>
      %select_n3A_1115 = arith.select %lt3A_1095, %gather3A_1112, %broadcast_in_dim3A_1114 : vector<16xi1>, vector<16xf32>
      %add3A_1116 = arith.addf %add3A_1083, %select_n3A_1115 : vector<16xf32>
      %mul3A_1117 = arith.mulf %select_n3A_1115, %select_n3A_1115 : vector<16xf32>
      %add3A_1118 = arith.addf %add3A_1085, %mul3A_1117 : vector<16xf32>
      %add3A_1119 = arith.constant -2 : i32
      %add3A_1120 = vector.broadcast %add3A_1119 : i32 to vector<16xi32>
      %add3A_1121 = arith.addi %gather3A_1045, %add3A_1120 : vector<16xi32>
      %add3A_1122 = arith.constant 0 : i32
      %add3A_1123 = vector.broadcast %add3A_1122 : i32 to vector<16xi32>
      %add3A_1124 = arith.addi %gather3A_1049, %add3A_1123 : vector<16xi32>
      %or3A_1125 = arith.ori %add3A_1121, %add3A_1124 : vector<16xi32>
      %lt3A_1126 = arith.constant 64 : i32
      %lt3A_1127 = vector.broadcast %lt3A_1126 : i32 to vector<16xi32>
      %lt3A_1128 = arith.cmpi ult, %or3A_1125, %lt3A_1127 : vector<16xi32>
      %jit3A_1129 = arith.constant 0 : i32
      %jit3A_1130 = arith.constant 63 : i32
      %max3A_1131 = vector.broadcast %jit3A_1129 : i32 to vector<16xi32>
      %max3A_1132 = arith.maxsi %max3A_1131, %add3A_1121 : vector<16xi32>
      %min3A_1133 = vector.broadcast %jit3A_1130 : i32 to vector<16xi32>
      %min3A_1134 = arith.minsi %min3A_1133, %max3A_1132 : vector<16xi32>
      %jit3A_1135 = arith.constant 0 : i32
      %jit3A_1136 = arith.constant 63 : i32
      %max3A_1137 = vector.broadcast %jit3A_1135 : i32 to vector<16xi32>
      %max3A_1138 = arith.maxsi %max3A_1137, %add3A_1124 : vector<16xi32>
      %min3A_1139 = vector.broadcast %jit3A_1136 : i32 to vector<16xi32>
      %min3A_1140 = arith.minsi %min3A_1139, %max3A_1138 : vector<16xi32>
      %mul3A_1141 = arith.constant 64 : i32
      %mul3A_1142 = vector.broadcast %mul3A_1141 : i32 to vector<16xi32>
      %mul3A_1143 = arith.muli %min3A_1134, %mul3A_1142 : vector<16xi32>
      %add3A_1144 = arith.addi %mul3A_1143, %min3A_1140 : vector<16xi32>
      %gather3A_1145 = tpu.vector_load_idx %arg5[%select_n3A, %and3A_67, %add3A_1144] : memref<3x8x4096xf32, #tpu.memory_space<vmem>>[vector<16xi32>, vector<16xi32>, vector<16xi32>], vector<16xf32>,
      %jit3A_1146 = arith.constant 0.000000e+00 : f32
      %broadcast_in_dim3A_1147 = vector.broadcast %jit3A_1146 : f32 to vector<16xf32>
      %select_n3A_1148 = arith.select %lt3A_1128, %gather3A_1145, %broadcast_in_dim3A_1147 : vector<16xi1>, vector<16xf32>
      %add3A_1149 = arith.addf %add3A_1116, %select_n3A_1148 : vector<16xf32>
      %mul3A_1150 = arith.mulf %select_n3A_1148, %select_n3A_1148 : vector<16xf32>
      %add3A_1151 = arith.addf %add3A_1118, %mul3A_1150 : vector<16xf32>
      %add3A_1152 = arith.constant -2 : i32
      %add3A_1153 = vector.broadcast %add3A_1152 : i32 to vector<16xi32>
      %add3A_1154 = arith.addi %gather3A_1045, %add3A_1153 : vector<16xi32>
      %add3A_1155 = arith.constant 1 : i32
      %add3A_1156 = vector.broadcast %add3A_1155 : i32 to vector<16xi32>
      %add3A_1157 = arith.addi %gather3A_1049, %add3A_1156 : vector<16xi32>
      %or3A_1158 = arith.ori %add3A_1154, %add3A_1157 : vector<16xi32>
      %lt3A_1159 = arith.constant 64 : i32
      %lt3A_1160 = vector.broadcast %lt3A_1159 : i32 to vector<16xi32>
      %lt3A_1161 = arith.cmpi ult, %or3A_1158, %lt3A_1160 : vector<16xi32>
      %jit3A_1162 = arith.constant 0 : i32
      %jit3A_1163 = arith.constant 63 : i32
      %max3A_1164 = vector.broadcast %jit3A_1162 : i32 to vector<16xi32>
      %max3A_1165 = arith.maxsi %max3A_1164, %add3A_1154 : vector<16xi32>
      %min3A_1166 = vector.broadcast %jit3A_1163 : i32 to vector<16xi32>
      %min3A_1167 = arith.minsi %min3A_1166, %max3A_1165 : vector<16xi32>
      %jit3A_1168 = arith.constant 0 : i32
      %jit3A_1169 = arith.constant 63 : i32
      %max3A_1170 = vector.broadcast %jit3A_1168 : i32 to vector<16xi32>
      %max3A_1171 = arith.maxsi %max3A_1170, %add3A_1157 : vector<16xi32>
      %min3A_1172 = vector.broadcast %jit3A_1169 : i32 to vector<16xi32>
      %min3A_1173 = arith.minsi %min3A_1172, %max3A_1171 : vector<16xi32>
      %mul3A_1174 = arith.constant 64 : i32
      %mul3A_1175 = vector.broadcast %mul3A_1174 : i32 to vector<16xi32>
      %mul3A_1176 = arith.muli %min3A_1167, %mul3A_1175 : vector<16xi32>
      %add3A_1177 = arith.addi %mul3A_1176, %min3A_1173 : vector<16xi32>
      %gather3A_1178 = tpu.vector_load_idx %arg5[%select_n3A, %and3A_67, %add3A_1177] : memref<3x8x4096xf32, #tpu.memory_space<vmem>>[vector<16xi32>, vector<16xi32>, vector<16xi32>], vector<16xf32>,
      %jit3A_1179 = arith.constant 0.000000e+00 : f32
      %broadcast_in_dim3A_1180 = vector.broadcast %jit3A_1179 : f32 to vector<16xf32>
      %select_n3A_1181 = arith.select %lt3A_1161, %gather3A_1178, %broadcast_in_dim3A_1180 : vector<16xi1>, vector<16xf32>
      %add3A_1182 = arith.addf %add3A_1149, %select_n3A_1181 : vector<16xf32>
      %mul3A_1183 = arith.mulf %select_n3A_1181, %select_n3A_1181 : vector<16xf32>
      %add3A_1184 = arith.addf %add3A_1151, %mul3A_1183 : vector<16xf32>
      %add3A_1185 = arith.constant -2 : i32
      %add3A_1186 = vector.broadcast %add3A_1185 : i32 to vector<16xi32>
      %add3A_1187 = arith.addi %gather3A_1045, %add3A_1186 : vector<16xi32>
      %add3A_1188 = arith.constant 2 : i32
      %add3A_1189 = vector.broadcast %add3A_1188 : i32 to vector<16xi32>
      %add3A_1190 = arith.addi %gather3A_1049, %add3A_1189 : vector<16xi32>
      %or3A_1191 = arith.ori %add3A_1187, %add3A_1190 : vector<16xi32>
      %lt3A_1192 = arith.constant 64 : i32
      %lt3A_1193 = vector.broadcast %lt3A_1192 : i32 to vector<16xi32>
      %lt3A_1194 = arith.cmpi ult, %or3A_1191, %lt3A_1193 : vector<16xi32>
      %jit3A_1195 = arith.constant 0 : i32
      %jit3A_1196 = arith.constant 63 : i32
      %max3A_1197 = vector.broadcast %jit3A_1195 : i32 to vector<16xi32>
      %max3A_1198 = arith.maxsi %max3A_1197, %add3A_1187 : vector<16xi32>
      %min3A_1199 = vector.broadcast %jit3A_1196 : i32 to vector<16xi32>
      %min3A_1200 = arith.minsi %min3A_1199, %max3A_1198 : vector<16xi32>
      %jit3A_1201 = arith.constant 0 : i32
      %jit3A_1202 = arith.constant 63 : i32
      %max3A_1203 = vector.broadcast %jit3A_1201 : i32 to vector<16xi32>
      %max3A_1204 = arith.maxsi %max3A_1203, %add3A_1190 : vector<16xi32>
      %min3A_1205 = vector.broadcast %jit3A_1202 : i32 to vector<16xi32>
      %min3A_1206 = arith.minsi %min3A_1205, %max3A_1204 : vector<16xi32>
      %mul3A_1207 = arith.constant 64 : i32
      %mul3A_1208 = vector.broadcast %mul3A_1207 : i32 to vector<16xi32>
      %mul3A_1209 = arith.muli %min3A_1200, %mul3A_1208 : vector<16xi32>
      %add3A_1210 = arith.addi %mul3A_1209, %min3A_1206 : vector<16xi32>
      %gather3A_1211 = tpu.vector_load_idx %arg5[%select_n3A, %and3A_67, %add3A_1210] : memref<3x8x4096xf32, #tpu.memory_space<vmem>>[vector<16xi32>, vector<16xi32>, vector<16xi32>], vector<16xf32>,
      %jit3A_1212 = arith.constant 0.000000e+00 : f32
      %broadcast_in_dim3A_1213 = vector.broadcast %jit3A_1212 : f32 to vector<16xf32>
      %select_n3A_1214 = arith.select %lt3A_1194, %gather3A_1211, %broadcast_in_dim3A_1213 : vector<16xi1>, vector<16xf32>
      %add3A_1215 = arith.addf %add3A_1182, %select_n3A_1214 : vector<16xf32>
      %mul3A_1216 = arith.mulf %select_n3A_1214, %select_n3A_1214 : vector<16xf32>
      %add3A_1217 = arith.addf %add3A_1184, %mul3A_1216 : vector<16xf32>
      %add3A_1218 = arith.constant -1 : i32
      %add3A_1219 = vector.broadcast %add3A_1218 : i32 to vector<16xi32>
      %add3A_1220 = arith.addi %gather3A_1045, %add3A_1219 : vector<16xi32>
      %add3A_1221 = arith.constant -2 : i32
      %add3A_1222 = vector.broadcast %add3A_1221 : i32 to vector<16xi32>
      %add3A_1223 = arith.addi %gather3A_1049, %add3A_1222 : vector<16xi32>
      %or3A_1224 = arith.ori %add3A_1220, %add3A_1223 : vector<16xi32>
      %lt3A_1225 = arith.constant 64 : i32
      %lt3A_1226 = vector.broadcast %lt3A_1225 : i32 to vector<16xi32>
      %lt3A_1227 = arith.cmpi ult, %or3A_1224, %lt3A_1226 : vector<16xi32>
      %jit3A_1228 = arith.constant 0 : i32
      %jit3A_1229 = arith.constant 63 : i32
      %max3A_1230 = vector.broadcast %jit3A_1228 : i32 to vector<16xi32>
      %max3A_1231 = arith.maxsi %max3A_1230, %add3A_1220 : vector<16xi32>
      %min3A_1232 = vector.broadcast %jit3A_1229 : i32 to vector<16xi32>
      %min3A_1233 = arith.minsi %min3A_1232, %max3A_1231 : vector<16xi32>
      %jit3A_1234 = arith.constant 0 : i32
      %jit3A_1235 = arith.constant 63 : i32
      %max3A_1236 = vector.broadcast %jit3A_1234 : i32 to vector<16xi32>
      %max3A_1237 = arith.maxsi %max3A_1236, %add3A_1223 : vector<16xi32>
      %min3A_1238 = vector.broadcast %jit3A_1235 : i32 to vector<16xi32>
      %min3A_1239 = arith.minsi %min3A_1238, %max3A_1237 : vector<16xi32>
      %mul3A_1240 = arith.constant 64 : i32
      %mul3A_1241 = vector.broadcast %mul3A_1240 : i32 to vector<16xi32>
      %mul3A_1242 = arith.muli %min3A_1233, %mul3A_1241 : vector<16xi32>
      %add3A_1243 = arith.addi %mul3A_1242, %min3A_1239 : vector<16xi32>
      %gather3A_1244 = tpu.vector_load_idx %arg5[%select_n3A, %and3A_67, %add3A_1243] : memref<3x8x4096xf32, #tpu.memory_space<vmem>>[vector<16xi32>, vector<16xi32>, vector<16xi32>], vector<16xf32>,
      %jit3A_1245 = arith.constant 0.000000e+00 : f32
      %broadcast_in_dim3A_1246 = vector.broadcast %jit3A_1245 : f32 to vector<16xf32>
      %select_n3A_1247 = arith.select %lt3A_1227, %gather3A_1244, %broadcast_in_dim3A_1246 : vector<16xi1>, vector<16xf32>
      %add3A_1248 = arith.addf %add3A_1215, %select_n3A_1247 : vector<16xf32>
      %mul3A_1249 = arith.mulf %select_n3A_1247, %select_n3A_1247 : vector<16xf32>
      %add3A_1250 = arith.addf %add3A_1217, %mul3A_1249 : vector<16xf32>
      %add3A_1251 = arith.constant -1 : i32
      %add3A_1252 = vector.broadcast %add3A_1251 : i32 to vector<16xi32>
      %add3A_1253 = arith.addi %gather3A_1045, %add3A_1252 : vector<16xi32>
      %add3A_1254 = arith.constant -1 : i32
      %add3A_1255 = vector.broadcast %add3A_1254 : i32 to vector<16xi32>
      %add3A_1256 = arith.addi %gather3A_1049, %add3A_1255 : vector<16xi32>
      %or3A_1257 = arith.ori %add3A_1253, %add3A_1256 : vector<16xi32>
      %lt3A_1258 = arith.constant 64 : i32
      %lt3A_1259 = vector.broadcast %lt3A_1258 : i32 to vector<16xi32>
      %lt3A_1260 = arith.cmpi ult, %or3A_1257, %lt3A_1259 : vector<16xi32>
      %jit3A_1261 = arith.constant 0 : i32
      %jit3A_1262 = arith.constant 63 : i32
      %max3A_1263 = vector.broadcast %jit3A_1261 : i32 to vector<16xi32>
      %max3A_1264 = arith.maxsi %max3A_1263, %add3A_1253 : vector<16xi32>
      %min3A_1265 = vector.broadcast %jit3A_1262 : i32 to vector<16xi32>
      %min3A_1266 = arith.minsi %min3A_1265, %max3A_1264 : vector<16xi32>
      %jit3A_1267 = arith.constant 0 : i32
      %jit3A_1268 = arith.constant 63 : i32
      %max3A_1269 = vector.broadcast %jit3A_1267 : i32 to vector<16xi32>
      %max3A_1270 = arith.maxsi %max3A_1269, %add3A_1256 : vector<16xi32>
      %min3A_1271 = vector.broadcast %jit3A_1268 : i32 to vector<16xi32>
      %min3A_1272 = arith.minsi %min3A_1271, %max3A_1270 : vector<16xi32>
      %mul3A_1273 = arith.constant 64 : i32
      %mul3A_1274 = vector.broadcast %mul3A_1273 : i32 to vector<16xi32>
      %mul3A_1275 = arith.muli %min3A_1266, %mul3A_1274 : vector<16xi32>
      %add3A_1276 = arith.addi %mul3A_1275, %min3A_1272 : vector<16xi32>
      %gather3A_1277 = tpu.vector_load_idx %arg5[%select_n3A, %and3A_67, %add3A_1276] : memref<3x8x4096xf32, #tpu.memory_space<vmem>>[vector<16xi32>, vector<16xi32>, vector<16xi32>], vector<16xf32>,
      %jit3A_1278 = arith.constant 0.000000e+00 : f32
      %broadcast_in_dim3A_1279 = vector.broadcast %jit3A_1278 : f32 to vector<16xf32>
      %select_n3A_1280 = arith.select %lt3A_1260, %gather3A_1277, %broadcast_in_dim3A_1279 : vector<16xi1>, vector<16xf32>
      %add3A_1281 = arith.addf %add3A_1248, %select_n3A_1280 : vector<16xf32>
      %mul3A_1282 = arith.mulf %select_n3A_1280, %select_n3A_1280 : vector<16xf32>
      %add3A_1283 = arith.addf %add3A_1250, %mul3A_1282 : vector<16xf32>
      %add3A_1284 = arith.constant -1 : i32
      %add3A_1285 = vector.broadcast %add3A_1284 : i32 to vector<16xi32>
      %add3A_1286 = arith.addi %gather3A_1045, %add3A_1285 : vector<16xi32>
      %add3A_1287 = arith.constant 0 : i32
      %add3A_1288 = vector.broadcast %add3A_1287 : i32 to vector<16xi32>
      %add3A_1289 = arith.addi %gather3A_1049, %add3A_1288 : vector<16xi32>
      %or3A_1290 = arith.ori %add3A_1286, %add3A_1289 : vector<16xi32>
      %lt3A_1291 = arith.constant 64 : i32
      %lt3A_1292 = vector.broadcast %lt3A_1291 : i32 to vector<16xi32>
      %lt3A_1293 = arith.cmpi ult, %or3A_1290, %lt3A_1292 : vector<16xi32>
      %jit3A_1294 = arith.constant 0 : i32
      %jit3A_1295 = arith.constant 63 : i32
      %max3A_1296 = vector.broadcast %jit3A_1294 : i32 to vector<16xi32>
      %max3A_1297 = arith.maxsi %max3A_1296, %add3A_1286 : vector<16xi32>
      %min3A_1298 = vector.broadcast %jit3A_1295 : i32 to vector<16xi32>
      %min3A_1299 = arith.minsi %min3A_1298, %max3A_1297 : vector<16xi32>
      %jit3A_1300 = arith.constant 0 : i32
      %jit3A_1301 = arith.constant 63 : i32
      %max3A_1302 = vector.broadcast %jit3A_1300 : i32 to vector<16xi32>
      %max3A_1303 = arith.maxsi %max3A_1302, %add3A_1289 : vector<16xi32>
      %min3A_1304 = vector.broadcast %jit3A_1301 : i32 to vector<16xi32>
      %min3A_1305 = arith.minsi %min3A_1304, %max3A_1303 : vector<16xi32>
      %mul3A_1306 = arith.constant 64 : i32
      %mul3A_1307 = vector.broadcast %mul3A_1306 : i32 to vector<16xi32>
      %mul3A_1308 = arith.muli %min3A_1299, %mul3A_1307 : vector<16xi32>
      %add3A_1309 = arith.addi %mul3A_1308, %min3A_1305 : vector<16xi32>
      %gather3A_1310 = tpu.vector_load_idx %arg5[%select_n3A, %and3A_67, %add3A_1309] : memref<3x8x4096xf32, #tpu.memory_space<vmem>>[vector<16xi32>, vector<16xi32>, vector<16xi32>], vector<16xf32>,
      %jit3A_1311 = arith.constant 0.000000e+00 : f32
      %broadcast_in_dim3A_1312 = vector.broadcast %jit3A_1311 : f32 to vector<16xf32>
      %select_n3A_1313 = arith.select %lt3A_1293, %gather3A_1310, %broadcast_in_dim3A_1312 : vector<16xi1>, vector<16xf32>
      %add3A_1314 = arith.addf %add3A_1281, %select_n3A_1313 : vector<16xf32>
      %mul3A_1315 = arith.mulf %select_n3A_1313, %select_n3A_1313 : vector<16xf32>
      %add3A_1316 = arith.addf %add3A_1283, %mul3A_1315 : vector<16xf32>
      %add3A_1317 = arith.constant -1 : i32
      %add3A_1318 = vector.broadcast %add3A_1317 : i32 to vector<16xi32>
      %add3A_1319 = arith.addi %gather3A_1045, %add3A_1318 : vector<16xi32>
      %add3A_1320 = arith.constant 1 : i32
      %add3A_1321 = vector.broadcast %add3A_1320 : i32 to vector<16xi32>
      %add3A_1322 = arith.addi %gather3A_1049, %add3A_1321 : vector<16xi32>
      %or3A_1323 = arith.ori %add3A_1319, %add3A_1322 : vector<16xi32>
      %lt3A_1324 = arith.constant 64 : i32
      %lt3A_1325 = vector.broadcast %lt3A_1324 : i32 to vector<16xi32>
      %lt3A_1326 = arith.cmpi ult, %or3A_1323, %lt3A_1325 : vector<16xi32>
      %jit3A_1327 = arith.constant 0 : i32
      %jit3A_1328 = arith.constant 63 : i32
      %max3A_1329 = vector.broadcast %jit3A_1327 : i32 to vector<16xi32>
      %max3A_1330 = arith.maxsi %max3A_1329, %add3A_1319 : vector<16xi32>
      %min3A_1331 = vector.broadcast %jit3A_1328 : i32 to vector<16xi32>
      %min3A_1332 = arith.minsi %min3A_1331, %max3A_1330 : vector<16xi32>
      %jit3A_1333 = arith.constant 0 : i32
      %jit3A_1334 = arith.constant 63 : i32
      %max3A_1335 = vector.broadcast %jit3A_1333 : i32 to vector<16xi32>
      %max3A_1336 = arith.maxsi %max3A_1335, %add3A_1322 : vector<16xi32>
      %min3A_1337 = vector.broadcast %jit3A_1334 : i32 to vector<16xi32>
      %min3A_1338 = arith.minsi %min3A_1337, %max3A_1336 : vector<16xi32>
      %mul3A_1339 = arith.constant 64 : i32
      %mul3A_1340 = vector.broadcast %mul3A_1339 : i32 to vector<16xi32>
      %mul3A_1341 = arith.muli %min3A_1332, %mul3A_1340 : vector<16xi32>
      %add3A_1342 = arith.addi %mul3A_1341, %min3A_1338 : vector<16xi32>
      %gather3A_1343 = tpu.vector_load_idx %arg5[%select_n3A, %and3A_67, %add3A_1342] : memref<3x8x4096xf32, #tpu.memory_space<vmem>>[vector<16xi32>, vector<16xi32>, vector<16xi32>], vector<16xf32>,
      %jit3A_1344 = arith.constant 0.000000e+00 : f32
      %broadcast_in_dim3A_1345 = vector.broadcast %jit3A_1344 : f32 to vector<16xf32>
      %select_n3A_1346 = arith.select %lt3A_1326, %gather3A_1343, %broadcast_in_dim3A_1345 : vector<16xi1>, vector<16xf32>
      %add3A_1347 = arith.addf %add3A_1314, %select_n3A_1346 : vector<16xf32>
      %mul3A_1348 = arith.mulf %select_n3A_1346, %select_n3A_1346 : vector<16xf32>
      %add3A_1349 = arith.addf %add3A_1316, %mul3A_1348 : vector<16xf32>
      %add3A_1350 = arith.constant -1 : i32
      %add3A_1351 = vector.broadcast %add3A_1350 : i32 to vector<16xi32>
      %add3A_1352 = arith.addi %gather3A_1045, %add3A_1351 : vector<16xi32>
      %add3A_1353 = arith.constant 2 : i32
      %add3A_1354 = vector.broadcast %add3A_1353 : i32 to vector<16xi32>
      %add3A_1355 = arith.addi %gather3A_1049, %add3A_1354 : vector<16xi32>
      %or3A_1356 = arith.ori %add3A_1352, %add3A_1355 : vector<16xi32>
      %lt3A_1357 = arith.constant 64 : i32
      %lt3A_1358 = vector.broadcast %lt3A_1357 : i32 to vector<16xi32>
      %lt3A_1359 = arith.cmpi ult, %or3A_1356, %lt3A_1358 : vector<16xi32>
      %jit3A_1360 = arith.constant 0 : i32
      %jit3A_1361 = arith.constant 63 : i32
      %max3A_1362 = vector.broadcast %jit3A_1360 : i32 to vector<16xi32>
      %max3A_1363 = arith.maxsi %max3A_1362, %add3A_1352 : vector<16xi32>
      %min3A_1364 = vector.broadcast %jit3A_1361 : i32 to vector<16xi32>
      %min3A_1365 = arith.minsi %min3A_1364, %max3A_1363 : vector<16xi32>
      %jit3A_1366 = arith.constant 0 : i32
      %jit3A_1367 = arith.constant 63 : i32
      %max3A_1368 = vector.broadcast %jit3A_1366 : i32 to vector<16xi32>
      %max3A_1369 = arith.maxsi %max3A_1368, %add3A_1355 : vector<16xi32>
      %min3A_1370 = vector.broadcast %jit3A_1367 : i32 to vector<16xi32>
      %min3A_1371 = arith.minsi %min3A_1370, %max3A_1369 : vector<16xi32>
      %mul3A_1372 = arith.constant 64 : i32
      %mul3A_1373 = vector.broadcast %mul3A_1372 : i32 to vector<16xi32>
      %mul3A_1374 = arith.muli %min3A_1365, %mul3A_1373 : vector<16xi32>
      %add3A_1375 = arith.addi %mul3A_1374, %min3A_1371 : vector<16xi32>
      %gather3A_1376 = tpu.vector_load_idx %arg5[%select_n3A, %and3A_67, %add3A_1375] : memref<3x8x4096xf32, #tpu.memory_space<vmem>>[vector<16xi32>, vector<16xi32>, vector<16xi32>], vector<16xf32>,
      %jit3A_1377 = arith.constant 0.000000e+00 : f32
      %broadcast_in_dim3A_1378 = vector.broadcast %jit3A_1377 : f32 to vector<16xf32>
      %select_n3A_1379 = arith.select %lt3A_1359, %gather3A_1376, %broadcast_in_dim3A_1378 : vector<16xi1>, vector<16xf32>
      %add3A_1380 = arith.addf %add3A_1347, %select_n3A_1379 : vector<16xf32>
      %mul3A_1381 = arith.mulf %select_n3A_1379, %select_n3A_1379 : vector<16xf32>
      %add3A_1382 = arith.addf %add3A_1349, %mul3A_1381 : vector<16xf32>
      %add3A_1383 = arith.constant 0 : i32
      %add3A_1384 = vector.broadcast %add3A_1383 : i32 to vector<16xi32>
      %add3A_1385 = arith.addi %gather3A_1045, %add3A_1384 : vector<16xi32>
      %add3A_1386 = arith.constant -2 : i32
      %add3A_1387 = vector.broadcast %add3A_1386 : i32 to vector<16xi32>
      %add3A_1388 = arith.addi %gather3A_1049, %add3A_1387 : vector<16xi32>
      %or3A_1389 = arith.ori %add3A_1385, %add3A_1388 : vector<16xi32>
      %lt3A_1390 = arith.constant 64 : i32
      %lt3A_1391 = vector.broadcast %lt3A_1390 : i32 to vector<16xi32>
      %lt3A_1392 = arith.cmpi ult, %or3A_1389, %lt3A_1391 : vector<16xi32>
      %jit3A_1393 = arith.constant 0 : i32
      %jit3A_1394 = arith.constant 63 : i32
      %max3A_1395 = vector.broadcast %jit3A_1393 : i32 to vector<16xi32>
      %max3A_1396 = arith.maxsi %max3A_1395, %add3A_1385 : vector<16xi32>
      %min3A_1397 = vector.broadcast %jit3A_1394 : i32 to vector<16xi32>
      %min3A_1398 = arith.minsi %min3A_1397, %max3A_1396 : vector<16xi32>
      %jit3A_1399 = arith.constant 0 : i32
      %jit3A_1400 = arith.constant 63 : i32
      %max3A_1401 = vector.broadcast %jit3A_1399 : i32 to vector<16xi32>
      %max3A_1402 = arith.maxsi %max3A_1401, %add3A_1388 : vector<16xi32>
      %min3A_1403 = vector.broadcast %jit3A_1400 : i32 to vector<16xi32>
      %min3A_1404 = arith.minsi %min3A_1403, %max3A_1402 : vector<16xi32>
      %mul3A_1405 = arith.constant 64 : i32
      %mul3A_1406 = vector.broadcast %mul3A_1405 : i32 to vector<16xi32>
      %mul3A_1407 = arith.muli %min3A_1398, %mul3A_1406 : vector<16xi32>
      %add3A_1408 = arith.addi %mul3A_1407, %min3A_1404 : vector<16xi32>
      %gather3A_1409 = tpu.vector_load_idx %arg5[%select_n3A, %and3A_67, %add3A_1408] : memref<3x8x4096xf32, #tpu.memory_space<vmem>>[vector<16xi32>, vector<16xi32>, vector<16xi32>], vector<16xf32>,
      %jit3A_1410 = arith.constant 0.000000e+00 : f32
      %broadcast_in_dim3A_1411 = vector.broadcast %jit3A_1410 : f32 to vector<16xf32>
      %select_n3A_1412 = arith.select %lt3A_1392, %gather3A_1409, %broadcast_in_dim3A_1411 : vector<16xi1>, vector<16xf32>
      %add3A_1413 = arith.addf %add3A_1380, %select_n3A_1412 : vector<16xf32>
      %mul3A_1414 = arith.mulf %select_n3A_1412, %select_n3A_1412 : vector<16xf32>
      %add3A_1415 = arith.addf %add3A_1382, %mul3A_1414 : vector<16xf32>
      %add3A_1416 = arith.constant 0 : i32
      %add3A_1417 = vector.broadcast %add3A_1416 : i32 to vector<16xi32>
      %add3A_1418 = arith.addi %gather3A_1045, %add3A_1417 : vector<16xi32>
      %add3A_1419 = arith.constant -1 : i32
      %add3A_1420 = vector.broadcast %add3A_1419 : i32 to vector<16xi32>
      %add3A_1421 = arith.addi %gather3A_1049, %add3A_1420 : vector<16xi32>
      %or3A_1422 = arith.ori %add3A_1418, %add3A_1421 : vector<16xi32>
      %lt3A_1423 = arith.constant 64 : i32
      %lt3A_1424 = vector.broadcast %lt3A_1423 : i32 to vector<16xi32>
      %lt3A_1425 = arith.cmpi ult, %or3A_1422, %lt3A_1424 : vector<16xi32>
      %jit3A_1426 = arith.constant 0 : i32
      %jit3A_1427 = arith.constant 63 : i32
      %max3A_1428 = vector.broadcast %jit3A_1426 : i32 to vector<16xi32>
      %max3A_1429 = arith.maxsi %max3A_1428, %add3A_1418 : vector<16xi32>
      %min3A_1430 = vector.broadcast %jit3A_1427 : i32 to vector<16xi32>
      %min3A_1431 = arith.minsi %min3A_1430, %max3A_1429 : vector<16xi32>
      %jit3A_1432 = arith.constant 0 : i32
      %jit3A_1433 = arith.constant 63 : i32
      %max3A_1434 = vector.broadcast %jit3A_1432 : i32 to vector<16xi32>
      %max3A_1435 = arith.maxsi %max3A_1434, %add3A_1421 : vector<16xi32>
      %min3A_1436 = vector.broadcast %jit3A_1433 : i32 to vector<16xi32>
      %min3A_1437 = arith.minsi %min3A_1436, %max3A_1435 : vector<16xi32>
      %mul3A_1438 = arith.constant 64 : i32
      %mul3A_1439 = vector.broadcast %mul3A_1438 : i32 to vector<16xi32>
      %mul3A_1440 = arith.muli %min3A_1431, %mul3A_1439 : vector<16xi32>
      %add3A_1441 = arith.addi %mul3A_1440, %min3A_1437 : vector<16xi32>
      %gather3A_1442 = tpu.vector_load_idx %arg5[%select_n3A, %and3A_67, %add3A_1441] : memref<3x8x4096xf32, #tpu.memory_space<vmem>>[vector<16xi32>, vector<16xi32>, vector<16xi32>], vector<16xf32>,
      %jit3A_1443 = arith.constant 0.000000e+00 : f32
      %broadcast_in_dim3A_1444 = vector.broadcast %jit3A_1443 : f32 to vector<16xf32>
      %select_n3A_1445 = arith.select %lt3A_1425, %gather3A_1442, %broadcast_in_dim3A_1444 : vector<16xi1>, vector<16xf32>
      %add3A_1446 = arith.addf %add3A_1413, %select_n3A_1445 : vector<16xf32>
      %mul3A_1447 = arith.mulf %select_n3A_1445, %select_n3A_1445 : vector<16xf32>
      %add3A_1448 = arith.addf %add3A_1415, %mul3A_1447 : vector<16xf32>
      %add3A_1449 = arith.constant 0 : i32
      %add3A_1450 = vector.broadcast %add3A_1449 : i32 to vector<16xi32>
      %add3A_1451 = arith.addi %gather3A_1045, %add3A_1450 : vector<16xi32>
      %add3A_1452 = arith.constant 0 : i32
      %add3A_1453 = vector.broadcast %add3A_1452 : i32 to vector<16xi32>
      %add3A_1454 = arith.addi %gather3A_1049, %add3A_1453 : vector<16xi32>
      %or3A_1455 = arith.ori %add3A_1451, %add3A_1454 : vector<16xi32>
      %lt3A_1456 = arith.constant 64 : i32
      %lt3A_1457 = vector.broadcast %lt3A_1456 : i32 to vector<16xi32>
      %lt3A_1458 = arith.cmpi ult, %or3A_1455, %lt3A_1457 : vector<16xi32>
      %jit3A_1459 = arith.constant 0 : i32
      %jit3A_1460 = arith.constant 63 : i32
      %max3A_1461 = vector.broadcast %jit3A_1459 : i32 to vector<16xi32>
      %max3A_1462 = arith.maxsi %max3A_1461, %add3A_1451 : vector<16xi32>
      %min3A_1463 = vector.broadcast %jit3A_1460 : i32 to vector<16xi32>
      %min3A_1464 = arith.minsi %min3A_1463, %max3A_1462 : vector<16xi32>
      %jit3A_1465 = arith.constant 0 : i32
      %jit3A_1466 = arith.constant 63 : i32
      %max3A_1467 = vector.broadcast %jit3A_1465 : i32 to vector<16xi32>
      %max3A_1468 = arith.maxsi %max3A_1467, %add3A_1454 : vector<16xi32>
      %min3A_1469 = vector.broadcast %jit3A_1466 : i32 to vector<16xi32>
      %min3A_1470 = arith.minsi %min3A_1469, %max3A_1468 : vector<16xi32>
      %mul3A_1471 = arith.constant 64 : i32
      %mul3A_1472 = vector.broadcast %mul3A_1471 : i32 to vector<16xi32>
      %mul3A_1473 = arith.muli %min3A_1464, %mul3A_1472 : vector<16xi32>
      %add3A_1474 = arith.addi %mul3A_1473, %min3A_1470 : vector<16xi32>
      %gather3A_1475 = tpu.vector_load_idx %arg5[%select_n3A, %and3A_67, %add3A_1474] : memref<3x8x4096xf32, #tpu.memory_space<vmem>>[vector<16xi32>, vector<16xi32>, vector<16xi32>], vector<16xf32>,
      %jit3A_1476 = arith.constant 0.000000e+00 : f32
      %broadcast_in_dim3A_1477 = vector.broadcast %jit3A_1476 : f32 to vector<16xf32>
      %select_n3A_1478 = arith.select %lt3A_1458, %gather3A_1475, %broadcast_in_dim3A_1477 : vector<16xi1>, vector<16xf32>
      %add3A_1479 = arith.addf %add3A_1446, %select_n3A_1478 : vector<16xf32>
      %mul3A_1480 = arith.mulf %select_n3A_1478, %select_n3A_1478 : vector<16xf32>
      %add3A_1481 = arith.addf %add3A_1448, %mul3A_1480 : vector<16xf32>
      %add3A_1482 = arith.constant 0 : i32
      %add3A_1483 = vector.broadcast %add3A_1482 : i32 to vector<16xi32>
      %add3A_1484 = arith.addi %gather3A_1045, %add3A_1483 : vector<16xi32>
      %add3A_1485 = arith.constant 1 : i32
      %add3A_1486 = vector.broadcast %add3A_1485 : i32 to vector<16xi32>
      %add3A_1487 = arith.addi %gather3A_1049, %add3A_1486 : vector<16xi32>
      %or3A_1488 = arith.ori %add3A_1484, %add3A_1487 : vector<16xi32>
      %lt3A_1489 = arith.constant 64 : i32
      %lt3A_1490 = vector.broadcast %lt3A_1489 : i32 to vector<16xi32>
      %lt3A_1491 = arith.cmpi ult, %or3A_1488, %lt3A_1490 : vector<16xi32>
      %jit3A_1492 = arith.constant 0 : i32
      %jit3A_1493 = arith.constant 63 : i32
      %max3A_1494 = vector.broadcast %jit3A_1492 : i32 to vector<16xi32>
      %max3A_1495 = arith.maxsi %max3A_1494, %add3A_1484 : vector<16xi32>
      %min3A_1496 = vector.broadcast %jit3A_1493 : i32 to vector<16xi32>
      %min3A_1497 = arith.minsi %min3A_1496, %max3A_1495 : vector<16xi32>
      %jit3A_1498 = arith.constant 0 : i32
      %jit3A_1499 = arith.constant 63 : i32
      %max3A_1500 = vector.broadcast %jit3A_1498 : i32 to vector<16xi32>
      %max3A_1501 = arith.maxsi %max3A_1500, %add3A_1487 : vector<16xi32>
      %min3A_1502 = vector.broadcast %jit3A_1499 : i32 to vector<16xi32>
      %min3A_1503 = arith.minsi %min3A_1502, %max3A_1501 : vector<16xi32>
      %mul3A_1504 = arith.constant 64 : i32
      %mul3A_1505 = vector.broadcast %mul3A_1504 : i32 to vector<16xi32>
      %mul3A_1506 = arith.muli %min3A_1497, %mul3A_1505 : vector<16xi32>
      %add3A_1507 = arith.addi %mul3A_1506, %min3A_1503 : vector<16xi32>
      %gather3A_1508 = tpu.vector_load_idx %arg5[%select_n3A, %and3A_67, %add3A_1507] : memref<3x8x4096xf32, #tpu.memory_space<vmem>>[vector<16xi32>, vector<16xi32>, vector<16xi32>], vector<16xf32>,
      %jit3A_1509 = arith.constant 0.000000e+00 : f32
      %broadcast_in_dim3A_1510 = vector.broadcast %jit3A_1509 : f32 to vector<16xf32>
      %select_n3A_1511 = arith.select %lt3A_1491, %gather3A_1508, %broadcast_in_dim3A_1510 : vector<16xi1>, vector<16xf32>
      %add3A_1512 = arith.addf %add3A_1479, %select_n3A_1511 : vector<16xf32>
      %mul3A_1513 = arith.mulf %select_n3A_1511, %select_n3A_1511 : vector<16xf32>
      %add3A_1514 = arith.addf %add3A_1481, %mul3A_1513 : vector<16xf32>
      %add3A_1515 = arith.constant 0 : i32
      %add3A_1516 = vector.broadcast %add3A_1515 : i32 to vector<16xi32>
      %add3A_1517 = arith.addi %gather3A_1045, %add3A_1516 : vector<16xi32>
      %add3A_1518 = arith.constant 2 : i32
      %add3A_1519 = vector.broadcast %add3A_1518 : i32 to vector<16xi32>
      %add3A_1520 = arith.addi %gather3A_1049, %add3A_1519 : vector<16xi32>
      %or3A_1521 = arith.ori %add3A_1517, %add3A_1520 : vector<16xi32>
      %lt3A_1522 = arith.constant 64 : i32
      %lt3A_1523 = vector.broadcast %lt3A_1522 : i32 to vector<16xi32>
      %lt3A_1524 = arith.cmpi ult, %or3A_1521, %lt3A_1523 : vector<16xi32>
      %jit3A_1525 = arith.constant 0 : i32
      %jit3A_1526 = arith.constant 63 : i32
      %max3A_1527 = vector.broadcast %jit3A_1525 : i32 to vector<16xi32>
      %max3A_1528 = arith.maxsi %max3A_1527, %add3A_1517 : vector<16xi32>
      %min3A_1529 = vector.broadcast %jit3A_1526 : i32 to vector<16xi32>
      %min3A_1530 = arith.minsi %min3A_1529, %max3A_1528 : vector<16xi32>
      %jit3A_1531 = arith.constant 0 : i32
      %jit3A_1532 = arith.constant 63 : i32
      %max3A_1533 = vector.broadcast %jit3A_1531 : i32 to vector<16xi32>
      %max3A_1534 = arith.maxsi %max3A_1533, %add3A_1520 : vector<16xi32>
      %min3A_1535 = vector.broadcast %jit3A_1532 : i32 to vector<16xi32>
      %min3A_1536 = arith.minsi %min3A_1535, %max3A_1534 : vector<16xi32>
      %mul3A_1537 = arith.constant 64 : i32
      %mul3A_1538 = vector.broadcast %mul3A_1537 : i32 to vector<16xi32>
      %mul3A_1539 = arith.muli %min3A_1530, %mul3A_1538 : vector<16xi32>
      %add3A_1540 = arith.addi %mul3A_1539, %min3A_1536 : vector<16xi32>
      %gather3A_1541 = tpu.vector_load_idx %arg5[%select_n3A, %and3A_67, %add3A_1540] : memref<3x8x4096xf32, #tpu.memory_space<vmem>>[vector<16xi32>, vector<16xi32>, vector<16xi32>], vector<16xf32>,
      %jit3A_1542 = arith.constant 0.000000e+00 : f32
      %broadcast_in_dim3A_1543 = vector.broadcast %jit3A_1542 : f32 to vector<16xf32>
      %select_n3A_1544 = arith.select %lt3A_1524, %gather3A_1541, %broadcast_in_dim3A_1543 : vector<16xi1>, vector<16xf32>
      %add3A_1545 = arith.addf %add3A_1512, %select_n3A_1544 : vector<16xf32>
      %mul3A_1546 = arith.mulf %select_n3A_1544, %select_n3A_1544 : vector<16xf32>
      %add3A_1547 = arith.addf %add3A_1514, %mul3A_1546 : vector<16xf32>
      %add3A_1548 = arith.constant 1 : i32
      %add3A_1549 = vector.broadcast %add3A_1548 : i32 to vector<16xi32>
      %add3A_1550 = arith.addi %gather3A_1045, %add3A_1549 : vector<16xi32>
      %add3A_1551 = arith.constant -2 : i32
      %add3A_1552 = vector.broadcast %add3A_1551 : i32 to vector<16xi32>
      %add3A_1553 = arith.addi %gather3A_1049, %add3A_1552 : vector<16xi32>
      %or3A_1554 = arith.ori %add3A_1550, %add3A_1553 : vector<16xi32>
      %lt3A_1555 = arith.constant 64 : i32
      %lt3A_1556 = vector.broadcast %lt3A_1555 : i32 to vector<16xi32>
      %lt3A_1557 = arith.cmpi ult, %or3A_1554, %lt3A_1556 : vector<16xi32>
      %jit3A_1558 = arith.constant 0 : i32
      %jit3A_1559 = arith.constant 63 : i32
      %max3A_1560 = vector.broadcast %jit3A_1558 : i32 to vector<16xi32>
      %max3A_1561 = arith.maxsi %max3A_1560, %add3A_1550 : vector<16xi32>
      %min3A_1562 = vector.broadcast %jit3A_1559 : i32 to vector<16xi32>
      %min3A_1563 = arith.minsi %min3A_1562, %max3A_1561 : vector<16xi32>
      %jit3A_1564 = arith.constant 0 : i32
      %jit3A_1565 = arith.constant 63 : i32
      %max3A_1566 = vector.broadcast %jit3A_1564 : i32 to vector<16xi32>
      %max3A_1567 = arith.maxsi %max3A_1566, %add3A_1553 : vector<16xi32>
      %min3A_1568 = vector.broadcast %jit3A_1565 : i32 to vector<16xi32>
      %min3A_1569 = arith.minsi %min3A_1568, %max3A_1567 : vector<16xi32>
      %mul3A_1570 = arith.constant 64 : i32
      %mul3A_1571 = vector.broadcast %mul3A_1570 : i32 to vector<16xi32>
      %mul3A_1572 = arith.muli %min3A_1563, %mul3A_1571 : vector<16xi32>
      %add3A_1573 = arith.addi %mul3A_1572, %min3A_1569 : vector<16xi32>
      %gather3A_1574 = tpu.vector_load_idx %arg5[%select_n3A, %and3A_67, %add3A_1573] : memref<3x8x4096xf32, #tpu.memory_space<vmem>>[vector<16xi32>, vector<16xi32>, vector<16xi32>], vector<16xf32>,
      %jit3A_1575 = arith.constant 0.000000e+00 : f32
      %broadcast_in_dim3A_1576 = vector.broadcast %jit3A_1575 : f32 to vector<16xf32>
      %select_n3A_1577 = arith.select %lt3A_1557, %gather3A_1574, %broadcast_in_dim3A_1576 : vector<16xi1>, vector<16xf32>
      %add3A_1578 = arith.addf %add3A_1545, %select_n3A_1577 : vector<16xf32>
      %mul3A_1579 = arith.mulf %select_n3A_1577, %select_n3A_1577 : vector<16xf32>
      %add3A_1580 = arith.addf %add3A_1547, %mul3A_1579 : vector<16xf32>
      %add3A_1581 = arith.constant 1 : i32
      %add3A_1582 = vector.broadcast %add3A_1581 : i32 to vector<16xi32>
      %add3A_1583 = arith.addi %gather3A_1045, %add3A_1582 : vector<16xi32>
      %add3A_1584 = arith.constant -1 : i32
      %add3A_1585 = vector.broadcast %add3A_1584 : i32 to vector<16xi32>
      %add3A_1586 = arith.addi %gather3A_1049, %add3A_1585 : vector<16xi32>
      %or3A_1587 = arith.ori %add3A_1583, %add3A_1586 : vector<16xi32>
      %lt3A_1588 = arith.constant 64 : i32
      %lt3A_1589 = vector.broadcast %lt3A_1588 : i32 to vector<16xi32>
      %lt3A_1590 = arith.cmpi ult, %or3A_1587, %lt3A_1589 : vector<16xi32>
      %jit3A_1591 = arith.constant 0 : i32
      %jit3A_1592 = arith.constant 63 : i32
      %max3A_1593 = vector.broadcast %jit3A_1591 : i32 to vector<16xi32>
      %max3A_1594 = arith.maxsi %max3A_1593, %add3A_1583 : vector<16xi32>
      %min3A_1595 = vector.broadcast %jit3A_1592 : i32 to vector<16xi32>
      %min3A_1596 = arith.minsi %min3A_1595, %max3A_1594 : vector<16xi32>
      %jit3A_1597 = arith.constant 0 : i32
      %jit3A_1598 = arith.constant 63 : i32
      %max3A_1599 = vector.broadcast %jit3A_1597 : i32 to vector<16xi32>
      %max3A_1600 = arith.maxsi %max3A_1599, %add3A_1586 : vector<16xi32>
      %min3A_1601 = vector.broadcast %jit3A_1598 : i32 to vector<16xi32>
      %min3A_1602 = arith.minsi %min3A_1601, %max3A_1600 : vector<16xi32>
      %mul3A_1603 = arith.constant 64 : i32
      %mul3A_1604 = vector.broadcast %mul3A_1603 : i32 to vector<16xi32>
      %mul3A_1605 = arith.muli %min3A_1596, %mul3A_1604 : vector<16xi32>
      %add3A_1606 = arith.addi %mul3A_1605, %min3A_1602 : vector<16xi32>
      %gather3A_1607 = tpu.vector_load_idx %arg5[%select_n3A, %and3A_67, %add3A_1606] : memref<3x8x4096xf32, #tpu.memory_space<vmem>>[vector<16xi32>, vector<16xi32>, vector<16xi32>], vector<16xf32>,
      %jit3A_1608 = arith.constant 0.000000e+00 : f32
      %broadcast_in_dim3A_1609 = vector.broadcast %jit3A_1608 : f32 to vector<16xf32>
      %select_n3A_1610 = arith.select %lt3A_1590, %gather3A_1607, %broadcast_in_dim3A_1609 : vector<16xi1>, vector<16xf32>
      %add3A_1611 = arith.addf %add3A_1578, %select_n3A_1610 : vector<16xf32>
      %mul3A_1612 = arith.mulf %select_n3A_1610, %select_n3A_1610 : vector<16xf32>
      %add3A_1613 = arith.addf %add3A_1580, %mul3A_1612 : vector<16xf32>
      %add3A_1614 = arith.constant 1 : i32
      %add3A_1615 = vector.broadcast %add3A_1614 : i32 to vector<16xi32>
      %add3A_1616 = arith.addi %gather3A_1045, %add3A_1615 : vector<16xi32>
      %add3A_1617 = arith.constant 0 : i32
      %add3A_1618 = vector.broadcast %add3A_1617 : i32 to vector<16xi32>
      %add3A_1619 = arith.addi %gather3A_1049, %add3A_1618 : vector<16xi32>
      %or3A_1620 = arith.ori %add3A_1616, %add3A_1619 : vector<16xi32>
      %lt3A_1621 = arith.constant 64 : i32
      %lt3A_1622 = vector.broadcast %lt3A_1621 : i32 to vector<16xi32>
      %lt3A_1623 = arith.cmpi ult, %or3A_1620, %lt3A_1622 : vector<16xi32>
      %jit3A_1624 = arith.constant 0 : i32
      %jit3A_1625 = arith.constant 63 : i32
      %max3A_1626 = vector.broadcast %jit3A_1624 : i32 to vector<16xi32>
      %max3A_1627 = arith.maxsi %max3A_1626, %add3A_1616 : vector<16xi32>
      %min3A_1628 = vector.broadcast %jit3A_1625 : i32 to vector<16xi32>
      %min3A_1629 = arith.minsi %min3A_1628, %max3A_1627 : vector<16xi32>
      %jit3A_1630 = arith.constant 0 : i32
      %jit3A_1631 = arith.constant 63 : i32
      %max3A_1632 = vector.broadcast %jit3A_1630 : i32 to vector<16xi32>
      %max3A_1633 = arith.maxsi %max3A_1632, %add3A_1619 : vector<16xi32>
      %min3A_1634 = vector.broadcast %jit3A_1631 : i32 to vector<16xi32>
      %min3A_1635 = arith.minsi %min3A_1634, %max3A_1633 : vector<16xi32>
      %mul3A_1636 = arith.constant 64 : i32
      %mul3A_1637 = vector.broadcast %mul3A_1636 : i32 to vector<16xi32>
      %mul3A_1638 = arith.muli %min3A_1629, %mul3A_1637 : vector<16xi32>
      %add3A_1639 = arith.addi %mul3A_1638, %min3A_1635 : vector<16xi32>
      %gather3A_1640 = tpu.vector_load_idx %arg5[%select_n3A, %and3A_67, %add3A_1639] : memref<3x8x4096xf32, #tpu.memory_space<vmem>>[vector<16xi32>, vector<16xi32>, vector<16xi32>], vector<16xf32>,
      %jit3A_1641 = arith.constant 0.000000e+00 : f32
      %broadcast_in_dim3A_1642 = vector.broadcast %jit3A_1641 : f32 to vector<16xf32>
      %select_n3A_1643 = arith.select %lt3A_1623, %gather3A_1640, %broadcast_in_dim3A_1642 : vector<16xi1>, vector<16xf32>
      %add3A_1644 = arith.addf %add3A_1611, %select_n3A_1643 : vector<16xf32>
      %mul3A_1645 = arith.mulf %select_n3A_1643, %select_n3A_1643 : vector<16xf32>
      %add3A_1646 = arith.addf %add3A_1613, %mul3A_1645 : vector<16xf32>
      %add3A_1647 = arith.constant 1 : i32
      %add3A_1648 = vector.broadcast %add3A_1647 : i32 to vector<16xi32>
      %add3A_1649 = arith.addi %gather3A_1045, %add3A_1648 : vector<16xi32>
      %add3A_1650 = arith.constant 1 : i32
      %add3A_1651 = vector.broadcast %add3A_1650 : i32 to vector<16xi32>
      %add3A_1652 = arith.addi %gather3A_1049, %add3A_1651 : vector<16xi32>
      %or3A_1653 = arith.ori %add3A_1649, %add3A_1652 : vector<16xi32>
      %lt3A_1654 = arith.constant 64 : i32
      %lt3A_1655 = vector.broadcast %lt3A_1654 : i32 to vector<16xi32>
      %lt3A_1656 = arith.cmpi ult, %or3A_1653, %lt3A_1655 : vector<16xi32>
      %jit3A_1657 = arith.constant 0 : i32
      %jit3A_1658 = arith.constant 63 : i32
      %max3A_1659 = vector.broadcast %jit3A_1657 : i32 to vector<16xi32>
      %max3A_1660 = arith.maxsi %max3A_1659, %add3A_1649 : vector<16xi32>
      %min3A_1661 = vector.broadcast %jit3A_1658 : i32 to vector<16xi32>
      %min3A_1662 = arith.minsi %min3A_1661, %max3A_1660 : vector<16xi32>
      %jit3A_1663 = arith.constant 0 : i32
      %jit3A_1664 = arith.constant 63 : i32
      %max3A_1665 = vector.broadcast %jit3A_1663 : i32 to vector<16xi32>
      %max3A_1666 = arith.maxsi %max3A_1665, %add3A_1652 : vector<16xi32>
      %min3A_1667 = vector.broadcast %jit3A_1664 : i32 to vector<16xi32>
      %min3A_1668 = arith.minsi %min3A_1667, %max3A_1666 : vector<16xi32>
      %mul3A_1669 = arith.constant 64 : i32
      %mul3A_1670 = vector.broadcast %mul3A_1669 : i32 to vector<16xi32>
      %mul3A_1671 = arith.muli %min3A_1662, %mul3A_1670 : vector<16xi32>
      %add3A_1672 = arith.addi %mul3A_1671, %min3A_1668 : vector<16xi32>
      %gather3A_1673 = tpu.vector_load_idx %arg5[%select_n3A, %and3A_67, %add3A_1672] : memref<3x8x4096xf32, #tpu.memory_space<vmem>>[vector<16xi32>, vector<16xi32>, vector<16xi32>], vector<16xf32>,
      %jit3A_1674 = arith.constant 0.000000e+00 : f32
      %broadcast_in_dim3A_1675 = vector.broadcast %jit3A_1674 : f32 to vector<16xf32>
      %select_n3A_1676 = arith.select %lt3A_1656, %gather3A_1673, %broadcast_in_dim3A_1675 : vector<16xi1>, vector<16xf32>
      %add3A_1677 = arith.addf %add3A_1644, %select_n3A_1676 : vector<16xf32>
      %mul3A_1678 = arith.mulf %select_n3A_1676, %select_n3A_1676 : vector<16xf32>
      %add3A_1679 = arith.addf %add3A_1646, %mul3A_1678 : vector<16xf32>
      %add3A_1680 = arith.constant 1 : i32
      %add3A_1681 = vector.broadcast %add3A_1680 : i32 to vector<16xi32>
      %add3A_1682 = arith.addi %gather3A_1045, %add3A_1681 : vector<16xi32>
      %add3A_1683 = arith.constant 2 : i32
      %add3A_1684 = vector.broadcast %add3A_1683 : i32 to vector<16xi32>
      %add3A_1685 = arith.addi %gather3A_1049, %add3A_1684 : vector<16xi32>
      %or3A_1686 = arith.ori %add3A_1682, %add3A_1685 : vector<16xi32>
      %lt3A_1687 = arith.constant 64 : i32
      %lt3A_1688 = vector.broadcast %lt3A_1687 : i32 to vector<16xi32>
      %lt3A_1689 = arith.cmpi ult, %or3A_1686, %lt3A_1688 : vector<16xi32>
      %jit3A_1690 = arith.constant 0 : i32
      %jit3A_1691 = arith.constant 63 : i32
      %max3A_1692 = vector.broadcast %jit3A_1690 : i32 to vector<16xi32>
      %max3A_1693 = arith.maxsi %max3A_1692, %add3A_1682 : vector<16xi32>
      %min3A_1694 = vector.broadcast %jit3A_1691 : i32 to vector<16xi32>
      %min3A_1695 = arith.minsi %min3A_1694, %max3A_1693 : vector<16xi32>
      %jit3A_1696 = arith.constant 0 : i32
      %jit3A_1697 = arith.constant 63 : i32
      %max3A_1698 = vector.broadcast %jit3A_1696 : i32 to vector<16xi32>
      %max3A_1699 = arith.maxsi %max3A_1698, %add3A_1685 : vector<16xi32>
      %min3A_1700 = vector.broadcast %jit3A_1697 : i32 to vector<16xi32>
      %min3A_1701 = arith.minsi %min3A_1700, %max3A_1699 : vector<16xi32>
      %mul3A_1702 = arith.constant 64 : i32
      %mul3A_1703 = vector.broadcast %mul3A_1702 : i32 to vector<16xi32>
      %mul3A_1704 = arith.muli %min3A_1695, %mul3A_1703 : vector<16xi32>
      %add3A_1705 = arith.addi %mul3A_1704, %min3A_1701 : vector<16xi32>
      %gather3A_1706 = tpu.vector_load_idx %arg5[%select_n3A, %and3A_67, %add3A_1705] : memref<3x8x4096xf32, #tpu.memory_space<vmem>>[vector<16xi32>, vector<16xi32>, vector<16xi32>], vector<16xf32>,
      %jit3A_1707 = arith.constant 0.000000e+00 : f32
      %broadcast_in_dim3A_1708 = vector.broadcast %jit3A_1707 : f32 to vector<16xf32>
      %select_n3A_1709 = arith.select %lt3A_1689, %gather3A_1706, %broadcast_in_dim3A_1708 : vector<16xi1>, vector<16xf32>
      %add3A_1710 = arith.addf %add3A_1677, %select_n3A_1709 : vector<16xf32>
      %mul3A_1711 = arith.mulf %select_n3A_1709, %select_n3A_1709 : vector<16xf32>
      %add3A_1712 = arith.addf %add3A_1679, %mul3A_1711 : vector<16xf32>
      %add3A_1713 = arith.constant 2 : i32
      %add3A_1714 = vector.broadcast %add3A_1713 : i32 to vector<16xi32>
      %add3A_1715 = arith.addi %gather3A_1045, %add3A_1714 : vector<16xi32>
      %add3A_1716 = arith.constant -2 : i32
      %add3A_1717 = vector.broadcast %add3A_1716 : i32 to vector<16xi32>
      %add3A_1718 = arith.addi %gather3A_1049, %add3A_1717 : vector<16xi32>
      %or3A_1719 = arith.ori %add3A_1715, %add3A_1718 : vector<16xi32>
      %lt3A_1720 = arith.constant 64 : i32
      %lt3A_1721 = vector.broadcast %lt3A_1720 : i32 to vector<16xi32>
      %lt3A_1722 = arith.cmpi ult, %or3A_1719, %lt3A_1721 : vector<16xi32>
      %jit3A_1723 = arith.constant 0 : i32
      %jit3A_1724 = arith.constant 63 : i32
      %max3A_1725 = vector.broadcast %jit3A_1723 : i32 to vector<16xi32>
      %max3A_1726 = arith.maxsi %max3A_1725, %add3A_1715 : vector<16xi32>
      %min3A_1727 = vector.broadcast %jit3A_1724 : i32 to vector<16xi32>
      %min3A_1728 = arith.minsi %min3A_1727, %max3A_1726 : vector<16xi32>
      %jit3A_1729 = arith.constant 0 : i32
      %jit3A_1730 = arith.constant 63 : i32
      %max3A_1731 = vector.broadcast %jit3A_1729 : i32 to vector<16xi32>
      %max3A_1732 = arith.maxsi %max3A_1731, %add3A_1718 : vector<16xi32>
      %min3A_1733 = vector.broadcast %jit3A_1730 : i32 to vector<16xi32>
      %min3A_1734 = arith.minsi %min3A_1733, %max3A_1732 : vector<16xi32>
      %mul3A_1735 = arith.constant 64 : i32
      %mul3A_1736 = vector.broadcast %mul3A_1735 : i32 to vector<16xi32>
      %mul3A_1737 = arith.muli %min3A_1728, %mul3A_1736 : vector<16xi32>
      %add3A_1738 = arith.addi %mul3A_1737, %min3A_1734 : vector<16xi32>
      %gather3A_1739 = tpu.vector_load_idx %arg5[%select_n3A, %and3A_67, %add3A_1738] : memref<3x8x4096xf32, #tpu.memory_space<vmem>>[vector<16xi32>, vector<16xi32>, vector<16xi32>], vector<16xf32>,
      %jit3A_1740 = arith.constant 0.000000e+00 : f32
      %broadcast_in_dim3A_1741 = vector.broadcast %jit3A_1740 : f32 to vector<16xf32>
      %select_n3A_1742 = arith.select %lt3A_1722, %gather3A_1739, %broadcast_in_dim3A_1741 : vector<16xi1>, vector<16xf32>
      %add3A_1743 = arith.addf %add3A_1710, %select_n3A_1742 : vector<16xf32>
      %mul3A_1744 = arith.mulf %select_n3A_1742, %select_n3A_1742 : vector<16xf32>
      %add3A_1745 = arith.addf %add3A_1712, %mul3A_1744 : vector<16xf32>
      %add3A_1746 = arith.constant 2 : i32
      %add3A_1747 = vector.broadcast %add3A_1746 : i32 to vector<16xi32>
      %add3A_1748 = arith.addi %gather3A_1045, %add3A_1747 : vector<16xi32>
      %add3A_1749 = arith.constant -1 : i32
      %add3A_1750 = vector.broadcast %add3A_1749 : i32 to vector<16xi32>
      %add3A_1751 = arith.addi %gather3A_1049, %add3A_1750 : vector<16xi32>
      %or3A_1752 = arith.ori %add3A_1748, %add3A_1751 : vector<16xi32>
      %lt3A_1753 = arith.constant 64 : i32
      %lt3A_1754 = vector.broadcast %lt3A_1753 : i32 to vector<16xi32>
      %lt3A_1755 = arith.cmpi ult, %or3A_1752, %lt3A_1754 : vector<16xi32>
      %jit3A_1756 = arith.constant 0 : i32
      %jit3A_1757 = arith.constant 63 : i32
      %max3A_1758 = vector.broadcast %jit3A_1756 : i32 to vector<16xi32>
      %max3A_1759 = arith.maxsi %max3A_1758, %add3A_1748 : vector<16xi32>
      %min3A_1760 = vector.broadcast %jit3A_1757 : i32 to vector<16xi32>
      %min3A_1761 = arith.minsi %min3A_1760, %max3A_1759 : vector<16xi32>
      %jit3A_1762 = arith.constant 0 : i32
      %jit3A_1763 = arith.constant 63 : i32
      %max3A_1764 = vector.broadcast %jit3A_1762 : i32 to vector<16xi32>
      %max3A_1765 = arith.maxsi %max3A_1764, %add3A_1751 : vector<16xi32>
      %min3A_1766 = vector.broadcast %jit3A_1763 : i32 to vector<16xi32>
      %min3A_1767 = arith.minsi %min3A_1766, %max3A_1765 : vector<16xi32>
      %mul3A_1768 = arith.constant 64 : i32
      %mul3A_1769 = vector.broadcast %mul3A_1768 : i32 to vector<16xi32>
      %mul3A_1770 = arith.muli %min3A_1761, %mul3A_1769 : vector<16xi32>
      %add3A_1771 = arith.addi %mul3A_1770, %min3A_1767 : vector<16xi32>
      %gather3A_1772 = tpu.vector_load_idx %arg5[%select_n3A, %and3A_67, %add3A_1771] : memref<3x8x4096xf32, #tpu.memory_space<vmem>>[vector<16xi32>, vector<16xi32>, vector<16xi32>], vector<16xf32>,
      %jit3A_1773 = arith.constant 0.000000e+00 : f32
      %broadcast_in_dim3A_1774 = vector.broadcast %jit3A_1773 : f32 to vector<16xf32>
      %select_n3A_1775 = arith.select %lt3A_1755, %gather3A_1772, %broadcast_in_dim3A_1774 : vector<16xi1>, vector<16xf32>
      %add3A_1776 = arith.addf %add3A_1743, %select_n3A_1775 : vector<16xf32>
      %mul3A_1777 = arith.mulf %select_n3A_1775, %select_n3A_1775 : vector<16xf32>
      %add3A_1778 = arith.addf %add3A_1745, %mul3A_1777 : vector<16xf32>
      %add3A_1779 = arith.constant 2 : i32
      %add3A_1780 = vector.broadcast %add3A_1779 : i32 to vector<16xi32>
      %add3A_1781 = arith.addi %gather3A_1045, %add3A_1780 : vector<16xi32>
      %add3A_1782 = arith.constant 0 : i32
      %add3A_1783 = vector.broadcast %add3A_1782 : i32 to vector<16xi32>
      %add3A_1784 = arith.addi %gather3A_1049, %add3A_1783 : vector<16xi32>
      %or3A_1785 = arith.ori %add3A_1781, %add3A_1784 : vector<16xi32>
      %lt3A_1786 = arith.constant 64 : i32
      %lt3A_1787 = vector.broadcast %lt3A_1786 : i32 to vector<16xi32>
      %lt3A_1788 = arith.cmpi ult, %or3A_1785, %lt3A_1787 : vector<16xi32>
      %jit3A_1789 = arith.constant 0 : i32
      %jit3A_1790 = arith.constant 63 : i32
      %max3A_1791 = vector.broadcast %jit3A_1789 : i32 to vector<16xi32>
      %max3A_1792 = arith.maxsi %max3A_1791, %add3A_1781 : vector<16xi32>
      %min3A_1793 = vector.broadcast %jit3A_1790 : i32 to vector<16xi32>
      %min3A_1794 = arith.minsi %min3A_1793, %max3A_1792 : vector<16xi32>
      %jit3A_1795 = arith.constant 0 : i32
      %jit3A_1796 = arith.constant 63 : i32
      %max3A_1797 = vector.broadcast %jit3A_1795 : i32 to vector<16xi32>
      %max3A_1798 = arith.maxsi %max3A_1797, %add3A_1784 : vector<16xi32>
      %min3A_1799 = vector.broadcast %jit3A_1796 : i32 to vector<16xi32>
      %min3A_1800 = arith.minsi %min3A_1799, %max3A_1798 : vector<16xi32>
      %mul3A_1801 = arith.constant 64 : i32
      %mul3A_1802 = vector.broadcast %mul3A_1801 : i32 to vector<16xi32>
      %mul3A_1803 = arith.muli %min3A_1794, %mul3A_1802 : vector<16xi32>
      %add3A_1804 = arith.addi %mul3A_1803, %min3A_1800 : vector<16xi32>
      %gather3A_1805 = tpu.vector_load_idx %arg5[%select_n3A, %and3A_67, %add3A_1804] : memref<3x8x4096xf32, #tpu.memory_space<vmem>>[vector<16xi32>, vector<16xi32>, vector<16xi32>], vector<16xf32>,
      %jit3A_1806 = arith.constant 0.000000e+00 : f32
      %broadcast_in_dim3A_1807 = vector.broadcast %jit3A_1806 : f32 to vector<16xf32>
      %select_n3A_1808 = arith.select %lt3A_1788, %gather3A_1805, %broadcast_in_dim3A_1807 : vector<16xi1>, vector<16xf32>
      %add3A_1809 = arith.addf %add3A_1776, %select_n3A_1808 : vector<16xf32>
      %mul3A_1810 = arith.mulf %select_n3A_1808, %select_n3A_1808 : vector<16xf32>
      %add3A_1811 = arith.addf %add3A_1778, %mul3A_1810 : vector<16xf32>
      %add3A_1812 = arith.constant 2 : i32
      %add3A_1813 = vector.broadcast %add3A_1812 : i32 to vector<16xi32>
      %add3A_1814 = arith.addi %gather3A_1045, %add3A_1813 : vector<16xi32>
      %add3A_1815 = arith.constant 1 : i32
      %add3A_1816 = vector.broadcast %add3A_1815 : i32 to vector<16xi32>
      %add3A_1817 = arith.addi %gather3A_1049, %add3A_1816 : vector<16xi32>
      %or3A_1818 = arith.ori %add3A_1814, %add3A_1817 : vector<16xi32>
      %lt3A_1819 = arith.constant 64 : i32
      %lt3A_1820 = vector.broadcast %lt3A_1819 : i32 to vector<16xi32>
      %lt3A_1821 = arith.cmpi ult, %or3A_1818, %lt3A_1820 : vector<16xi32>
      %jit3A_1822 = arith.constant 0 : i32
      %jit3A_1823 = arith.constant 63 : i32
      %max3A_1824 = vector.broadcast %jit3A_1822 : i32 to vector<16xi32>
      %max3A_1825 = arith.maxsi %max3A_1824, %add3A_1814 : vector<16xi32>
      %min3A_1826 = vector.broadcast %jit3A_1823 : i32 to vector<16xi32>
      %min3A_1827 = arith.minsi %min3A_1826, %max3A_1825 : vector<16xi32>
      %jit3A_1828 = arith.constant 0 : i32
      %jit3A_1829 = arith.constant 63 : i32
      %max3A_1830 = vector.broadcast %jit3A_1828 : i32 to vector<16xi32>
      %max3A_1831 = arith.maxsi %max3A_1830, %add3A_1817 : vector<16xi32>
      %min3A_1832 = vector.broadcast %jit3A_1829 : i32 to vector<16xi32>
      %min3A_1833 = arith.minsi %min3A_1832, %max3A_1831 : vector<16xi32>
      %mul3A_1834 = arith.constant 64 : i32
      %mul3A_1835 = vector.broadcast %mul3A_1834 : i32 to vector<16xi32>
      %mul3A_1836 = arith.muli %min3A_1827, %mul3A_1835 : vector<16xi32>
      %add3A_1837 = arith.addi %mul3A_1836, %min3A_1833 : vector<16xi32>
      %gather3A_1838 = tpu.vector_load_idx %arg5[%select_n3A, %and3A_67, %add3A_1837] : memref<3x8x4096xf32, #tpu.memory_space<vmem>>[vector<16xi32>, vector<16xi32>, vector<16xi32>], vector<16xf32>,
      %jit3A_1839 = arith.constant 0.000000e+00 : f32
      %broadcast_in_dim3A_1840 = vector.broadcast %jit3A_1839 : f32 to vector<16xf32>
      %select_n3A_1841 = arith.select %lt3A_1821, %gather3A_1838, %broadcast_in_dim3A_1840 : vector<16xi1>, vector<16xf32>
      %add3A_1842 = arith.addf %add3A_1809, %select_n3A_1841 : vector<16xf32>
      %mul3A_1843 = arith.mulf %select_n3A_1841, %select_n3A_1841 : vector<16xf32>
      %add3A_1844 = arith.addf %add3A_1811, %mul3A_1843 : vector<16xf32>
      %add3A_1845 = arith.constant 2 : i32
      %add3A_1846 = vector.broadcast %add3A_1845 : i32 to vector<16xi32>
      %add3A_1847 = arith.addi %gather3A_1045, %add3A_1846 : vector<16xi32>
      %add3A_1848 = arith.constant 2 : i32
      %add3A_1849 = vector.broadcast %add3A_1848 : i32 to vector<16xi32>
      %add3A_1850 = arith.addi %gather3A_1049, %add3A_1849 : vector<16xi32>
      %or3A_1851 = arith.ori %add3A_1847, %add3A_1850 : vector<16xi32>
      %lt3A_1852 = arith.constant 64 : i32
      %lt3A_1853 = vector.broadcast %lt3A_1852 : i32 to vector<16xi32>
      %lt3A_1854 = arith.cmpi ult, %or3A_1851, %lt3A_1853 : vector<16xi32>
      %jit3A_1855 = arith.constant 0 : i32
      %jit3A_1856 = arith.constant 63 : i32
      %max3A_1857 = vector.broadcast %jit3A_1855 : i32 to vector<16xi32>
      %max3A_1858 = arith.maxsi %max3A_1857, %add3A_1847 : vector<16xi32>
      %min3A_1859 = vector.broadcast %jit3A_1856 : i32 to vector<16xi32>
      %min3A_1860 = arith.minsi %min3A_1859, %max3A_1858 : vector<16xi32>
      %jit3A_1861 = arith.constant 0 : i32
      %jit3A_1862 = arith.constant 63 : i32
      %max3A_1863 = vector.broadcast %jit3A_1861 : i32 to vector<16xi32>
      %max3A_1864 = arith.maxsi %max3A_1863, %add3A_1850 : vector<16xi32>
      %min3A_1865 = vector.broadcast %jit3A_1862 : i32 to vector<16xi32>
      %min3A_1866 = arith.minsi %min3A_1865, %max3A_1864 : vector<16xi32>
      %mul3A_1867 = arith.constant 64 : i32
      %mul3A_1868 = vector.broadcast %mul3A_1867 : i32 to vector<16xi32>
      %mul3A_1869 = arith.muli %min3A_1860, %mul3A_1868 : vector<16xi32>
      %add3A_1870 = arith.addi %mul3A_1869, %min3A_1866 : vector<16xi32>
      %gather3A_1871 = tpu.vector_load_idx %arg5[%select_n3A, %and3A_67, %add3A_1870] : memref<3x8x4096xf32, #tpu.memory_space<vmem>>[vector<16xi32>, vector<16xi32>, vector<16xi32>], vector<16xf32>,
      %jit3A_1872 = arith.constant 0.000000e+00 : f32
      %broadcast_in_dim3A_1873 = vector.broadcast %jit3A_1872 : f32 to vector<16xf32>
      %select_n3A_1874 = arith.select %lt3A_1854, %gather3A_1871, %broadcast_in_dim3A_1873 : vector<16xi1>, vector<16xf32>
      %add3A_1875 = arith.addf %add3A_1842, %select_n3A_1874 : vector<16xf32>
      %mul3A_1876 = arith.mulf %select_n3A_1874, %select_n3A_1874 : vector<16xf32>
      %add3A_1877 = arith.addf %add3A_1844, %mul3A_1876 : vector<16xf32>
      %add3A_1878 = arith.constant 2 : i32
      %add3A_1879 = vector.broadcast %add3A_1878 : i32 to vector<16xi32>
      %add3A_1880 = arith.addi %gather3A_1045, %add3A_1879 : vector<16xi32>
      %min3A_1881 = arith.constant 63 : i32
      %min3A_1882 = vector.broadcast %min3A_1881 : i32 to vector<16xi32>
      %min3A_1883 = arith.minsi %add3A_1880, %min3A_1882 : vector<16xi32>
      %sub3A = arith.constant 2 : i32
      %sub3A_1884 = vector.broadcast %sub3A : i32 to vector<16xi32>
      %sub3A_1885 = arith.subi %gather3A_1045, %sub3A_1884 : vector<16xi32>
      %max3A_1886 = arith.constant 0 : i32
      %max3A_1887 = vector.broadcast %max3A_1886 : i32 to vector<16xi32>
      %max3A_1888 = arith.maxsi %sub3A_1885, %max3A_1887 : vector<16xi32>
      %sub3A_1889 = arith.subi %min3A_1883, %max3A_1888 : vector<16xi32>
      %add3A_1890 = arith.constant 1 : i32
      %add3A_1891 = vector.broadcast %add3A_1890 : i32 to vector<16xi32>
      %add3A_1892 = arith.addi %sub3A_1889, %add3A_1891 : vector<16xi32>
      %add3A_1893 = arith.constant 2 : i32
      %add3A_1894 = vector.broadcast %add3A_1893 : i32 to vector<16xi32>
      %add3A_1895 = arith.addi %gather3A_1049, %add3A_1894 : vector<16xi32>
      %min3A_1896 = arith.constant 63 : i32
      %min3A_1897 = vector.broadcast %min3A_1896 : i32 to vector<16xi32>
      %min3A_1898 = arith.minsi %add3A_1895, %min3A_1897 : vector<16xi32>
      %sub3A_1899 = arith.constant 2 : i32
      %sub3A_1900 = vector.broadcast %sub3A_1899 : i32 to vector<16xi32>
      %sub3A_1901 = arith.subi %gather3A_1049, %sub3A_1900 : vector<16xi32>
      %max3A_1902 = arith.constant 0 : i32
      %max3A_1903 = vector.broadcast %max3A_1902 : i32 to vector<16xi32>
      %max3A_1904 = arith.maxsi %sub3A_1901, %max3A_1903 : vector<16xi32>
      %sub3A_1905 = arith.subi %min3A_1898, %max3A_1904 : vector<16xi32>
      %add3A_1906 = arith.constant 1 : i32
      %add3A_1907 = vector.broadcast %add3A_1906 : i32 to vector<16xi32>
      %add3A_1908 = arith.addi %sub3A_1905, %add3A_1907 : vector<16xi32>
      %mul3A_1909 = arith.muli %add3A_1892, %add3A_1908 : vector<16xi32>
      %sub3A_1910 = arith.constant 4096 : i32
      %sub3A_1911 = vector.broadcast %sub3A_1910 : i32 to vector<16xi32>
      %sub3A_1912 = arith.subi %sub3A_1911, %mul3A_1909 : vector<16xi32>
      %convert_element_type3A = arith.sitofp %sub3A_1912 : vector<16xi32> to vector<16xf32>
      %sub3A_1913 = arith.subf %add3A_1021, %add3A_1875 : vector<16xf32>
      %sub3A_1914 = arith.subf %add3A_1029, %add3A_1877 : vector<16xf32>
      %div3A = arith.divf %sub3A_1913, %convert_element_type3A : vector<16xf32>
      %mul3A_1915 = arith.mulf %sub3A_1913, %div3A : vector<16xf32>
      %sub3A_1916 = arith.subf %sub3A_1914, %mul3A_1915 : vector<16xf32>
      %sub3A_1917 = arith.constant 1.000000e+00 : f32
      %sub3A_1918 = vector.broadcast %sub3A_1917 : f32 to vector<16xf32>
      %sub3A_1919 = arith.subf %convert_element_type3A, %sub3A_1918 : vector<16xf32>
      %div3A_1920 = arith.divf %sub3A_1916, %sub3A_1919 : vector<16xf32>
      %sub3A_1921 = arith.subf %max3A_1037, %div3A : vector<16xf32>
      %div3A_1922 = arith.divf %sub3A_1921, %div3A_1920 : vector<16xf32>
      %mul3A_1923 = arith.constant 16 : i32
      %mul3A_1924 = arith.muli %scan3A_75, %mul3A_1923 : i32
      %swap3A_1925 = arith.index_cast %mul3A_1924 : i32 to index
      %swap3A_1926 = tpu.vector_load %arg7[%swap3A_1925] {strides = array<i32>} : memref<512xf32, #tpu.memory_space<vmem>>, vector<16xf32>,
      tpu.vector_store %arg7[%swap3A_1925], %div3A_1922 {strides = array<i32>} : memref<512xf32, #tpu.memory_space<vmem>>, vector<16xf32>,
      %add3A_1927 = arith.constant 3 : i32
      %add3A_1928 = arith.addi %mul3A_77, %add3A_1927 : i32
      %lt3A_1929 = arith.constant 64 : i32
      %lt3A_1930 = arith.cmpi slt, %add3A_1928, %lt3A_1929 : i32
      %convert_element_type3A_1931 = arith.extui %lt3A_1930 : i1 to i32
      %cond3A = arith.constant 0 : i32
      %cond3A_1932 = arith.cmpi ne, %convert_element_type3A_1931, %cond3A : i32
      scf.if %cond3A_1932 {
        %add3A_1940 = arith.constant 3 : i32
        %add3A_1941 = arith.addi %mul3A_77, %add3A_1940 : i32
        %rem3A_1942 = arith.constant 3 : i32
        %rem3A_1943 = arith.remsi %add3A_1941, %rem3A_1942 : i32
        %mul3A_1944 = arith.constant 8 : i32
        %mul3A_1945 = arith.muli %add3A_1941, %mul3A_1944 : i32
        %add3A_1946 = arith.addi %mul3A_2, %mul3A_1945 : i32
        %dma_start3A_1947 = arith.constant 0 : i32
        %dma_start3A_1948 = arith.constant 0 : i32
        %dma_start3A_1949 = tpu.memref_slice %arg5[%rem3A_1943, %dma_start3A_1947, %dma_start3A_1948] : memref<3x8x4096xf32, #tpu.memory_space<vmem>> -> memref<1x8x4096xf32, #tpu.memory_space<vmem>>
        %dma_start3A_1950 = tpu.memref_squeeze %dma_start3A_1949 : memref<1x8x4096xf32, #tpu.memory_space<vmem>> -> memref<8x4096xf32, #tpu.memory_space<vmem>>
        %dma_start3A_1951 = arith.constant 0 : i32
        %dma_start3A_1952 = tpu.memref_slice %arg2[%add3A_1946, %dma_start3A_1951] : memref<16384x4096xf32, #tpu.memory_space<hbm>> -> memref<8x4096xf32, #tpu.memory_space<hbm>>
        %dma_start3A_1953 = tpu.memref_slice %arg9[%rem3A_1943] : memref<3x!tpu.dma_semaphore, #tpu.memory_space<semaphore_mem>> -> memref<1x!tpu.dma_semaphore, #tpu.memory_space<semaphore_mem>>
        %dma_start3A_1954 = tpu.memref_squeeze %dma_start3A_1953 : memref<1x!tpu.dma_semaphore, #tpu.memory_space<semaphore_mem>> -> memref<!tpu.dma_semaphore, #tpu.memory_space<semaphore_mem>>
        %dma_start3A_1955 = arith.constant 0 : i32
        %dma_start3A_1956 = arith.constant 0 : i32
        %dma_start3A_1957 = tpu.memref_slice %arg5[%rem3A_1943, %dma_start3A_1955, %dma_start3A_1956] : memref<3x8x4096xf32, #tpu.memory_space<vmem>> -> memref<1x8x4096xf32, #tpu.memory_space<vmem>>
        %dma_start3A_1958 = tpu.memref_squeeze %dma_start3A_1957 : memref<1x8x4096xf32, #tpu.memory_space<vmem>> -> memref<8x4096xf32, #tpu.memory_space<vmem>>
        %dma_start3A_1959 = arith.constant 0 : i32
        %dma_start3A_1960 = tpu.memref_slice %arg2[%add3A_1946, %dma_start3A_1959] : memref<16384x4096xf32, #tpu.memory_space<hbm>> -> memref<8x4096xf32, #tpu.memory_space<hbm>>
        tpu.enqueue_dma source(%dma_start3A_1960 : memref<8x4096xf32, #tpu.memory_space<hbm>>) target(%dma_start3A_1958 : memref<8x4096xf32, #tpu.memory_space<vmem>>) target_semaphore(%dma_start3A_1954 : memref<!tpu.dma_semaphore, #tpu.memory_space<semaphore_mem>>)
      } else {
      }
      %add3A_1933 = arith.constant 4 : i32
      %add3A_1934 = arith.addi %mul3A_77, %add3A_1933 : i32
      %lt3A_1935 = arith.constant 64 : i32
      %lt3A_1936 = arith.cmpi slt, %add3A_1934, %lt3A_1935 : i32
      %convert_element_type3A_1937 = arith.extui %lt3A_1936 : i1 to i32
      %cond3A_1938 = arith.constant 0 : i32
      %cond3A_1939 = arith.cmpi ne, %convert_element_type3A_1937, %cond3A_1938 : i32
      scf.if %cond3A_1939 {
        %add3A_1940 = arith.constant 4 : i32
        %add3A_1941 = arith.addi %mul3A_77, %add3A_1940 : i32
        %rem3A_1942 = arith.constant 3 : i32
        %rem3A_1943 = arith.remsi %add3A_1941, %rem3A_1942 : i32
        %mul3A_1944 = arith.constant 8 : i32
        %mul3A_1945 = arith.muli %add3A_1941, %mul3A_1944 : i32
        %add3A_1946 = arith.addi %mul3A_2, %mul3A_1945 : i32
        %dma_start3A_1947 = arith.constant 0 : i32
        %dma_start3A_1948 = arith.constant 0 : i32
        %dma_start3A_1949 = tpu.memref_slice %arg5[%rem3A_1943, %dma_start3A_1947, %dma_start3A_1948] : memref<3x8x4096xf32, #tpu.memory_space<vmem>> -> memref<1x8x4096xf32, #tpu.memory_space<vmem>>
        %dma_start3A_1950 = tpu.memref_squeeze %dma_start3A_1949 : memref<1x8x4096xf32, #tpu.memory_space<vmem>> -> memref<8x4096xf32, #tpu.memory_space<vmem>>
        %dma_start3A_1951 = arith.constant 0 : i32
        %dma_start3A_1952 = tpu.memref_slice %arg2[%add3A_1946, %dma_start3A_1951] : memref<16384x4096xf32, #tpu.memory_space<hbm>> -> memref<8x4096xf32, #tpu.memory_space<hbm>>
        %dma_start3A_1953 = tpu.memref_slice %arg9[%rem3A_1943] : memref<3x!tpu.dma_semaphore, #tpu.memory_space<semaphore_mem>> -> memref<1x!tpu.dma_semaphore, #tpu.memory_space<semaphore_mem>>
        %dma_start3A_1954 = tpu.memref_squeeze %dma_start3A_1953 : memref<1x!tpu.dma_semaphore, #tpu.memory_space<semaphore_mem>> -> memref<!tpu.dma_semaphore, #tpu.memory_space<semaphore_mem>>
        %dma_start3A_1955 = arith.constant 0 : i32
        %dma_start3A_1956 = arith.constant 0 : i32
        %dma_start3A_1957 = tpu.memref_slice %arg5[%rem3A_1943, %dma_start3A_1955, %dma_start3A_1956] : memref<3x8x4096xf32, #tpu.memory_space<vmem>> -> memref<1x8x4096xf32, #tpu.memory_space<vmem>>
        %dma_start3A_1958 = tpu.memref_squeeze %dma_start3A_1957 : memref<1x8x4096xf32, #tpu.memory_space<vmem>> -> memref<8x4096xf32, #tpu.memory_space<vmem>>
        %dma_start3A_1959 = arith.constant 0 : i32
        %dma_start3A_1960 = tpu.memref_slice %arg2[%add3A_1946, %dma_start3A_1959] : memref<16384x4096xf32, #tpu.memory_space<hbm>> -> memref<8x4096xf32, #tpu.memory_space<hbm>>
        tpu.enqueue_dma source(%dma_start3A_1960 : memref<8x4096xf32, #tpu.memory_space<hbm>>) target(%dma_start3A_1958 : memref<8x4096xf32, #tpu.memory_space<vmem>>) target_semaphore(%dma_start3A_1954 : memref<!tpu.dma_semaphore, #tpu.memory_space<semaphore_mem>>)
      } else {
      }
    }
    %scan3A_74 = arith.constant 32 : i32
    "tpu.region"() ({
      %run_scoped3A = tpu.sem_alloc : memref<!tpu.dma_semaphore, #tpu.memory_space<semaphore_mem>>
      %dma_start3A_75 = tpu.memref_slice %arg4[%mul3A_2] : memref<16384xf32, #tpu.memory_space<hbm>> -> memref<512xf32, #tpu.memory_space<hbm>>
      %dma_start3A_76 = tpu.memref_slice %arg4[%mul3A_2] : memref<16384xf32, #tpu.memory_space<hbm>> -> memref<512xf32, #tpu.memory_space<hbm>>
      tpu.enqueue_dma source(%arg7 : memref<512xf32, #tpu.memory_space<vmem>>) target(%dma_start3A_76 : memref<512xf32, #tpu.memory_space<hbm>>) target_semaphore(%run_scoped3A : memref<!tpu.dma_semaphore, #tpu.memory_space<semaphore_mem>>)
      %dma_wait3A = tpu.memref_slice %arg4[%mul3A_2] : memref<16384xf32, #tpu.memory_space<hbm>> -> memref<512xf32, #tpu.memory_space<hbm>>
      %dma_wait3A_77 = tpu.memref_slice %arg4[%mul3A_2] : memref<16384xf32, #tpu.memory_space<hbm>> -> memref<512xf32, #tpu.memory_space<hbm>>
      tpu.wait_dma2 semaphore(%run_scoped3A : memref<!tpu.dma_semaphore, #tpu.memory_space<semaphore_mem>>) src(%arg7 : memref<512xf32, #tpu.memory_space<vmem>>) dst(%dma_wait3A_77 : memref<512xf32, #tpu.memory_space<hbm>>)
      tpu.yield
    }) : () -> ()
    return
  }
}

module attributes {stable_mosaic.version = 14 : i64} {
  func.func @_norm_kernel(%arg0: memref<16x1024xf32, #tpu.memory_space<vmem>>, %arg1: memref<16x1024xf32, #tpu.memory_space<vmem>>) attributes {dimension_semantics = [], scalar_prefetch = 0 : i64, scratch_operands = 0 : i64, tpu.core_type = #tpu.core_type<tc>} {
    %get3A = arith.constant 0 : index
    %get3A_0 = arith.constant 0 : index
    %get3A_1 = vector.load %arg0[%get3A, %get3A_0] : memref<16x1024xf32, #tpu.memory_space<vmem>>, vector<16x1024xf32>
    %reduce_sum3A = arith.constant dense<0.000000e+00> : vector<16xf32>
    %reduce_sum3A_2 = vector.multi_reduction <add>, %get3A_1, %reduce_sum3A [1] : vector<16x1024xf32> to vector<16xf32>
    %broadcast_in_dim3A = vector.shape_cast %reduce_sum3A_2 : vector<16xf32> to vector<16x1xf32>
    %div3A = arith.constant 1.024000e+03 : f32
    %div3A_3 = vector.broadcast %div3A : f32 to vector<16x1xf32>
    %div3A_4 = arith.divf %broadcast_in_dim3A, %div3A_3 : vector<16x1xf32>
    %add3A = arith.constant 9.99999993E-9 : f32
    %add3A_5 = vector.broadcast %add3A : f32 to vector<16x1xf32>
    %add3A_6 = arith.addf %div3A_4, %add3A_5 : vector<16x1xf32>
    %div3A_7 = vector.broadcast %add3A_6 : vector<16x1xf32> to vector<16x1024xf32>
    %div3A_8 = arith.divf %get3A_1, %div3A_7 : vector<16x1024xf32>
    %swap3A = arith.constant 0 : index
    %swap3A_9 = arith.constant 0 : index
    %swap3A_10 = vector.load %arg1[%swap3A, %swap3A_9] : memref<16x1024xf32, #tpu.memory_space<vmem>>, vector<16x1024xf32>
    tpu.vector_store %arg1[%swap3A, %swap3A_9], %div3A_8 {strides = array<i32>} : memref<16x1024xf32, #tpu.memory_space<vmem>>, vector<16x1024xf32>,
    return
  }
}

</mosaic_0001>

<sc_bundles>
// kernel: kernel.4.cloned.1.call-start
scs
__scs_entry_jumppad:
0x0: {  	(pc) =	sbr.rel $0x88, $3  }
0x1: {  	(tag) =	ssettag $0x0;
	lr =	simm.s32 $0x1  }
0x2: {  	[smem:$0x3F9F] =	sst lr;
	_ =	strace $0xD0000000  }
0x3: {  	_ = 	snop  }
0x4: {  	_ = 	snop  }
0x5: {  	_ = 	snop  }
0x6: {  	_ = 	snop  }
0x7: {  	_ = 	snop  }
__scs_overlays_trampoline_lowered:
0x8: {  	[smem:$0x3FAE] =	sst s0  }
0x9: {  	[smem:$0x3FAF] =	sst s1  }
0xa: {  	[smem:$0x3FB0] =	sst s2  }
0xb: {  	[smem:$0x3FB1] =	sst s3  }
0xc: {  	[smem:$0x3FB2] =	sst s4  }
0xd: {  	[smem:$0x3FB3] =	sst s5  }
0xe: {  	[smem:$0x3FB4] =	sst s6  }
0xf: {  	[smem:$0x3FB5] =	sst s7  }
0x10: {  	[smem:$0x3FB6] =	sst s8  }
0x11: {  	[smem:$0x3FB7] =	sst s9;
	s0 =	simm.s32 @!p0 $0x0  }
0x12: {  	s1 =	sld [smem:$0x3F9D];
	s0 =	simm.s32 @p0 $0x1  }
0x13: {  	[smem:$0x3FB8] =	sst s0;
	s0 =	simm.s32 @!p1 $0x0  }
0x14: {  	s2 =	sld [smem:$0x3F9C];
	s0 =	simm.s32 @p1 $0x1  }
0x15: {  	[smem:$0x3FB9] =	sst s0;
	s0 =	simm.s32 @!p2 $0x0  }
0x16: {  	s3 =	sld [smem:$0x3FDB];
	s0 =	simm.s32 @p2 $0x1  }
0x17: {  	s4 =	simm.s32 $0x1BF5;
	[smem:$0x3FBB] =	sst s0  }
0x18: {  	s0 =	sld [smem:$0x3F9E];
	_ =	swait.ge [sflag:s4], $0x0  }
0x19: {  	s7 =	sld [smem:$0x3F9F]  }
0x1a: {  	s8 =	sadd.s32 $0xFFFFE003, lr  }
0x1b: {  	s9 =	sadd.s32 $0xFFFFFEF7, lr;
	s5 =	simm.s32 $0xFFFFFFFF;
	p2 =	slt.u32 s8, $0xFFFFF086  }
0x1c: {  	p1 =	slt.u32 s9, $0xF7A;
	s5 =	simm.s32 @!p2 $0x0  }
0x1d: {  	s5 =	simm.s32 @p1 $0x1;
	p0 =	seq.s32 s7, s2  }
0x1e: {  	s7 =	smul.u32 @!p0 $0xF7A, s2;
	p2 =	seq.s32 @!p0 s5, $0x0  }
0x1f: {  	s9 =	smul.u32 $0xF7A, s1;
	s8 =	simm.s32 @!p0 $0x1BF5;
	p2 =	por !p2, p0  }
0x20: {  	[sflag:s8] =	ssyncset.s32 @!p0 $0xFFFFF086;
	s6 =	sadd.s32 @!p0 s3, s7;
	s7 =	simm.s32 @!p0 $0x108  }
0x21: {  	s3 =	sadd.s32 s3, s9;
	s6 =	sadd.s32 @!p0 $0x88, s6;
	s7 =	simm.s32 @p2 $0x1082  }
0x22: {  	[simem:s7], [sflag:s8] =	dma.local @!p0 [hbm:s6], $0xF7A  }
0x23: {  	s9 =	sor.u32 $0xD0000000, s2;
	s6 =	simm.s32 $0x108;
	_ =	swait.ge @!p0 [sflag:s8], $0x0  }
0x24: {  	s3 =	sadd.s32 $0x88, s3;
	s6 =	simm.s32 @!p1 $0x1082;
	[sflag:s4] =	ssyncset.s32 $0xFFFFF086  }
0x25: {  	[simem:s6], [sflag:s4] =	dma.local [hbm:s3], $0xF7A  }
0x26: {  	[smem:$0x3F9F] =	sst s1;
	(tag) =	ssettag s2;
	_ =	strace s9  }
0x27: {  	s1 =	sld [smem:$0x3FAF]  }
0x28: {  	s2 =	sld [smem:$0x3FB0]  }
0x29: {  	s4 =	sld [smem:$0x3FB2]  }
0x2a: {  	p0 =	seq.s32 s5, $0x0;
	s5 =	sld [smem:$0x3FB3]  }
0x2b: {  	s6 =	sld [smem:$0x3FB4]  }
0x2c: {  	s7 =	sld [smem:$0x3FB5]  }
0x2d: {  	s3 =	simm.s32 $0x108;
	s8 =	sld [smem:$0x3FB6]  }
0x2e: {  	s3 =	simm.s32 @!p0 $0x1082;
	s9 =	sld [smem:$0x3FB7]  }
0x2f: {  	lr =	sadd.s32 s0, s3;
	s0 =	sld [smem:$0x3FAE]  }
0x30: {  	s3 =	sld [smem:$0x3FB1]  }
0x31: {  	[smem:$0x3FBA] =	sst s10  }
0x32: {  	s10 =	sld [smem:$0x3FB8];
	_ =	sdelay $0x3  }
0x33: {  	p0 =	seq.s32 s10, $0x1;
	s10 =	sld [smem:$0x3FBA];
	_ =	sdelay $0x3  }
0x34: {  	[smem:$0x3FBA] =	sst s10  }
0x35: {  	s10 =	sld [smem:$0x3FB9];
	_ =	sdelay $0x3  }
0x36: {  	p1 =	seq.s32 s10, $0x1;
	s10 =	sld [smem:$0x3FBA];
	_ =	sdelay $0x3  }
0x37: {  	[smem:$0x3FBA] =	sst s10  }
0x38: {  	s10 =	sld [smem:$0x3FBB]  }
0x39: {  	_ = 	snop;
	(pc) =	sbr.ind lr, $3  }
0x3a: {  	_ = 	snop  }
0x3b: {  	_ = 	snop  }
0x3c: {  	p2 =	seq.s32 s10, $0x1;
	s10 =	sld [smem:$0x3FBA]  }
0x3d: {  	_ =	shalt  }
0x3e: {  	_ =	shalt  }
0x3f: {  	_ =	shalt  }
0x40: {  	_ =	shalt  }
0x41: {  	_ =	shalt  }
0x42: {  	_ =	shalt  }
0x43: {  	_ =	shalt  }
0x44: {  	_ =	shalt  }
0x45: {  	_ =	shalt  }
0x46: {  	_ =	shalt  }
0x47: {  	_ =	shalt  }
0x48: {  	_ =	shalt  }
0x49: {  	_ =	shalt  }
0x4a: {  	_ =	shalt  }
0x4b: {  	_ =	shalt  }
0x4c: {  	_ =	shalt  }
0x4d: {  	_ =	shalt  }
0x4e: {  	_ =	shalt  }
0x4f: {  	_ =	shalt  }
0x50: {  	_ =	shalt  }
0x51: {  	_ =	shalt  }
0x52: {  	_ =	shalt  }
0x53: {  	_ =	shalt  }
0x54: {  	_ =	shalt  }
0x55: {  	_ =	shalt  }
0x56: {  	_ =	shalt  }
0x57: {  	_ =	shalt  }
0x58: {  	_ =	shalt  }
0x59: {  	_ =	shalt  }
0x5a: {  	_ =	shalt  }
0x5b: {  	_ =	shalt  }
0x5c: {  	_ =	shalt  }
0x5d: {  	_ =	shalt  }
0x5e: {  	_ =	shalt  }
0x5f: {  	_ =	shalt  }
0x60: {  	_ =	shalt  }
0x61: {  	_ =	shalt  }
0x62: {  	_ =	shalt  }
0x63: {  	_ =	shalt  }
0x64: {  	_ =	shalt  }
0x65: {  	_ =	shalt  }
0x66: {  	_ =	shalt  }
0x67: {  	_ =	shalt  }
0x68: {  	_ =	shalt  }
0x69: {  	_ =	shalt  }
0x6a: {  	_ =	shalt  }
0x6b: {  	_ =	shalt  }
0x6c: {  	_ =	shalt  }
0x6d: {  	_ =	shalt  }
0x6e: {  	_ =	shalt  }
0x6f: {  	_ =	shalt  }
0x70: {  	_ =	shalt  }
0x71: {  	_ =	shalt  }
0x72: {  	_ =	shalt  }
0x73: {  	_ =	shalt  }
0x74: {  	_ =	shalt  }
0x75: {  	_ =	shalt  }
0x76: {  	_ =	shalt  }
0x77: {  	_ =	shalt  }
0x78: {  	_ =	shalt  }
0x79: {  	_ =	shalt  }
0x7a: {  	_ =	shalt  }
0x7b: {  	_ =	shalt  }
0x7c: {  	_ =	shalt  }
0x7d: {  	_ =	shalt  }
0x7e: {  	_ =	shalt  }
0x7f: {  	_ =	shalt  }
0x80: {  	_ =	shalt  }
0x81: {  	_ =	shalt  }
0x82: {  	_ =	shalt  }
0x83: {  	_ =	shalt  }
0x84: {  	_ =	shalt  }
0x85: {  	_ =	shalt  }
0x86: {  	_ =	shalt  }
0x87: {  	_ =	shalt  }
.Lfunc_end0:
.L_simem_size_0:
called_computation.1_lowered:
.L_overlay_start_0:
0x88: {  	s2 =	sld [smem:$0x3FD9]  }
0x89: {  	s3 =	sld [smem:$0x3FFE];
	_ =	sdelay $0x1  }
0x8a: {  	s1 =	srdreg.scid  }
0x8b: {  	s0 =	sand.u32 $0x1, s1  }
0x8c: {  	s17 =	sshll.u32 s0, $0xA;
	s2 =	sadd.s32 s3, s2  }
0x8d: {  	s2 =	sadd.s32 s2, s17  }
0x8e: {  	[smem:$0x3FC6] =	sst s2  }
0x8f: {  	_ = 	snop  }
0x90: {  	s2 =	sld [smem:$0x3FD0];
	(tm) =	ssettm $0x1  }
0x91: {  	s18 =	sld [smem:$0x3FFB];
	_ =	sdelay $0x3  }
0x92: {  	_ =	strace s18  }
0x93: {  	s3 =	sld [smem:$0x3FFC];
	_ =	sdelay $0x3  }
0x94: {  	_ =	strace s3  }
0x95: {  	s3 =	sld [smem:$0x3FFD];
	_ =	sdelay $0x3  }
0x96: {  	_ =	strace s3  }
0x97: {  	_ =	strace $0x8FFFFFFF  }
0x98: {  	s19 =	sld [smem:$0x3FDB];
	_ =	sdelay $0x1  }
0x99: {  	s4 =	simm.s32 $_scs_section_size  }
0x9a: {  	s5 =	simm.s32 $_size__tile_overlayer_lowered;
	s6 =	simm.s32 $_tile_overlayer_lowered  }
0x9b: {  	s22 =	simm.s32 $0x1BFF;
	s21 =	sshll.u32 s6, $0x1;
	s3 =	sadd.s32 s4, s19  }
0x9c: {  	s7 =	simm.s32 $0x0;
	s20 =	sshll.u32 s5, $0x1;
	s5 =	sadd.s32 s21, s3  }
0x9d: {  	[timem:s7], [sflag:s22] =	dma.local [hbm:s5], s20  }
0x9e: {  	_ =	swait.ge [sflag:s22], s20  }
0x9f: {  	s4 =	ssub.s32 $0x0, s20;
	[sflag:s22] =	ssyncset.done $0x0  }
0xa0: {  	[sflag:s22] =	ssyncadd.s32 s4;
	_ =	sdelay $0x1  }
0xa1: {  	s23 =	simm.s32 $0x1B8B  }
0xa2: {  	_ =	swait.ge [sflag:s23], $0x1  }
0xa3: {  	[sflag:s23] =	ssyncset.done $0x0  }
0xa4: {  	s25 =	simm.s32 $0x1B8E;
	s24 =	sld [smem:$0x3FFE];
	[sflag:s23] =	ssyncadd.s32 $0xFFFFFFFF  }
0xa5: {  	s26 =	simm.s32 $execute0_lowered;
	[smem:$0x3FD2] =	sst s25  }
0xa6: {  	s5 =	sshll.u32 s26, $0x1;
	_ =	strace $0x80000049;
	[dreg:$0x1] =	wrdreg $0xFFFFFFFF  }
0xa7: {  	s28 =	simm.s32 $_size_execute0_lowered;
	s3 =	sadd.s32 s3, s5;
	[dreg:$0x0] =	wrdreg $0x0  }
0xa8: {  	s5 =	sshll.u32 s28, $0x1;
	[dreg:$0x2] =	wrdreg s3  }
0xa9: {  	[dreg:$0x3] =	wrdreg s5  }
0xaa: {  	[dreg:$0x4] =	wrdreg $0xC0  }
0xab: {  	_ =	task [dreg:s7], $0x5FFFF  }
0xac: {  	[dreg:$0x1] =	wrdreg $0xFFFFFFFF  }
0xad: {  	[dreg:$0x0] =	wrdreg $0x60  }
0xae: {  	[dreg:$0x2] =	wrdreg s24  }
0xaf: {  	[dreg:$0x3] =	wrdreg s2  }
0xb0: {  	[dreg:$0x4] =	wrdreg $0x9  }
0xb1: {  	_ =	task.clear_ibuf [dreg:s7], $0x5FFFF;
	_ =	strace $0x90000049  }
0xb2: {  	s29 =	simm.s32 $0x9;
	_ =	strace $0x8000004B  }
0xb3: {  	_ =	swait.ge [sflag:s29], $0x1  }
0xb4: {  	[sflag:s29] =	ssyncadd.s32 $0xFFFFFFFF  }
0xb5: {  	_ =	strace $0x9000004B  }
0xb6: {  	_ =	sfence  }
0xb7: {  	s30 =	sld [smem:$0x0];
	_ =	sdelay $0x2  }
0xb8: {  	s31 =	sshll.u32 s1, $0xD;
	s1 =	sshrl.u32 s1, $0x2  }
0xb9: {  	s3 =	sand.u32 $0x4000, s31;
	s1 =	sadd.s32 s1, s30  }
0xba: {  	s0 =	sor.u32 s3, s0;
	s1 =	sshll.u32 s1, $0x11  }
0xbb: {  	s0 =	sor.u32 s1, s0  }
0xbc: {  	s0 =	sadd.s32 $0x8F2B, s0  }
0xbd: {  	[sflag:s0] =	ssyncadd.remote.s32 $0x1  }
0xbe: {  	_ =	sfence.sel $0xFFFF  }
0xbf: {  	[dreg:$0x0] =	wrdreg $0xFFFFFFFF;
	(pc) =	sbr.abs _section_cstart, $3  }
0xc0: {  	[dreg:$0x1] =	wrdreg $0xFFFFFFFF  }
0xc1: {  	_ =	task.clear_ibuf [dreg:s7], $0x2FFFF;
	_ =	strace $0x9FFFFFFF  }
0xc2: {  	(tm) =	ssettm $0x7FFFFFFF  }
0xc3: {  	_ =	shalt  }
tec
execute0_lowered:
.L_overlay_start_1:
0x0: {  	(tag) =	ssettag $0x1  }
0x1: {  	s3 =	rddreg [dreg:$0x0]  }
0x2: {  	s7 =	rddreg [dreg:$0x1]  }
0x3: {  	s0 =	rddreg [dreg:$0x2];
	s2 =	simm.s32 $0x0;
	s4 =	srdreg.scid  }
0x4: {  	s1 =	stileid.u32;
	s11 =	simm.s32 $0x8000;
	s12 =	simm.s32 $0x10000  }
0x5: {  	s13 =	simm.s32 $0x18600;
	s14 =	simm.s32 $0x18400;
	s15 =	simm.s32 $0x0  }
0x6: {  	[smem:$0x7FF] =	sst s2;
	s4 =	sand.u32 $0x1, s4;
	s5 =	sshll.u32 s1, $0x1  }
0x7: {  	_ =	strace $0x8000004A;
	s8 =	sor.u32 s4, s5;
	s4 =	ssub.s32 $0x2, s4  }
0x8: {  	s5 =	sshll.u32 s8, $0x12;
	s6 =	sshll.u32 s8, $0x7;
	s31 =	sshrl.u32 s4, $0x1  }
0x9: {  	s8 =	sshll.u32 s8, $0x6;
	s9 =	sadd.s32 s5, s3;
	s3 =	sadd.s32 s6, s3  }
0xa: {  	s10 =	ssub.s32 s4, s31;
	s3 =	sadd.s32 $0x1000A00, s3;
	s4 =	sadd.s32 $0x1001A00, s9  }
0xb: {  	s7 =	sadd.s32 s7, s8;
	s5 =	sadd.s32 $0x1002A00, s9;
	s6 =	sadd.s32 $0x1003A00, s9  }
0xc: {  	v0 =	vlaneseq.u32;
	s8 =	smax.u32 s10, $0x1;
	s9 =	simm.s32 $0x18000;
	s10 =	simm.s32 $0x4  }
.LBB2_1:
0xd: {  	[tilespmem:s9], [sflag:$0x4] =	stream.linear.gather [hbm4b:s3+s2], $0x400, $0x38;
	[tilespmem:$0x18900] =	vst v63  }
0xe: {  	_ =	swait.ge [sflag:s10], $0x400  }
0xf: {  	[sflag:s10] =	ssyncset.done $0x0  }
0x10: {  	[sflag:s10] =	ssyncadd.s32 $0xFFFFFC00  }
0x11: {  	[tilespmem:s2], [sflag:$0x1] =	stream.linear.gather [hbm4b:s4+s2], $0x8000, $0x38;
	[tilespmem:$0x18900] =	vst v63  }
0x12: {  	s16 =	simm.s32 $0x1  }
0x13: {  	[tilespmem:s11], [sflag:$0x2] =	stream.linear.gather [hbm4b:s5+s2], $0x8000, $0x38;
	[tilespmem:$0x18900] =	vst v63  }
0x14: {  	s17 =	simm.s32 $0x0;
	s18 =	simm.s32 $0x0;
	s19 =	simm.s32 $0x0  }
0x15: {  	[tilespmem:s12], [sflag:$0x3] =	stream.linear.gather [hbm4b:s6+s2], $0x8000, $0x38;
	[tilespmem:$0x18900] =	vst v63  }
.LBB2_2:
0x16: {  	s20 =	smul.u32 $0x156, s19  }
0x17: {  	s22 =	sshllo.u32 s19, $0x1  }
0x18: {  	s21 =	smulhi.u32 $0xAAAAAAAB, s17;
	s31 =	sand.u32 $0xFF, s22;
	s20 =	sshrl.u32 s20, $0x9  }
0x19: {  	s24 =	smul.u32 $0xAB, s31;
	s20 =	sand.u32 $0x7F, s20  }
0x1a: {  	s23 =	smul.u32 $0x3, s20  }
0x1b: {  	s21 =	sshrl.u32 s21, $0x1;
	s20 =	sshll.u32 s19, $0x1  }
0x1c: {  	s25 =	smul.u32 $0xFFFA0000, s21;
	s24 =	sshrl.u32 s24, $0x9;
	s23 =	ssub.s32 s20, s23  }
0x1d: {  	s21 =	sand.u32 $0xFF, s23;
	s23 =	smul.u32 $0x3, s24  }
0x1e: {  	s26 =	sshra.s32 s25, $0x2;
	s28 =	sadd.s32 $0x1, s21  }
0x1f: {  	s24 =	sadd.s32 s26, s18;
	s22 =	ssub.s32 s22, s23;
	_ =	swait.ge [sflag:s28], $0x8000  }
0x20: {  	v1 =	vmov s24;
	s22 =	sand.u32 $0xFF, s22;
	[sflag:s28] =	ssyncset.done $0x0  }
0x21: {  	[sflag:s28] =	ssyncadd.s32 $0xFFFF8000;
	s29 =	sadd.s32 $0x1, s22  }
0x22: {  	_ =	swait.ge [sflag:s29], $0x8000  }
0x23: {  	[sflag:s29] =	ssyncset.done $0x0  }
0x24: {  	s30 =	simm.s32 $0x0;
	[sflag:s29] =	ssyncadd.s32 $0xFFFF8000  }
0x25: {  	v2 =	vld.idx.msk [tilespmem:v1+s30+$0x70 ss:$0x1], $0xffff  }
0x26: {  	v13 =	vimm.f32 $0.0e+00;
	v14 =	vimm.f32 $-Inf;
	v3 =	vld.idx.msk [tilespmem:v1+s30+$0x0 ss:$0x1], $0xffff  }
0x27: {  	v25 =	vimm.f32 $0.0e+00;
	v26 =	vimm.f32 $0.0e+00;
	v19 =	vimm.f32 $-Inf;
	v4 =	vld.idx.msk [tilespmem:v1+s30+$0x10 ss:$0x1], $0xffff  }
0x28: {  	v27 =	vimm.f32 $0.0e+00;
	v24 =	vimm.f32 $0.0e+00;
	v17 =	vimm.f32 $-Inf;
	v22 =	vld.idx.msk [tilespmem:v1+s30+$0x20 ss:$0x1], $0xffff  }
0x29: {  	v29 =	vimm.f32 $0.0e+00;
	v23 =	vimm.f32 $0.0e+00;
	v30 =	vimm.f32 $0.0e+00;
	s31 =	smulhi.u32 $0xAAAAAAAB, s16;
	v11 =	vld.idx.msk [tilespmem:v1+s30+$0x30 ss:$0x1], $0xffff  }
0x2a: {  	v28 =	vimm.f32 $0.0e+00;
	v16 =	vimm.f32 $-Inf;
	v5 =	vadd.f32 v2, v13  }
0x2b: {  	s23 =	sshrl.u32 s31, $0x1;
	v21 =	vld.idx.msk [tilespmem:v1+s30+$0x40 ss:$0x1], $0xffff;
	v8 =	vmul.f32 v2, v2;
	v2 =	vmax.f32 v14, v2;
	v6 =	vadd.f32 v3, v13  }
0x2c: {  	s23 =	smul.u32 $0xFFFA0000, s23;
	v18 =	vld.idx.msk [tilespmem:v1+s30+$0x50 ss:$0x1], $0xffff;
	v9 =	vmul.f32 v3, v3;
	v3 =	vmax.f32 v14, v3;
	v7 =	vadd.f32 v4, v13  }
0x2d: {  	v20 =	vld.idx.msk [tilespmem:v1+s30+$0x60 ss:$0x1], $0xffff;
	v15 =	vmul.f32 v4, v4;
	v4 =	vmax.f32 v14, v4;
	v32 =	vmul.f32 v22, v22  }
0x2e: {  	s23 =	sshra.s32 s23, $0x2;
	v31 =	vmul.f32 v11, v11;
	v12 =	vadd.f32 v8, v13;
	v10 =	vadd.f32 v9, v13  }
0x2f: {  	s25 =	simm.s32 $0x2000;
	s24 =	simm.s32 $0x400;
	s23 =	sadd.s32 s23, s18;
	v9 =	vadd.f32 v15, v13;
	v8 =	vadd.f32 v22, v13;
	v15 =	vimm.f32 $-Inf  }
.LBB2_3:
0x30: {  	p0 =	sne.s32 s25, $0x1F000;
	v33 =	vld.idx.msk [tilespmem:v1+s24+$0x70 ss:$0x1], $0xffff;
	v13 =	vadd.f32 v32, v13;
	v14 =	vmax.f32 v14, v22;
	v22 =	vmul.f32 v21, v21  }
0x31: {  	v25 =	vadd.f32 v11, v25;
	v32 =	vld.idx.msk [tilespmem:v1+s24+$0x0 ss:$0x1], $0xffff;
	v26 =	vadd.f32 v31, v26;
	v31 =	vmul.f32 v18, v18  }
0x32: {  	v19 =	vmax.f32 v19, v11;
	v35 =	vmul.f32 v20, v20;
	v34 =	vld.idx.msk [tilespmem:v1+s24+$0x10 ss:$0x1], $0xffff;
	v27 =	vadd.f32 v22, v27  }
0x33: {  	v24 =	vadd.f32 v21, v24;
	v17 =	vmax.f32 v17, v21;
	v22 =	vld.idx.msk [tilespmem:v1+s24+$0x20 ss:$0x1], $0xffff;
	v29 =	vadd.f32 v31, v29  }
0x34: {  	v23 =	vadd.f32 v18, v23;
	v15 =	vmax.f32 v15, v18;
	v30 =	vadd.f32 v35, v30;
	v11 =	vld.idx.msk [tilespmem:v1+s24+$0x30 ss:$0x1], $0xffff  }
0x35: {  	v28 =	vadd.f32 v20, v28;
	v16 =	vmax.f32 v16, v20;
	v21 =	vld.idx.msk [tilespmem:v1+s24+$0x40 ss:$0x1], $0xffff  }
.Ltmp0:
0x36: {  	v5 =	vadd.f32 v33, v5;
	v31 =	vmul.f32 v33, v33;
	v2 =	vmax.f32 v2, v33;
	v18 =	vld.idx.msk [tilespmem:v1+s24+$0x50 ss:$0x1], $0xffff;
	(pc) =	sbr.rel @p0 .LBB2_3-.Ltmp0, $4  }
0x37: {  	v6 =	vadd.f32 v32, v6;
	v33 =	vmul.f32 v32, v32;
	v3 =	vmax.f32 v3, v32;
	v20 =	vld.idx.msk [tilespmem:v1+s24+$0x60 ss:$0x1], $0xffff  }
0x38: {  	v7 =	vadd.f32 v34, v7;
	v35 =	vmul.f32 v34, v34;
	v12 =	vadd.f32 v31, v12  }
0x39: {  	v4 =	vmax.f32 v4, v34;
	v10 =	vadd.f32 v33, v10;
	v32 =	vmul.f32 v22, v22  }
0x3a: {  	s24 =	sshra.s32 s25, $0x2;
	s25 =	sadd.s32 $0x1000, s25;
	v8 =	vadd.f32 v22, v8;
	v9 =	vadd.f32 v35, v9;
	v31 =	vmul.f32 v11, v11  }
0x3b: {  	_ =	sdelay $0x3  }
0x3c: {  	v34 =	vld.idx.msk [tilespmem:v1+s24+$0x0 ss:$0x1], $0xffff  }
0x3d: {  	v33 =	vld.idx.msk [tilespmem:v1+s24+$0x70 ss:$0x1], $0xffff;
	v13 =	vadd.f32 v32, v13  }
0x3e: {  	v14 =	vmax.f32 v14, v22;
	v22 =	vmul.f32 v21, v21;
	v62 =	vmul.f32 v18, v18;
	v35 =	vld.idx.msk [tilespmem:v1+s24+$0x10 ss:$0x1], $0xffff  }
0x3f: {  	v25 =	vadd.f32 v11, v25;
	v26 =	vadd.f32 v31, v26;
	v31 =	vmul.f32 v20, v20  }
0x40: {  	v24 =	vadd.f32 v21, v24;
	v11 =	vmax.f32 v19, v11;
	v22 =	vadd.f32 v22, v27;
	v27 =	vld.idx.msk [tilespmem:v1+s24+$0x20 ss:$0x1], $0xffff  }
0x41: {  	v23 =	vadd.f32 v18, v23;
	v30 =	vadd.f32 v31, v30;
	v31 =	vmul.f32 v34, v34  }
0x42: {  	v19 =	vld.idx.msk [tilespmem:v1+s24+$0x30 ss:$0x1], $0xffff;
	v28 =	vadd.f32 v20, v28;
	v29 =	vadd.f32 v62, v29;
	v63 =	vmul.f32 v33, v33  }
0x43: {  	v6 =	vadd.f32 v34, v6;
	v10 =	vadd.f32 v31, v10;
	v31 =	vmul.f32 v35, v35  }
0x44: {  	v17 =	vmax.f32 v17, v21;
	v21 =	vld.idx.msk [tilespmem:v1+s24+$0x40 ss:$0x1], $0xffff;
	v7 =	vadd.f32 v35, v7;
	v5 =	vadd.f32 v33, v5  }
0x45: {  	v12 =	vadd.f32 v63, v12;
	v9 =	vadd.f32 v31, v9;
	v31 =	vmul.f32 v27, v27  }
0x46: {  	v15 =	vmax.f32 v15, v18;
	v18 =	vld.idx.msk [tilespmem:v1+s24+$0x50 ss:$0x1], $0xffff;
	v8 =	vadd.f32 v27, v8;
	v6 =	vadd.f32 v7, v6  }
0x47: {  	v7 =	vmul.f32 v19, v19;
	v13 =	vadd.f32 v31, v13;
	v9 =	vadd.f32 v9, v10  }
0x48: {  	v6 =	vadd.f32 v8, v6;
	v10 =	vmax.f32 v16, v20;
	v16 =	vld.idx.msk [tilespmem:v1+s24+$0x60 ss:$0x1], $0xffff;
	v20 =	vadd.f32 v19, v25  }
0x49: {  	v8 =	vmul.f32 v21, v21;
	v7 =	vadd.f32 v7, v26;
	v9 =	vadd.f32 v13, v9  }
0x4a: {  	v3 =	vmax.f32 v3, v34;
	v13 =	vadd.f32 v21, v24;
	v6 =	vadd.f32 v20, v6  }
0x4b: {  	v8 =	vadd.f32 v8, v22;
	v20 =	vmul.f32 v18, v18;
	v7 =	vadd.f32 v7, v9  }
0x4c: {  	v4 =	vmax.f32 v4, v35;
	v9 =	vadd.f32 v18, v23;
	v6 =	vadd.f32 v13, v6  }
0x4d: {  	v20 =	vadd.f32 v20, v29;
	v13 =	vmul.f32 v16, v16;
	v7 =	vadd.f32 v8, v7  }
0x4e: {  	v8 =	vmax.f32 v14, v27;
	v14 =	vadd.f32 v16, v28;
	v6 =	vadd.f32 v9, v6  }
0x4f: {  	v3 =	vmax.f32 v3, v4;
	v9 =	vadd.f32 v13, v30;
	v4 =	vadd.f32 v20, v7  }
0x50: {  	v3 =	vmax.f32 v3, v8;
	v7 =	vmax.f32 v11, v19;
	v6 =	vadd.f32 v14, v6  }
0x51: {  	v8 =	vmax.f32 v17, v21;
	v3 =	vmax.f32 v3, v7;
	v4 =	vadd.f32 v9, v4  }
0x52: {  	v7 =	vmax.f32 v15, v18;
	v3 =	vmax.f32 v3, v8;
	v5 =	vadd.f32 v5, v6  }
0x53: {  	v6 =	vmax.f32 v10, v16;
	v3 =	vmax.f32 v3, v7;
	v4 =	vadd.f32 v12, v4  }
0x54: {  	v2 =	vmax.f32 v2, v33;
	v3 =	vmax.f32 v3, v6;
	[tilespmem:$0x18600] =	vst v5  }
0x55: {  	v2 =	vmax.f32 v3, v2;
	[tilespmem:$0x18700] =	vst v4  }
0x56: {  	s31 =	simm.s32 $0x0;
	[tilespmem:$0x18800] =	vst v2  }
0x57: {  	v2 =	vld.idx.msk [tilespmem:v1+s31+$0xF0 ss:$0x1], $0xffff  }
0x58: {  	v26 =	vimm.f32 $0.0e+00;
	v25 =	vimm.f32 $0.0e+00;
	v3 =	vld.idx.msk [tilespmem:v1+s31+$0x80 ss:$0x1], $0xffff  }
0x59: {  	v22 =	vimm.f32 $0.0e+00;
	v24 =	vimm.f32 $0.0e+00;
	v29 =	vimm.f32 $0.0e+00;
	v8 =	vld.idx.msk [tilespmem:v1+s31+$0x90 ss:$0x1], $0xffff  }
0x5a: {  	v27 =	vimm.f32 $0.0e+00;
	v28 =	vimm.f32 $0.0e+00;
	v17 =	vimm.f32 $-Inf;
	v23 =	vld.idx.msk [tilespmem:v1+s31+$0xA0 ss:$0x1], $0xffff  }
0x5b: {  	v30 =	vimm.f32 $0.0e+00;
	v20 =	vimm.f32 $-Inf;
	v15 =	vimm.f32 $0.0e+00;
	v12 =	vld.idx.msk [tilespmem:v1+s31+$0xB0 ss:$0x1], $0xffff  }
0x5c: {  	v14 =	vimm.f32 $-Inf;
	v16 =	vimm.f32 $-Inf;
	v5 =	vadd.f32 v2, v15  }
0x5d: {  	v21 =	vld.idx.msk [tilespmem:v1+s31+$0xC0 ss:$0x1], $0xffff;
	v9 =	vmul.f32 v2, v2;
	v2 =	vmax.f32 v16, v2;
	v6 =	vadd.f32 v3, v15  }
0x5e: {  	v18 =	vld.idx.msk [tilespmem:v1+s31+$0xD0 ss:$0x1], $0xffff;
	v10 =	vmul.f32 v3, v3;
	v4 =	vmax.f32 v16, v3;
	v7 =	vadd.f32 v8, v15  }
0x5f: {  	v19 =	vld.idx.msk [tilespmem:v1+s31+$0xE0 ss:$0x1], $0xffff;
	v13 =	vmul.f32 v8, v8;
	v3 =	vmax.f32 v16, v8;
	v32 =	vmul.f32 v23, v23  }
0x60: {  	v8 =	vadd.f32 v23, v15;
	v31 =	vmul.f32 v12, v12;
	v11 =	vadd.f32 v9, v15  }
0x61: {  	s25 =	simm.s32 $0x2000;
	s24 =	simm.s32 $0x400;
	v10 =	vadd.f32 v10, v15;
	v9 =	vadd.f32 v13, v15;
	v13 =	vimm.f32 $-Inf  }
.LBB2_5:
0x62: {  	p0 =	sne.s32 s25, $0x1F000;
	v33 =	vld.idx.msk [tilespmem:v1+s24+$0xF0 ss:$0x1], $0xffff;
	v15 =	vadd.f32 v32, v15;
	v16 =	vmax.f32 v16, v23;
	v23 =	vmul.f32 v21, v21  }
0x63: {  	v25 =	vadd.f32 v12, v25;
	v32 =	vld.idx.msk [tilespmem:v1+s24+$0x80 ss:$0x1], $0xffff;
	v26 =	vadd.f32 v31, v26;
	v31 =	vmul.f32 v18, v18  }
0x64: {  	v20 =	vmax.f32 v20, v12;
	v35 =	vmul.f32 v19, v19;
	v34 =	vld.idx.msk [tilespmem:v1+s24+$0x90 ss:$0x1], $0xffff;
	v27 =	vadd.f32 v23, v27  }
0x65: {  	v24 =	vadd.f32 v21, v24;
	v17 =	vmax.f32 v17, v21;
	v23 =	vld.idx.msk [tilespmem:v1+s24+$0xA0 ss:$0x1], $0xffff;
	v29 =	vadd.f32 v31, v29  }
0x66: {  	v22 =	vadd.f32 v18, v22;
	v14 =	vmax.f32 v14, v18;
	v30 =	vadd.f32 v35, v30;
	v12 =	vld.idx.msk [tilespmem:v1+s24+$0xB0 ss:$0x1], $0xffff  }
0x67: {  	v28 =	vadd.f32 v19, v28;
	v13 =	vmax.f32 v13, v19;
	v21 =	vld.idx.msk [tilespmem:v1+s24+$0xC0 ss:$0x1], $0xffff  }
.Ltmp1:
0x68: {  	v5 =	vadd.f32 v33, v5;
	v31 =	vmul.f32 v33, v33;
	v2 =	vmax.f32 v2, v33;
	v18 =	vld.idx.msk [tilespmem:v1+s24+$0xD0 ss:$0x1], $0xffff;
	(pc) =	sbr.rel @p0 .LBB2_5-.Ltmp1, $4  }
0x69: {  	v6 =	vadd.f32 v32, v6;
	v33 =	vmul.f32 v32, v32;
	v4 =	vmax.f32 v4, v32;
	v19 =	vld.idx.msk [tilespmem:v1+s24+$0xE0 ss:$0x1], $0xffff  }
0x6a: {  	v7 =	vadd.f32 v34, v7;
	v35 =	vmul.f32 v34, v34;
	v11 =	vadd.f32 v31, v11  }
0x6b: {  	v3 =	vmax.f32 v3, v34;
	v10 =	vadd.f32 v33, v10;
	v32 =	vmul.f32 v23, v23  }
0x6c: {  	s24 =	sshra.s32 s25, $0x2;
	s25 =	sadd.s32 $0x1000, s25;
	v8 =	vadd.f32 v23, v8;
	v9 =	vadd.f32 v35, v9;
	v31 =	vmul.f32 v12, v12  }
0x6d: {  	_ =	sdelay $0x3  }
0x6e: {  	v34 =	vld.idx.msk [tilespmem:v1+s24+$0x80 ss:$0x1], $0xffff  }
0x6f: {  	v33 =	vld.idx.msk [tilespmem:v1+s24+$0xF0 ss:$0x1], $0xffff;
	v15 =	vadd.f32 v32, v15  }
0x70: {  	v16 =	vmax.f32 v16, v23;
	v23 =	vmul.f32 v21, v21;
	v62 =	vmul.f32 v18, v18;
	v35 =	vld.idx.msk [tilespmem:v1+s24+$0x90 ss:$0x1], $0xffff  }
0x71: {  	v25 =	vadd.f32 v12, v25;
	v26 =	vadd.f32 v31, v26;
	v31 =	vmul.f32 v19, v19  }
0x72: {  	v24 =	vadd.f32 v21, v24;
	v12 =	vmax.f32 v20, v12;
	v23 =	vadd.f32 v23, v27;
	v27 =	vld.idx.msk [tilespmem:v1+s24+$0xA0 ss:$0x1], $0xffff  }
0x73: {  	v22 =	vadd.f32 v18, v22;
	v30 =	vadd.f32 v31, v30;
	v31 =	vmul.f32 v34, v34  }
0x74: {  	v20 =	vld.idx.msk [tilespmem:v1+s24+$0xB0 ss:$0x1], $0xffff;
	v28 =	vadd.f32 v19, v28;
	v29 =	vadd.f32 v62, v29;
	v63 =	vmul.f32 v33, v33  }
0x75: {  	v6 =	vadd.f32 v34, v6;
	v10 =	vadd.f32 v31, v10;
	v31 =	vmul.f32 v35, v35  }
0x76: {  	v17 =	vmax.f32 v17, v21;
	v21 =	vld.idx.msk [tilespmem:v1+s24+$0xC0 ss:$0x1], $0xffff;
	v7 =	vadd.f32 v35, v7;
	v5 =	vadd.f32 v33, v5  }
0x77: {  	v11 =	vadd.f32 v63, v11;
	v9 =	vadd.f32 v31, v9;
	v31 =	vmul.f32 v27, v27  }
0x78: {  	v14 =	vmax.f32 v14, v18;
	v18 =	vld.idx.msk [tilespmem:v1+s24+$0xD0 ss:$0x1], $0xffff;
	v8 =	vadd.f32 v27, v8;
	v6 =	vadd.f32 v7, v6  }
0x79: {  	v7 =	vmul.f32 v20, v20;
	v15 =	vadd.f32 v31, v15;
	v9 =	vadd.f32 v9, v10  }
0x7a: {  	v6 =	vadd.f32 v8, v6;
	v10 =	vmax.f32 v13, v19;
	v13 =	vld.idx.msk [tilespmem:v1+s24+$0xE0 ss:$0x1], $0xffff;
	v19 =	vadd.f32 v20, v25  }
0x7b: {  	v8 =	vmul.f32 v21, v21;
	v7 =	vadd.f32 v7, v26;
	v9 =	vadd.f32 v15, v9  }
0x7c: {  	v4 =	vmax.f32 v4, v34;
	v15 =	vadd.f32 v21, v24;
	v6 =	vadd.f32 v19, v6  }
0x7d: {  	v8 =	vadd.f32 v8, v23;
	v19 =	vmul.f32 v18, v18;
	v7 =	vadd.f32 v7, v9  }
0x7e: {  	v3 =	vmax.f32 v3, v35;
	v9 =	vadd.f32 v18, v22;
	v6 =	vadd.f32 v15, v6  }
0x7f: {  	v19 =	vadd.f32 v19, v29;
	v15 =	vmul.f32 v13, v13;
	v7 =	vadd.f32 v8, v7  }
0x80: {  	v8 =	vmax.f32 v16, v27;
	v16 =	vadd.f32 v13, v28;
	v6 =	vadd.f32 v9, v6  }
0x81: {  	v3 =	vmax.f32 v4, v3;
	v9 =	vadd.f32 v15, v30;
	v4 =	vadd.f32 v19, v7  }
0x82: {  	v3 =	vmax.f32 v3, v8;
	v7 =	vmax.f32 v12, v20;
	v6 =	vadd.f32 v16, v6  }
0x83: {  	v8 =	vmax.f32 v17, v21;
	v3 =	vmax.f32 v3, v7;
	v4 =	vadd.f32 v9, v4  }
0x84: {  	v7 =	vmax.f32 v14, v18;
	v3 =	vmax.f32 v3, v8;
	v5 =	vadd.f32 v5, v6  }
0x85: {  	v6 =	vmax.f32 v10, v13;
	v3 =	vmax.f32 v3, v7;
	v4 =	vadd.f32 v11, v4  }
0x86: {  	v2 =	vmax.f32 v2, v33;
	v3 =	vmax.f32 v3, v6;
	[tilespmem:$0x18610] =	vst v5  }
0x87: {  	v2 =	vmax.f32 v3, v2;
	[tilespmem:$0x18710] =	vst v4  }
0x88: {  	s31 =	simm.s32 $0x0;
	[tilespmem:$0x18810] =	vst v2  }
0x89: {  	v2 =	vld.idx.msk [tilespmem:v1+s31+$0x170 ss:$0x1], $0xffff  }
0x8a: {  	v26 =	vimm.f32 $0.0e+00;
	v25 =	vimm.f32 $0.0e+00;
	v3 =	vld.idx.msk [tilespmem:v1+s31+$0x100 ss:$0x1], $0xffff  }
0x8b: {  	v24 =	vimm.f32 $0.0e+00;
	v29 =	vimm.f32 $0.0e+00;
	v22 =	vimm.f32 $0.0e+00;
	v8 =	vld.idx.msk [tilespmem:v1+s31+$0x110 ss:$0x1], $0xffff  }
0x8c: {  	v27 =	vimm.f32 $0.0e+00;
	v28 =	vimm.f32 $0.0e+00;
	v15 =	vimm.f32 $0.0e+00;
	v23 =	vld.idx.msk [tilespmem:v1+s31+$0x120 ss:$0x1], $0xffff  }
0x8d: {  	v17 =	vimm.f32 $-Inf;
	v30 =	vimm.f32 $0.0e+00;
	v16 =	vimm.f32 $-Inf;
	v12 =	vld.idx.msk [tilespmem:v1+s31+$0x130 ss:$0x1], $0xffff  }
0x8e: {  	v20 =	vimm.f32 $-Inf;
	v14 =	vimm.f32 $-Inf;
	v5 =	vadd.f32 v2, v15  }
0x8f: {  	v21 =	vld.idx.msk [tilespmem:v1+s31+$0x140 ss:$0x1], $0xffff;
	v9 =	vmul.f32 v2, v2;
	v2 =	vmax.f32 v16, v2;
	v6 =	vadd.f32 v3, v15  }
0x90: {  	v18 =	vld.idx.msk [tilespmem:v1+s31+$0x150 ss:$0x1], $0xffff;
	v10 =	vmul.f32 v3, v3;
	v4 =	vmax.f32 v16, v3;
	v7 =	vadd.f32 v8, v15  }
0x91: {  	v19 =	vld.idx.msk [tilespmem:v1+s31+$0x160 ss:$0x1], $0xffff;
	v13 =	vmul.f32 v8, v8;
	v3 =	vmax.f32 v16, v8;
	v32 =	vmul.f32 v23, v23  }
0x92: {  	v8 =	vadd.f32 v23, v15;
	v31 =	vmul.f32 v12, v12;
	v11 =	vadd.f32 v9, v15  }
0x93: {  	s25 =	simm.s32 $0x2000;
	s24 =	simm.s32 $0x400;
	v10 =	vadd.f32 v10, v15;
	v9 =	vadd.f32 v13, v15;
	v13 =	vimm.f32 $-Inf  }
.LBB2_7:
0x94: {  	p0 =	sne.s32 s25, $0x1F000;
	v33 =	vld.idx.msk [tilespmem:v1+s24+$0x170 ss:$0x1], $0xffff;
	v15 =	vadd.f32 v32, v15;
	v16 =	vmax.f32 v16, v23;
	v23 =	vmul.f32 v21, v21  }
0x95: {  	v25 =	vadd.f32 v12, v25;
	v32 =	vld.idx.msk [tilespmem:v1+s24+$0x100 ss:$0x1], $0xffff;
	v26 =	vadd.f32 v31, v26;
	v31 =	vmul.f32 v18, v18  }
0x96: {  	v20 =	vmax.f32 v20, v12;
	v35 =	vmul.f32 v19, v19;
	v34 =	vld.idx.msk [tilespmem:v1+s24+$0x110 ss:$0x1], $0xffff;
	v27 =	vadd.f32 v23, v27  }
0x97: {  	v24 =	vadd.f32 v21, v24;
	v17 =	vmax.f32 v17, v21;
	v23 =	vld.idx.msk [tilespmem:v1+s24+$0x120 ss:$0x1], $0xffff;
	v29 =	vadd.f32 v31, v29  }
0x98: {  	v22 =	vadd.f32 v18, v22;
	v14 =	vmax.f32 v14, v18;
	v30 =	vadd.f32 v35, v30;
	v12 =	vld.idx.msk [tilespmem:v1+s24+$0x130 ss:$0x1], $0xffff  }
0x99: {  	v28 =	vadd.f32 v19, v28;
	v13 =	vmax.f32 v13, v19;
	v21 =	vld.idx.msk [tilespmem:v1+s24+$0x140 ss:$0x1], $0xffff  }
.Ltmp2:
0x9a: {  	v5 =	vadd.f32 v33, v5;
	v31 =	vmul.f32 v33, v33;
	v2 =	vmax.f32 v2, v33;
	v18 =	vld.idx.msk [tilespmem:v1+s24+$0x150 ss:$0x1], $0xffff;
	(pc) =	sbr.rel @p0 .LBB2_7-.Ltmp2, $4  }
0x9b: {  	v6 =	vadd.f32 v32, v6;
	v33 =	vmul.f32 v32, v32;
	v4 =	vmax.f32 v4, v32;
	v19 =	vld.idx.msk [tilespmem:v1+s24+$0x160 ss:$0x1], $0xffff  }
0x9c: {  	v7 =	vadd.f32 v34, v7;
	v35 =	vmul.f32 v34, v34;
	v11 =	vadd.f32 v31, v11  }
0x9d: {  	v3 =	vmax.f32 v3, v34;
	v10 =	vadd.f32 v33, v10;
	v32 =	vmul.f32 v23, v23  }
0x9e: {  	s24 =	sshra.s32 s25, $0x2;
	s25 =	sadd.s32 $0x1000, s25;
	v8 =	vadd.f32 v23, v8;
	v9 =	vadd.f32 v35, v9;
	v31 =	vmul.f32 v12, v12  }
0x9f: {  	_ =	sdelay $0x3  }
0xa0: {  	v34 =	vld.idx.msk [tilespmem:v1+s24+$0x100 ss:$0x1], $0xffff  }
0xa1: {  	v33 =	vld.idx.msk [tilespmem:v1+s24+$0x170 ss:$0x1], $0xffff;
	v15 =	vadd.f32 v32, v15  }
0xa2: {  	v16 =	vmax.f32 v16, v23;
	v23 =	vmul.f32 v21, v21;
	v62 =	vmul.f32 v18, v18;
	v35 =	vld.idx.msk [tilespmem:v1+s24+$0x110 ss:$0x1], $0xffff  }
0xa3: {  	v25 =	vadd.f32 v12, v25;
	v26 =	vadd.f32 v31, v26;
	v31 =	vmul.f32 v19, v19  }
0xa4: {  	v24 =	vadd.f32 v21, v24;
	v12 =	vmax.f32 v20, v12;
	v23 =	vadd.f32 v23, v27;
	v27 =	vld.idx.msk [tilespmem:v1+s24+$0x120 ss:$0x1], $0xffff  }
0xa5: {  	v22 =	vadd.f32 v18, v22;
	v30 =	vadd.f32 v31, v30;
	v31 =	vmul.f32 v34, v34  }
0xa6: {  	v20 =	vld.idx.msk [tilespmem:v1+s24+$0x130 ss:$0x1], $0xffff;
	v28 =	vadd.f32 v19, v28;
	v29 =	vadd.f32 v62, v29;
	v63 =	vmul.f32 v33, v33  }
0xa7: {  	v6 =	vadd.f32 v34, v6;
	v10 =	vadd.f32 v31, v10;
	v31 =	vmul.f32 v35, v35  }
0xa8: {  	v17 =	vmax.f32 v17, v21;
	v21 =	vld.idx.msk [tilespmem:v1+s24+$0x140 ss:$0x1], $0xffff;
	v7 =	vadd.f32 v35, v7;
	v5 =	vadd.f32 v33, v5  }
0xa9: {  	v11 =	vadd.f32 v63, v11;
	v9 =	vadd.f32 v31, v9;
	v31 =	vmul.f32 v27, v27  }
0xaa: {  	v14 =	vmax.f32 v14, v18;
	v18 =	vld.idx.msk [tilespmem:v1+s24+$0x150 ss:$0x1], $0xffff;
	v8 =	vadd.f32 v27, v8;
	v6 =	vadd.f32 v7, v6  }
0xab: {  	v7 =	vmul.f32 v20, v20;
	v15 =	vadd.f32 v31, v15;
	v9 =	vadd.f32 v9, v10  }
0xac: {  	v6 =	vadd.f32 v8, v6;
	v10 =	vmax.f32 v13, v19;
	v13 =	vld.idx.msk [tilespmem:v1+s24+$0x160 ss:$0x1], $0xffff;
	v19 =	vadd.f32 v20, v25  }
0xad: {  	v8 =	vmul.f32 v21, v21;
	v7 =	vadd.f32 v7, v26;
	v9 =	vadd.f32 v15, v9  }
0xae: {  	v4 =	vmax.f32 v4, v34;
	v15 =	vadd.f32 v21, v24;
	v6 =	vadd.f32 v19, v6  }
0xaf: {  	v8 =	vadd.f32 v8, v23;
	v19 =	vmul.f32 v18, v18;
	v7 =	vadd.f32 v7, v9  }
0xb0: {  	v3 =	vmax.f32 v3, v35;
	v9 =	vadd.f32 v18, v22;
	v6 =	vadd.f32 v15, v6  }
0xb1: {  	v19 =	vadd.f32 v19, v29;
	v15 =	vmul.f32 v13, v13;
	v7 =	vadd.f32 v8, v7  }
0xb2: {  	v8 =	vmax.f32 v16, v27;
	v16 =	vadd.f32 v13, v28;
	v6 =	vadd.f32 v9, v6  }
0xb3: {  	v3 =	vmax.f32 v4, v3;
	v9 =	vadd.f32 v15, v30;
	v4 =	vadd.f32 v19, v7  }
0xb4: {  	v3 =	vmax.f32 v3, v8;
	v7 =	vmax.f32 v12, v20;
	v6 =	vadd.f32 v16, v6  }
0xb5: {  	v8 =	vmax.f32 v17, v21;
	v3 =	vmax.f32 v3, v7;
	v4 =	vadd.f32 v9, v4  }
0xb6: {  	v7 =	vmax.f32 v14, v18;
	v3 =	vmax.f32 v3, v8;
	v5 =	vadd.f32 v5, v6  }
0xb7: {  	v6 =	vmax.f32 v10, v13;
	v3 =	vmax.f32 v3, v7;
	v4 =	vadd.f32 v11, v4  }
0xb8: {  	v2 =	vmax.f32 v2, v33;
	v3 =	vmax.f32 v3, v6;
	[tilespmem:$0x18620] =	vst v5  }
0xb9: {  	v2 =	vmax.f32 v3, v2;
	[tilespmem:$0x18720] =	vst v4  }
0xba: {  	s31 =	simm.s32 $0x0;
	[tilespmem:$0x18820] =	vst v2  }
0xbb: {  	v2 =	vld.idx.msk [tilespmem:v1+s31+$0x1F0 ss:$0x1], $0xffff  }
0xbc: {  	v26 =	vimm.f32 $0.0e+00;
	v25 =	vimm.f32 $0.0e+00;
	v3 =	vld.idx.msk [tilespmem:v1+s31+$0x180 ss:$0x1], $0xffff  }
0xbd: {  	v24 =	vimm.f32 $0.0e+00;
	v29 =	vimm.f32 $0.0e+00;
	v22 =	vimm.f32 $0.0e+00;
	v8 =	vld.idx.msk [tilespmem:v1+s31+$0x190 ss:$0x1], $0xffff  }
0xbe: {  	v27 =	vimm.f32 $0.0e+00;
	v28 =	vimm.f32 $0.0e+00;
	v15 =	vimm.f32 $0.0e+00;
	v23 =	vld.idx.msk [tilespmem:v1+s31+$0x1A0 ss:$0x1], $0xffff  }
0xbf: {  	v17 =	vimm.f32 $-Inf;
	v30 =	vimm.f32 $0.0e+00;
	v16 =	vimm.f32 $-Inf;
	v12 =	vld.idx.msk [tilespmem:v1+s31+$0x1B0 ss:$0x1], $0xffff  }
0xc0: {  	v20 =	vimm.f32 $-Inf;
	v14 =	vimm.f32 $-Inf;
	v5 =	vadd.f32 v2, v15  }
0xc1: {  	v21 =	vld.idx.msk [tilespmem:v1+s31+$0x1C0 ss:$0x1], $0xffff;
	v9 =	vmul.f32 v2, v2;
	v2 =	vmax.f32 v16, v2;
	v6 =	vadd.f32 v3, v15  }
0xc2: {  	v18 =	vld.idx.msk [tilespmem:v1+s31+$0x1D0 ss:$0x1], $0xffff;
	v10 =	vmul.f32 v3, v3;
	v4 =	vmax.f32 v16, v3;
	v7 =	vadd.f32 v8, v15  }
0xc3: {  	v19 =	vld.idx.msk [tilespmem:v1+s31+$0x1E0 ss:$0x1], $0xffff;
	v13 =	vmul.f32 v8, v8;
	v3 =	vmax.f32 v16, v8;
	v32 =	vmul.f32 v23, v23  }
0xc4: {  	v8 =	vadd.f32 v23, v15;
	v31 =	vmul.f32 v12, v12;
	v11 =	vadd.f32 v9, v15  }
0xc5: {  	s25 =	simm.s32 $0x2000;
	s24 =	simm.s32 $0x400;
	v10 =	vadd.f32 v10, v15;
	v9 =	vadd.f32 v13, v15;
	v13 =	vimm.f32 $-Inf  }
.LBB2_9:
0xc6: {  	p0 =	sne.s32 s25, $0x1F000;
	v33 =	vld.idx.msk [tilespmem:v1+s24+$0x1F0 ss:$0x1], $0xffff;
	v15 =	vadd.f32 v32, v15;
	v16 =	vmax.f32 v16, v23;
	v23 =	vmul.f32 v21, v21  }
0xc7: {  	v25 =	vadd.f32 v12, v25;
	v32 =	vld.idx.msk [tilespmem:v1+s24+$0x180 ss:$0x1], $0xffff;
	v26 =	vadd.f32 v31, v26;
	v31 =	vmul.f32 v18, v18  }
0xc8: {  	v20 =	vmax.f32 v20, v12;
	v35 =	vmul.f32 v19, v19;
	v34 =	vld.idx.msk [tilespmem:v1+s24+$0x190 ss:$0x1], $0xffff;
	v27 =	vadd.f32 v23, v27  }
0xc9: {  	v24 =	vadd.f32 v21, v24;
	v17 =	vmax.f32 v17, v21;
	v23 =	vld.idx.msk [tilespmem:v1+s24+$0x1A0 ss:$0x1], $0xffff;
	v29 =	vadd.f32 v31, v29  }
0xca: {  	v22 =	vadd.f32 v18, v22;
	v14 =	vmax.f32 v14, v18;
	v30 =	vadd.f32 v35, v30;
	v12 =	vld.idx.msk [tilespmem:v1+s24+$0x1B0 ss:$0x1], $0xffff  }
0xcb: {  	v28 =	vadd.f32 v19, v28;
	v13 =	vmax.f32 v13, v19;
	v21 =	vld.idx.msk [tilespmem:v1+s24+$0x1C0 ss:$0x1], $0xffff  }
.Ltmp3:
0xcc: {  	v5 =	vadd.f32 v33, v5;
	v31 =	vmul.f32 v33, v33;
	v2 =	vmax.f32 v2, v33;
	v18 =	vld.idx.msk [tilespmem:v1+s24+$0x1D0 ss:$0x1], $0xffff;
	(pc) =	sbr.rel @p0 .LBB2_9-.Ltmp3, $4  }
0xcd: {  	v6 =	vadd.f32 v32, v6;
	v33 =	vmul.f32 v32, v32;
	v4 =	vmax.f32 v4, v32;
	v19 =	vld.idx.msk [tilespmem:v1+s24+$0x1E0 ss:$0x1], $0xffff  }
0xce: {  	v7 =	vadd.f32 v34, v7;
	v35 =	vmul.f32 v34, v34;
	v11 =	vadd.f32 v31, v11  }
0xcf: {  	v3 =	vmax.f32 v3, v34;
	v10 =	vadd.f32 v33, v10;
	v32 =	vmul.f32 v23, v23  }
0xd0: {  	s24 =	sshra.s32 s25, $0x2;
	s25 =	sadd.s32 $0x1000, s25;
	v8 =	vadd.f32 v23, v8;
	v9 =	vadd.f32 v35, v9;
	v31 =	vmul.f32 v12, v12  }
0xd1: {  	_ =	sdelay $0x3  }
0xd2: {  	v34 =	vld.idx.msk [tilespmem:v1+s24+$0x180 ss:$0x1], $0xffff  }
0xd3: {  	v33 =	vld.idx.msk [tilespmem:v1+s24+$0x1F0 ss:$0x1], $0xffff;
	v15 =	vadd.f32 v32, v15  }
0xd4: {  	v16 =	vmax.f32 v16, v23;
	v23 =	vmul.f32 v21, v21;
	v62 =	vmul.f32 v18, v18;
	v35 =	vld.idx.msk [tilespmem:v1+s24+$0x190 ss:$0x1], $0xffff  }
0xd5: {  	v25 =	vadd.f32 v12, v25;
	v26 =	vadd.f32 v31, v26;
	v31 =	vmul.f32 v19, v19  }
0xd6: {  	v24 =	vadd.f32 v21, v24;
	v12 =	vmax.f32 v20, v12;
	v23 =	vadd.f32 v23, v27;
	v27 =	vld.idx.msk [tilespmem:v1+s24+$0x1A0 ss:$0x1], $0xffff  }
0xd7: {  	v22 =	vadd.f32 v18, v22;
	v30 =	vadd.f32 v31, v30;
	v31 =	vmul.f32 v34, v34  }
0xd8: {  	v20 =	vld.idx.msk [tilespmem:v1+s24+$0x1B0 ss:$0x1], $0xffff;
	v28 =	vadd.f32 v19, v28;
	v29 =	vadd.f32 v62, v29;
	v63 =	vmul.f32 v33, v33  }
0xd9: {  	v6 =	vadd.f32 v34, v6;
	v10 =	vadd.f32 v31, v10;
	v31 =	vmul.f32 v35, v35  }
0xda: {  	v17 =	vmax.f32 v17, v21;
	v21 =	vld.idx.msk [tilespmem:v1+s24+$0x1C0 ss:$0x1], $0xffff;
	v7 =	vadd.f32 v35, v7;
	v5 =	vadd.f32 v33, v5  }
0xdb: {  	v11 =	vadd.f32 v63, v11;
	v9 =	vadd.f32 v31, v9;
	v31 =	vmul.f32 v27, v27  }
0xdc: {  	v14 =	vmax.f32 v14, v18;
	v18 =	vld.idx.msk [tilespmem:v1+s24+$0x1D0 ss:$0x1], $0xffff;
	v8 =	vadd.f32 v27, v8;
	v6 =	vadd.f32 v7, v6  }
0xdd: {  	v7 =	vmul.f32 v20, v20;
	v15 =	vadd.f32 v31, v15;
	v9 =	vadd.f32 v9, v10  }
0xde: {  	v6 =	vadd.f32 v8, v6;
	v10 =	vmax.f32 v13, v19;
	v13 =	vld.idx.msk [tilespmem:v1+s24+$0x1E0 ss:$0x1], $0xffff;
	v19 =	vadd.f32 v20, v25  }
0xdf: {  	v8 =	vmul.f32 v21, v21;
	v7 =	vadd.f32 v7, v26;
	v9 =	vadd.f32 v15, v9  }
0xe0: {  	v4 =	vmax.f32 v4, v34;
	v15 =	vadd.f32 v21, v24;
	v6 =	vadd.f32 v19, v6  }
0xe1: {  	v8 =	vadd.f32 v8, v23;
	v19 =	vmul.f32 v18, v18;
	v7 =	vadd.f32 v7, v9  }
0xe2: {  	v3 =	vmax.f32 v3, v35;
	v9 =	vadd.f32 v18, v22;
	v6 =	vadd.f32 v15, v6  }
0xe3: {  	v19 =	vadd.f32 v19, v29;
	v15 =	vmul.f32 v13, v13;
	v7 =	vadd.f32 v8, v7  }
0xe4: {  	v8 =	vmax.f32 v16, v27;
	v16 =	vadd.f32 v13, v28;
	v6 =	vadd.f32 v9, v6  }
0xe5: {  	v3 =	vmax.f32 v4, v3;
	v9 =	vadd.f32 v15, v30;
	v4 =	vadd.f32 v19, v7  }
0xe6: {  	v3 =	vmax.f32 v3, v8;
	v7 =	vmax.f32 v12, v20;
	v6 =	vadd.f32 v16, v6  }
0xe7: {  	v8 =	vmax.f32 v17, v21;
	v3 =	vmax.f32 v3, v7;
	v4 =	vadd.f32 v9, v4  }
0xe8: {  	v7 =	vmax.f32 v14, v18;
	v3 =	vmax.f32 v3, v8;
	v5 =	vadd.f32 v5, v6  }
0xe9: {  	v6 =	vmax.f32 v10, v13;
	v3 =	vmax.f32 v3, v7;
	v4 =	vadd.f32 v11, v4  }
0xea: {  	v2 =	vmax.f32 v2, v33;
	v3 =	vmax.f32 v3, v6;
	[tilespmem:$0x18630] =	vst v5  }
0xeb: {  	v2 =	vmax.f32 v3, v2;
	[tilespmem:$0x18730] =	vst v4  }
0xec: {  	s31 =	simm.s32 $0x0;
	[tilespmem:$0x18830] =	vst v2  }
0xed: {  	v2 =	vld.idx.msk [tilespmem:v1+s31+$0x270 ss:$0x1], $0xffff  }
0xee: {  	v26 =	vimm.f32 $0.0e+00;
	v25 =	vimm.f32 $0.0e+00;
	v3 =	vld.idx.msk [tilespmem:v1+s31+$0x200 ss:$0x1], $0xffff  }
0xef: {  	v24 =	vimm.f32 $0.0e+00;
	v29 =	vimm.f32 $0.0e+00;
	v22 =	vimm.f32 $0.0e+00;
	v8 =	vld.idx.msk [tilespmem:v1+s31+$0x210 ss:$0x1], $0xffff  }
0xf0: {  	v27 =	vimm.f32 $0.0e+00;
	v28 =	vimm.f32 $0.0e+00;
	v15 =	vimm.f32 $0.0e+00;
	v23 =	vld.idx.msk [tilespmem:v1+s31+$0x220 ss:$0x1], $0xffff  }
0xf1: {  	v17 =	vimm.f32 $-Inf;
	v30 =	vimm.f32 $0.0e+00;
	v16 =	vimm.f32 $-Inf;
	v12 =	vld.idx.msk [tilespmem:v1+s31+$0x230 ss:$0x1], $0xffff  }
0xf2: {  	v20 =	vimm.f32 $-Inf;
	v14 =	vimm.f32 $-Inf;
	v5 =	vadd.f32 v2, v15  }
0xf3: {  	v21 =	vld.idx.msk [tilespmem:v1+s31+$0x240 ss:$0x1], $0xffff;
	v9 =	vmul.f32 v2, v2;
	v2 =	vmax.f32 v16, v2;
	v6 =	vadd.f32 v3, v15  }
0xf4: {  	v18 =	vld.idx.msk [tilespmem:v1+s31+$0x250 ss:$0x1], $0xffff;
	v10 =	vmul.f32 v3, v3;
	v4 =	vmax.f32 v16, v3;
	v7 =	vadd.f32 v8, v15  }
0xf5: {  	v19 =	vld.idx.msk [tilespmem:v1+s31+$0x260 ss:$0x1], $0xffff;
	v13 =	vmul.f32 v8, v8;
	v3 =	vmax.f32 v16, v8;
	v32 =	vmul.f32 v23, v23  }
0xf6: {  	v8 =	vadd.f32 v23, v15;
	v31 =	vmul.f32 v12, v12;
	v11 =	vadd.f32 v9, v15  }
0xf7: {  	s25 =	simm.s32 $0x2000;
	s24 =	simm.s32 $0x400;
	v10 =	vadd.f32 v10, v15;
	v9 =	vadd.f32 v13, v15;
	v13 =	vimm.f32 $-Inf  }
.LBB2_11:
0xf8: {  	p0 =	sne.s32 s25, $0x1F000;
	v33 =	vld.idx.msk [tilespmem:v1+s24+$0x270 ss:$0x1], $0xffff;
	v15 =	vadd.f32 v32, v15;
	v16 =	vmax.f32 v16, v23;
	v23 =	vmul.f32 v21, v21  }
0xf9: {  	v25 =	vadd.f32 v12, v25;
	v32 =	vld.idx.msk [tilespmem:v1+s24+$0x200 ss:$0x1], $0xffff;
	v26 =	vadd.f32 v31, v26;
	v31 =	vmul.f32 v18, v18  }
0xfa: {  	v20 =	vmax.f32 v20, v12;
	v35 =	vmul.f32 v19, v19;
	v34 =	vld.idx.msk [tilespmem:v1+s24+$0x210 ss:$0x1], $0xffff;
	v27 =	vadd.f32 v23, v27  }
0xfb: {  	v24 =	vadd.f32 v21, v24;
	v17 =	vmax.f32 v17, v21;
	v23 =	vld.idx.msk [tilespmem:v1+s24+$0x220 ss:$0x1], $0xffff;
	v29 =	vadd.f32 v31, v29  }
0xfc: {  	v22 =	vadd.f32 v18, v22;
	v14 =	vmax.f32 v14, v18;
	v30 =	vadd.f32 v35, v30;
	v12 =	vld.idx.msk [tilespmem:v1+s24+$0x230 ss:$0x1], $0xffff  }
0xfd: {  	v28 =	vadd.f32 v19, v28;
	v13 =	vmax.f32 v13, v19;
	v21 =	vld.idx.msk [tilespmem:v1+s24+$0x240 ss:$0x1], $0xffff  }
.Ltmp4:
0xfe: {  	v5 =	vadd.f32 v33, v5;
	v31 =	vmul.f32 v33, v33;
	v2 =	vmax.f32 v2, v33;
	v18 =	vld.idx.msk [tilespmem:v1+s24+$0x250 ss:$0x1], $0xffff;
	(pc) =	sbr.rel @p0 .LBB2_11-.Ltmp4, $4  }
0xff: {  	v6 =	vadd.f32 v32, v6;
	v33 =	vmul.f32 v32, v32;
	v4 =	vmax.f32 v4, v32;
	v19 =	vld.idx.msk [tilespmem:v1+s24+$0x260 ss:$0x1], $0xffff  }
0x100: {  	v7 =	vadd.f32 v34, v7;
	v35 =	vmul.f32 v34, v34;
	v11 =	vadd.f32 v31, v11  }
0x101: {  	v3 =	vmax.f32 v3, v34;
	v10 =	vadd.f32 v33, v10;
	v32 =	vmul.f32 v23, v23  }
0x102: {  	s24 =	sshra.s32 s25, $0x2;
	s25 =	sadd.s32 $0x1000, s25;
	v8 =	vadd.f32 v23, v8;
	v9 =	vadd.f32 v35, v9;
	v31 =	vmul.f32 v12, v12  }
0x103: {  	_ =	sdelay $0x3  }
0x104: {  	v34 =	vld.idx.msk [tilespmem:v1+s24+$0x200 ss:$0x1], $0xffff  }
0x105: {  	v33 =	vld.idx.msk [tilespmem:v1+s24+$0x270 ss:$0x1], $0xffff;
	v15 =	vadd.f32 v32, v15  }
0x106: {  	v16 =	vmax.f32 v16, v23;
	v23 =	vmul.f32 v21, v21;
	v62 =	vmul.f32 v18, v18;
	v35 =	vld.idx.msk [tilespmem:v1+s24+$0x210 ss:$0x1], $0xffff  }
0x107: {  	v25 =	vadd.f32 v12, v25;
	v26 =	vadd.f32 v31, v26;
	v31 =	vmul.f32 v19, v19  }
0x108: {  	v24 =	vadd.f32 v21, v24;
	v12 =	vmax.f32 v20, v12;
	v23 =	vadd.f32 v23, v27;
	v27 =	vld.idx.msk [tilespmem:v1+s24+$0x220 ss:$0x1], $0xffff  }
0x109: {  	v22 =	vadd.f32 v18, v22;
	v30 =	vadd.f32 v31, v30;
	v31 =	vmul.f32 v34, v34  }
0x10a: {  	v20 =	vld.idx.msk [tilespmem:v1+s24+$0x230 ss:$0x1], $0xffff;
	v28 =	vadd.f32 v19, v28;
	v29 =	vadd.f32 v62, v29;
	v63 =	vmul.f32 v33, v33  }
0x10b: {  	v6 =	vadd.f32 v34, v6;
	v10 =	vadd.f32 v31, v10;
	v31 =	vmul.f32 v35, v35  }
0x10c: {  	v17 =	vmax.f32 v17, v21;
	v21 =	vld.idx.msk [tilespmem:v1+s24+$0x240 ss:$0x1], $0xffff;
	v7 =	vadd.f32 v35, v7;
	v5 =	vadd.f32 v33, v5  }
0x10d: {  	v11 =	vadd.f32 v63, v11;
	v9 =	vadd.f32 v31, v9;
	v31 =	vmul.f32 v27, v27  }
0x10e: {  	v14 =	vmax.f32 v14, v18;
	v18 =	vld.idx.msk [tilespmem:v1+s24+$0x250 ss:$0x1], $0xffff;
	v8 =	vadd.f32 v27, v8;
	v6 =	vadd.f32 v7, v6  }
0x10f: {  	v7 =	vmul.f32 v20, v20;
	v15 =	vadd.f32 v31, v15;
	v9 =	vadd.f32 v9, v10  }
0x110: {  	v6 =	vadd.f32 v8, v6;
	v10 =	vmax.f32 v13, v19;
	v13 =	vld.idx.msk [tilespmem:v1+s24+$0x260 ss:$0x1], $0xffff;
	v19 =	vadd.f32 v20, v25  }
0x111: {  	v8 =	vmul.f32 v21, v21;
	v7 =	vadd.f32 v7, v26;
	v9 =	vadd.f32 v15, v9  }
0x112: {  	v4 =	vmax.f32 v4, v34;
	v15 =	vadd.f32 v21, v24;
	v6 =	vadd.f32 v19, v6  }
0x113: {  	v8 =	vadd.f32 v8, v23;
	v19 =	vmul.f32 v18, v18;
	v7 =	vadd.f32 v7, v9  }
0x114: {  	v3 =	vmax.f32 v3, v35;
	v9 =	vadd.f32 v18, v22;
	v6 =	vadd.f32 v15, v6  }
0x115: {  	v19 =	vadd.f32 v19, v29;
	v15 =	vmul.f32 v13, v13;
	v7 =	vadd.f32 v8, v7  }
0x116: {  	v8 =	vmax.f32 v16, v27;
	v16 =	vadd.f32 v13, v28;
	v6 =	vadd.f32 v9, v6  }
0x117: {  	v3 =	vmax.f32 v4, v3;
	v9 =	vadd.f32 v15, v30;
	v4 =	vadd.f32 v19, v7  }
0x118: {  	v3 =	vmax.f32 v3, v8;
	v7 =	vmax.f32 v12, v20;
	v6 =	vadd.f32 v16, v6  }
0x119: {  	v8 =	vmax.f32 v17, v21;
	v3 =	vmax.f32 v3, v7;
	v4 =	vadd.f32 v9, v4  }
0x11a: {  	v7 =	vmax.f32 v14, v18;
	v3 =	vmax.f32 v3, v8;
	v5 =	vadd.f32 v5, v6  }
0x11b: {  	v6 =	vmax.f32 v10, v13;
	v3 =	vmax.f32 v3, v7;
	v4 =	vadd.f32 v11, v4  }
0x11c: {  	v2 =	vmax.f32 v2, v33;
	v3 =	vmax.f32 v3, v6;
	[tilespmem:$0x18640] =	vst v5  }
0x11d: {  	v2 =	vmax.f32 v3, v2;
	[tilespmem:$0x18740] =	vst v4  }
0x11e: {  	s31 =	simm.s32 $0x0;
	[tilespmem:$0x18840] =	vst v2  }
0x11f: {  	v2 =	vld.idx.msk [tilespmem:v1+s31+$0x2F0 ss:$0x1], $0xffff  }
0x120: {  	v26 =	vimm.f32 $0.0e+00;
	v25 =	vimm.f32 $0.0e+00;
	v3 =	vld.idx.msk [tilespmem:v1+s31+$0x280 ss:$0x1], $0xffff  }
0x121: {  	v24 =	vimm.f32 $0.0e+00;
	v29 =	vimm.f32 $0.0e+00;
	v22 =	vimm.f32 $0.0e+00;
	v8 =	vld.idx.msk [tilespmem:v1+s31+$0x290 ss:$0x1], $0xffff  }
0x122: {  	v27 =	vimm.f32 $0.0e+00;
	v28 =	vimm.f32 $0.0e+00;
	v15 =	vimm.f32 $0.0e+00;
	v23 =	vld.idx.msk [tilespmem:v1+s31+$0x2A0 ss:$0x1], $0xffff  }
0x123: {  	v17 =	vimm.f32 $-Inf;
	v30 =	vimm.f32 $0.0e+00;
	v16 =	vimm.f32 $-Inf;
	v12 =	vld.idx.msk [tilespmem:v1+s31+$0x2B0 ss:$0x1], $0xffff  }
0x124: {  	v20 =	vimm.f32 $-Inf;
	v14 =	vimm.f32 $-Inf;
	v5 =	vadd.f32 v2, v15  }
0x125: {  	v21 =	vld.idx.msk [tilespmem:v1+s31+$0x2C0 ss:$0x1], $0xffff;
	v9 =	vmul.f32 v2, v2;
	v2 =	vmax.f32 v16, v2;
	v6 =	vadd.f32 v3, v15  }
0x126: {  	v18 =	vld.idx.msk [tilespmem:v1+s31+$0x2D0 ss:$0x1], $0xffff;
	v10 =	vmul.f32 v3, v3;
	v4 =	vmax.f32 v16, v3;
	v7 =	vadd.f32 v8, v15  }
0x127: {  	v19 =	vld.idx.msk [tilespmem:v1+s31+$0x2E0 ss:$0x1], $0xffff;
	v13 =	vmul.f32 v8, v8;
	v3 =	vmax.f32 v16, v8;
	v32 =	vmul.f32 v23, v23  }
0x128: {  	v8 =	vadd.f32 v23, v15;
	v31 =	vmul.f32 v12, v12;
	v11 =	vadd.f32 v9, v15  }
0x129: {  	s25 =	simm.s32 $0x2000;
	s24 =	simm.s32 $0x400;
	v10 =	vadd.f32 v10, v15;
	v9 =	vadd.f32 v13, v15;
	v13 =	vimm.f32 $-Inf  }
.LBB2_13:
0x12a: {  	p0 =	sne.s32 s25, $0x1F000;
	v33 =	vld.idx.msk [tilespmem:v1+s24+$0x2F0 ss:$0x1], $0xffff;
	v15 =	vadd.f32 v32, v15;
	v16 =	vmax.f32 v16, v23;
	v23 =	vmul.f32 v21, v21  }
0x12b: {  	v25 =	vadd.f32 v12, v25;
	v32 =	vld.idx.msk [tilespmem:v1+s24+$0x280 ss:$0x1], $0xffff;
	v26 =	vadd.f32 v31, v26;
	v31 =	vmul.f32 v18, v18  }
0x12c: {  	v20 =	vmax.f32 v20, v12;
	v35 =	vmul.f32 v19, v19;
	v34 =	vld.idx.msk [tilespmem:v1+s24+$0x290 ss:$0x1], $0xffff;
	v27 =	vadd.f32 v23, v27  }
0x12d: {  	v24 =	vadd.f32 v21, v24;
	v17 =	vmax.f32 v17, v21;
	v23 =	vld.idx.msk [tilespmem:v1+s24+$0x2A0 ss:$0x1], $0xffff;
	v29 =	vadd.f32 v31, v29  }
0x12e: {  	v22 =	vadd.f32 v18, v22;
	v14 =	vmax.f32 v14, v18;
	v30 =	vadd.f32 v35, v30;
	v12 =	vld.idx.msk [tilespmem:v1+s24+$0x2B0 ss:$0x1], $0xffff  }
0x12f: {  	v28 =	vadd.f32 v19, v28;
	v13 =	vmax.f32 v13, v19;
	v21 =	vld.idx.msk [tilespmem:v1+s24+$0x2C0 ss:$0x1], $0xffff  }
.Ltmp5:
0x130: {  	v5 =	vadd.f32 v33, v5;
	v31 =	vmul.f32 v33, v33;
	v2 =	vmax.f32 v2, v33;
	v18 =	vld.idx.msk [tilespmem:v1+s24+$0x2D0 ss:$0x1], $0xffff;
	(pc) =	sbr.rel @p0 .LBB2_13-.Ltmp5, $4  }
0x131: {  	v6 =	vadd.f32 v32, v6;
	v33 =	vmul.f32 v32, v32;
	v4 =	vmax.f32 v4, v32;
	v19 =	vld.idx.msk [tilespmem:v1+s24+$0x2E0 ss:$0x1], $0xffff  }
0x132: {  	v7 =	vadd.f32 v34, v7;
	v35 =	vmul.f32 v34, v34;
	v11 =	vadd.f32 v31, v11  }
0x133: {  	v3 =	vmax.f32 v3, v34;
	v10 =	vadd.f32 v33, v10;
	v32 =	vmul.f32 v23, v23  }
0x134: {  	s24 =	sshra.s32 s25, $0x2;
	s25 =	sadd.s32 $0x1000, s25;
	v8 =	vadd.f32 v23, v8;
	v9 =	vadd.f32 v35, v9;
	v31 =	vmul.f32 v12, v12  }
0x135: {  	_ =	sdelay $0x3  }
0x136: {  	v34 =	vld.idx.msk [tilespmem:v1+s24+$0x280 ss:$0x1], $0xffff  }
0x137: {  	v33 =	vld.idx.msk [tilespmem:v1+s24+$0x2F0 ss:$0x1], $0xffff;
	v15 =	vadd.f32 v32, v15  }
0x138: {  	v16 =	vmax.f32 v16, v23;
	v23 =	vmul.f32 v21, v21;
	v62 =	vmul.f32 v18, v18;
	v35 =	vld.idx.msk [tilespmem:v1+s24+$0x290 ss:$0x1], $0xffff  }
0x139: {  	v25 =	vadd.f32 v12, v25;
	v26 =	vadd.f32 v31, v26;
	v31 =	vmul.f32 v19, v19  }
0x13a: {  	v24 =	vadd.f32 v21, v24;
	v12 =	vmax.f32 v20, v12;
	v23 =	vadd.f32 v23, v27;
	v27 =	vld.idx.msk [tilespmem:v1+s24+$0x2A0 ss:$0x1], $0xffff  }
0x13b: {  	v22 =	vadd.f32 v18, v22;
	v30 =	vadd.f32 v31, v30;
	v31 =	vmul.f32 v34, v34  }
0x13c: {  	v20 =	vld.idx.msk [tilespmem:v1+s24+$0x2B0 ss:$0x1], $0xffff;
	v28 =	vadd.f32 v19, v28;
	v29 =	vadd.f32 v62, v29;
	v63 =	vmul.f32 v33, v33  }
0x13d: {  	v6 =	vadd.f32 v34, v6;
	v10 =	vadd.f32 v31, v10;
	v31 =	vmul.f32 v35, v35  }
0x13e: {  	v17 =	vmax.f32 v17, v21;
	v21 =	vld.idx.msk [tilespmem:v1+s24+$0x2C0 ss:$0x1], $0xffff;
	v7 =	vadd.f32 v35, v7;
	v5 =	vadd.f32 v33, v5  }
0x13f: {  	v11 =	vadd.f32 v63, v11;
	v9 =	vadd.f32 v31, v9;
	v31 =	vmul.f32 v27, v27  }
0x140: {  	v14 =	vmax.f32 v14, v18;
	v18 =	vld.idx.msk [tilespmem:v1+s24+$0x2D0 ss:$0x1], $0xffff;
	v8 =	vadd.f32 v27, v8;
	v6 =	vadd.f32 v7, v6  }
0x141: {  	v7 =	vmul.f32 v20, v20;
	v15 =	vadd.f32 v31, v15;
	v9 =	vadd.f32 v9, v10  }
0x142: {  	v6 =	vadd.f32 v8, v6;
	v10 =	vmax.f32 v13, v19;
	v13 =	vld.idx.msk [tilespmem:v1+s24+$0x2E0 ss:$0x1], $0xffff;
	v19 =	vadd.f32 v20, v25  }
0x143: {  	v8 =	vmul.f32 v21, v21;
	v7 =	vadd.f32 v7, v26;
	v9 =	vadd.f32 v15, v9  }
0x144: {  	v4 =	vmax.f32 v4, v34;
	v15 =	vadd.f32 v21, v24;
	v6 =	vadd.f32 v19, v6  }
0x145: {  	v8 =	vadd.f32 v8, v23;
	v19 =	vmul.f32 v18, v18;
	v7 =	vadd.f32 v7, v9  }
0x146: {  	v3 =	vmax.f32 v3, v35;
	v9 =	vadd.f32 v18, v22;
	v6 =	vadd.f32 v15, v6  }
0x147: {  	v19 =	vadd.f32 v19, v29;
	v15 =	vmul.f32 v13, v13;
	v7 =	vadd.f32 v8, v7  }
0x148: {  	v8 =	vmax.f32 v16, v27;
	v16 =	vadd.f32 v13, v28;
	v6 =	vadd.f32 v9, v6  }
0x149: {  	v3 =	vmax.f32 v4, v3;
	v9 =	vadd.f32 v15, v30;
	v4 =	vadd.f32 v19, v7  }
0x14a: {  	v3 =	vmax.f32 v3, v8;
	v7 =	vmax.f32 v12, v20;
	v6 =	vadd.f32 v16, v6  }
0x14b: {  	v8 =	vmax.f32 v17, v21;
	v3 =	vmax.f32 v3, v7;
	v4 =	vadd.f32 v9, v4  }
0x14c: {  	v7 =	vmax.f32 v14, v18;
	v3 =	vmax.f32 v3, v8;
	v5 =	vadd.f32 v5, v6  }
0x14d: {  	v6 =	vmax.f32 v10, v13;
	v3 =	vmax.f32 v3, v7;
	v4 =	vadd.f32 v11, v4  }
0x14e: {  	v2 =	vmax.f32 v2, v33;
	v3 =	vmax.f32 v3, v6;
	[tilespmem:$0x18650] =	vst v5  }
0x14f: {  	v2 =	vmax.f32 v3, v2;
	[tilespmem:$0x18750] =	vst v4  }
0x150: {  	s31 =	simm.s32 $0x0;
	[tilespmem:$0x18850] =	vst v2  }
0x151: {  	v2 =	vld.idx.msk [tilespmem:v1+s31+$0x370 ss:$0x1], $0xffff  }
0x152: {  	v26 =	vimm.f32 $0.0e+00;
	v25 =	vimm.f32 $0.0e+00;
	v3 =	vld.idx.msk [tilespmem:v1+s31+$0x300 ss:$0x1], $0xffff  }
0x153: {  	v24 =	vimm.f32 $0.0e+00;
	v29 =	vimm.f32 $0.0e+00;
	v22 =	vimm.f32 $0.0e+00;
	v8 =	vld.idx.msk [tilespmem:v1+s31+$0x310 ss:$0x1], $0xffff  }
0x154: {  	v27 =	vimm.f32 $0.0e+00;
	v28 =	vimm.f32 $0.0e+00;
	v15 =	vimm.f32 $0.0e+00;
	v23 =	vld.idx.msk [tilespmem:v1+s31+$0x320 ss:$0x1], $0xffff  }
0x155: {  	v17 =	vimm.f32 $-Inf;
	v30 =	vimm.f32 $0.0e+00;
	v16 =	vimm.f32 $-Inf;
	v12 =	vld.idx.msk [tilespmem:v1+s31+$0x330 ss:$0x1], $0xffff  }
0x156: {  	v20 =	vimm.f32 $-Inf;
	v14 =	vimm.f32 $-Inf;
	v5 =	vadd.f32 v2, v15  }
0x157: {  	v21 =	vld.idx.msk [tilespmem:v1+s31+$0x340 ss:$0x1], $0xffff;
	v9 =	vmul.f32 v2, v2;
	v2 =	vmax.f32 v16, v2;
	v6 =	vadd.f32 v3, v15  }
0x158: {  	v18 =	vld.idx.msk [tilespmem:v1+s31+$0x350 ss:$0x1], $0xffff;
	v10 =	vmul.f32 v3, v3;
	v4 =	vmax.f32 v16, v3;
	v7 =	vadd.f32 v8, v15  }
0x159: {  	v19 =	vld.idx.msk [tilespmem:v1+s31+$0x360 ss:$0x1], $0xffff;
	v13 =	vmul.f32 v8, v8;
	v3 =	vmax.f32 v16, v8;
	v32 =	vmul.f32 v23, v23  }
0x15a: {  	v8 =	vadd.f32 v23, v15;
	v31 =	vmul.f32 v12, v12;
	v11 =	vadd.f32 v9, v15  }
0x15b: {  	s25 =	simm.s32 $0x2000;
	s24 =	simm.s32 $0x400;
	v10 =	vadd.f32 v10, v15;
	v9 =	vadd.f32 v13, v15;
	v13 =	vimm.f32 $-Inf  }
.LBB2_15:
0x15c: {  	p0 =	sne.s32 s25, $0x1F000;
	v33 =	vld.idx.msk [tilespmem:v1+s24+$0x370 ss:$0x1], $0xffff;
	v15 =	vadd.f32 v32, v15;
	v16 =	vmax.f32 v16, v23;
	v23 =	vmul.f32 v21, v21  }
0x15d: {  	v25 =	vadd.f32 v12, v25;
	v32 =	vld.idx.msk [tilespmem:v1+s24+$0x300 ss:$0x1], $0xffff;
	v26 =	vadd.f32 v31, v26;
	v31 =	vmul.f32 v18, v18  }
0x15e: {  	v20 =	vmax.f32 v20, v12;
	v35 =	vmul.f32 v19, v19;
	v34 =	vld.idx.msk [tilespmem:v1+s24+$0x310 ss:$0x1], $0xffff;
	v27 =	vadd.f32 v23, v27  }
0x15f: {  	v24 =	vadd.f32 v21, v24;
	v17 =	vmax.f32 v17, v21;
	v23 =	vld.idx.msk [tilespmem:v1+s24+$0x320 ss:$0x1], $0xffff;
	v29 =	vadd.f32 v31, v29  }
0x160: {  	v22 =	vadd.f32 v18, v22;
	v14 =	vmax.f32 v14, v18;
	v30 =	vadd.f32 v35, v30;
	v12 =	vld.idx.msk [tilespmem:v1+s24+$0x330 ss:$0x1], $0xffff  }
0x161: {  	v28 =	vadd.f32 v19, v28;
	v13 =	vmax.f32 v13, v19;
	v21 =	vld.idx.msk [tilespmem:v1+s24+$0x340 ss:$0x1], $0xffff  }
.Ltmp6:
0x162: {  	v5 =	vadd.f32 v33, v5;
	v31 =	vmul.f32 v33, v33;
	v2 =	vmax.f32 v2, v33;
	v18 =	vld.idx.msk [tilespmem:v1+s24+$0x350 ss:$0x1], $0xffff;
	(pc) =	sbr.rel @p0 .LBB2_15-.Ltmp6, $4  }
0x163: {  	v6 =	vadd.f32 v32, v6;
	v33 =	vmul.f32 v32, v32;
	v4 =	vmax.f32 v4, v32;
	v19 =	vld.idx.msk [tilespmem:v1+s24+$0x360 ss:$0x1], $0xffff  }
0x164: {  	v7 =	vadd.f32 v34, v7;
	v35 =	vmul.f32 v34, v34;
	v11 =	vadd.f32 v31, v11  }
0x165: {  	v3 =	vmax.f32 v3, v34;
	v10 =	vadd.f32 v33, v10;
	v32 =	vmul.f32 v23, v23  }
0x166: {  	s24 =	sshra.s32 s25, $0x2;
	s25 =	sadd.s32 $0x1000, s25;
	v8 =	vadd.f32 v23, v8;
	v9 =	vadd.f32 v35, v9;
	v31 =	vmul.f32 v12, v12  }
0x167: {  	_ =	sdelay $0x3  }
0x168: {  	v34 =	vld.idx.msk [tilespmem:v1+s24+$0x300 ss:$0x1], $0xffff  }
0x169: {  	v33 =	vld.idx.msk [tilespmem:v1+s24+$0x370 ss:$0x1], $0xffff;
	v15 =	vadd.f32 v32, v15  }
0x16a: {  	v16 =	vmax.f32 v16, v23;
	v23 =	vmul.f32 v21, v21;
	v62 =	vmul.f32 v18, v18;
	v35 =	vld.idx.msk [tilespmem:v1+s24+$0x310 ss:$0x1], $0xffff  }
0x16b: {  	v25 =	vadd.f32 v12, v25;
	v26 =	vadd.f32 v31, v26;
	v31 =	vmul.f32 v19, v19  }
0x16c: {  	v24 =	vadd.f32 v21, v24;
	v12 =	vmax.f32 v20, v12;
	v23 =	vadd.f32 v23, v27;
	v27 =	vld.idx.msk [tilespmem:v1+s24+$0x320 ss:$0x1], $0xffff  }
0x16d: {  	v22 =	vadd.f32 v18, v22;
	v30 =	vadd.f32 v31, v30;
	v31 =	vmul.f32 v34, v34  }
0x16e: {  	v20 =	vld.idx.msk [tilespmem:v1+s24+$0x330 ss:$0x1], $0xffff;
	v28 =	vadd.f32 v19, v28;
	v29 =	vadd.f32 v62, v29;
	v63 =	vmul.f32 v33, v33  }
0x16f: {  	v6 =	vadd.f32 v34, v6;
	v10 =	vadd.f32 v31, v10;
	v31 =	vmul.f32 v35, v35  }
0x170: {  	v17 =	vmax.f32 v17, v21;
	v21 =	vld.idx.msk [tilespmem:v1+s24+$0x340 ss:$0x1], $0xffff;
	v7 =	vadd.f32 v35, v7;
	v5 =	vadd.f32 v33, v5  }
0x171: {  	v11 =	vadd.f32 v63, v11;
	v9 =	vadd.f32 v31, v9;
	v31 =	vmul.f32 v27, v27  }
0x172: {  	v14 =	vmax.f32 v14, v18;
	v18 =	vld.idx.msk [tilespmem:v1+s24+$0x350 ss:$0x1], $0xffff;
	v8 =	vadd.f32 v27, v8;
	v6 =	vadd.f32 v7, v6  }
0x173: {  	v7 =	vmul.f32 v20, v20;
	v15 =	vadd.f32 v31, v15;
	v9 =	vadd.f32 v9, v10  }
0x174: {  	v6 =	vadd.f32 v8, v6;
	v10 =	vmax.f32 v13, v19;
	v13 =	vld.idx.msk [tilespmem:v1+s24+$0x360 ss:$0x1], $0xffff;
	v19 =	vadd.f32 v20, v25  }
0x175: {  	v8 =	vmul.f32 v21, v21;
	v7 =	vadd.f32 v7, v26;
	v9 =	vadd.f32 v15, v9  }
0x176: {  	v4 =	vmax.f32 v4, v34;
	v15 =	vadd.f32 v21, v24;
	v6 =	vadd.f32 v19, v6  }
0x177: {  	v8 =	vadd.f32 v8, v23;
	v19 =	vmul.f32 v18, v18;
	v7 =	vadd.f32 v7, v9  }
0x178: {  	v3 =	vmax.f32 v3, v35;
	v9 =	vadd.f32 v18, v22;
	v6 =	vadd.f32 v15, v6  }
0x179: {  	v19 =	vadd.f32 v19, v29;
	v15 =	vmul.f32 v13, v13;
	v7 =	vadd.f32 v8, v7  }
0x17a: {  	v8 =	vmax.f32 v16, v27;
	v16 =	vadd.f32 v13, v28;
	v6 =	vadd.f32 v9, v6  }
0x17b: {  	v3 =	vmax.f32 v4, v3;
	v9 =	vadd.f32 v15, v30;
	v4 =	vadd.f32 v19, v7  }
0x17c: {  	v3 =	vmax.f32 v3, v8;
	v7 =	vmax.f32 v12, v20;
	v6 =	vadd.f32 v16, v6  }
0x17d: {  	v8 =	vmax.f32 v17, v21;
	v3 =	vmax.f32 v3, v7;
	v4 =	vadd.f32 v9, v4  }
0x17e: {  	v7 =	vmax.f32 v14, v18;
	v3 =	vmax.f32 v3, v8;
	v5 =	vadd.f32 v5, v6  }
0x17f: {  	v6 =	vmax.f32 v10, v13;
	v3 =	vmax.f32 v3, v7;
	v4 =	vadd.f32 v11, v4  }
0x180: {  	v2 =	vmax.f32 v2, v33;
	v3 =	vmax.f32 v3, v6;
	[tilespmem:$0x18660] =	vst v5  }
0x181: {  	v2 =	vmax.f32 v3, v2;
	[tilespmem:$0x18760] =	vst v4  }
0x182: {  	s31 =	simm.s32 $0x0;
	[tilespmem:$0x18860] =	vst v2  }
0x183: {  	v2 =	vld.idx.msk [tilespmem:v1+s31+$0x3F0 ss:$0x1], $0xffff  }
0x184: {  	v26 =	vimm.f32 $0.0e+00;
	v23 =	vimm.f32 $0.0e+00;
	v3 =	vld.idx.msk [tilespmem:v1+s31+$0x380 ss:$0x1], $0xffff  }
0x185: {  	v25 =	vimm.f32 $0.0e+00;
	v22 =	vimm.f32 $0.0e+00;
	v29 =	vimm.f32 $0.0e+00;
	v8 =	vld.idx.msk [tilespmem:v1+s31+$0x390 ss:$0x1], $0xffff  }
0x186: {  	v27 =	vimm.f32 $0.0e+00;
	v28 =	vimm.f32 $0.0e+00;
	v21 =	vimm.f32 $-Inf;
	v20 =	vld.idx.msk [tilespmem:v1+s31+$0x3A0 ss:$0x1], $0xffff  }
0x187: {  	v17 =	vimm.f32 $-Inf;
	v30 =	vimm.f32 $0.0e+00;
	v13 =	vimm.f32 $0.0e+00;
	v14 =	vld.idx.msk [tilespmem:v1+s31+$0x3B0 ss:$0x1], $0xffff  }
0x188: {  	v12 =	vimm.f32 $-Inf;
	v16 =	vimm.f32 $-Inf;
	v7 =	vadd.f32 v2, v13  }
0x189: {  	v24 =	vld.idx.msk [tilespmem:v1+s31+$0x3C0 ss:$0x1], $0xffff;
	v9 =	vmul.f32 v2, v2;
	v2 =	vmax.f32 v12, v2;
	v5 =	vadd.f32 v3, v13  }
0x18a: {  	v18 =	vld.idx.msk [tilespmem:v1+s31+$0x3D0 ss:$0x1], $0xffff;
	v10 =	vmul.f32 v3, v3;
	v4 =	vmax.f32 v12, v3;
	v6 =	vadd.f32 v8, v13  }
0x18b: {  	v19 =	vld.idx.msk [tilespmem:v1+s31+$0x3E0 ss:$0x1], $0xffff;
	v15 =	vmul.f32 v8, v8;
	v3 =	vmax.f32 v12, v8;
	v32 =	vmul.f32 v20, v20  }
0x18c: {  	v8 =	vadd.f32 v20, v13;
	v31 =	vmul.f32 v14, v14;
	v11 =	vadd.f32 v9, v13  }
0x18d: {  	s25 =	simm.s32 $0x2000;
	s24 =	simm.s32 $0x400;
	v9 =	vadd.f32 v10, v13;
	v10 =	vadd.f32 v15, v13;
	v15 =	vimm.f32 $-Inf  }
.LBB2_17:
0x18e: {  	p0 =	sne.s32 s25, $0x1F000;
	v33 =	vld.idx.msk [tilespmem:v1+s24+$0x3F0 ss:$0x1], $0xffff;
	v13 =	vadd.f32 v32, v13;
	v12 =	vmax.f32 v12, v20;
	v20 =	vmul.f32 v24, v24  }
0x18f: {  	v22 =	vadd.f32 v14, v22;
	v32 =	vld.idx.msk [tilespmem:v1+s24+$0x380 ss:$0x1], $0xffff;
	v29 =	vadd.f32 v31, v29;
	v31 =	vmul.f32 v18, v18  }
0x190: {  	v21 =	vmax.f32 v21, v14;
	v35 =	vmul.f32 v19, v19;
	v34 =	vld.idx.msk [tilespmem:v1+s24+$0x390 ss:$0x1], $0xffff;
	v27 =	vadd.f32 v20, v27  }
0x191: {  	v23 =	vadd.f32 v24, v23;
	v17 =	vmax.f32 v17, v24;
	v20 =	vld.idx.msk [tilespmem:v1+s24+$0x3A0 ss:$0x1], $0xffff;
	v25 =	vadd.f32 v31, v25  }
0x192: {  	v26 =	vadd.f32 v18, v26;
	v16 =	vmax.f32 v16, v18;
	v30 =	vadd.f32 v35, v30;
	v14 =	vld.idx.msk [tilespmem:v1+s24+$0x3B0 ss:$0x1], $0xffff  }
0x193: {  	v28 =	vadd.f32 v19, v28;
	v15 =	vmax.f32 v15, v19;
	v24 =	vld.idx.msk [tilespmem:v1+s24+$0x3C0 ss:$0x1], $0xffff  }
.Ltmp7:
0x194: {  	v7 =	vadd.f32 v33, v7;
	v31 =	vmul.f32 v33, v33;
	v2 =	vmax.f32 v2, v33;
	v18 =	vld.idx.msk [tilespmem:v1+s24+$0x3D0 ss:$0x1], $0xffff;
	(pc) =	sbr.rel @p0 .LBB2_17-.Ltmp7, $4  }
0x195: {  	v5 =	vadd.f32 v32, v5;
	v33 =	vmul.f32 v32, v32;
	v4 =	vmax.f32 v4, v32;
	v19 =	vld.idx.msk [tilespmem:v1+s24+$0x3E0 ss:$0x1], $0xffff  }
0x196: {  	v6 =	vadd.f32 v34, v6;
	v35 =	vmul.f32 v34, v34;
	v11 =	vadd.f32 v31, v11  }
0x197: {  	v3 =	vmax.f32 v3, v34;
	v9 =	vadd.f32 v33, v9;
	v32 =	vmul.f32 v20, v20  }
0x198: {  	s24 =	sshra.s32 s25, $0x2;
	s25 =	sadd.s32 $0x1000, s25;
	v8 =	vadd.f32 v20, v8;
	v10 =	vadd.f32 v35, v10;
	v31 =	vmul.f32 v14, v14  }
0x199: {  	_ =	sdelay $0x3  }
0x19a: {  	v33 =	vld.idx.msk [tilespmem:v1+s24+$0x3F0 ss:$0x1], $0xffff  }
0x19b: {  	v13 =	vadd.f32 v32, v13;
	v34 =	vld.idx.msk [tilespmem:v1+s24+$0x380 ss:$0x1], $0xffff  }
0x19c: {  	v60 =	vmul.f32 v24, v24;
	v12 =	vmax.f32 v12, v20;
	v20 =	vadd.f32 v31, v29;
	v31 =	vld.idx.msk [tilespmem:v1+s24+$0x390 ss:$0x1], $0xffff  }
0x19d: {  	v22 =	vadd.f32 v14, v22;
	v29 =	vmul.f32 v18, v18;
	v61 =	vmul.f32 v19, v19  }
0x19e: {  	v14 =	vmax.f32 v21, v14;
	v21 =	vld.idx.msk [tilespmem:v1+s24+$0x3A0 ss:$0x1], $0xffff;
	v23 =	vadd.f32 v24, v23;
	v26 =	vadd.f32 v18, v26  }
0x19f: {  	v25 =	vadd.f32 v29, v25;
	v29 =	vadd.f32 v61, v30;
	v30 =	vmul.f32 v33, v33  }
0x1a0: {  	v17 =	vmax.f32 v17, v24;
	v24 =	vld.idx.msk [tilespmem:v1+s24+$0x3B0 ss:$0x1], $0xffff;
	v28 =	vadd.f32 v19, v28;
	v27 =	vadd.f32 v60, v27  }
0x1a1: {  	v62 =	vmul.f32 v34, v34;
	v11 =	vadd.f32 v30, v11;
	v30 =	vmul.f32 v31, v31  }
0x1a2: {  	v16 =	vmax.f32 v16, v18;
	v18 =	vld.idx.msk [tilespmem:v1+s24+$0x3C0 ss:$0x1], $0xffff;
	v5 =	vadd.f32 v34, v5;
	v6 =	vadd.f32 v31, v6  }
0x1a3: {  	v63 =	vmul.f32 v21, v21;
	v9 =	vadd.f32 v62, v9;
	v10 =	vadd.f32 v30, v10  }
0x1a4: {  	v15 =	vmax.f32 v15, v19;
	v19 =	vld.idx.msk [tilespmem:v1+s24+$0x3D0 ss:$0x1], $0xffff;
	v8 =	vadd.f32 v21, v8;
	v5 =	vadd.f32 v6, v5  }
0x1a5: {  	v13 =	vadd.f32 v63, v13;
	v6 =	vmul.f32 v24, v24;
	v9 =	vadd.f32 v10, v9  }
0x1a6: {  	v4 =	vmax.f32 v4, v34;
	v5 =	vadd.f32 v8, v5;
	v10 =	vld.idx.msk [tilespmem:v1+s24+$0x3E0 ss:$0x1], $0xffff;
	v1 =	vadd.f32 v24, v22  }
0x1a7: {  	v8 =	vmul.f32 v18, v18;
	v6 =	vadd.f32 v6, v20;
	v9 =	vadd.f32 v13, v9  }
0x1a8: {  	v3 =	vmax.f32 v3, v31;
	v13 =	vadd.f32 v18, v23;
	v1 =	vadd.f32 v1, v5  }
0x1a9: {  	v8 =	vadd.f32 v8, v27;
	v5 =	vmul.f32 v19, v19;
	v6 =	vadd.f32 v6, v9  }
0x1aa: {  	v9 =	vmax.f32 v12, v21;
	v12 =	vadd.f32 v19, v26;
	v1 =	vadd.f32 v13, v1  }
0x1ab: {  	v5 =	vadd.f32 v5, v25;
	v13 =	vmul.f32 v10, v10;
	v6 =	vadd.f32 v8, v6  }
0x1ac: {  	v8 =	vmax.f32 v14, v24;
	v14 =	vadd.f32 v10, v28;
	v1 =	vadd.f32 v12, v1  }
0x1ad: {  	v7 =	vadd.f32 v33, v7;
	v3 =	vmax.f32 v4, v3;
	v12 =	vadd.f32 v13, v29  }
0x1ae: {  	v3 =	vmax.f32 v3, v9;
	v4 =	vadd.f32 v5, v6;
	v1 =	vadd.f32 v14, v1  }
0x1af: {  	v3 =	vmax.f32 v3, v8;
	v5 =	vmax.f32 v17, v18;
	v6 =	vmax.f32 v16, v19  }
0x1b0: {  	v3 =	vmax.f32 v3, v5;
	v4 =	vadd.f32 v12, v4;
	v5 =	vadd.f32 v7, v1  }
0x1b1: {  	v1 =	vmov s23;
	v7 =	vmax.f32 v15, v10;
	v3 =	vmax.f32 v3, v6  }
0x1b2: {  	v2 =	vmax.f32 v2, v33;
	v3 =	vmax.f32 v3, v7  }
0x1b3: {  	v4 =	vadd.f32 v11, v4;
	[tilespmem:$0x18670] =	vst v5;
	v2 =	vmax.f32 v3, v2  }
0x1b4: {  	[tilespmem:$0x18870] =	vst v2  }
0x1b5: {  	s31 =	simm.s32 $0x0;
	[tilespmem:$0x18770] =	vst v4  }
0x1b6: {  	v2 =	vld.idx.msk [tilespmem:v1+s31+$0x8070 ss:$0x1], $0xffff  }
0x1b7: {  	v30 =	vimm.f32 $0.0e+00;
	v20 =	vimm.f32 $-Inf;
	v3 =	vld.idx.msk [tilespmem:v1+s31+$0x8000 ss:$0x1], $0xffff  }
0x1b8: {  	v22 =	vimm.f32 $0.0e+00;
	v27 =	vimm.f32 $0.0e+00;
	v25 =	vimm.f32 $0.0e+00;
	v8 =	vld.idx.msk [tilespmem:v1+s31+$0x8010 ss:$0x1], $0xffff  }
0x1b9: {  	v26 =	vimm.f32 $0.0e+00;
	v24 =	vimm.f32 $0.0e+00;
	v28 =	vimm.f32 $0.0e+00;
	v23 =	vld.idx.msk [tilespmem:v1+s31+$0x8020 ss:$0x1], $0xffff  }
0x1ba: {  	v29 =	vimm.f32 $0.0e+00;
	v16 =	vimm.f32 $-Inf;
	v15 =	vimm.f32 $0.0e+00;
	v12 =	vld.idx.msk [tilespmem:v1+s31+$0x8030 ss:$0x1], $0xffff  }
0x1bb: {  	v17 =	vimm.f32 $-Inf;
	v14 =	vimm.f32 $-Inf;
	v5 =	vadd.f32 v2, v15  }
0x1bc: {  	v21 =	vld.idx.msk [tilespmem:v1+s31+$0x8040 ss:$0x1], $0xffff;
	v9 =	vmul.f32 v2, v2;
	v2 =	vmax.f32 v16, v2;
	v6 =	vadd.f32 v3, v15  }
0x1bd: {  	v18 =	vld.idx.msk [tilespmem:v1+s31+$0x8050 ss:$0x1], $0xffff;
	v10 =	vmul.f32 v3, v3;
	v4 =	vmax.f32 v16, v3;
	v7 =	vadd.f32 v8, v15  }
0x1be: {  	v19 =	vld.idx.msk [tilespmem:v1+s31+$0x8060 ss:$0x1], $0xffff;
	v13 =	vmul.f32 v8, v8;
	v3 =	vmax.f32 v16, v8;
	v32 =	vmul.f32 v23, v23  }
0x1bf: {  	v8 =	vadd.f32 v23, v15;
	v31 =	vmul.f32 v12, v12;
	v11 =	vadd.f32 v9, v15  }
0x1c0: {  	s24 =	simm.s32 $0x2000;
	s23 =	simm.s32 $0x400;
	v10 =	vadd.f32 v10, v15;
	v9 =	vadd.f32 v13, v15;
	v13 =	vimm.f32 $-Inf  }
.LBB2_19:
0x1c1: {  	p0 =	sne.s32 s24, $0x1F000;
	v33 =	vld.idx.msk [tilespmem:v1+s23+$0x8070 ss:$0x1], $0xffff;
	v15 =	vadd.f32 v32, v15;
	v16 =	vmax.f32 v16, v23;
	v23 =	vmul.f32 v21, v21  }
0x1c2: {  	v25 =	vadd.f32 v12, v25;
	v32 =	vld.idx.msk [tilespmem:v1+s23+$0x8000 ss:$0x1], $0xffff;
	v26 =	vadd.f32 v31, v26;
	v31 =	vmul.f32 v18, v18  }
0x1c3: {  	v20 =	vmax.f32 v20, v12;
	v35 =	vmul.f32 v19, v19;
	v34 =	vld.idx.msk [tilespmem:v1+s23+$0x8010 ss:$0x1], $0xffff;
	v27 =	vadd.f32 v23, v27  }
0x1c4: {  	v24 =	vadd.f32 v21, v24;
	v17 =	vmax.f32 v17, v21;
	v23 =	vld.idx.msk [tilespmem:v1+s23+$0x8020 ss:$0x1], $0xffff;
	v29 =	vadd.f32 v31, v29  }
0x1c5: {  	v22 =	vadd.f32 v18, v22;
	v14 =	vmax.f32 v14, v18;
	v30 =	vadd.f32 v35, v30;
	v12 =	vld.idx.msk [tilespmem:v1+s23+$0x8030 ss:$0x1], $0xffff  }
0x1c6: {  	v28 =	vadd.f32 v19, v28;
	v13 =	vmax.f32 v13, v19;
	v21 =	vld.idx.msk [tilespmem:v1+s23+$0x8040 ss:$0x1], $0xffff  }
.Ltmp8:
0x1c7: {  	v5 =	vadd.f32 v33, v5;
	v31 =	vmul.f32 v33, v33;
	v2 =	vmax.f32 v2, v33;
	v18 =	vld.idx.msk [tilespmem:v1+s23+$0x8050 ss:$0x1], $0xffff;
	(pc) =	sbr.rel @p0 .LBB2_19-.Ltmp8, $4  }
0x1c8: {  	v6 =	vadd.f32 v32, v6;
	v33 =	vmul.f32 v32, v32;
	v4 =	vmax.f32 v4, v32;
	v19 =	vld.idx.msk [tilespmem:v1+s23+$0x8060 ss:$0x1], $0xffff  }
0x1c9: {  	v7 =	vadd.f32 v34, v7;
	v35 =	vmul.f32 v34, v34;
	v11 =	vadd.f32 v31, v11  }
0x1ca: {  	v3 =	vmax.f32 v3, v34;
	v10 =	vadd.f32 v33, v10;
	v32 =	vmul.f32 v23, v23  }
0x1cb: {  	s23 =	sshra.s32 s24, $0x2;
	s24 =	sadd.s32 $0x1000, s24;
	v8 =	vadd.f32 v23, v8;
	v9 =	vadd.f32 v35, v9;
	v31 =	vmul.f32 v12, v12  }
0x1cc: {  	_ =	sdelay $0x3  }
0x1cd: {  	v34 =	vld.idx.msk [tilespmem:v1+s23+$0x8000 ss:$0x1], $0xffff  }
0x1ce: {  	v33 =	vld.idx.msk [tilespmem:v1+s23+$0x8070 ss:$0x1], $0xffff;
	v15 =	vadd.f32 v32, v15  }
0x1cf: {  	v16 =	vmax.f32 v16, v23;
	v23 =	vmul.f32 v21, v21;
	v62 =	vmul.f32 v18, v18;
	v35 =	vld.idx.msk [tilespmem:v1+s23+$0x8010 ss:$0x1], $0xffff  }
0x1d0: {  	v25 =	vadd.f32 v12, v25;
	v26 =	vadd.f32 v31, v26;
	v31 =	vmul.f32 v19, v19  }
0x1d1: {  	v24 =	vadd.f32 v21, v24;
	v12 =	vmax.f32 v20, v12;
	v23 =	vadd.f32 v23, v27;
	v27 =	vld.idx.msk [tilespmem:v1+s23+$0x8020 ss:$0x1], $0xffff  }
0x1d2: {  	v22 =	vadd.f32 v18, v22;
	v30 =	vadd.f32 v31, v30;
	v31 =	vmul.f32 v34, v34  }
0x1d3: {  	v20 =	vld.idx.msk [tilespmem:v1+s23+$0x8030 ss:$0x1], $0xffff;
	v28 =	vadd.f32 v19, v28;
	v29 =	vadd.f32 v62, v29;
	v63 =	vmul.f32 v33, v33  }
0x1d4: {  	v6 =	vadd.f32 v34, v6;
	v10 =	vadd.f32 v31, v10;
	v31 =	vmul.f32 v35, v35  }
0x1d5: {  	v17 =	vmax.f32 v17, v21;
	v21 =	vld.idx.msk [tilespmem:v1+s23+$0x8040 ss:$0x1], $0xffff;
	v7 =	vadd.f32 v35, v7;
	v5 =	vadd.f32 v33, v5  }
0x1d6: {  	v11 =	vadd.f32 v63, v11;
	v9 =	vadd.f32 v31, v9;
	v31 =	vmul.f32 v27, v27  }
0x1d7: {  	v14 =	vmax.f32 v14, v18;
	v18 =	vld.idx.msk [tilespmem:v1+s23+$0x8050 ss:$0x1], $0xffff;
	v8 =	vadd.f32 v27, v8;
	v6 =	vadd.f32 v7, v6  }
0x1d8: {  	v7 =	vmul.f32 v20, v20;
	v15 =	vadd.f32 v31, v15;
	v9 =	vadd.f32 v9, v10  }
0x1d9: {  	v6 =	vadd.f32 v8, v6;
	v10 =	vmax.f32 v13, v19;
	v13 =	vld.idx.msk [tilespmem:v1+s23+$0x8060 ss:$0x1], $0xffff;
	v19 =	vadd.f32 v20, v25  }
0x1da: {  	v8 =	vmul.f32 v21, v21;
	v7 =	vadd.f32 v7, v26;
	v9 =	vadd.f32 v15, v9  }
0x1db: {  	v4 =	vmax.f32 v4, v34;
	v15 =	vadd.f32 v21, v24;
	v6 =	vadd.f32 v19, v6  }
0x1dc: {  	v8 =	vadd.f32 v8, v23;
	v19 =	vmul.f32 v18, v18;
	v7 =	vadd.f32 v7, v9  }
0x1dd: {  	v3 =	vmax.f32 v3, v35;
	v9 =	vadd.f32 v18, v22;
	v6 =	vadd.f32 v15, v6  }
0x1de: {  	v19 =	vadd.f32 v19, v29;
	v15 =	vmul.f32 v13, v13;
	v7 =	vadd.f32 v8, v7  }
0x1df: {  	v8 =	vmax.f32 v16, v27;
	v16 =	vadd.f32 v13, v28;
	v6 =	vadd.f32 v9, v6  }
0x1e0: {  	v3 =	vmax.f32 v4, v3;
	v9 =	vadd.f32 v15, v30;
	v4 =	vadd.f32 v19, v7  }
0x1e1: {  	v3 =	vmax.f32 v3, v8;
	v7 =	vmax.f32 v12, v20;
	v6 =	vadd.f32 v16, v6  }
0x1e2: {  	v8 =	vmax.f32 v17, v21;
	v3 =	vmax.f32 v3, v7;
	v4 =	vadd.f32 v9, v4  }
0x1e3: {  	v7 =	vmax.f32 v14, v18;
	v3 =	vmax.f32 v3, v8;
	v5 =	vadd.f32 v5, v6  }
0x1e4: {  	v6 =	vmax.f32 v10, v13;
	v3 =	vmax.f32 v3, v7;
	v4 =	vadd.f32 v11, v4  }
0x1e5: {  	v2 =	vmax.f32 v2, v33;
	v3 =	vmax.f32 v3, v6;
	[tilespmem:$0x18680] =	vst v5  }
0x1e6: {  	v2 =	vmax.f32 v3, v2;
	[tilespmem:$0x18780] =	vst v4  }
0x1e7: {  	s31 =	simm.s32 $0x0;
	[tilespmem:$0x18880] =	vst v2  }
0x1e8: {  	v2 =	vld.idx.msk [tilespmem:v1+s31+$0x80F0 ss:$0x1], $0xffff  }
0x1e9: {  	v26 =	vimm.f32 $0.0e+00;
	v25 =	vimm.f32 $0.0e+00;
	v3 =	vld.idx.msk [tilespmem:v1+s31+$0x8080 ss:$0x1], $0xffff  }
0x1ea: {  	v24 =	vimm.f32 $0.0e+00;
	v29 =	vimm.f32 $0.0e+00;
	v22 =	vimm.f32 $0.0e+00;
	v8 =	vld.idx.msk [tilespmem:v1+s31+$0x8090 ss:$0x1], $0xffff  }
0x1eb: {  	v27 =	vimm.f32 $0.0e+00;
	v28 =	vimm.f32 $0.0e+00;
	v15 =	vimm.f32 $0.0e+00;
	v23 =	vld.idx.msk [tilespmem:v1+s31+$0x80A0 ss:$0x1], $0xffff  }
0x1ec: {  	v17 =	vimm.f32 $-Inf;
	v30 =	vimm.f32 $0.0e+00;
	v16 =	vimm.f32 $-Inf;
	v12 =	vld.idx.msk [tilespmem:v1+s31+$0x80B0 ss:$0x1], $0xffff  }
0x1ed: {  	v20 =	vimm.f32 $-Inf;
	v14 =	vimm.f32 $-Inf;
	v5 =	vadd.f32 v2, v15  }
0x1ee: {  	v21 =	vld.idx.msk [tilespmem:v1+s31+$0x80C0 ss:$0x1], $0xffff;
	v9 =	vmul.f32 v2, v2;
	v2 =	vmax.f32 v16, v2;
	v6 =	vadd.f32 v3, v15  }
0x1ef: {  	v18 =	vld.idx.msk [tilespmem:v1+s31+$0x80D0 ss:$0x1], $0xffff;
	v10 =	vmul.f32 v3, v3;
	v4 =	vmax.f32 v16, v3;
	v7 =	vadd.f32 v8, v15  }
0x1f0: {  	v19 =	vld.idx.msk [tilespmem:v1+s31+$0x80E0 ss:$0x1], $0xffff;
	v13 =	vmul.f32 v8, v8;
	v3 =	vmax.f32 v16, v8;
	v32 =	vmul.f32 v23, v23  }
0x1f1: {  	v8 =	vadd.f32 v23, v15;
	v31 =	vmul.f32 v12, v12;
	v11 =	vadd.f32 v9, v15  }
0x1f2: {  	s24 =	simm.s32 $0x2000;
	s23 =	simm.s32 $0x400;
	v10 =	vadd.f32 v10, v15;
	v9 =	vadd.f32 v13, v15;
	v13 =	vimm.f32 $-Inf  }
.LBB2_21:
0x1f3: {  	p0 =	sne.s32 s24, $0x1F000;
	v33 =	vld.idx.msk [tilespmem:v1+s23+$0x80F0 ss:$0x1], $0xffff;
	v15 =	vadd.f32 v32, v15;
	v16 =	vmax.f32 v16, v23;
	v23 =	vmul.f32 v21, v21  }
0x1f4: {  	v25 =	vadd.f32 v12, v25;
	v32 =	vld.idx.msk [tilespmem:v1+s23+$0x8080 ss:$0x1], $0xffff;
	v26 =	vadd.f32 v31, v26;
	v31 =	vmul.f32 v18, v18  }
0x1f5: {  	v20 =	vmax.f32 v20, v12;
	v35 =	vmul.f32 v19, v19;
	v34 =	vld.idx.msk [tilespmem:v1+s23+$0x8090 ss:$0x1], $0xffff;
	v27 =	vadd.f32 v23, v27  }
0x1f6: {  	v24 =	vadd.f32 v21, v24;
	v17 =	vmax.f32 v17, v21;
	v23 =	vld.idx.msk [tilespmem:v1+s23+$0x80A0 ss:$0x1], $0xffff;
	v29 =	vadd.f32 v31, v29  }
0x1f7: {  	v22 =	vadd.f32 v18, v22;
	v14 =	vmax.f32 v14, v18;
	v30 =	vadd.f32 v35, v30;
	v12 =	vld.idx.msk [tilespmem:v1+s23+$0x80B0 ss:$0x1], $0xffff  }
0x1f8: {  	v28 =	vadd.f32 v19, v28;
	v13 =	vmax.f32 v13, v19;
	v21 =	vld.idx.msk [tilespmem:v1+s23+$0x80C0 ss:$0x1], $0xffff  }
.Ltmp9:
0x1f9: {  	v5 =	vadd.f32 v33, v5;
	v31 =	vmul.f32 v33, v33;
	v2 =	vmax.f32 v2, v33;
	v18 =	vld.idx.msk [tilespmem:v1+s23+$0x80D0 ss:$0x1], $0xffff;
	(pc) =	sbr.rel @p0 .LBB2_21-.Ltmp9, $4  }
0x1fa: {  	v6 =	vadd.f32 v32, v6;
	v33 =	vmul.f32 v32, v32;
	v4 =	vmax.f32 v4, v32;
	v19 =	vld.idx.msk [tilespmem:v1+s23+$0x80E0 ss:$0x1], $0xffff  }
0x1fb: {  	v7 =	vadd.f32 v34, v7;
	v35 =	vmul.f32 v34, v34;
	v11 =	vadd.f32 v31, v11  }
0x1fc: {  	v3 =	vmax.f32 v3, v34;
	v10 =	vadd.f32 v33, v10;
	v32 =	vmul.f32 v23, v23  }
0x1fd: {  	s23 =	sshra.s32 s24, $0x2;
	s24 =	sadd.s32 $0x1000, s24;
	v8 =	vadd.f32 v23, v8;
	v9 =	vadd.f32 v35, v9;
	v31 =	vmul.f32 v12, v12  }
0x1fe: {  	_ =	sdelay $0x3  }
0x1ff: {  	v34 =	vld.idx.msk [tilespmem:v1+s23+$0x8080 ss:$0x1], $0xffff  }
0x200: {  	v33 =	vld.idx.msk [tilespmem:v1+s23+$0x80F0 ss:$0x1], $0xffff;
	v15 =	vadd.f32 v32, v15  }
0x201: {  	v16 =	vmax.f32 v16, v23;
	v23 =	vmul.f32 v21, v21;
	v62 =	vmul.f32 v18, v18;
	v35 =	vld.idx.msk [tilespmem:v1+s23+$0x8090 ss:$0x1], $0xffff  }
0x202: {  	v25 =	vadd.f32 v12, v25;
	v26 =	vadd.f32 v31, v26;
	v31 =	vmul.f32 v19, v19  }
0x203: {  	v24 =	vadd.f32 v21, v24;
	v12 =	vmax.f32 v20, v12;
	v23 =	vadd.f32 v23, v27;
	v27 =	vld.idx.msk [tilespmem:v1+s23+$0x80A0 ss:$0x1], $0xffff  }
0x204: {  	v22 =	vadd.f32 v18, v22;
	v30 =	vadd.f32 v31, v30;
	v31 =	vmul.f32 v34, v34  }
0x205: {  	v20 =	vld.idx.msk [tilespmem:v1+s23+$0x80B0 ss:$0x1], $0xffff;
	v28 =	vadd.f32 v19, v28;
	v29 =	vadd.f32 v62, v29;
	v63 =	vmul.f32 v33, v33  }
0x206: {  	v6 =	vadd.f32 v34, v6;
	v10 =	vadd.f32 v31, v10;
	v31 =	vmul.f32 v35, v35  }
0x207: {  	v17 =	vmax.f32 v17, v21;
	v21 =	vld.idx.msk [tilespmem:v1+s23+$0x80C0 ss:$0x1], $0xffff;
	v7 =	vadd.f32 v35, v7;
	v5 =	vadd.f32 v33, v5  }
0x208: {  	v11 =	vadd.f32 v63, v11;
	v9 =	vadd.f32 v31, v9;
	v31 =	vmul.f32 v27, v27  }
0x209: {  	v14 =	vmax.f32 v14, v18;
	v18 =	vld.idx.msk [tilespmem:v1+s23+$0x80D0 ss:$0x1], $0xffff;
	v8 =	vadd.f32 v27, v8;
	v6 =	vadd.f32 v7, v6  }
0x20a: {  	v7 =	vmul.f32 v20, v20;
	v15 =	vadd.f32 v31, v15;
	v9 =	vadd.f32 v9, v10  }
0x20b: {  	v6 =	vadd.f32 v8, v6;
	v10 =	vmax.f32 v13, v19;
	v13 =	vld.idx.msk [tilespmem:v1+s23+$0x80E0 ss:$0x1], $0xffff;
	v19 =	vadd.f32 v20, v25  }
0x20c: {  	v8 =	vmul.f32 v21, v21;
	v7 =	vadd.f32 v7, v26;
	v9 =	vadd.f32 v15, v9  }
0x20d: {  	v4 =	vmax.f32 v4, v34;
	v15 =	vadd.f32 v21, v24;
	v6 =	vadd.f32 v19, v6  }
0x20e: {  	v8 =	vadd.f32 v8, v23;
	v19 =	vmul.f32 v18, v18;
	v7 =	vadd.f32 v7, v9  }
0x20f: {  	v3 =	vmax.f32 v3, v35;
	v9 =	vadd.f32 v18, v22;
	v6 =	vadd.f32 v15, v6  }
0x210: {  	v19 =	vadd.f32 v19, v29;
	v15 =	vmul.f32 v13, v13;
	v7 =	vadd.f32 v8, v7  }
0x211: {  	v8 =	vmax.f32 v16, v27;
	v16 =	vadd.f32 v13, v28;
	v6 =	vadd.f32 v9, v6  }
0x212: {  	v3 =	vmax.f32 v4, v3;
	v9 =	vadd.f32 v15, v30;
	v4 =	vadd.f32 v19, v7  }
0x213: {  	v3 =	vmax.f32 v3, v8;
	v7 =	vmax.f32 v12, v20;
	v6 =	vadd.f32 v16, v6  }
0x214: {  	v8 =	vmax.f32 v17, v21;
	v3 =	vmax.f32 v3, v7;
	v4 =	vadd.f32 v9, v4  }
0x215: {  	v7 =	vmax.f32 v14, v18;
	v3 =	vmax.f32 v3, v8;
	v5 =	vadd.f32 v5, v6  }
0x216: {  	v6 =	vmax.f32 v10, v13;
	v3 =	vmax.f32 v3, v7;
	v4 =	vadd.f32 v11, v4  }
0x217: {  	v2 =	vmax.f32 v2, v33;
	v3 =	vmax.f32 v3, v6;
	[tilespmem:$0x18690] =	vst v5  }
0x218: {  	v2 =	vmax.f32 v3, v2;
	[tilespmem:$0x18790] =	vst v4  }
0x219: {  	s31 =	simm.s32 $0x0;
	[tilespmem:$0x18890] =	vst v2  }
0x21a: {  	v2 =	vld.idx.msk [tilespmem:v1+s31+$0x8170 ss:$0x1], $0xffff  }
0x21b: {  	v26 =	vimm.f32 $0.0e+00;
	v25 =	vimm.f32 $0.0e+00;
	v3 =	vld.idx.msk [tilespmem:v1+s31+$0x8100 ss:$0x1], $0xffff  }
0x21c: {  	v24 =	vimm.f32 $0.0e+00;
	v29 =	vimm.f32 $0.0e+00;
	v22 =	vimm.f32 $0.0e+00;
	v8 =	vld.idx.msk [tilespmem:v1+s31+$0x8110 ss:$0x1], $0xffff  }
0x21d: {  	v27 =	vimm.f32 $0.0e+00;
	v28 =	vimm.f32 $0.0e+00;
	v15 =	vimm.f32 $0.0e+00;
	v23 =	vld.idx.msk [tilespmem:v1+s31+$0x8120 ss:$0x1], $0xffff  }
0x21e: {  	v17 =	vimm.f32 $-Inf;
	v30 =	vimm.f32 $0.0e+00;
	v16 =	vimm.f32 $-Inf;
	v12 =	vld.idx.msk [tilespmem:v1+s31+$0x8130 ss:$0x1], $0xffff  }
0x21f: {  	v20 =	vimm.f32 $-Inf;
	v14 =	vimm.f32 $-Inf;
	v5 =	vadd.f32 v2, v15  }
0x220: {  	v21 =	vld.idx.msk [tilespmem:v1+s31+$0x8140 ss:$0x1], $0xffff;
	v9 =	vmul.f32 v2, v2;
	v2 =	vmax.f32 v16, v2;
	v6 =	vadd.f32 v3, v15  }
0x221: {  	v18 =	vld.idx.msk [tilespmem:v1+s31+$0x8150 ss:$0x1], $0xffff;
	v10 =	vmul.f32 v3, v3;
	v4 =	vmax.f32 v16, v3;
	v7 =	vadd.f32 v8, v15  }
0x222: {  	v19 =	vld.idx.msk [tilespmem:v1+s31+$0x8160 ss:$0x1], $0xffff;
	v13 =	vmul.f32 v8, v8;
	v3 =	vmax.f32 v16, v8;
	v32 =	vmul.f32 v23, v23  }
0x223: {  	v8 =	vadd.f32 v23, v15;
	v31 =	vmul.f32 v12, v12;
	v11 =	vadd.f32 v9, v15  }
0x224: {  	s24 =	simm.s32 $0x2000;
	s23 =	simm.s32 $0x400;
	v10 =	vadd.f32 v10, v15;
	v9 =	vadd.f32 v13, v15;
	v13 =	vimm.f32 $-Inf  }
.LBB2_23:
0x225: {  	p0 =	sne.s32 s24, $0x1F000;
	v33 =	vld.idx.msk [tilespmem:v1+s23+$0x8170 ss:$0x1], $0xffff;
	v15 =	vadd.f32 v32, v15;
	v16 =	vmax.f32 v16, v23;
	v23 =	vmul.f32 v21, v21  }
0x226: {  	v25 =	vadd.f32 v12, v25;
	v32 =	vld.idx.msk [tilespmem:v1+s23+$0x8100 ss:$0x1], $0xffff;
	v26 =	vadd.f32 v31, v26;
	v31 =	vmul.f32 v18, v18  }
0x227: {  	v20 =	vmax.f32 v20, v12;
	v35 =	vmul.f32 v19, v19;
	v34 =	vld.idx.msk [tilespmem:v1+s23+$0x8110 ss:$0x1], $0xffff;
	v27 =	vadd.f32 v23, v27  }
0x228: {  	v24 =	vadd.f32 v21, v24;
	v17 =	vmax.f32 v17, v21;
	v23 =	vld.idx.msk [tilespmem:v1+s23+$0x8120 ss:$0x1], $0xffff;
	v29 =	vadd.f32 v31, v29  }
0x229: {  	v22 =	vadd.f32 v18, v22;
	v14 =	vmax.f32 v14, v18;
	v30 =	vadd.f32 v35, v30;
	v12 =	vld.idx.msk [tilespmem:v1+s23+$0x8130 ss:$0x1], $0xffff  }
0x22a: {  	v28 =	vadd.f32 v19, v28;
	v13 =	vmax.f32 v13, v19;
	v21 =	vld.idx.msk [tilespmem:v1+s23+$0x8140 ss:$0x1], $0xffff  }
.Ltmp10:
0x22b: {  	v5 =	vadd.f32 v33, v5;
	v31 =	vmul.f32 v33, v33;
	v2 =	vmax.f32 v2, v33;
	v18 =	vld.idx.msk [tilespmem:v1+s23+$0x8150 ss:$0x1], $0xffff;
	(pc) =	sbr.rel @p0 .LBB2_23-.Ltmp10, $4  }
0x22c: {  	v6 =	vadd.f32 v32, v6;
	v33 =	vmul.f32 v32, v32;
	v4 =	vmax.f32 v4, v32;
	v19 =	vld.idx.msk [tilespmem:v1+s23+$0x8160 ss:$0x1], $0xffff  }
0x22d: {  	v7 =	vadd.f32 v34, v7;
	v35 =	vmul.f32 v34, v34;
	v11 =	vadd.f32 v31, v11  }
0x22e: {  	v3 =	vmax.f32 v3, v34;
	v10 =	vadd.f32 v33, v10;
	v32 =	vmul.f32 v23, v23  }
0x22f: {  	s23 =	sshra.s32 s24, $0x2;
	s24 =	sadd.s32 $0x1000, s24;
	v8 =	vadd.f32 v23, v8;
	v9 =	vadd.f32 v35, v9;
	v31 =	vmul.f32 v12, v12  }
0x230: {  	_ =	sdelay $0x3  }
0x231: {  	v34 =	vld.idx.msk [tilespmem:v1+s23+$0x8100 ss:$0x1], $0xffff  }
0x232: {  	v33 =	vld.idx.msk [tilespmem:v1+s23+$0x8170 ss:$0x1], $0xffff;
	v15 =	vadd.f32 v32, v15  }
0x233: {  	v16 =	vmax.f32 v16, v23;
	v23 =	vmul.f32 v21, v21;
	v62 =	vmul.f32 v18, v18;
	v35 =	vld.idx.msk [tilespmem:v1+s23+$0x8110 ss:$0x1], $0xffff  }
0x234: {  	v25 =	vadd.f32 v12, v25;
	v26 =	vadd.f32 v31, v26;
	v31 =	vmul.f32 v19, v19  }
0x235: {  	v24 =	vadd.f32 v21, v24;
	v12 =	vmax.f32 v20, v12;
	v23 =	vadd.f32 v23, v27;
	v27 =	vld.idx.msk [tilespmem:v1+s23+$0x8120 ss:$0x1], $0xffff  }
0x236: {  	v22 =	vadd.f32 v18, v22;
	v30 =	vadd.f32 v31, v30;
	v31 =	vmul.f32 v34, v34  }
0x237: {  	v20 =	vld.idx.msk [tilespmem:v1+s23+$0x8130 ss:$0x1], $0xffff;
	v28 =	vadd.f32 v19, v28;
	v29 =	vadd.f32 v62, v29;
	v63 =	vmul.f32 v33, v33  }
0x238: {  	v6 =	vadd.f32 v34, v6;
	v10 =	vadd.f32 v31, v10;
	v31 =	vmul.f32 v35, v35  }
0x239: {  	v17 =	vmax.f32 v17, v21;
	v21 =	vld.idx.msk [tilespmem:v1+s23+$0x8140 ss:$0x1], $0xffff;
	v7 =	vadd.f32 v35, v7;
	v5 =	vadd.f32 v33, v5  }
0x23a: {  	v11 =	vadd.f32 v63, v11;
	v9 =	vadd.f32 v31, v9;
	v31 =	vmul.f32 v27, v27  }
0x23b: {  	v14 =	vmax.f32 v14, v18;
	v18 =	vld.idx.msk [tilespmem:v1+s23+$0x8150 ss:$0x1], $0xffff;
	v8 =	vadd.f32 v27, v8;
	v6 =	vadd.f32 v7, v6  }
0x23c: {  	v7 =	vmul.f32 v20, v20;
	v15 =	vadd.f32 v31, v15;
	v9 =	vadd.f32 v9, v10  }
0x23d: {  	v6 =	vadd.f32 v8, v6;
	v10 =	vmax.f32 v13, v19;
	v13 =	vld.idx.msk [tilespmem:v1+s23+$0x8160 ss:$0x1], $0xffff;
	v19 =	vadd.f32 v20, v25  }
0x23e: {  	v8 =	vmul.f32 v21, v21;
	v7 =	vadd.f32 v7, v26;
	v9 =	vadd.f32 v15, v9  }
0x23f: {  	v4 =	vmax.f32 v4, v34;
	v15 =	vadd.f32 v21, v24;
	v6 =	vadd.f32 v19, v6  }
0x240: {  	v8 =	vadd.f32 v8, v23;
	v19 =	vmul.f32 v18, v18;
	v7 =	vadd.f32 v7, v9  }
0x241: {  	v3 =	vmax.f32 v3, v35;
	v9 =	vadd.f32 v18, v22;
	v6 =	vadd.f32 v15, v6  }
0x242: {  	v19 =	vadd.f32 v19, v29;
	v15 =	vmul.f32 v13, v13;
	v7 =	vadd.f32 v8, v7  }
0x243: {  	v8 =	vmax.f32 v16, v27;
	v16 =	vadd.f32 v13, v28;
	v6 =	vadd.f32 v9, v6  }
0x244: {  	v3 =	vmax.f32 v4, v3;
	v9 =	vadd.f32 v15, v30;
	v4 =	vadd.f32 v19, v7  }
0x245: {  	v3 =	vmax.f32 v3, v8;
	v7 =	vmax.f32 v12, v20;
	v6 =	vadd.f32 v16, v6  }
0x246: {  	v8 =	vmax.f32 v17, v21;
	v3 =	vmax.f32 v3, v7;
	v4 =	vadd.f32 v9, v4  }
0x247: {  	v7 =	vmax.f32 v14, v18;
	v3 =	vmax.f32 v3, v8;
	v5 =	vadd.f32 v5, v6  }
0x248: {  	v6 =	vmax.f32 v10, v13;
	v3 =	vmax.f32 v3, v7;
	v4 =	vadd.f32 v11, v4  }
0x249: {  	v2 =	vmax.f32 v2, v33;
	v3 =	vmax.f32 v3, v6;
	[tilespmem:$0x186A0] =	vst v5  }
0x24a: {  	v2 =	vmax.f32 v3, v2;
	[tilespmem:$0x187A0] =	vst v4  }
0x24b: {  	s31 =	simm.s32 $0x0;
	[tilespmem:$0x188A0] =	vst v2  }
0x24c: {  	v2 =	vld.idx.msk [tilespmem:v1+s31+$0x81F0 ss:$0x1], $0xffff  }
0x24d: {  	v26 =	vimm.f32 $0.0e+00;
	v25 =	vimm.f32 $0.0e+00;
	v3 =	vld.idx.msk [tilespmem:v1+s31+$0x8180 ss:$0x1], $0xffff  }
0x24e: {  	v24 =	vimm.f32 $0.0e+00;
	v29 =	vimm.f32 $0.0e+00;
	v22 =	vimm.f32 $0.0e+00;
	v8 =	vld.idx.msk [tilespmem:v1+s31+$0x8190 ss:$0x1], $0xffff  }
0x24f: {  	v27 =	vimm.f32 $0.0e+00;
	v28 =	vimm.f32 $0.0e+00;
	v15 =	vimm.f32 $0.0e+00;
	v23 =	vld.idx.msk [tilespmem:v1+s31+$0x81A0 ss:$0x1], $0xffff  }
0x250: {  	v17 =	vimm.f32 $-Inf;
	v30 =	vimm.f32 $0.0e+00;
	v16 =	vimm.f32 $-Inf;
	v12 =	vld.idx.msk [tilespmem:v1+s31+$0x81B0 ss:$0x1], $0xffff  }
0x251: {  	v20 =	vimm.f32 $-Inf;
	v14 =	vimm.f32 $-Inf;
	v5 =	vadd.f32 v2, v15  }
0x252: {  	v21 =	vld.idx.msk [tilespmem:v1+s31+$0x81C0 ss:$0x1], $0xffff;
	v9 =	vmul.f32 v2, v2;
	v2 =	vmax.f32 v16, v2;
	v6 =	vadd.f32 v3, v15  }
0x253: {  	v18 =	vld.idx.msk [tilespmem:v1+s31+$0x81D0 ss:$0x1], $0xffff;
	v10 =	vmul.f32 v3, v3;
	v4 =	vmax.f32 v16, v3;
	v7 =	vadd.f32 v8, v15  }
0x254: {  	v19 =	vld.idx.msk [tilespmem:v1+s31+$0x81E0 ss:$0x1], $0xffff;
	v13 =	vmul.f32 v8, v8;
	v3 =	vmax.f32 v16, v8;
	v32 =	vmul.f32 v23, v23  }
0x255: {  	v8 =	vadd.f32 v23, v15;
	v31 =	vmul.f32 v12, v12;
	v11 =	vadd.f32 v9, v15  }
0x256: {  	s24 =	simm.s32 $0x2000;
	s23 =	simm.s32 $0x400;
	v10 =	vadd.f32 v10, v15;
	v9 =	vadd.f32 v13, v15;
	v13 =	vimm.f32 $-Inf  }
.LBB2_25:
0x257: {  	p0 =	sne.s32 s24, $0x1F000;
	v33 =	vld.idx.msk [tilespmem:v1+s23+$0x81F0 ss:$0x1], $0xffff;
	v15 =	vadd.f32 v32, v15;
	v16 =	vmax.f32 v16, v23;
	v23 =	vmul.f32 v21, v21  }
0x258: {  	v25 =	vadd.f32 v12, v25;
	v32 =	vld.idx.msk [tilespmem:v1+s23+$0x8180 ss:$0x1], $0xffff;
	v26 =	vadd.f32 v31, v26;
	v31 =	vmul.f32 v18, v18  }
0x259: {  	v20 =	vmax.f32 v20, v12;
	v35 =	vmul.f32 v19, v19;
	v34 =	vld.idx.msk [tilespmem:v1+s23+$0x8190 ss:$0x1], $0xffff;
	v27 =	vadd.f32 v23, v27  }
0x25a: {  	v24 =	vadd.f32 v21, v24;
	v17 =	vmax.f32 v17, v21;
	v23 =	vld.idx.msk [tilespmem:v1+s23+$0x81A0 ss:$0x1], $0xffff;
	v29 =	vadd.f32 v31, v29  }
0x25b: {  	v22 =	vadd.f32 v18, v22;
	v14 =	vmax.f32 v14, v18;
	v30 =	vadd.f32 v35, v30;
	v12 =	vld.idx.msk [tilespmem:v1+s23+$0x81B0 ss:$0x1], $0xffff  }
0x25c: {  	v28 =	vadd.f32 v19, v28;
	v13 =	vmax.f32 v13, v19;
	v21 =	vld.idx.msk [tilespmem:v1+s23+$0x81C0 ss:$0x1], $0xffff  }
.Ltmp11:
0x25d: {  	v5 =	vadd.f32 v33, v5;
	v31 =	vmul.f32 v33, v33;
	v2 =	vmax.f32 v2, v33;
	v18 =	vld.idx.msk [tilespmem:v1+s23+$0x81D0 ss:$0x1], $0xffff;
	(pc) =	sbr.rel @p0 .LBB2_25-.Ltmp11, $4  }
0x25e: {  	v6 =	vadd.f32 v32, v6;
	v33 =	vmul.f32 v32, v32;
	v4 =	vmax.f32 v4, v32;
	v19 =	vld.idx.msk [tilespmem:v1+s23+$0x81E0 ss:$0x1], $0xffff  }
0x25f: {  	v7 =	vadd.f32 v34, v7;
	v35 =	vmul.f32 v34, v34;
	v11 =	vadd.f32 v31, v11  }
0x260: {  	v3 =	vmax.f32 v3, v34;
	v10 =	vadd.f32 v33, v10;
	v32 =	vmul.f32 v23, v23  }
0x261: {  	s23 =	sshra.s32 s24, $0x2;
	s24 =	sadd.s32 $0x1000, s24;
	v8 =	vadd.f32 v23, v8;
	v9 =	vadd.f32 v35, v9;
	v31 =	vmul.f32 v12, v12  }
0x262: {  	_ =	sdelay $0x3  }
0x263: {  	v34 =	vld.idx.msk [tilespmem:v1+s23+$0x8180 ss:$0x1], $0xffff  }
0x264: {  	v33 =	vld.idx.msk [tilespmem:v1+s23+$0x81F0 ss:$0x1], $0xffff;
	v15 =	vadd.f32 v32, v15  }
0x265: {  	v16 =	vmax.f32 v16, v23;
	v23 =	vmul.f32 v21, v21;
	v62 =	vmul.f32 v18, v18;
	v35 =	vld.idx.msk [tilespmem:v1+s23+$0x8190 ss:$0x1], $0xffff  }
0x266: {  	v25 =	vadd.f32 v12, v25;
	v26 =	vadd.f32 v31, v26;
	v31 =	vmul.f32 v19, v19  }
0x267: {  	v24 =	vadd.f32 v21, v24;
	v12 =	vmax.f32 v20, v12;
	v23 =	vadd.f32 v23, v27;
	v27 =	vld.idx.msk [tilespmem:v1+s23+$0x81A0 ss:$0x1], $0xffff  }
0x268: {  	v22 =	vadd.f32 v18, v22;
	v30 =	vadd.f32 v31, v30;
	v31 =	vmul.f32 v34, v34  }
0x269: {  	v20 =	vld.idx.msk [tilespmem:v1+s23+$0x81B0 ss:$0x1], $0xffff;
	v28 =	vadd.f32 v19, v28;
	v29 =	vadd.f32 v62, v29;
	v63 =	vmul.f32 v33, v33  }
0x26a: {  	v6 =	vadd.f32 v34, v6;
	v10 =	vadd.f32 v31, v10;
	v31 =	vmul.f32 v35, v35  }
0x26b: {  	v17 =	vmax.f32 v17, v21;
	v21 =	vld.idx.msk [tilespmem:v1+s23+$0x81C0 ss:$0x1], $0xffff;
	v7 =	vadd.f32 v35, v7;
	v5 =	vadd.f32 v33, v5  }
0x26c: {  	v11 =	vadd.f32 v63, v11;
	v9 =	vadd.f32 v31, v9;
	v31 =	vmul.f32 v27, v27  }
0x26d: {  	v14 =	vmax.f32 v14, v18;
	v18 =	vld.idx.msk [tilespmem:v1+s23+$0x81D0 ss:$0x1], $0xffff;
	v8 =	vadd.f32 v27, v8;
	v6 =	vadd.f32 v7, v6  }
0x26e: {  	v7 =	vmul.f32 v20, v20;
	v15 =	vadd.f32 v31, v15;
	v9 =	vadd.f32 v9, v10  }
0x26f: {  	v6 =	vadd.f32 v8, v6;
	v10 =	vmax.f32 v13, v19;
	v13 =	vld.idx.msk [tilespmem:v1+s23+$0x81E0 ss:$0x1], $0xffff;
	v19 =	vadd.f32 v20, v25  }
0x270: {  	v8 =	vmul.f32 v21, v21;
	v7 =	vadd.f32 v7, v26;
	v9 =	vadd.f32 v15, v9  }
0x271: {  	v4 =	vmax.f32 v4, v34;
	v15 =	vadd.f32 v21, v24;
	v6 =	vadd.f32 v19, v6  }
0x272: {  	v8 =	vadd.f32 v8, v23;
	v19 =	vmul.f32 v18, v18;
	v7 =	vadd.f32 v7, v9  }
0x273: {  	v3 =	vmax.f32 v3, v35;
	v9 =	vadd.f32 v18, v22;
	v6 =	vadd.f32 v15, v6  }
0x274: {  	v19 =	vadd.f32 v19, v29;
	v15 =	vmul.f32 v13, v13;
	v7 =	vadd.f32 v8, v7  }
0x275: {  	v8 =	vmax.f32 v16, v27;
	v16 =	vadd.f32 v13, v28;
	v6 =	vadd.f32 v9, v6  }
0x276: {  	v3 =	vmax.f32 v4, v3;
	v9 =	vadd.f32 v15, v30;
	v4 =	vadd.f32 v19, v7  }
0x277: {  	v3 =	vmax.f32 v3, v8;
	v7 =	vmax.f32 v12, v20;
	v6 =	vadd.f32 v16, v6  }
0x278: {  	v8 =	vmax.f32 v17, v21;
	v3 =	vmax.f32 v3, v7;
	v4 =	vadd.f32 v9, v4  }
0x279: {  	v7 =	vmax.f32 v14, v18;
	v3 =	vmax.f32 v3, v8;
	v5 =	vadd.f32 v5, v6  }
0x27a: {  	v6 =	vmax.f32 v10, v13;
	v3 =	vmax.f32 v3, v7;
	v4 =	vadd.f32 v11, v4  }
0x27b: {  	v2 =	vmax.f32 v2, v33;
	v3 =	vmax.f32 v3, v6;
	[tilespmem:$0x186B0] =	vst v5  }
0x27c: {  	v2 =	vmax.f32 v3, v2;
	[tilespmem:$0x187B0] =	vst v4  }
0x27d: {  	s31 =	simm.s32 $0x0;
	[tilespmem:$0x188B0] =	vst v2  }
0x27e: {  	v2 =	vld.idx.msk [tilespmem:v1+s31+$0x8270 ss:$0x1], $0xffff  }
0x27f: {  	v26 =	vimm.f32 $0.0e+00;
	v25 =	vimm.f32 $0.0e+00;
	v3 =	vld.idx.msk [tilespmem:v1+s31+$0x8200 ss:$0x1], $0xffff  }
0x280: {  	v24 =	vimm.f32 $0.0e+00;
	v29 =	vimm.f32 $0.0e+00;
	v22 =	vimm.f32 $0.0e+00;
	v8 =	vld.idx.msk [tilespmem:v1+s31+$0x8210 ss:$0x1], $0xffff  }
0x281: {  	v27 =	vimm.f32 $0.0e+00;
	v28 =	vimm.f32 $0.0e+00;
	v15 =	vimm.f32 $0.0e+00;
	v23 =	vld.idx.msk [tilespmem:v1+s31+$0x8220 ss:$0x1], $0xffff  }
0x282: {  	v17 =	vimm.f32 $-Inf;
	v30 =	vimm.f32 $0.0e+00;
	v16 =	vimm.f32 $-Inf;
	v12 =	vld.idx.msk [tilespmem:v1+s31+$0x8230 ss:$0x1], $0xffff  }
0x283: {  	v20 =	vimm.f32 $-Inf;
	v14 =	vimm.f32 $-Inf;
	v5 =	vadd.f32 v2, v15  }
0x284: {  	v21 =	vld.idx.msk [tilespmem:v1+s31+$0x8240 ss:$0x1], $0xffff;
	v9 =	vmul.f32 v2, v2;
	v2 =	vmax.f32 v16, v2;
	v6 =	vadd.f32 v3, v15  }
0x285: {  	v18 =	vld.idx.msk [tilespmem:v1+s31+$0x8250 ss:$0x1], $0xffff;
	v10 =	vmul.f32 v3, v3;
	v4 =	vmax.f32 v16, v3;
	v7 =	vadd.f32 v8, v15  }
0x286: {  	v19 =	vld.idx.msk [tilespmem:v1+s31+$0x8260 ss:$0x1], $0xffff;
	v13 =	vmul.f32 v8, v8;
	v3 =	vmax.f32 v16, v8;
	v32 =	vmul.f32 v23, v23  }
0x287: {  	v8 =	vadd.f32 v23, v15;
	v31 =	vmul.f32 v12, v12;
	v11 =	vadd.f32 v9, v15  }
0x288: {  	s24 =	simm.s32 $0x2000;
	s23 =	simm.s32 $0x400;
	v10 =	vadd.f32 v10, v15;
	v9 =	vadd.f32 v13, v15;
	v13 =	vimm.f32 $-Inf  }
.LBB2_27:
0x289: {  	p0 =	sne.s32 s24, $0x1F000;
	v33 =	vld.idx.msk [tilespmem:v1+s23+$0x8270 ss:$0x1], $0xffff;
	v15 =	vadd.f32 v32, v15;
	v16 =	vmax.f32 v16, v23;
	v23 =	vmul.f32 v21, v21  }
0x28a: {  	v25 =	vadd.f32 v12, v25;
	v32 =	vld.idx.msk [tilespmem:v1+s23+$0x8200 ss:$0x1], $0xffff;
	v26 =	vadd.f32 v31, v26;
	v31 =	vmul.f32 v18, v18  }
0x28b: {  	v20 =	vmax.f32 v20, v12;
	v35 =	vmul.f32 v19, v19;
	v34 =	vld.idx.msk [tilespmem:v1+s23+$0x8210 ss:$0x1], $0xffff;
	v27 =	vadd.f32 v23, v27  }
0x28c: {  	v24 =	vadd.f32 v21, v24;
	v17 =	vmax.f32 v17, v21;
	v23 =	vld.idx.msk [tilespmem:v1+s23+$0x8220 ss:$0x1], $0xffff;
	v29 =	vadd.f32 v31, v29  }
0x28d: {  	v22 =	vadd.f32 v18, v22;
	v14 =	vmax.f32 v14, v18;
	v30 =	vadd.f32 v35, v30;
	v12 =	vld.idx.msk [tilespmem:v1+s23+$0x8230 ss:$0x1], $0xffff  }
0x28e: {  	v28 =	vadd.f32 v19, v28;
	v13 =	vmax.f32 v13, v19;
	v21 =	vld.idx.msk [tilespmem:v1+s23+$0x8240 ss:$0x1], $0xffff  }
.Ltmp12:
0x28f: {  	v5 =	vadd.f32 v33, v5;
	v31 =	vmul.f32 v33, v33;
	v2 =	vmax.f32 v2, v33;
	v18 =	vld.idx.msk [tilespmem:v1+s23+$0x8250 ss:$0x1], $0xffff;
	(pc) =	sbr.rel @p0 .LBB2_27-.Ltmp12, $4  }
0x290: {  	v6 =	vadd.f32 v32, v6;
	v33 =	vmul.f32 v32, v32;
	v4 =	vmax.f32 v4, v32;
	v19 =	vld.idx.msk [tilespmem:v1+s23+$0x8260 ss:$0x1], $0xffff  }
0x291: {  	v7 =	vadd.f32 v34, v7;
	v35 =	vmul.f32 v34, v34;
	v11 =	vadd.f32 v31, v11  }
0x292: {  	v3 =	vmax.f32 v3, v34;
	v10 =	vadd.f32 v33, v10;
	v32 =	vmul.f32 v23, v23  }
0x293: {  	s23 =	sshra.s32 s24, $0x2;
	s24 =	sadd.s32 $0x1000, s24;
	v8 =	vadd.f32 v23, v8;
	v9 =	vadd.f32 v35, v9;
	v31 =	vmul.f32 v12, v12  }
0x294: {  	_ =	sdelay $0x3  }
0x295: {  	v34 =	vld.idx.msk [tilespmem:v1+s23+$0x8200 ss:$0x1], $0xffff  }
0x296: {  	v33 =	vld.idx.msk [tilespmem:v1+s23+$0x8270 ss:$0x1], $0xffff;
	v15 =	vadd.f32 v32, v15  }
0x297: {  	v16 =	vmax.f32 v16, v23;
	v23 =	vmul.f32 v21, v21;
	v62 =	vmul.f32 v18, v18;
	v35 =	vld.idx.msk [tilespmem:v1+s23+$0x8210 ss:$0x1], $0xffff  }
0x298: {  	v25 =	vadd.f32 v12, v25;
	v26 =	vadd.f32 v31, v26;
	v31 =	vmul.f32 v19, v19  }
0x299: {  	v24 =	vadd.f32 v21, v24;
	v12 =	vmax.f32 v20, v12;
	v23 =	vadd.f32 v23, v27;
	v27 =	vld.idx.msk [tilespmem:v1+s23+$0x8220 ss:$0x1], $0xffff  }
0x29a: {  	v22 =	vadd.f32 v18, v22;
	v30 =	vadd.f32 v31, v30;
	v31 =	vmul.f32 v34, v34  }
0x29b: {  	v20 =	vld.idx.msk [tilespmem:v1+s23+$0x8230 ss:$0x1], $0xffff;
	v28 =	vadd.f32 v19, v28;
	v29 =	vadd.f32 v62, v29;
	v63 =	vmul.f32 v33, v33  }
0x29c: {  	v6 =	vadd.f32 v34, v6;
	v10 =	vadd.f32 v31, v10;
	v31 =	vmul.f32 v35, v35  }
0x29d: {  	v17 =	vmax.f32 v17, v21;
	v21 =	vld.idx.msk [tilespmem:v1+s23+$0x8240 ss:$0x1], $0xffff;
	v7 =	vadd.f32 v35, v7;
	v5 =	vadd.f32 v33, v5  }
0x29e: {  	v11 =	vadd.f32 v63, v11;
	v9 =	vadd.f32 v31, v9;
	v31 =	vmul.f32 v27, v27  }
0x29f: {  	v14 =	vmax.f32 v14, v18;
	v18 =	vld.idx.msk [tilespmem:v1+s23+$0x8250 ss:$0x1], $0xffff;
	v8 =	vadd.f32 v27, v8;
	v6 =	vadd.f32 v7, v6  }
0x2a0: {  	v7 =	vmul.f32 v20, v20;
	v15 =	vadd.f32 v31, v15;
	v9 =	vadd.f32 v9, v10  }
0x2a1: {  	v6 =	vadd.f32 v8, v6;
	v10 =	vmax.f32 v13, v19;
	v13 =	vld.idx.msk [tilespmem:v1+s23+$0x8260 ss:$0x1], $0xffff;
	v19 =	vadd.f32 v20, v25  }
0x2a2: {  	v8 =	vmul.f32 v21, v21;
	v7 =	vadd.f32 v7, v26;
	v9 =	vadd.f32 v15, v9  }
0x2a3: {  	v4 =	vmax.f32 v4, v34;
	v15 =	vadd.f32 v21, v24;
	v6 =	vadd.f32 v19, v6  }
0x2a4: {  	v8 =	vadd.f32 v8, v23;
	v19 =	vmul.f32 v18, v18;
	v7 =	vadd.f32 v7, v9  }
0x2a5: {  	v3 =	vmax.f32 v3, v35;
	v9 =	vadd.f32 v18, v22;
	v6 =	vadd.f32 v15, v6  }
0x2a6: {  	v19 =	vadd.f32 v19, v29;
	v15 =	vmul.f32 v13, v13;
	v7 =	vadd.f32 v8, v7  }
0x2a7: {  	v8 =	vmax.f32 v16, v27;
	v16 =	vadd.f32 v13, v28;
	v6 =	vadd.f32 v9, v6  }
0x2a8: {  	v3 =	vmax.f32 v4, v3;
	v9 =	vadd.f32 v15, v30;
	v4 =	vadd.f32 v19, v7  }
0x2a9: {  	v3 =	vmax.f32 v3, v8;
	v7 =	vmax.f32 v12, v20;
	v6 =	vadd.f32 v16, v6  }
0x2aa: {  	v8 =	vmax.f32 v17, v21;
	v3 =	vmax.f32 v3, v7;
	v4 =	vadd.f32 v9, v4  }
0x2ab: {  	v7 =	vmax.f32 v14, v18;
	v3 =	vmax.f32 v3, v8;
	v5 =	vadd.f32 v5, v6  }
0x2ac: {  	v6 =	vmax.f32 v10, v13;
	v3 =	vmax.f32 v3, v7;
	v4 =	vadd.f32 v11, v4  }
0x2ad: {  	v2 =	vmax.f32 v2, v33;
	v3 =	vmax.f32 v3, v6;
	[tilespmem:$0x186C0] =	vst v5  }
0x2ae: {  	v2 =	vmax.f32 v3, v2;
	[tilespmem:$0x187C0] =	vst v4  }
0x2af: {  	s31 =	simm.s32 $0x0;
	[tilespmem:$0x188C0] =	vst v2  }
0x2b0: {  	v2 =	vld.idx.msk [tilespmem:v1+s31+$0x82F0 ss:$0x1], $0xffff  }
0x2b1: {  	v26 =	vimm.f32 $0.0e+00;
	v25 =	vimm.f32 $0.0e+00;
	v3 =	vld.idx.msk [tilespmem:v1+s31+$0x8280 ss:$0x1], $0xffff  }
0x2b2: {  	v24 =	vimm.f32 $0.0e+00;
	v29 =	vimm.f32 $0.0e+00;
	v22 =	vimm.f32 $0.0e+00;
	v8 =	vld.idx.msk [tilespmem:v1+s31+$0x8290 ss:$0x1], $0xffff  }
0x2b3: {  	v27 =	vimm.f32 $0.0e+00;
	v28 =	vimm.f32 $0.0e+00;
	v15 =	vimm.f32 $0.0e+00;
	v23 =	vld.idx.msk [tilespmem:v1+s31+$0x82A0 ss:$0x1], $0xffff  }
0x2b4: {  	v17 =	vimm.f32 $-Inf;
	v30 =	vimm.f32 $0.0e+00;
	v16 =	vimm.f32 $-Inf;
	v12 =	vld.idx.msk [tilespmem:v1+s31+$0x82B0 ss:$0x1], $0xffff  }
0x2b5: {  	v20 =	vimm.f32 $-Inf;
	v14 =	vimm.f32 $-Inf;
	v5 =	vadd.f32 v2, v15  }
0x2b6: {  	v21 =	vld.idx.msk [tilespmem:v1+s31+$0x82C0 ss:$0x1], $0xffff;
	v9 =	vmul.f32 v2, v2;
	v2 =	vmax.f32 v16, v2;
	v6 =	vadd.f32 v3, v15  }
0x2b7: {  	v18 =	vld.idx.msk [tilespmem:v1+s31+$0x82D0 ss:$0x1], $0xffff;
	v10 =	vmul.f32 v3, v3;
	v4 =	vmax.f32 v16, v3;
	v7 =	vadd.f32 v8, v15  }
0x2b8: {  	v19 =	vld.idx.msk [tilespmem:v1+s31+$0x82E0 ss:$0x1], $0xffff;
	v13 =	vmul.f32 v8, v8;
	v3 =	vmax.f32 v16, v8;
	v32 =	vmul.f32 v23, v23  }
0x2b9: {  	v8 =	vadd.f32 v23, v15;
	v31 =	vmul.f32 v12, v12;
	v11 =	vadd.f32 v9, v15  }
0x2ba: {  	s24 =	simm.s32 $0x2000;
	s23 =	simm.s32 $0x400;
	v10 =	vadd.f32 v10, v15;
	v9 =	vadd.f32 v13, v15;
	v13 =	vimm.f32 $-Inf  }
.LBB2_29:
0x2bb: {  	p0 =	sne.s32 s24, $0x1F000;
	v33 =	vld.idx.msk [tilespmem:v1+s23+$0x82F0 ss:$0x1], $0xffff;
	v15 =	vadd.f32 v32, v15;
	v16 =	vmax.f32 v16, v23;
	v23 =	vmul.f32 v21, v21  }
0x2bc: {  	v25 =	vadd.f32 v12, v25;
	v32 =	vld.idx.msk [tilespmem:v1+s23+$0x8280 ss:$0x1], $0xffff;
	v26 =	vadd.f32 v31, v26;
	v31 =	vmul.f32 v18, v18  }
0x2bd: {  	v20 =	vmax.f32 v20, v12;
	v35 =	vmul.f32 v19, v19;
	v34 =	vld.idx.msk [tilespmem:v1+s23+$0x8290 ss:$0x1], $0xffff;
	v27 =	vadd.f32 v23, v27  }
0x2be: {  	v24 =	vadd.f32 v21, v24;
	v17 =	vmax.f32 v17, v21;
	v23 =	vld.idx.msk [tilespmem:v1+s23+$0x82A0 ss:$0x1], $0xffff;
	v29 =	vadd.f32 v31, v29  }
0x2bf: {  	v22 =	vadd.f32 v18, v22;
	v14 =	vmax.f32 v14, v18;
	v30 =	vadd.f32 v35, v30;
	v12 =	vld.idx.msk [tilespmem:v1+s23+$0x82B0 ss:$0x1], $0xffff  }
0x2c0: {  	v28 =	vadd.f32 v19, v28;
	v13 =	vmax.f32 v13, v19;
	v21 =	vld.idx.msk [tilespmem:v1+s23+$0x82C0 ss:$0x1], $0xffff  }
.Ltmp13:
0x2c1: {  	v5 =	vadd.f32 v33, v5;
	v31 =	vmul.f32 v33, v33;
	v2 =	vmax.f32 v2, v33;
	v18 =	vld.idx.msk [tilespmem:v1+s23+$0x82D0 ss:$0x1], $0xffff;
	(pc) =	sbr.rel @p0 .LBB2_29-.Ltmp13, $4  }
0x2c2: {  	v6 =	vadd.f32 v32, v6;
	v33 =	vmul.f32 v32, v32;
	v4 =	vmax.f32 v4, v32;
	v19 =	vld.idx.msk [tilespmem:v1+s23+$0x82E0 ss:$0x1], $0xffff  }
0x2c3: {  	v7 =	vadd.f32 v34, v7;
	v35 =	vmul.f32 v34, v34;
	v11 =	vadd.f32 v31, v11  }
0x2c4: {  	v3 =	vmax.f32 v3, v34;
	v10 =	vadd.f32 v33, v10;
	v32 =	vmul.f32 v23, v23  }
0x2c5: {  	s23 =	sshra.s32 s24, $0x2;
	s24 =	sadd.s32 $0x1000, s24;
	v8 =	vadd.f32 v23, v8;
	v9 =	vadd.f32 v35, v9;
	v31 =	vmul.f32 v12, v12  }
0x2c6: {  	_ =	sdelay $0x3  }
0x2c7: {  	v34 =	vld.idx.msk [tilespmem:v1+s23+$0x8280 ss:$0x1], $0xffff  }
0x2c8: {  	v33 =	vld.idx.msk [tilespmem:v1+s23+$0x82F0 ss:$0x1], $0xffff;
	v15 =	vadd.f32 v32, v15  }
0x2c9: {  	v16 =	vmax.f32 v16, v23;
	v23 =	vmul.f32 v21, v21;
	v62 =	vmul.f32 v18, v18;
	v35 =	vld.idx.msk [tilespmem:v1+s23+$0x8290 ss:$0x1], $0xffff  }
0x2ca: {  	v25 =	vadd.f32 v12, v25;
	v26 =	vadd.f32 v31, v26;
	v31 =	vmul.f32 v19, v19  }
0x2cb: {  	v24 =	vadd.f32 v21, v24;
	v12 =	vmax.f32 v20, v12;
	v23 =	vadd.f32 v23, v27;
	v27 =	vld.idx.msk [tilespmem:v1+s23+$0x82A0 ss:$0x1], $0xffff  }
0x2cc: {  	v22 =	vadd.f32 v18, v22;
	v30 =	vadd.f32 v31, v30;
	v31 =	vmul.f32 v34, v34  }
0x2cd: {  	v20 =	vld.idx.msk [tilespmem:v1+s23+$0x82B0 ss:$0x1], $0xffff;
	v28 =	vadd.f32 v19, v28;
	v29 =	vadd.f32 v62, v29;
	v63 =	vmul.f32 v33, v33  }
0x2ce: {  	v6 =	vadd.f32 v34, v6;
	v10 =	vadd.f32 v31, v10;
	v31 =	vmul.f32 v35, v35  }
0x2cf: {  	v17 =	vmax.f32 v17, v21;
	v21 =	vld.idx.msk [tilespmem:v1+s23+$0x82C0 ss:$0x1], $0xffff;
	v7 =	vadd.f32 v35, v7;
	v5 =	vadd.f32 v33, v5  }
0x2d0: {  	v11 =	vadd.f32 v63, v11;
	v9 =	vadd.f32 v31, v9;
	v31 =	vmul.f32 v27, v27  }
0x2d1: {  	v14 =	vmax.f32 v14, v18;
	v18 =	vld.idx.msk [tilespmem:v1+s23+$0x82D0 ss:$0x1], $0xffff;
	v8 =	vadd.f32 v27, v8;
	v6 =	vadd.f32 v7, v6  }
0x2d2: {  	v7 =	vmul.f32 v20, v20;
	v15 =	vadd.f32 v31, v15;
	v9 =	vadd.f32 v9, v10  }
0x2d3: {  	v6 =	vadd.f32 v8, v6;
	v10 =	vmax.f32 v13, v19;
	v13 =	vld.idx.msk [tilespmem:v1+s23+$0x82E0 ss:$0x1], $0xffff;
	v19 =	vadd.f32 v20, v25  }
0x2d4: {  	v8 =	vmul.f32 v21, v21;
	v7 =	vadd.f32 v7, v26;
	v9 =	vadd.f32 v15, v9  }
0x2d5: {  	v4 =	vmax.f32 v4, v34;
	v15 =	vadd.f32 v21, v24;
	v6 =	vadd.f32 v19, v6  }
0x2d6: {  	v8 =	vadd.f32 v8, v23;
	v19 =	vmul.f32 v18, v18;
	v7 =	vadd.f32 v7, v9  }
0x2d7: {  	v3 =	vmax.f32 v3, v35;
	v9 =	vadd.f32 v18, v22;
	v6 =	vadd.f32 v15, v6  }
0x2d8: {  	v19 =	vadd.f32 v19, v29;
	v15 =	vmul.f32 v13, v13;
	v7 =	vadd.f32 v8, v7  }
0x2d9: {  	v8 =	vmax.f32 v16, v27;
	v16 =	vadd.f32 v13, v28;
	v6 =	vadd.f32 v9, v6  }
0x2da: {  	v3 =	vmax.f32 v4, v3;
	v9 =	vadd.f32 v15, v30;
	v4 =	vadd.f32 v19, v7  }
0x2db: {  	v3 =	vmax.f32 v3, v8;
	v7 =	vmax.f32 v12, v20;
	v6 =	vadd.f32 v16, v6  }
0x2dc: {  	v8 =	vmax.f32 v17, v21;
	v3 =	vmax.f32 v3, v7;
	v4 =	vadd.f32 v9, v4  }
0x2dd: {  	v7 =	vmax.f32 v14, v18;
	v3 =	vmax.f32 v3, v8;
	v5 =	vadd.f32 v5, v6  }
0x2de: {  	v6 =	vmax.f32 v10, v13;
	v3 =	vmax.f32 v3, v7;
	v4 =	vadd.f32 v11, v4  }
0x2df: {  	v2 =	vmax.f32 v2, v33;
	v3 =	vmax.f32 v3, v6;
	[tilespmem:$0x186D0] =	vst v5  }
0x2e0: {  	v2 =	vmax.f32 v3, v2;
	[tilespmem:$0x187D0] =	vst v4  }
0x2e1: {  	s31 =	simm.s32 $0x0;
	[tilespmem:$0x188D0] =	vst v2  }
0x2e2: {  	v2 =	vld.idx.msk [tilespmem:v1+s31+$0x8370 ss:$0x1], $0xffff  }
0x2e3: {  	v26 =	vimm.f32 $0.0e+00;
	v25 =	vimm.f32 $0.0e+00;
	v3 =	vld.idx.msk [tilespmem:v1+s31+$0x8300 ss:$0x1], $0xffff  }
0x2e4: {  	v24 =	vimm.f32 $0.0e+00;
	v29 =	vimm.f32 $0.0e+00;
	v22 =	vimm.f32 $0.0e+00;
	v8 =	vld.idx.msk [tilespmem:v1+s31+$0x8310 ss:$0x1], $0xffff  }
0x2e5: {  	v27 =	vimm.f32 $0.0e+00;
	v28 =	vimm.f32 $0.0e+00;
	v15 =	vimm.f32 $0.0e+00;
	v23 =	vld.idx.msk [tilespmem:v1+s31+$0x8320 ss:$0x1], $0xffff  }
0x2e6: {  	v17 =	vimm.f32 $-Inf;
	v30 =	vimm.f32 $0.0e+00;
	v16 =	vimm.f32 $-Inf;
	v12 =	vld.idx.msk [tilespmem:v1+s31+$0x8330 ss:$0x1], $0xffff  }
0x2e7: {  	v20 =	vimm.f32 $-Inf;
	v14 =	vimm.f32 $-Inf;
	v5 =	vadd.f32 v2, v15  }
0x2e8: {  	v21 =	vld.idx.msk [tilespmem:v1+s31+$0x8340 ss:$0x1], $0xffff;
	v9 =	vmul.f32 v2, v2;
	v2 =	vmax.f32 v16, v2;
	v6 =	vadd.f32 v3, v15  }
0x2e9: {  	v18 =	vld.idx.msk [tilespmem:v1+s31+$0x8350 ss:$0x1], $0xffff;
	v10 =	vmul.f32 v3, v3;
	v4 =	vmax.f32 v16, v3;
	v7 =	vadd.f32 v8, v15  }
0x2ea: {  	v19 =	vld.idx.msk [tilespmem:v1+s31+$0x8360 ss:$0x1], $0xffff;
	v13 =	vmul.f32 v8, v8;
	v3 =	vmax.f32 v16, v8;
	v32 =	vmul.f32 v23, v23  }
0x2eb: {  	v8 =	vadd.f32 v23, v15;
	v31 =	vmul.f32 v12, v12;
	v11 =	vadd.f32 v9, v15  }
0x2ec: {  	s24 =	simm.s32 $0x2000;
	s23 =	simm.s32 $0x400;
	v10 =	vadd.f32 v10, v15;
	v9 =	vadd.f32 v13, v15;
	v13 =	vimm.f32 $-Inf  }
.LBB2_31:
0x2ed: {  	p0 =	sne.s32 s24, $0x1F000;
	v33 =	vld.idx.msk [tilespmem:v1+s23+$0x8370 ss:$0x1], $0xffff;
	v15 =	vadd.f32 v32, v15;
	v16 =	vmax.f32 v16, v23;
	v23 =	vmul.f32 v21, v21  }
0x2ee: {  	v25 =	vadd.f32 v12, v25;
	v32 =	vld.idx.msk [tilespmem:v1+s23+$0x8300 ss:$0x1], $0xffff;
	v26 =	vadd.f32 v31, v26;
	v31 =	vmul.f32 v18, v18  }
0x2ef: {  	v20 =	vmax.f32 v20, v12;
	v35 =	vmul.f32 v19, v19;
	v34 =	vld.idx.msk [tilespmem:v1+s23+$0x8310 ss:$0x1], $0xffff;
	v27 =	vadd.f32 v23, v27  }
0x2f0: {  	v24 =	vadd.f32 v21, v24;
	v17 =	vmax.f32 v17, v21;
	v23 =	vld.idx.msk [tilespmem:v1+s23+$0x8320 ss:$0x1], $0xffff;
	v29 =	vadd.f32 v31, v29  }
0x2f1: {  	v22 =	vadd.f32 v18, v22;
	v14 =	vmax.f32 v14, v18;
	v30 =	vadd.f32 v35, v30;
	v12 =	vld.idx.msk [tilespmem:v1+s23+$0x8330 ss:$0x1], $0xffff  }
0x2f2: {  	v28 =	vadd.f32 v19, v28;
	v13 =	vmax.f32 v13, v19;
	v21 =	vld.idx.msk [tilespmem:v1+s23+$0x8340 ss:$0x1], $0xffff  }
.Ltmp14:
0x2f3: {  	v5 =	vadd.f32 v33, v5;
	v31 =	vmul.f32 v33, v33;
	v2 =	vmax.f32 v2, v33;
	v18 =	vld.idx.msk [tilespmem:v1+s23+$0x8350 ss:$0x1], $0xffff;
	(pc) =	sbr.rel @p0 .LBB2_31-.Ltmp14, $4  }
0x2f4: {  	v6 =	vadd.f32 v32, v6;
	v33 =	vmul.f32 v32, v32;
	v4 =	vmax.f32 v4, v32;
	v19 =	vld.idx.msk [tilespmem:v1+s23+$0x8360 ss:$0x1], $0xffff  }
0x2f5: {  	v7 =	vadd.f32 v34, v7;
	v35 =	vmul.f32 v34, v34;
	v11 =	vadd.f32 v31, v11  }
0x2f6: {  	v3 =	vmax.f32 v3, v34;
	v10 =	vadd.f32 v33, v10;
	v32 =	vmul.f32 v23, v23  }
0x2f7: {  	s23 =	sshra.s32 s24, $0x2;
	s24 =	sadd.s32 $0x1000, s24;
	v8 =	vadd.f32 v23, v8;
	v9 =	vadd.f32 v35, v9;
	v31 =	vmul.f32 v12, v12  }
0x2f8: {  	_ =	sdelay $0x3  }
0x2f9: {  	v34 =	vld.idx.msk [tilespmem:v1+s23+$0x8300 ss:$0x1], $0xffff  }
0x2fa: {  	v33 =	vld.idx.msk [tilespmem:v1+s23+$0x8370 ss:$0x1], $0xffff;
	v15 =	vadd.f32 v32, v15  }
0x2fb: {  	v16 =	vmax.f32 v16, v23;
	v23 =	vmul.f32 v21, v21;
	v62 =	vmul.f32 v18, v18;
	v35 =	vld.idx.msk [tilespmem:v1+s23+$0x8310 ss:$0x1], $0xffff  }
0x2fc: {  	v25 =	vadd.f32 v12, v25;
	v26 =	vadd.f32 v31, v26;
	v31 =	vmul.f32 v19, v19  }
0x2fd: {  	v24 =	vadd.f32 v21, v24;
	v12 =	vmax.f32 v20, v12;
	v23 =	vadd.f32 v23, v27;
	v27 =	vld.idx.msk [tilespmem:v1+s23+$0x8320 ss:$0x1], $0xffff  }
0x2fe: {  	v22 =	vadd.f32 v18, v22;
	v30 =	vadd.f32 v31, v30;
	v31 =	vmul.f32 v34, v34  }
0x2ff: {  	v20 =	vld.idx.msk [tilespmem:v1+s23+$0x8330 ss:$0x1], $0xffff;
	v28 =	vadd.f32 v19, v28;
	v29 =	vadd.f32 v62, v29;
	v63 =	vmul.f32 v33, v33  }
0x300: {  	v6 =	vadd.f32 v34, v6;
	v10 =	vadd.f32 v31, v10;
	v31 =	vmul.f32 v35, v35  }
0x301: {  	v17 =	vmax.f32 v17, v21;
	v21 =	vld.idx.msk [tilespmem:v1+s23+$0x8340 ss:$0x1], $0xffff;
	v7 =	vadd.f32 v35, v7;
	v5 =	vadd.f32 v33, v5  }
0x302: {  	v11 =	vadd.f32 v63, v11;
	v9 =	vadd.f32 v31, v9;
	v31 =	vmul.f32 v27, v27  }
0x303: {  	v14 =	vmax.f32 v14, v18;
	v18 =	vld.idx.msk [tilespmem:v1+s23+$0x8350 ss:$0x1], $0xffff;
	v8 =	vadd.f32 v27, v8;
	v6 =	vadd.f32 v7, v6  }
0x304: {  	v7 =	vmul.f32 v20, v20;
	v15 =	vadd.f32 v31, v15;
	v9 =	vadd.f32 v9, v10  }
0x305: {  	v6 =	vadd.f32 v8, v6;
	v10 =	vmax.f32 v13, v19;
	v13 =	vld.idx.msk [tilespmem:v1+s23+$0x8360 ss:$0x1], $0xffff;
	v19 =	vadd.f32 v20, v25  }
0x306: {  	v8 =	vmul.f32 v21, v21;
	v7 =	vadd.f32 v7, v26;
	v9 =	vadd.f32 v15, v9  }
0x307: {  	v4 =	vmax.f32 v4, v34;
	v15 =	vadd.f32 v21, v24;
	v6 =	vadd.f32 v19, v6  }
0x308: {  	v8 =	vadd.f32 v8, v23;
	v19 =	vmul.f32 v18, v18;
	v7 =	vadd.f32 v7, v9  }
0x309: {  	v3 =	vmax.f32 v3, v35;
	v9 =	vadd.f32 v18, v22;
	v6 =	vadd.f32 v15, v6  }
0x30a: {  	v19 =	vadd.f32 v19, v29;
	v15 =	vmul.f32 v13, v13;
	v7 =	vadd.f32 v8, v7  }
0x30b: {  	v8 =	vmax.f32 v16, v27;
	v16 =	vadd.f32 v13, v28;
	v6 =	vadd.f32 v9, v6  }
0x30c: {  	v3 =	vmax.f32 v4, v3;
	v9 =	vadd.f32 v15, v30;
	v4 =	vadd.f32 v19, v7  }
0x30d: {  	v3 =	vmax.f32 v3, v8;
	v7 =	vmax.f32 v12, v20;
	v6 =	vadd.f32 v16, v6  }
0x30e: {  	v8 =	vmax.f32 v17, v21;
	v3 =	vmax.f32 v3, v7;
	v4 =	vadd.f32 v9, v4  }
0x30f: {  	v7 =	vmax.f32 v14, v18;
	v3 =	vmax.f32 v3, v8;
	v5 =	vadd.f32 v5, v6  }
0x310: {  	v6 =	vmax.f32 v10, v13;
	v3 =	vmax.f32 v3, v7;
	v4 =	vadd.f32 v11, v4  }
0x311: {  	v2 =	vmax.f32 v2, v33;
	v3 =	vmax.f32 v3, v6;
	[tilespmem:$0x186E0] =	vst v5  }
0x312: {  	v2 =	vmax.f32 v3, v2;
	[tilespmem:$0x187E0] =	vst v4  }
0x313: {  	s31 =	simm.s32 $0x0;
	[tilespmem:$0x188E0] =	vst v2  }
0x314: {  	v25 =	vimm.f32 $0.0e+00;
	v23 =	vimm.f32 $0.0e+00;
	v2 =	vld.idx.msk [tilespmem:v1+s31+$0x83F0 ss:$0x1], $0xffff  }
0x315: {  	v24 =	vimm.f32 $0.0e+00;
	v22 =	vimm.f32 $-Inf;
	v28 =	vimm.f32 $0.0e+00;
	v3 =	vld.idx.msk [tilespmem:v1+s31+$0x8380 ss:$0x1], $0xffff  }
0x316: {  	v27 =	vimm.f32 $0.0e+00;
	v17 =	vimm.f32 $0.0e+00;
	v21 =	vimm.f32 $0.0e+00;
	v6 =	vld.idx.msk [tilespmem:v1+s31+$0x8390 ss:$0x1], $0xffff  }
0x317: {  	v15 =	vimm.f32 $-Inf;
	v12 =	vimm.f32 $0.0e+00;
	v19 =	vimm.f32 $-Inf;
	v16 =	vld.idx.msk [tilespmem:v1+s31+$0x83A0 ss:$0x1], $0xffff  }
0x318: {  	v20 =	vimm.f32 $0.0e+00;
	v18 =	vimm.f32 $-Inf;
	v13 =	vimm.f32 $-Inf;
	v14 =	vld.idx.msk [tilespmem:v1+s31+$0x83B0 ss:$0x1], $0xffff  }
0x319: {  	v29 =	vld.idx.msk [tilespmem:v1+s31+$0x83C0 ss:$0x1], $0xffff;
	v7 =	vadd.f32 v2, v12;
	v8 =	vmul.f32 v2, v2;
	v2 =	vmax.f32 v13, v2  }
0x31a: {  	v30 =	vld.idx.msk [tilespmem:v1+s31+$0x83D0 ss:$0x1], $0xffff;
	v10 =	vadd.f32 v3, v12;
	v9 =	vmul.f32 v3, v3;
	v4 =	vmax.f32 v13, v3  }
0x31b: {  	v26 =	vld.idx.msk [tilespmem:v1+s31+$0x83E0 ss:$0x1], $0xffff;
	v5 =	vadd.f32 v6, v12;
	v11 =	vmul.f32 v6, v6;
	v3 =	vmax.f32 v13, v6  }
0x31c: {  	v32 =	vmul.f32 v16, v16;
	v6 =	vadd.f32 v16, v12;
	v8 =	vadd.f32 v8, v12  }
0x31d: {  	s24 =	simm.s32 $0x2000;
	s23 =	simm.s32 $0x400;
	v31 =	vmul.f32 v14, v14;
	v9 =	vadd.f32 v9, v12;
	v11 =	vadd.f32 v11, v12  }
.LBB2_33:
0x31e: {  	p0 =	sne.s32 s24, $0x1F000;
	v33 =	vld.idx.msk [tilespmem:v1+s23+$0x83F0 ss:$0x1], $0xffff;
	v12 =	vadd.f32 v32, v12;
	v13 =	vmax.f32 v13, v16;
	v16 =	vmul.f32 v29, v29  }
0x31f: {  	v24 =	vadd.f32 v14, v24;
	v32 =	vld.idx.msk [tilespmem:v1+s23+$0x8380 ss:$0x1], $0xffff;
	v25 =	vadd.f32 v31, v25;
	v31 =	vmul.f32 v30, v30  }
0x320: {  	v19 =	vmax.f32 v19, v14;
	v35 =	vmul.f32 v26, v26;
	v34 =	vld.idx.msk [tilespmem:v1+s23+$0x8390 ss:$0x1], $0xffff;
	v23 =	vadd.f32 v16, v23  }
0x321: {  	v17 =	vadd.f32 v29, v17;
	v18 =	vmax.f32 v18, v29;
	v16 =	vld.idx.msk [tilespmem:v1+s23+$0x83A0 ss:$0x1], $0xffff;
	v20 =	vadd.f32 v31, v20  }
0x322: {  	v21 =	vadd.f32 v30, v21;
	v22 =	vmax.f32 v22, v30;
	v28 =	vadd.f32 v35, v28;
	v14 =	vld.idx.msk [tilespmem:v1+s23+$0x83B0 ss:$0x1], $0xffff  }
0x323: {  	v27 =	vadd.f32 v26, v27;
	v15 =	vmax.f32 v15, v26;
	v29 =	vld.idx.msk [tilespmem:v1+s23+$0x83C0 ss:$0x1], $0xffff  }
.Ltmp15:
0x324: {  	v7 =	vadd.f32 v33, v7;
	v31 =	vmul.f32 v33, v33;
	v2 =	vmax.f32 v2, v33;
	v30 =	vld.idx.msk [tilespmem:v1+s23+$0x83D0 ss:$0x1], $0xffff;
	(pc) =	sbr.rel @p0 .LBB2_33-.Ltmp15, $4  }
0x325: {  	v10 =	vadd.f32 v32, v10;
	v33 =	vmul.f32 v32, v32;
	v4 =	vmax.f32 v4, v32;
	v26 =	vld.idx.msk [tilespmem:v1+s23+$0x83E0 ss:$0x1], $0xffff  }
0x326: {  	v5 =	vadd.f32 v34, v5;
	v35 =	vmul.f32 v34, v34;
	v8 =	vadd.f32 v31, v8  }
0x327: {  	v3 =	vmax.f32 v3, v34;
	v9 =	vadd.f32 v33, v9;
	v32 =	vmul.f32 v16, v16  }
0x328: {  	s23 =	sshra.s32 s24, $0x2;
	s24 =	sadd.s32 $0x1000, s24;
	v6 =	vadd.f32 v16, v6;
	v11 =	vadd.f32 v35, v11;
	v31 =	vmul.f32 v14, v14  }
0x329: {  	_ =	sdelay $0x3  }
0x32a: {  	v33 =	vld.idx.msk [tilespmem:v1+s23+$0x83F0 ss:$0x1], $0xffff;
	v12 =	vadd.f32 v32, v12;
	v13 =	vmax.f32 v13, v16;
	v61 =	vmul.f32 v29, v29  }
0x32b: {  	v62 =	vld.idx.msk [tilespmem:v1+s23+$0x8380 ss:$0x1], $0xffff;
	v24 =	vadd.f32 v14, v24;
	v63 =	vmul.f32 v30, v30;
	v36 =	vmax.f32 v19, v14  }
0x32c: {  	v34 =	vld.idx.msk [tilespmem:v1+s23+$0x8390 ss:$0x1], $0xffff;
	v17 =	vadd.f32 v29, v17;
	v18 =	vmax.f32 v18, v29;
	v21 =	vadd.f32 v30, v21  }
0x32d: {  	v38 =	vld.idx.msk [tilespmem:v1+s23+$0x83A0 ss:$0x1], $0xffff;
	v22 =	vmax.f32 v22, v30;
	v25 =	vadd.f32 v31, v25;
	v37 =	vmul.f32 v26, v26  }
0x32e: {  	v39 =	vld.idx.msk [tilespmem:v1+s23+$0x83B0 ss:$0x1], $0xffff;
	s31 =	sshll.u32 s19, $0x4;
	v27 =	vadd.f32 v26, v27;
	v15 =	vmax.f32 v15, v26;
	v16 =	vadd.f32 v61, v23  }
0x32f: {  	v20 =	vadd.f32 v63, v20;
	v23 =	vmov s31;
	v19 =	vadd.f32 v37, v28  }
0x330: {  	v43 =	vld.idx.msk [tilespmem:v1+s23+$0x83C0 ss:$0x1], $0xffff;
	v7 =	vadd.f32 v33, v7;
	v40 =	vmul.f32 v33, v33;
	v10 =	vadd.f32 v62, v10  }
0x331: {  	v41 =	vmul.f32 v62, v62;
	v42 =	vmul.f32 v34, v34;
	v5 =	vadd.f32 v34, v5  }
0x332: {  	v45 =	vld.idx.msk [tilespmem:v1+s23+$0x83D0 ss:$0x1], $0xffff;
	v44 =	vmul.f32 v38, v38;
	v4 =	vmax.f32 v4, v62;
	v6 =	vadd.f32 v38, v6  }
0x333: {  	v47 =	vld.idx.msk [tilespmem:v1+s23+$0x83E0 ss:$0x1], $0xffff;
	v1 =	vmax.f32 v3, v34;
	v3 =	vadd.f32 v39, v24;
	v9 =	vadd.f32 v41, v9  }
0x334: {  	v46 =	vmul.f32 v39, v39;
	v11 =	vadd.f32 v42, v11;
	v5 =	vadd.f32 v5, v10  }
0x335: {  	v48 =	vmul.f32 v43, v43;
	v50 =	vadd.f32 v43, v17;
	v12 =	vadd.f32 v44, v12  }
0x336: {  	v49 =	vmax.f32 v13, v38;
	v9 =	vadd.f32 v11, v9;
	v5 =	vadd.f32 v6, v5  }
0x337: {  	v51 =	vmul.f32 v45, v45;
	v53 =	vadd.f32 v45, v21;
	v10 =	vadd.f32 v46, v25  }
0x338: {  	v52 =	vmax.f32 v36, v39;
	v9 =	vadd.f32 v12, v9;
	v3 =	vadd.f32 v3, v5  }
0x339: {  	v54 =	vmul.f32 v47, v47;
	v56 =	vadd.f32 v47, v27;
	v6 =	vadd.f32 v48, v16  }
0x33a: {  	v55 =	vmax.f32 v18, v43;
	v9 =	vadd.f32 v10, v9;
	v3 =	vadd.f32 v50, v3  }
0x33b: {  	v58 =	vmax.f32 v22, v45;
	v60 =	vmax.f32 v15, v47;
	v5 =	vadd.f32 v51, v20  }
0x33c: {  	v1 =	vmax.f32 v4, v1;
	v6 =	vadd.f32 v6, v9;
	v3 =	vadd.f32 v53, v3  }
0x33d: {  	v2 =	vmax.f32 v2, v33;
	v13 =	vadd.f32 v54, v19;
	v1 =	vmax.f32 v1, v49  }
0x33e: {  	v59 =	vmax.f32 v1, v52;
	v57 =	vadd.f32 v5, v6;
	v3 =	vadd.f32 v56, v3  }
0x33f: {  	v8 =	vadd.f32 v40, v8;
	v1 =	vmul.u32 $0x10, v0;
	v6 =	vmax.f32 v59, v55  }
0x340: {  	v5 =	vmax.f32 v6, v58;
	v4 =	vadd.f32 v13, v57;
	v3 =	vadd.f32 v7, v3  }
0x341: {  	v24 =	vmul.u32 $0x2, v0;
	v61 =	vor.u32 $0x100, v1;
	v5 =	vmax.f32 v5, v60  }
0x342: {  	v62 =	vor.u32 $0x101, v1;
	v2 =	vmax.f32 v5, v2;
	v4 =	vadd.f32 v8, v4;
	[tilespmem:$0x186F0] =	vst v3  }
0x343: {  	v26 =	vshll.u32 v23, $0x1;
	v3 =	vor.u32 $0x1, v1;
	[tilespmem:$0x188F0] =	vst v2  }
0x344: {  	v9 =	vor.u32 v24, v26;
	[tilespmem:$0x187F0] =	vst v4  }
0x345: {  	v2 =	vor.u32 $0x2, v1;
	v63 =	vld.idx.msk [tilespmem:v1+s13+$0x0], $0xffff  }
0x346: {  	v16 =	vor.u32 $0x102, v1;
	v6 =	vld.idx.msk [tilespmem:v61+s13+$0x0], $0xffff  }
0x347: {  	v17 =	vor.u32 $0x3, v1;
	v4 =	vld.idx.msk [tilespmem:v62+s13+$0x0], $0xffff  }
0x348: {  	v18 =	vor.u32 $0x103, v1;
	v3 =	vld.idx.msk [tilespmem:v3+s13+$0x0], $0xffff  }
0x349: {  	vm0 =	vmmov $0xff;
	v40 =	vmov s22;
	v19 =	vor.u32 $0x4, v1;
	v12 =	vld.idx.msk [tilespmem:v9+s9+$0x0], $0xffff  }
0x34a: {  	v41 =	vsel vm0, s21, v40;
	v21 =	vor.u32 $0x5, v1;
	v2 =	vld.idx.msk [tilespmem:v2+s13+$0x0], $0xffff  }
0x34b: {  	v44 =	vand.u32 $0x7, v0;
	v14 =	vshll.u32 v41, $0xF;
	v20 =	vor.u32 $0x104, v1;
	v7 =	vld.idx.msk [tilespmem:v16+s13+$0x0], $0xffff  }
0x34c: {  	v22 =	vor.u32 $0x105, v1;
	v32 =	vor.u32 $0x6, v1;
	v33 =	vor.u32 $0x106, v1;
	v8 =	vld.idx.msk [tilespmem:v17+s13+$0x0], $0xffff  }
0x34d: {  	v34 =	vor.u32 $0x7, v1;
	v35 =	vor.u32 $0x107, v1;
	v25 =	vld.idx.msk [tilespmem:v18+s13+$0x0], $0xffff;
	v3 =	vadd.f32 v3, v63  }
0x34e: {  	v36 =	vor.u32 $0x8, v1;
	v37 =	vor.u32 $0x108, v1;
	v38 =	vor.u32 $0x9, v1;
	v27 =	vld.idx.msk [tilespmem:v19+s13+$0x0], $0xffff  }
0x34f: {  	v28 =	vld.idx.msk [tilespmem:v21+s13+$0x0], $0xffff;
	v4 =	vadd.f32 v4, v6;
	v19 =	vadd.s32 $0xFFFFFFFE, v12;
	v2 =	vadd.f32 v2, v3  }
0x350: {  	v39 =	vor.u32 $0x109, v1;
	v29 =	vor.u32 $0x1, v9;
	vm1 =	vgt.s32 v19, $0x0;
	v3 =	vld.idx.msk [tilespmem:v20+s13+$0x0], $0xffff  }
0x351: {  	v30 =	vld.idx.msk [tilespmem:v22+s13+$0x0], $0xffff;
	v4 =	vadd.f32 v7, v4;
	v6 =	vnsel vm1, $0x0, v19;
	v2 =	vadd.f32 v8, v2  }
0x352: {  	v54 =	vor.u32 $0xA, v1;
	v59 =	vor.u32 $0x10A, v1;
	v5 =	vld.idx.msk [tilespmem:v32+s13+$0x0], $0xffff;
	v43 =	vmin.u32 v6, $0x3F  }
0x353: {  	v42 =	vld.idx.msk [tilespmem:v33+s13+$0x0], $0xffff;
	v4 =	vadd.f32 v25, v4;
	v45 =	vshll.u32 v43, $0x6;
	v2 =	vadd.f32 v27, v2  }
0x354: {  	v9 =	vld.idx.msk [tilespmem:v34+s13+$0x0], $0xffff;
	v18 =	vmul.u32 $0x80, v44;
	v20 =	vand.u32 $0x40, v45;
	v8 =	vshll.u32 v43, $0x9  }
0x355: {  	v10 =	vld.idx.msk [tilespmem:v35+s13+$0x0], $0xffff;
	v46 =	vand.u32 $0x7C00, v8;
	v3 =	vadd.f32 v3, v4;
	v31 =	vadd.f32 v28, v2  }
0x356: {  	v14 =	vor.u32 v18, v14;
	v47 =	vor.u32 v20, v46;
	v2 =	vld.idx.msk [tilespmem:v29+s9+$0x0], $0xffff;
	v28 =	vadd.s32 $0xFFFFFFFF, v12  }
0x357: {  	v11 =	vld.idx.msk [tilespmem:v36+s13+$0x0], $0xffff;
	v3 =	vadd.f32 v30, v3;
	vm10 =	vgt.s32 v28, $0x0;
	v4 =	vadd.f32 v5, v31  }
0x358: {  	v48 =	vld.idx.msk [tilespmem:v37+s13+$0x0], $0xffff;
	vm15 =	vgt.s32 v12, $0x0;
	v21 =	vor.u32 v14, v47;
	v37 =	vnsel vm10, $0x0, v28  }
0x359: {  	v3 =	vadd.f32 v42, v3;
	v31 =	vmin.u32 v37, $0x3F;
	v5 =	vadd.f32 v9, v4  }
0x35a: {  	v16 =	vld.idx.msk [tilespmem:v39+s13+$0x0], $0xffff;
	v4 =	vor.u32 $0x200, v1;
	v39 =	vshll.u32 v31, $0x6;
	v31 =	vshll.u32 v31, $0x9  }
0x35b: {  	v7 =	vadd.s32 $0xFFFFFFFE, v2;
	v3 =	vadd.f32 v10, v3;
	vm6 =	vgt.s32 v2, $0x0  }
0x35c: {  	v40 =	vand.u32 $0x40, v39;
	v31 =	vand.u32 $0x7C00, v31;
	v41 =	vor.u32 v2, v19  }
0x35d: {  	vm4 =	vgt.s32 v7, $0x0;
	v9 =	vadd.f32 v11, v5;
	v11 =	vadd.s32 $0xFFFFFFFF, v2  }
0x35e: {  	v15 =	vld.idx.msk [tilespmem:v38+s13+$0x0], $0xffff;
	v5 =	vor.u32 $0x201, v1;
	v55 =	vor.u32 v19, v7;
	v57 =	vnsel vm6, $0x0, v2  }
0x35f: {  	v23 =	vld.idx.msk [tilespmem:v54+s13+$0x0], $0xffff;
	v31 =	vor.u32 v40, v31;
	vm12 =	vlt.u32 v41, $0x40;
	v54 =	vor.u32 v28, v7  }
0x360: {  	v8 =	vnsel vm4, $0x0, v7;
	v10 =	vadd.f32 v48, v3;
	v3 =	vor.u32 $0x202, v1  }
0x361: {  	vm5 =	vgt.s32 v11, $0x0;
	vm7 =	vlt.u32 v55, $0x40;
	v38 =	vor.u32 v19, v11  }
0x362: {  	v31 =	vor.u32 v14, v31;
	vm4 =	vlt.u32 v54, $0x40;
	v13 =	vmin.u32 v8, $0x3F  }
0x363: {  	v51 =	vadd.f32 v15, v9;
	v53 =	vnsel vm5, $0x0, v11;
	v15 =	vmin.u32 v57, $0x3F  }
0x364: {  	v9 =	vadd.s32 $0x1, v2;
	vm11 =	vlt.u32 v38, $0x40;
	v49 =	vor.u32 v13, v21  }
0x365: {  	v52 =	vadd.f32 v16, v10;
	v17 =	vmin.u32 v53, $0x3F;
	v58 =	vor.u32 v15, v21  }
0x366: {  	vm8 =	vgt.s32 v9, $0x0;
	v10 =	vadd.s32 $0x2, v2;
	v43 =	vor.u32 v13, v31  }
0x367: {  	v26 =	vld.idx.msk [tilespmem:v59+s13+$0x0], $0xffff;
	v45 =	vor.u32 v19, v9;
	v53 =	vor.u32 v15, v31;
	v34 =	vor.u32 v28, v9  }
0x368: {  	v56 =	vor.u32 v17, v21;
	v61 =	vnsel vm8, $0x0, v9;
	vm9 =	vgt.s32 v10, $0x0  }
0x369: {  	v20 =	vadd.f32 v23, v51;
	vm13 =	vlt.u32 v45, $0x40;
	v16 =	vmin.u32 v61, $0x3F  }
0x36a: {  	v19 =	vor.u32 v19, v10;
	v51 =	vor.u32 $0xB, v1;
	v62 =	vor.u32 v16, v21;
	v50 =	vld.idx.msk [tilespmem:v49+s2+$0x0], $0xffff  }
0x36b: {  	v40 =	vor.u32 v28, v10;
	v45 =	vor.u32 v12, v7;
	v55 =	vor.u32 v16, v31;
	v25 =	vld.idx.msk [tilespmem:v58+s2+$0x0], $0xffff  }
0x36c: {  	v36 =	vnsel vm9, $0x0, v10;
	v22 =	vadd.f32 v26, v52;
	vm14 =	vlt.u32 v19, $0x40;
	v52 =	vld.idx.msk [tilespmem:v43+s2+$0x0], $0xffff  }
0x36d: {  	v61 =	vor.u32 v2, v28;
	vm8 =	vlt.u32 v40, $0x40;
	v24 =	vld.idx.msk [tilespmem:v56+s2+$0x0], $0xffff;
	v56 =	vnsel vm15, $0x0, v12  }
0x36e: {  	vm9 =	vlt.u32 v45, $0x40;
	vm6 =	vlt.u32 v61, $0x40;
	v58 =	vmin.u32 v56, $0x3F  }
0x36f: {  	v43 =	vor.u32 $0x10B, v1;
	v29 =	vld.idx.msk [tilespmem:v62+s2+$0x0], $0xffff;
	v59 =	vshll.u32 v58, $0x6;
	v26 =	vshll.u32 v58, $0x9  }
0x370: {  	v27 =	vld.idx.msk [tilespmem:v55+s2+$0x0], $0xffff;
	v55 =	vor.u32 v12, v2;
	v26 =	vand.u32 $0x7C00, v26;
	v18 =	vnsel vm7, $0x0, v50  }
0x371: {  	v25 =	vnsel vm12, $0x0, v25;
	v50 =	vor.u32 v17, v31;
	v19 =	vnsel vm4, $0x0, v52  }
0x372: {  	vm7 =	vlt.u32 v34, $0x40;
	vm12 =	vlt.u32 v55, $0x40;
	v60 =	vadd.f32 $0.0e+00, v18  }
0x373: {  	v63 =	vmul.f32 v18, v18;
	v18 =	vmin.u32 v36, $0x3F;
	v24 =	vnsel vm11, $0x0, v24  }
0x374: {  	v44 =	vmul.f32 v25, v25;
	v21 =	vor.u32 v18, v21;
	v42 =	vmul.f32 v24, v24  }
0x375: {  	v31 =	vor.u32 v18, v31;
	v24 =	vadd.f32 v60, v24;
	v48 =	vnsel vm13, $0x0, v29  }
0x376: {  	v29 =	vand.u32 $0x40, v59;
	v60 =	vor.u32 v28, v11;
	v38 =	vnsel vm7, $0x0, v27  }
0x377: {  	v59 =	vor.u32 v12, v9;
	v30 =	vadd.f32 v42, v63;
	v49 =	vmul.f32 v48, v48  }
0x378: {  	v26 =	vor.u32 v29, v26;
	vm5 =	vlt.u32 v60, $0x40;
	v39 =	vmul.f32 v38, v38  }
0x379: {  	v29 =	vadd.s32 $0x1, v12;
	vm13 =	vlt.u32 v59, $0x40;
	v46 =	vadd.f32 v24, v25  }
0x37a: {  	v25 =	vld.idx.msk [tilespmem:v53+s2+$0x0], $0xffff;
	v26 =	vor.u32 v14, v26;
	vm10 =	vgt.s32 v29, $0x0;
	v53 =	vor.u32 $0x10C, v1  }
0x37b: {  	v40 =	vor.u32 v29, v7;
	v45 =	vor.u32 v29, v11;
	v55 =	vor.u32 v29, v10;
	v21 =	vld.idx.msk [tilespmem:v21+s2+$0x0], $0xffff  }
0x37c: {  	v47 =	vadd.f32 v30, v44;
	v62 =	vor.u32 v13, v26;
	v42 =	vor.u32 v17, v26  }
0x37d: {  	v57 =	vld.idx.msk [tilespmem:v50+s2+$0x0], $0xffff;
	v50 =	vor.u32 v16, v26;
	v23 =	vadd.f32 v46, v48;
	v46 =	vor.u32 v15, v26  }
0x37e: {  	v30 =	vld.idx.msk [tilespmem:v51+s13+$0x0], $0xffff;
	v51 =	vor.u32 v12, v11;
	vm15 =	vlt.u32 v40, $0x40;
	vm4 =	vlt.u32 v45, $0x40  }
0x37f: {  	v26 =	vor.u32 v18, v26;
	vm11 =	vlt.u32 v51, $0x40;
	v24 =	vadd.f32 v47, v49  }
0x380: {  	v35 =	vld.idx.msk [tilespmem:v31+s2+$0x0], $0xffff;
	v49 =	vnsel vm10, $0x0, v29;
	vm10 =	vlt.s32 v10, $0x3F;
	v21 =	vnsel vm14, $0x0, v21  }
0x381: {  	v33 =	vnsel vm6, $0x0, v25;
	v41 =	vld.idx.msk [tilespmem:v62+s2+$0x0], $0xffff;
	v23 =	vadd.f32 v23, v21;
	v21 =	vmul.f32 v21, v21  }
0x382: {  	v47 =	vor.u32 $0xC, v1;
	v59 =	vnsel vm10, $0x3F, v10;
	v36 =	vmul.f32 v33, v33;
	v28 =	vld.idx.msk [tilespmem:v46+s2+$0x0], $0xffff  }
0x383: {  	v25 =	vadd.f32 v30, v20;
	v62 =	vor.u32 $0xD, v1;
	v21 =	vadd.f32 v24, v21  }
0x384: {  	v31 =	vld.idx.msk [tilespmem:v50+s2+$0x0], $0xffff;
	v23 =	vadd.f32 v23, v19;
	v19 =	vmul.f32 v19, v19;
	v24 =	vnsel vm5, $0x0, v57  }
0x385: {  	v44 =	vnsel vm8, $0x0, v35;
	vm8 =	vlt.u32 v55, $0x40;
	v63 =	vmul.f32 v24, v24  }
0x386: {  	v27 =	vnsel vm9, $0x0, v41;
	v19 =	vadd.f32 v21, v19;
	v23 =	vadd.f32 v23, v24  }
0x387: {  	v21 =	vmul.f32 v44, v44;
	v24 =	vld.idx.msk [tilespmem:v43+s13+$0x0], $0xffff;
	v58 =	vnsel vm12, $0x0, v28;
	v43 =	vor.u32 $0x10D, v1  }
0x388: {  	v28 =	vmul.f32 v58, v58;
	v19 =	vadd.f32 v19, v63;
	v37 =	vadd.f32 v23, v33  }
0x389: {  	v56 =	vld.idx.msk [tilespmem:v47+s13+$0x0], $0xffff;
	v23 =	vmin.u32 v49, $0x3F;
	v63 =	vnsel vm13, $0x0, v31;
	v49 =	vor.u32 v2, v29  }
0x38a: {  	v52 =	vshll.u32 v23, $0x6;
	v23 =	vshll.u32 v23, $0x9;
	vm6 =	vlt.u32 v49, $0x40  }
0x38b: {  	v19 =	vadd.f32 v19, v36;
	v20 =	vadd.f32 v37, v38;
	v33 =	vand.u32 $0x40, v52  }
0x38c: {  	v23 =	vand.u32 $0x7C00, v23;
	v36 =	vor.u32 v12, v10;
	v12 =	vadd.s32 $0x2, v12  }
0x38d: {  	v52 =	vor.u32 v29, v9;
	v23 =	vor.u32 v33, v23;
	v22 =	vadd.f32 v24, v22  }
0x38e: {  	v48 =	vld.idx.msk [tilespmem:v42+s2+$0x0], $0xffff;
	vm14 =	vlt.u32 v36, $0x40;
	v24 =	vadd.f32 v56, v25;
	v33 =	vor.u32 $0x205, v1  }
0x38f: {  	vm5 =	vgt.s32 v12, $0x0;
	vm7 =	vlt.u32 v52, $0x40;
	v56 =	vor.u32 $0x10E, v1  }
0x390: {  	v26 =	vld.idx.msk [tilespmem:v26+s2+$0x0], $0xffff;
	vm9 =	vlt.s32 v12, $0x3F;
	v19 =	vadd.f32 v19, v39;
	v20 =	vadd.f32 v20, v44  }
0x391: {  	v7 =	vor.u32 v12, v7;
	v11 =	vor.u32 v12, v11;
	v2 =	vor.u32 v2, v12  }
0x392: {  	v19 =	vadd.f32 v19, v21;
	v20 =	vadd.f32 v20, v27;
	v27 =	vmul.f32 v27, v27  }
0x393: {  	v61 =	vld.idx.msk [tilespmem:v53+s13+$0x0], $0xffff;
	v9 =	vor.u32 v12, v9;
	v10 =	vor.u32 v12, v10;
	v21 =	vnsel vm11, $0x0, v48  }
0x394: {  	v23 =	vor.u32 v14, v23;
	v54 =	vmul.f32 v21, v21;
	v27 =	vadd.f32 v19, v27  }
0x395: {  	v32 =	vld.idx.msk [tilespmem:v43+s13+$0x0], $0xffff;
	v39 =	vnsel vm14, $0x0, v26;
	vm12 =	vlt.u32 v11, $0x40;
	vm13 =	vlt.u32 v2, $0x40  }
0x396: {  	vm14 =	vlt.u32 v9, $0x40;
	v35 =	vor.u32 v13, v23;
	v57 =	vadd.f32 v27, v54;
	v27 =	vld.idx.msk [tilespmem:v62+s13+$0x0], $0xffff  }
0x397: {  	v60 =	vor.u32 v17, v23;
	v25 =	vmul.f32 v39, v39;
	v42 =	vor.u32 v15, v23  }
0x398: {  	v22 =	vadd.f32 v61, v22;
	v46 =	vor.u32 v16, v23;
	v20 =	vadd.f32 v20, v21  }
0x399: {  	v23 =	vor.u32 v18, v23;
	v48 =	vnsel vm5, $0x0, v12;
	vm11 =	vlt.u32 v7, $0x40  }
0x39a: {  	v19 =	vor.u32 $0x203, v1;
	v22 =	vadd.f32 v32, v22;
	v20 =	vadd.f32 v20, v58  }
0x39b: {  	v37 =	vld.idx.msk [tilespmem:v35+s2+$0x0], $0xffff;
	v21 =	vadd.f32 v57, v28;
	v24 =	vadd.f32 v27, v24;
	v27 =	vmin.u32 v48, $0x3F  }
0x39c: {  	v38 =	vadd.f32 v20, v63;
	v50 =	vshll.u32 v27, $0x6;
	v27 =	vshll.u32 v27, $0x9  }
0x39d: {  	v41 =	vld.idx.msk [tilespmem:v60+s2+$0x0], $0xffff;
	v28 =	vmul.f32 v63, v63;
	v51 =	vand.u32 $0x40, v50;
	v27 =	vand.u32 $0x7C00, v27  }
0x39e: {  	v54 =	vor.u32 $0xE, v1;
	v58 =	vnsel vm9, $0x3F, v12;
	v27 =	vor.u32 v51, v27  }
0x39f: {  	v21 =	vadd.f32 v21, v28;
	v26 =	vadd.f32 v38, v39;
	v28 =	vld.idx.msk [tilespmem:v42+s2+$0x0], $0xffff;
	v14 =	vor.u32 v14, v27  }
0x3a0: {  	v60 =	vxor.u32 $0xFFFFFFFF, v59;
	v31 =	vnsel vm15, $0x0, v37;
	v13 =	vor.u32 v13, v14  }
0x3a1: {  	v6 =	vsub.s32 v58, v6;
	v61 =	vadd.s32 v60, v8;
	v44 =	vadd.f32 v26, v31;
	v26 =	vld.idx.msk [tilespmem:v46+s2+$0x0], $0xffff  }
0x3a2: {  	v57 =	vor.u32 $0xF, v1;
	v30 =	vnsel vm4, $0x0, v41;
	v17 =	vor.u32 v17, v14  }
0x3a3: {  	v23 =	vld.idx.msk [tilespmem:v23+s2+$0x0], $0xffff;
	v21 =	vadd.f32 v21, v25;
	v31 =	vmul.f32 v31, v31;
	v25 =	vadd.f32 v44, v30  }
0x3a4: {  	v6 =	vadd.s32 $0x1, v6;
	v28 =	vnsel vm6, $0x0, v28;
	v15 =	vor.u32 v15, v14  }
0x3a5: {  	v47 =	vmul.f32 v30, v30;
	v21 =	vadd.f32 v21, v31;
	v25 =	vadd.f32 v25, v28;
	v13 =	vld.idx.msk [tilespmem:v13+s2+$0x0], $0xffff  }
0x3a6: {  	v6 =	vmul.u32 v6, v61;
	v16 =	vor.u32 v16, v14;
	v26 =	vnsel vm7, $0x0, v26  }
0x3a7: {  	v21 =	vadd.f32 v21, v47;
	v53 =	vmul.f32 v28, v28;
	v25 =	vadd.f32 v25, v26;
	v17 =	vld.idx.msk [tilespmem:v17+s2+$0x0], $0xffff  }
0x3a8: {  	v23 =	vnsel vm8, $0x0, v23;
	v6 =	vadd.s32 $0x1000, v6;
	v14 =	vor.u32 v18, v14  }
0x3a9: {  	v21 =	vadd.f32 v21, v53;
	v26 =	vmul.f32 v26, v26;
	v25 =	vadd.f32 v25, v23;
	v15 =	vld.idx.msk [tilespmem:v15+s2+$0x0], $0xffff  }
0x3aa: {  	v20 =	vor.u32 $0x204, v1;
	v62 =	vld.idx.msk [tilespmem:v54+s13+$0x0], $0xffff;
	v6 =	vcvt.s32.f32 v6;
	v13 =	vnsel vm11, $0x0, v13  }
0x3ab: {  	v21 =	vadd.f32 v21, v26;
	v23 =	vmul.f32 v23, v23;
	v16 =	vld.idx.msk [tilespmem:v16+s2+$0x0], $0xffff;
	v26 =	vadd.f32 v25, v13  }
0x3ac: {  	v30 =	vld.idx.msk [tilespmem:v57+s13+$0x0], $0xffff;
	(erf) = vrcp.f32 v6;
	v28 =	vor.u32 $0x10F, v1;
	v17 =	vnsel vm12, $0x0, v17  }
0x3ad: {  	v2 =	vld.idx.msk [tilespmem:v14+s2+$0x0], $0xffff;
	v63 =	vadd.f32 v21, v23;
	v13 =	vmul.f32 v13, v13;
	v32 =	vadd.f32 v26, v17  }
0x3ae: {  	vm15 =	vlt.u32 v10, $0x40;
	v31 =	vor.u32 $0x206, v1;
	v34 =	vnsel vm13, $0x0, v15  }
0x3af: {  	v35 =	vld.idx.msk [tilespmem:v56+s13+$0x0], $0xffff;
	v7 =	vadd.f32 v63, v13;
	v17 =	vmul.f32 v17, v17;
	v13 =	vadd.f32 v32, v34  }
0x3b0: {  	v4 =	vld.idx.msk [tilespmem:v4+s13+$0x0], $0xffff;
	v6 =	vadd.f32 $-1.000000000e+00, v6;
	v8 =	vadd.f32 v62, v24;
	v37 =	vnsel vm14, $0x0, v16  }
0x3b1: {  	v5 =	vld.idx.msk [tilespmem:v5+s13+$0x0], $0xffff;
	v36 =	vmul.f32 v34, v34;
	v7 =	vadd.f32 v7, v17;
	v38 =	vadd.f32 v13, v37  }
0x3b2: {  	(erf) = vrcp.f32 v6;
	v8 =	vadd.f32 v30, v8;
	v39 =	vld.idx.msk [tilespmem:v28+s13+$0x0], $0xffff;
	v2 =	vnsel vm15, $0x0, v2  }
0x3b3: {  	v3 =	vld.idx.msk [tilespmem:v3+s13+$0x0], $0xffff;
	v40 =	vmul.f32 v37, v37;
	v7 =	vadd.f32 v7, v36;
	v41 =	vadd.f32 v38, v2  }
0x3b4: {  	v43 =	vor.u32 $0x208, v1;
	v42 =	vor.u32 $0x207, v1;
	v44 =	vadd.f32 v35, v22  }
0x3b5: {  	v45 =	vld.idx.msk [tilespmem:v19+s13+$0x0], $0xffff;
	v7 =	vadd.f32 v7, v40;
	v2 =	vmul.f32 v2, v2;
	v8 =	vsub.f32 v8, v41  }
0x3b6: {  	v4 =	vmax.f32 v4, v5;
	v49 =	vor.u32 $0x20A, v1;
	v48 =	vor.u32 $0x209, v1;
	v47 =	vld.idx.msk [tilespmem:v20+s13+$0x0], $0xffff;
	v46 =	vpop (erf)  }
0x3b7: {  	v50 =	vld.idx.msk [tilespmem:v33+s13+$0x0], $0xffff;
	v10 =	vadd.f32 v39, v44;
	v2 =	vadd.f32 v7, v2;
	v51 =	vmul.f32 v8, v46  }
0x3b8: {  	v3 =	vmax.f32 v4, v3;
	v53 =	vor.u32 $0x20B, v1;
	v52 =	vld.idx.msk [tilespmem:v31+s13+$0x0], $0xffff  }
0x3b9: {  	v54 =	vor.u32 $0x20C, v1;
	v6 =	vld.idx.msk [tilespmem:v42+s13+$0x0], $0xffff;
	v2 =	vsub.f32 v10, v2;
	v8 =	vmul.f32 v51, v8  }
0x3ba: {  	v55 =	vld.idx.msk [tilespmem:v43+s13+$0x0], $0xffff;
	v56 =	vor.u32 $0x20D, v1;
	v3 =	vmax.f32 v3, v45  }
0x3bb: {  	v58 =	vor.u32 $0x20E, v1;
	v57 =	vld.idx.msk [tilespmem:v48+s13+$0x0], $0xffff;
	v3 =	vmax.f32 v3, v47;
	v2 =	vsub.f32 v2, v8  }
0x3bc: {  	v59 =	vld.idx.msk [tilespmem:v49+s13+$0x0], $0xffff;
	v1 =	vor.u32 $0x20F, v1;
	v3 =	vmax.f32 v3, v50;
	v60 =	vpop (erf)  }
0x3bd: {  	v61 =	vld.idx.msk [tilespmem:v53+s13+$0x0], $0xffff;
	v3 =	vmax.f32 v3, v52;
	v2 =	vmul.f32 v2, v60  }
0x3be: {  	v62 =	vld.idx.msk [tilespmem:v54+s13+$0x0], $0xffff;
	v3 =	vmax.f32 v3, v6  }
0x3bf: {  	v3 =	vmax.f32 v3, v55;
	v63 =	vld.idx.msk [tilespmem:v56+s13+$0x0], $0xffff;
	(erf) = vrcp.f32 v2  }
0x3c0: {  	v2 =	vmax.f32 v3, v57;
	v3 =	vld.idx.msk [tilespmem:v58+s13+$0x0], $0xffff  }
0x3c1: {  	v1 =	vld.idx.msk [tilespmem:v1+s13+$0x0], $0xffff;
	v2 =	vmax.f32 v2, v59  }
0x3c2: {  	v2 =	vmax.f32 v2, v61  }
0x3c3: {  	p0 =	seq.s32 s19, $0x1F;
	v2 =	vmax.f32 v2, v62  }
0x3c4: {  	p1 =	sgt.u32 @!p0 s19, $0x1D;
	v2 =	vmax.f32 v2, v63  }
0x3c5: {  	p1 =	por p1, p0;
	s21 =	sadd.s32 @!p0 $0x3, s20;
	v2 =	vmax.f32 v2, v3  }
0x3c6: {  	s20 =	sadd.s32 @!p1 $0x4, s20;
	s22 =	smulhi.u32 @!p0 $0x55555556, s21;
	v1 =	vmax.f32 v2, v1  }
0x3c7: {  	s24 =	smulhi.u32 @!p1 $0x55555556, s20;
	v1 =	vsub.f32 v1, v51  }
0x3c8: {  	s22 =	smul.u32 @!p0 $0x3, s22;
	v2 =	vpop (erf)  }
0x3c9: {  	s23 =	simm.s32 @!p0 $0x0;
	s19 =	sadd.s32 @!p0 $0x1, s19;
	v1 =	vmul.f32 v2, v1  }
0x3ca: {  	s24 =	smul.u32 @!p1 $0x3, s24;
	s22 =	ssub.s32 @!p0 s21, s22;
	s21 =	sshll.u32 @!p0 s21, $0xC  }
0x3cb: {  	s25 =	sshll.u32 @!p0 s22, $0xF;
	s22 =	sadd.s32 @!p0 $0x1, s22;
	s21 =	sadd.s32 @!p0 s21, s4;
	[tilespmem:s31+$0x18400] =	vst v1  }
0x3cc: {  	[tilespmem:s25], [sflag:s22] =	stream.linear.gather @!p0 [hbm4b:s21+s23], $0x8000, $0x38;
	[tilespmem:$0x18900] =	vst v63  }
0x3cd: {  	s21 =	ssub.s32 @!p1 s20, s24;
	s20 =	sshll.u32 @!p1 s20, $0xC;
	s23 =	simm.s32 @!p1 $0x0  }
0x3ce: {  	s22 =	sshll.u32 @!p1 s21, $0xF;
	s21 =	sadd.s32 @!p1 $0x1, s21;
	s20 =	sadd.s32 @!p1 s20, s4  }
0x3cf: {  	[tilespmem:s22], [sflag:s21] =	stream.linear.gather @!p1 [hbm4b:s20+s23], $0x8000, $0x38;
	[tilespmem:$0x18900] =	vst v63  }
0x3d0: {  	p1 =	sne.s32 @!p0 s19, $0x20  }
0x3d1: {  	p1 =	por p0, !p1  }
.Ltmp16:
0x3d2: {  	_ = 	snop;
	(pc) =	sbr.rel @!p1 .LBB2_2-.Ltmp16, $2  }
0x3d3: {  	_ =	sdelay $0x2  }
0x3d4: {  	s18 =	sadd.s32 @!p0 $0x10000, s18;
	s17 =	sadd.s32 @!p0 $0x2, s17;
	s16 =	sadd.s32 @!p0 $0x2, s16  }
0x3d5: {  	s15 =	sadd.s32 $0x1, s15  }
0x3d6: {  	p0 =	sne.s32 s15, s8  }
.Ltmp17:
0x3d7: {  	_ = 	snop;
	(pc) =	sbr.rel @p0 .LBB2_1-.Ltmp17, $4  }
0x3d8: {  	[hbm4b:s7+s2] =	stream.linear.scatter [tilespmem:s14], [sflag:$0x4], $0x200, $0x38;
	[tilespmem:$0x18900] =	vst v63  }
0x3d9: {  	_ =	swait.ge [sflag:s10], $0x200  }
0x3da: {  	[sflag:s10] =	ssyncset.done $0x0  }
0x3db: {  	[sflag:s10] =	ssyncadd.s32 $0xFFFFFE00  }
0x3dc: {  	_ =	sfence.sel $0x180000  }
0x3dd: {  	[bflag:$0x0] =	sbarrier.arrive $0xFFFF  }
0x3de: {  	p0 =	sne.s32 s1, $0x0;
	_ =	strace $0x9000004A  }
0x3df: {  	s0 =	sadd.s32 @!p0 $0x100000, s0;
	[bflag:$0x2] =	sbarrier.arrive $0xFFFF  }
0x3e0: {  	[sflag:s0] =	ssyncadd.tile.s32 @!p0 $0x1;
	_ =	shalt  }
.Lfunc_end2:
_tile_overlayer_lowered:
.L_overlay_start_2:
0x3e1: {  	(tag) =	ssettag $0x2  }
0x3e2: {  	s0 =	rddreg [dreg:$0x0];
	s2 =	stileid.u32  }
0x3e3: {  	s1 =	rddreg [dreg:$0x1];
	p0 =	sne.s32 s2, $0x0  }
0x3e4: {  	s3 =	rddreg [dreg:$0x2];
	[bflag:$0x3] =	sbarrier.arrive $0xFFFF;
	s2 =	simm.s32 @!p0 $0x1C04  }
0x3e5: {  	[timem:s3], [sflag:s2] =	dma.local @!p0 [hbm:s0], s1  }
0x3e6: {  	s0 =	simm.s32 @!p0 $0x4  }
0x3e7: {  	_ =	swait.ge @!p0 [sflag:s0], s1  }
0x3e8: {  	s1 =	ssub.s32 @!p0 $0x0, s1;
	[sflag:s0] =	ssyncset.done @!p0 $0x0  }
0x3e9: {  	[sflag:s0] =	ssyncadd.s32 @!p0 s1  }
0x3ea: {  	[bflag:$0x3] =	sbarrier.arrive $0xFFFF  }
0x3eb: {  	_ =	shalt  }

// kernel: sparse-core-data-format-call.cloned.1.call-start
scs
called_computation_lowered:
.L_overlay_start_0:
0x0: {  	s2 =	sld [smem:$0x3FD9]  }
0x1: {  	s3 =	sld [smem:$0x3FFE];
	_ =	sdelay $0x1  }
0x2: {  	s1 =	srdreg.scid  }
0x3: {  	s0 =	sand.u32 $0x1, s1  }
0x4: {  	s18 =	sshll.u32 s0, $0xA;
	s2 =	sadd.s32 s3, s2  }
0x5: {  	s2 =	sadd.s32 s2, s18  }
0x6: {  	[smem:$0x3FC6] =	sst s2  }
0x7: {  	_ = 	snop  }
0x8: {  	s2 =	sld [smem:$0x3FC9];
	(tm) =	ssettm $0x1  }
0x9: {  	s19 =	sld [smem:$0x3FFB];
	_ =	sdelay $0x3  }
0xa: {  	_ =	strace s19  }
0xb: {  	s3 =	sld [smem:$0x3FFC];
	_ =	sdelay $0x3  }
0xc: {  	_ =	strace s3  }
0xd: {  	s3 =	sld [smem:$0x3FFD];
	_ =	sdelay $0x3  }
0xe: {  	_ =	strace s3  }
0xf: {  	_ =	strace $0x8FFFFFFF  }
0x10: {  	s20 =	sld [smem:$0x3FDB];
	_ =	sdelay $0x1  }
0x11: {  	s4 =	simm.s32 $_scs_section_size  }
0x12: {  	s5 =	simm.s32 $_size__tile_overlayer_lowered;
	s6 =	simm.s32 $_tile_overlayer_lowered  }
0x13: {  	s23 =	simm.s32 $0x1BFF;
	s22 =	sshll.u32 s6, $0x1;
	s3 =	sadd.s32 s4, s20  }
0x14: {  	s7 =	simm.s32 $0x0;
	s21 =	sshll.u32 s5, $0x1;
	s5 =	sadd.s32 s22, s3  }
0x15: {  	[timem:s7], [sflag:s23] =	dma.local [hbm:s5], s21  }
0x16: {  	_ =	swait.ge [sflag:s23], s21  }
0x17: {  	s4 =	ssub.s32 $0x0, s21;
	[sflag:s23] =	ssyncset.done $0x0  }
0x18: {  	[sflag:s23] =	ssyncadd.s32 s4;
	_ =	sdelay $0x1  }
0x19: {  	s24 =	simm.s32 $0x1B8B  }
0x1a: {  	_ =	swait.ge [sflag:s24], $0x1  }
0x1b: {  	[sflag:s24] =	ssyncset.done $0x0  }
0x1c: {  	s26 =	simm.s32 $0x1B8E;
	s25 =	sld [smem:$0x3FFE];
	[sflag:s24] =	ssyncadd.s32 $0xFFFFFFFF  }
0x1d: {  	s27 =	simm.s32 $execute0_lowered;
	[smem:$0x3FD2] =	sst s26  }
0x1e: {  	s5 =	sshll.u32 s27, $0x1;
	_ =	strace $0x80000046;
	[dreg:$0x1] =	wrdreg $0xFFFFFFFF  }
0x1f: {  	s28 =	simm.s32 $_size_execute0_lowered;
	s3 =	sadd.s32 s3, s5;
	[dreg:$0x0] =	wrdreg $0x0  }
0x20: {  	s5 =	sshll.u32 s28, $0x1;
	[dreg:$0x2] =	wrdreg s3  }
0x21: {  	[dreg:$0x3] =	wrdreg s5  }
0x22: {  	[dreg:$0x4] =	wrdreg $0xC0  }
0x23: {  	_ =	task [dreg:s7], $0x5FFFF  }
0x24: {  	[dreg:$0x1] =	wrdreg $0xFFFFFFFF  }
0x25: {  	[dreg:$0x0] =	wrdreg $0x60  }
0x26: {  	[dreg:$0x2] =	wrdreg s2  }
0x27: {  	[dreg:$0x3] =	wrdreg s25  }
0x28: {  	[dreg:$0x4] =	wrdreg $0x9  }
0x29: {  	_ =	task.clear_ibuf [dreg:s7], $0x5FFFF;
	_ =	strace $0x90000046  }
0x2a: {  	s29 =	simm.s32 $0x9;
	_ =	strace $0x80000048  }
0x2b: {  	_ =	swait.ge [sflag:s29], $0x1  }
0x2c: {  	[sflag:s29] =	ssyncadd.s32 $0xFFFFFFFF  }
0x2d: {  	_ =	strace $0x90000048  }
0x2e: {  	_ =	sfence  }
0x2f: {  	s30 =	sld [smem:$0x0];
	_ =	sdelay $0x2  }
0x30: {  	s31 =	sshll.u32 s1, $0xD;
	s1 =	sshrl.u32 s1, $0x2  }
0x31: {  	s3 =	sand.u32 $0x4000, s31;
	s1 =	sadd.s32 s1, s30  }
0x32: {  	s0 =	sor.u32 s3, s0;
	s1 =	sshll.u32 s1, $0x11  }
0x33: {  	s0 =	sor.u32 s1, s0  }
0x34: {  	s0 =	sadd.s32 $0x8F2B, s0  }
0x35: {  	[sflag:s0] =	ssyncadd.remote.s32 $0x1  }
0x36: {  	_ =	sfence.sel $0xFFFF  }
0x37: {  	[dreg:$0x0] =	wrdreg $0xFFFFFFFF;
	(pc) =	sbr.abs _section_cstart, $3  }
0x38: {  	[dreg:$0x1] =	wrdreg $0xFFFFFFFF  }
0x39: {  	_ =	task.clear_ibuf [dreg:s7], $0x2FFFF;
	_ =	strace $0x9FFFFFFF  }
0x3a: {  	(tm) =	ssettm $0x7FFFFFFF  }
0x3b: {  	_ =	shalt  }
tec
execute0_lowered:
.L_overlay_start_1:
0x0: {  	(tag) =	ssettag $0x1  }
0x1: {  	s2 =	rddreg [dreg:$0x0]  }
0x2: {  	s1 =	rddreg [dreg:$0x1]  }
0x3: {  	s3 =	srdreg.scid;
	s0 =	rddreg [dreg:$0x2]  }
0x4: {  	_ =	strace $0x80000047;
	s5 =	simm.s32 $0x1;
	s8 =	simm.s32 $0x2  }
0x5: {  	s15 =	simm.s32 $0x0;
	p0 =	por $0x0, $0x0;
	s14 =	simm.s32 $0x0  }
0x6: {  	s17 =	simm.s32 $0x0;
	s16 =	simm.s32 $0x0;
	s10 =	simm.s32 $0x0  }
0x7: {  	s11 =	simm.s32 $0x0;
	s13 =	stileid.u32;
	s3 =	sand.u32 $0x1, s3  }
.Ltmp0:
0x8: {  	s4 =	sadd.s32 $0xA00, s1;
	s6 =	ssub.s32 $0x40, s3;
	(pc) =	sbr.rel .LBB1_1-.Ltmp0, $4  }
0x9: {  	s1 =	stileid.u32;
	[sflag:s5] =	ssyncpa.u1 $0x0;
	s7 =	sshrl.u32 s6, $0x1  }
0xa: {  	[sflag:s8] =	ssyncpa.u1 $0x0;
	s8 =	simm.s32 $0x2000;
	s9 =	sadd.s32 s3, s7  }
0xb: {  	s12 =	smov.u32 s3;
	s6 =	ssub.s32 s6, s7;
	s31 =	sshll.u32 s9, $0x2  }
0xc: {  	s6 =	sshll.u32 s6, $0x2;
	s9 =	simm.s32 $0x0;
	s7 =	ssub.s32 $0x102, s31  }
.LBB1_4:
0xd: {  	_ = 	snop  }
0xe: {  	[tilespmem:s22+$0x1860 ss:$0x41] =	vst.msk $0xffff, v8  }
0xf: {  	[tilespmem:s22+$0x1C70 ss:$0x41] =	vst.msk $0xffff, v7  }
0x10: {  	[tilespmem:s22+$0x2490 ss:$0x41] =	vst.msk $0xffff, v1  }
0x11: {  	s25 =	sor.u32 s28, s27;
	v47 =	vld.idx.msk [tilespmem:v0+s20+$0x470 ss:$0x1], $0xffff;
	[tilespmem:s22+$0x28A0 ss:$0x41] =	vst.msk $0xffff, v2  }
0x12: {  	[tilespmem:s22+$0x2CB0 ss:$0x41] =	vst.msk $0xffff, v3;
	v57 =	vld.idx.msk [tilespmem:v0+s25+$0x410 ss:$0x1], $0xffff  }
0x13: {  	[tilespmem:s22+$0x30C0 ss:$0x41] =	vst.msk $0xffff, v4;
	v58 =	vld.idx.msk [tilespmem:v0+s25+$0x420 ss:$0x1], $0xffff  }
0x14: {  	[tilespmem:s22+$0x34D0 ss:$0x41] =	vst.msk $0xffff, v5;
	s26 =	sand.u32 $0x3B00, s25;
	v59 =	vld.idx.msk [tilespmem:v0+s25+$0x430 ss:$0x1], $0xffff  }
0x15: {  	[tilespmem:s22+$0x38E0 ss:$0x41] =	vst.msk $0xffff, v6;
	v60 =	vld.idx.msk [tilespmem:v0+s25+$0x440 ss:$0x1], $0xffff;
	s19 =	sadd.s32 s26, s19;
	s26 =	sshra.s32 s23, $0x2  }
0x16: {  	v61 =	vld.idx.msk [tilespmem:v0+s25+$0x450 ss:$0x1], $0xffff;
	s20 =	sadd.s32 s26, s21;
	[tilespmem:s22+$0x3CF0 ss:$0x41] =	vst.msk $0xffff, v47  }
0x17: {  	s24 =	sand.u32 $0x80, s24;
	v62 =	vld.idx.msk [tilespmem:v0+s25+$0x460 ss:$0x1], $0xffff;
	[tilespmem:s20+$0x2490 ss:$0x41] =	vst.msk $0xffff, v57  }
0x18: {  	v63 =	vld.idx.msk [tilespmem:v0+s25+$0x470 ss:$0x1], $0xffff;
	s19 =	sadd.s32 s24, s19;
	[tilespmem:s20+$0x28A0 ss:$0x41] =	vst.msk $0xffff, v58  }
0x19: {  	v48 =	vld [tilespmem:s19+$0x400];
	[tilespmem:s20+$0x2CB0 ss:$0x41] =	vst.msk $0xffff, v59  }
0x1a: {  	v49 =	vld [tilespmem:s19+$0x0];
	[tilespmem:s20+$0x30C0 ss:$0x41] =	vst.msk $0xffff, v60  }
0x1b: {  	v50 =	vld [tilespmem:s19+$0x10];
	[tilespmem:s20+$0x34D0 ss:$0x41] =	vst.msk $0xffff, v61  }
0x1c: {  	v51 =	vld [tilespmem:s19+$0x20];
	[tilespmem:s20+$0x38E0 ss:$0x41] =	vst.msk $0xffff, v62  }
0x1d: {  	v52 =	vld [tilespmem:s19+$0x30];
	[tilespmem:s20+$0x3CF0 ss:$0x41] =	vst.msk $0xffff, v63  }
0x1e: {  	v53 =	vld [tilespmem:s19+$0x40];
	[tilespmem:s20+$0x2080 ss:$0x41] =	vst.msk $0xffff, v48  }
0x1f: {  	v54 =	vld [tilespmem:s19+$0x50];
	[tilespmem:s20+$0x0 ss:$0x41] =	vst.msk $0xffff, v49  }
0x20: {  	s17 =	sshll.u32 s17, $0x7;
	s27 =	sshll.u32 s14, $0x3;
	s16 =	sshll.u32 s16, $0x14;
	v55 =	vld [tilespmem:s19+$0x60];
	[tilespmem:s20+$0x410 ss:$0x41] =	vst.msk $0xffff, v50  }
0x21: {  	s15 =	sshll.u32 s15, $0xA;
	s28 =	sand.u32 $0x1C00, s17;
	v56 =	vld [tilespmem:s19+$0x70];
	s19 =	sand.u32 $0x1C00, s27;
	[tilespmem:s20+$0x820 ss:$0x41] =	vst.msk $0xffff, v51  }
0x22: {  	s29 =	sshrl.u32 s14, $0x3;
	s17 =	sand.u32 $0x380, s17;
	s19 =	sadd.s32 s28, s19;
	[tilespmem:s20+$0xC30 ss:$0x41] =	vst.msk $0xffff, v52  }
0x23: {  	s30 =	sand.u32 $0x7, s14;
	s16 =	sadd.s32 s4, s16;
	s17 =	sor.u32 s17, s19;
	[tilespmem:s20+$0x1040 ss:$0x41] =	vst.msk $0xffff, v53  }
0x24: {  	s15 =	sadd.s32 s15, s16;
	s19 =	sand.u32 $0xF, s29;
	s17 =	sshrl.u32 s17, $0x3;
	[tilespmem:s20+$0x1450 ss:$0x41] =	vst.msk $0xffff, v54  }
0x25: {  	s14 =	sshll.u32 s30, $0x12;
	s15 =	sadd.s32 s19, s15;
	s31 =	sand.u32 $0x3F0, s17;
	[tilespmem:s20+$0x1860 ss:$0x41] =	vst.msk $0xffff, v55  }
0x26: {  	s14 =	sor.u32 $0x40, s14;
	[tilespmem:s20+$0x1C70 ss:$0x41] =	vst.msk $0xffff, v56;
	s15 =	sadd.s32 s31, s15  }
0x27: {  	[hbm4b:s15+s14] =	stream.strided.scatter [tilespmem:s18], [sflag:$0x2], $0x4000, s8, s14, $0x18;
	[tilespmem:$0x10200] =	vst v63  }
.LBB1_5:
0x28: {  	s18 =	sadd.s32 $0x100, s10  }
0x29: {  	s14 =	sadd.s32 $0x40, s11;
	s19 =	smov.u32 s11;
	p2 =	sgt.s32 s18, $0x3FF  }
0x2a: {  	s19 =	smov.u32 @p2 s14  }
0x2b: {  	s20 =	smov.u32 s12;
	s14 =	sadd.s32 $0x2, s12;
	p3 =	sgt.s32 s19, $0x3F  }
0x2c: {  	s20 =	smov.u32 @p3 s14  }
0x2d: {  	s21 =	smov.u32 s13;
	s14 =	sadd.s32 $0x10, s13;
	p4 =	sgt.s32 s20, $0x3F  }
0x2e: {  	p1 =	slt.u32 s9, $0x2;
	s21 =	smov.u32 @p4 s14  }
0x2f: {  	s9 =	sadd.s32 $0x1, s9;
	s18 =	simm.s32 @p2 $0x0;
	p2 =	sgt.s32 s21, $0xF  }
0x30: {  	s15 =	smov.u32 s10;
	s21 =	smov.u32 @p2 s1;
	p2 =	sne.s32 s9, s7  }
.Ltmp1:
0x31: {  	s17 =	smov.u32 s12;
	s22 =	simm.s32 @!p1 $0x2;
	(pc) =	sbr.rel @!p2 .LBB1_6-.Ltmp1, $4  }
0x32: {  	s16 =	smov.u32 s13;
	p0 =	por !p0, !p0;
	_ =	swait.ge @!p1 [sflag:s22], $0x4000  }
0x33: {  	[sflag:s22] =	ssyncset.done @!p1 $0x0;
	s10 =	smov.u32 s18;
	s19 =	simm.s32 @p3 $0x0  }
0x34: {  	[sflag:s22] =	ssyncadd.s32 @!p1 $0xFFFFC000;
	s20 =	smov.u32 @p4 s3;
	s14 =	smov.u32 s11  }
0x35: {  	s11 =	smov.u32 s19;
	s12 =	smov.u32 s20;
	s13 =	smov.u32 s21  }
.LBB1_1:
0x36: {  	p1 =	sge.u32 s9, s6;
	s31 =	sadd.s32 $0xFFFFFFFF, s9  }
0x37: {  	s18 =	sxor.u32 @!p1 $0xFFFFFFFF, s9;
	s19 =	sshll.u32 @!p1 s11, $0x7;
	s20 =	sand.u32 @!p1 $0x78, s10  }
0x38: {  	s22 =	sshll.u32 @!p1 s12, $0xD;
	s18 =	sshll.u32 @!p1 s18, $0xE;
	s21 =	sand.u32 @!p1 $0x380, s19  }
0x39: {  	s19 =	sand.u32 @!p1 $0x1C00, s19;
	s20 =	sor.u32 @!p1 s20, s21;
	s21 =	sshll.u32 @!p1 s13, $0x13  }
0x3a: {  	s18 =	sand.u32 @!p1 $0x4000, s18;
	s19 =	sadd.s32 @!p1 s10, s19;
	s21 =	sadd.s32 @!p1 s2, s21  }
0x3b: {  	s20 =	sshrl.u32 @!p1 s20, $0x3;
	s21 =	sadd.s32 @!p1 s22, s21;
	s22 =	sand.u32 @!p1 $0x7, s10  }
0x3c: {  	s19 =	sand.u32 @!p1 $0x1F80, s19;
	s20 =	sadd.s32 @!p1 s20, s21;
	s21 =	sshll.u32 @!p1 s22, $0x12  }
0x3d: {  	s19 =	sadd.s32 @!p1 s19, s20;
	s20 =	sor.u32 @!p1 $0x800, s21;
	s21 =	simm.s32 @!p1 $0x2000  }
0x3e: {  	[tilespmem:s18], [sflag:$0x1] =	stream.strided.gather @!p1 [hbm4b:s19+s20], $0x4000, s21, s20, $0x38;
	[tilespmem:$0x10200] =	vst v63  }
0x3f: {  	p1 =	sge.u32 s31, s6  }
.Ltmp2:
0x40: {  	_ = 	snop;
	(pc) =	sbr.rel @p1 .LBB1_5-.Ltmp2, $1  }
0x41: {  	_ =	sdelay $0x3  }
0x42: {  	s21 =	simm.s32 $0x0  }
0x43: {  	s20 =	sand.u32 $0x3800, s21;
	s22 =	sand.u32 $0x380, s21  }
0x44: {  	s18 =	sand.u32 $0x1, s9;
	s20 =	sor.u32 s22, s20  }
0x45: {  	_ =	swait.ge [sflag:s5], $0x4000;
	s19 =	sshll.u32 s18, $0xE;
	s22 =	sand.u32 $0x3B00, s20  }
0x46: {  	[sflag:s5] =	ssyncset.done $0x0;
	s21 =	sand.u32 $0x80, s21;
	s22 =	sadd.s32 s22, s19  }
0x47: {  	[sflag:s5] =	ssyncadd.s32 $0xFFFFC000;
	s24 =	sadd.s32 s21, s22  }
0x48: {  	v4 =	vld [tilespmem:s24+$0x400]  }
0x49: {  	s23 =	simm.s32 $0x1;
	v5 =	vld [tilespmem:s24+$0x0]  }
0x4a: {  	s23 =	simm.s32 @!p0 $0x0;
	v6 =	vld [tilespmem:s24+$0x10]  }
0x4b: {  	v0 =	vmov s19;
	s31 =	smul.u32 $0x10400, s23;
	v7 =	vld [tilespmem:s24+$0x20]  }
0x4c: {  	v9 =	vld [tilespmem:s24+$0x30]  }
0x4d: {  	s21 =	sshrl.u32 s31, $0x2;
	v10 =	vld [tilespmem:s24+$0x40]  }
0x4e: {  	s21 =	sor.u32 $0x8000, s21;
	v11 =	vld [tilespmem:s24+$0x50]  }
0x4f: {  	v8 =	vld [tilespmem:s24+$0x60];
	s22 =	sadd.s32 $0x0, s21  }
0x50: {  	v1 =	vld.idx.msk [tilespmem:v0+s20+$0x410 ss:$0x1], $0xffff;
	[tilespmem:s22+$0x2080 ss:$0x41] =	vst.msk $0xffff, v4  }
0x51: {  	v2 =	vld.idx.msk [tilespmem:v0+s20+$0x420 ss:$0x1], $0xffff;
	[tilespmem:s22+$0x0 ss:$0x41] =	vst.msk $0xffff, v5  }
0x52: {  	v3 =	vld.idx.msk [tilespmem:v0+s20+$0x430 ss:$0x1], $0xffff;
	[tilespmem:s22+$0x410 ss:$0x41] =	vst.msk $0xffff, v6  }
0x53: {  	s18 =	smul.u32 $0x10400, s18;
	[tilespmem:s22+$0x820 ss:$0x41] =	vst.msk $0xffff, v7;
	v7 =	vld [tilespmem:s24+$0x70]  }
0x54: {  	s25 =	simm.s32 $0x100;
	s26 =	simm.s32 $0x8;
	[tilespmem:s22+$0xC30 ss:$0x41] =	vst.msk $0xffff, v9;
	v4 =	vld.idx.msk [tilespmem:v0+s20+$0x440 ss:$0x1], $0xffff  }
0x55: {  	s27 =	sand.u32 $0x3800, s25;
	s18 =	sshrl.u32 s18, $0x2;
	[tilespmem:s22+$0x1040 ss:$0x41] =	vst.msk $0xffff, v10;
	v5 =	vld.idx.msk [tilespmem:v0+s20+$0x450 ss:$0x1], $0xffff;
	s24 =	simm.s32 $0x80  }
0x56: {  	s23 =	simm.s32 $0x4;
	s18 =	sor.u32 $0x8000, s18;
	[tilespmem:s22+$0x1450 ss:$0x41] =	vst.msk $0xffff, v11;
	v6 =	vld.idx.msk [tilespmem:v0+s20+$0x460 ss:$0x1], $0xffff;
	s28 =	sand.u32 $0x380, s24  }
.LBB1_3:
0x57: {  	p1 =	sne.s32 s26, $0xFC;
	[tilespmem:s22+$0x1860 ss:$0x41] =	vst.msk $0xffff, v8;
	v8 =	vld.idx.msk [tilespmem:v0+s20+$0x470 ss:$0x1], $0xffff;
	s20 =	sor.u32 s28, s27  }
0x58: {  	s27 =	sand.u32 $0x3B00, s20;
	v9 =	vld.idx.msk [tilespmem:v0+s20+$0x410 ss:$0x1], $0xffff;
	[tilespmem:s22+$0x1C70 ss:$0x41] =	vst.msk $0xffff, v7  }
0x59: {  	s28 =	sand.u32 $0x80, s24;
	s27 =	sadd.s32 s27, s19;
	v7 =	vld.idx.msk [tilespmem:v0+s20+$0x420 ss:$0x1], $0xffff;
	[tilespmem:s22+$0x2490 ss:$0x41] =	vst.msk $0xffff, v1  }
0x5a: {  	s27 =	sadd.s32 s28, s27;
	v10 =	vld.idx.msk [tilespmem:v0+s20+$0x430 ss:$0x1], $0xffff;
	[tilespmem:s22+$0x28A0 ss:$0x41] =	vst.msk $0xffff, v2  }
0x5b: {  	v11 =	vld [tilespmem:s27+$0x400];
	[tilespmem:s22+$0x2CB0 ss:$0x41] =	vst.msk $0xffff, v3  }
0x5c: {  	v12 =	vld [tilespmem:s27+$0x0];
	[tilespmem:s22+$0x30C0 ss:$0x41] =	vst.msk $0xffff, v4  }
0x5d: {  	v4 =	vld [tilespmem:s27+$0x10];
	[tilespmem:s22+$0x34D0 ss:$0x41] =	vst.msk $0xffff, v5  }
0x5e: {  	s28 =	sshra.s32 s23, $0x2;
	s23 =	smov.u32 s26;
	v1 =	vmov v9;
	v5 =	vld [tilespmem:s27+$0x20];
	[tilespmem:s22+$0x38E0 ss:$0x41] =	vst.msk $0xffff, v6  }
0x5f: {  	v2 =	vmov v7;
	v6 =	vld [tilespmem:s27+$0x30];
	[tilespmem:s22+$0x3CF0 ss:$0x41] =	vst.msk $0xffff, v8;
	s22 =	sadd.s32 s28, s21  }
0x60: {  	v3 =	vmov v10;
	v9 =	vld [tilespmem:s27+$0x40];
	[tilespmem:s22+$0x2080 ss:$0x41] =	vst.msk $0xffff, v11  }
0x61: {  	[tilespmem:s22+$0x0 ss:$0x41] =	vst.msk $0xffff, v12;
	v10 =	vld [tilespmem:s27+$0x50]  }
.Ltmp3:
0x62: {  	[tilespmem:s22+$0x410 ss:$0x41] =	vst.msk $0xffff, v4;
	v8 =	vld [tilespmem:s27+$0x60];
	(pc) =	sbr.rel @p1 .LBB1_3-.Ltmp3, $4  }
0x63: {  	[tilespmem:s22+$0x820 ss:$0x41] =	vst.msk $0xffff, v5;
	v7 =	vld [tilespmem:s27+$0x70]  }
0x64: {  	[tilespmem:s22+$0xC30 ss:$0x41] =	vst.msk $0xffff, v6;
	v4 =	vld.idx.msk [tilespmem:v0+s20+$0x440 ss:$0x1], $0xffff  }
0x65: {  	s24 =	sadd.s32 $0x80, s24;
	s25 =	sadd.s32 $0x100, s25;
	[tilespmem:s22+$0x1040 ss:$0x41] =	vst.msk $0xffff, v9;
	v5 =	vld.idx.msk [tilespmem:v0+s20+$0x450 ss:$0x1], $0xffff  }
0x66: {  	s26 =	sadd.s32 $0x4, s26;
	s28 =	sand.u32 $0x380, s24;
	s27 =	sand.u32 $0x3800, s25;
	[tilespmem:s22+$0x1450 ss:$0x41] =	vst.msk $0xffff, v10;
	v6 =	vld.idx.msk [tilespmem:v0+s20+$0x460 ss:$0x1], $0xffff  }
.Ltmp4:
0x67: {  	_ = 	snop;
	(pc) =	sbr.rel .LBB1_4-.Ltmp4, $1  }
0x68: {  	_ =	sdelay $0x3  }
.LBB1_6:
0x69: {  	_ =	sfence.sel $0x180000  }
0x6a: {  	s2 =	simm.s32 $0x1;
	[bflag:$0x0] =	sbarrier.arrive $0xFFFF  }
0x6b: {  	s31 =	simm.s32 $0x2;
	[sflag:s2] =	ssyncpa.u1 $0x1  }
0x6c: {  	[sflag:s31] =	ssyncpa.u1 $0x1  }
0x6d: {  	p0 =	sne.s32 s1, $0x0;
	_ =	strace $0x90000047  }
0x6e: {  	s0 =	sadd.s32 @!p0 $0x100000, s0;
	[bflag:$0x2] =	sbarrier.arrive $0xFFFF  }
0x6f: {  	[sflag:s0] =	ssyncadd.tile.s32 @!p0 $0x1;
	_ =	shalt  }
.Lfunc_end1:
_tile_overlayer_lowered:
.L_overlay_start_2:
0x70: {  	(tag) =	ssettag $0x2  }
0x71: {  	s0 =	rddreg [dreg:$0x0];
	s2 =	stileid.u32  }
0x72: {  	s1 =	rddreg [dreg:$0x1];
	p0 =	sne.s32 s2, $0x0  }
0x73: {  	s3 =	rddreg [dreg:$0x2];
	[bflag:$0x3] =	sbarrier.arrive $0xFFFF;
	s2 =	simm.s32 @!p0 $0x1C01  }
0x74: {  	[timem:s3], [sflag:s2] =	dma.local @!p0 [hbm:s0], s1  }
0x75: {  	s0 =	simm.s32 @!p0 $0x1  }
0x76: {  	_ =	swait.ge @!p0 [sflag:s0], s1  }
0x77: {  	s1 =	ssub.s32 @!p0 $0x0, s1;
	[sflag:s0] =	ssyncset.done @!p0 $0x0  }
0x78: {  	[sflag:s0] =	ssyncadd.s32 @!p0 s1  }
0x79: {  	[bflag:$0x3] =	sbarrier.arrive $0xFFFF  }
0x7a: {  	_ =	shalt  }

</sc_bundles>
